<compile_context>
chip_gen: v7x
topology: tpu7x:2x2x1
jax: 0.10.2.dev20260603
libtpu: 0.0.44.dev20260713+nightly
codegen_flags: <defaults>
</compile_context>

<pallas_src>
import functools

import jax
import jax.numpy as jnp
from jax import lax
from jax.experimental import pallas as pl
from jax.experimental.pallas import tpu as pltpu
from jax.experimental.pallas import tpu_sc as plsc

FT_DIM = 256
FT_PAIRS = FT_DIM // 2
PIECE_HEX_DIM = 720
P1_CUTOFF = 360
NSPARSE = 6
CHUNK = 16
RING = 3


def _sc_ft_kernel(B, n_workers):
    per_w = B // n_workers
    n_chunks = per_w // CHUNK
    mesh = plsc.VectorSubcoreMesh(core_axis_name="c", subcore_axis_name="s")

    @functools.partial(
        pl.kernel,
        mesh=mesh,
        compiler_params=pltpu.CompilerParams(needs_layout_passes=False),
        out_type=jax.ShapeDtypeStruct((B, 2 * FT_PAIRS), jnp.int32),
        scratch_types=[
            pltpu.VMEM((PIECE_HEX_DIM, FT_PAIRS), jnp.int32),
            pltpu.VMEM((per_w * NSPARSE // 16, 16), jnp.int32),
            pltpu.VMEM((per_w,), jnp.int32),
            pltpu.VMEM((RING * CHUNK, 2 * FT_PAIRS), jnp.int32),
            pltpu.SemaphoreType.DMA,
        ],
    )
    def k(tab_hbm, sparse_hbm, stm_hbm, out_hbm, tab_v, sp_v, stm_v,
          out_v, osem):
        nc = 2
        wid = lax.axis_index("s") * nc + lax.axis_index("c")
        row_base = wid * per_w
        tab_copy = pltpu.async_copy(tab_hbm, tab_v, osem)
        pltpu.sync_copy(sparse_hbm.at[wid], sp_v)
        pltpu.sync_copy(stm_hbm.at[wid], stm_v)
        tab_copy.wait()
        lanes = lax.iota(jnp.int32, 16)
        zero_bf = jnp.zeros((32,), jnp.bfloat16)
        one = jnp.ones((CHUNK,), jnp.int32)
        zero_i = jnp.zeros((CHUNK,), jnp.int32)

        def chunk_body(c, _):
            base = c * CHUNK
            slot = c % RING

            @pl.when(c >= RING)
            def _():
                pltpu.make_async_copy(
                    out_v.at[pl.ds(slot * CHUNK, CHUNK), :],
                    out_hbm.at[pl.ds(0, CHUNK), :], osem).wait()

            stm1 = stm_v[pl.ds(base, CHUNK)]
            flat0 = (lanes + base) * NSPARSE
            cnt_s = zero_i
            cnt_n = zero_i
            slots = [zero_i] * 6
            for j in range(NSPARSE):
                flat = flat0 + j
                s = plsc.load_gather(sp_v, [flat >> 4, flat & 15])
                isp1 = jnp.where(s < P1_CUTOFF, one, zero_i)
                ist = isp1 ^ stm1
                sel_s = (ist == 1) & (cnt_s < 3)
                sel_n = (ist == 0) & (cnt_n < 3)
                for kk in range(3):
                    slots[kk] = jnp.where(sel_s & (cnt_s == kk), s, slots[kk])
                    slots[3 + kk] = jnp.where(sel_n & (cnt_n == kk), s,
                                              slots[3 + kk])
                cnt_s = cnt_s + ist
                cnt_n = cnt_n + (one - ist)

            for b in range(CHUNK):
                srow = slot * CHUNK + b
                ss = [slots[kk][b] for kk in range(6)]

                def fblock(l, _):
                    sl = pl.ds(l * 16, 16)
                    g = [plsc.bitcast(tab_v[ss[kk], sl], jnp.bfloat16)
                         for kk in range(6)]
                    acc_s = jnp.maximum((g[0] + g[1]) + g[2], zero_bf)
                    acc_n = jnp.maximum((g[3] + g[4]) + g[5], zero_bf)
                    out_v[srow, sl] = plsc.bitcast(acc_s, jnp.int32)
                    out_v[srow, pl.ds(FT_PAIRS + l * 16, 16)] = plsc.bitcast(
                        acc_n, jnp.int32)
                    return ()

                lax.fori_loop(0, FT_PAIRS // 16, fblock, (), unroll=2)

            pltpu.async_copy(
                out_v.at[pl.ds(slot * CHUNK, CHUNK), :],
                out_hbm.at[pl.ds(row_base + base, CHUNK), :], osem)
            return ()

        lax.fori_loop(0, n_chunks, chunk_body, (), unroll=False)
        for _ in range(RING):
            pltpu.make_async_copy(
                out_v.at[pl.ds(0, CHUNK), :],
                out_hbm.at[pl.ds(0, CHUNK), :], osem).wait()

    return k


def _tc_head_kernel(x1_ref, xd_ref, we_ref, wo_ref, w1d_ref, b1_ref, wv_ref,
                    bv_ref, wp_ref, bp_ref, pol_ref, val_ref):
    xi = x1_ref[...]
    fe = jax.lax.bitcast_convert_type(jnp.left_shift(xi, 16), jnp.float32)
    fo = jax.lax.bitcast_convert_type(
        jnp.bitwise_and(xi, jnp.int32(-65536)), jnp.float32)
    h = jnp.dot(fe, we_ref[...], preferred_element_type=jnp.float32)
    h = h + jnp.dot(fo, wo_ref[...], preferred_element_type=jnp.float32)
    h = h + jnp.dot(xd_ref[...], w1d_ref[...],
                    preferred_element_type=jnp.float32)
    h = jnp.maximum(h + b1_ref[...], 0.0)
    pol_ref[...] = jnp.dot(h, wp_ref[...],
                           preferred_element_type=jnp.float32) + bp_ref[...]
    val_ref[...] = jnp.tanh(
        jnp.dot(h, wv_ref[...], preferred_element_type=jnp.float32)
        + bv_ref[...])


def kernel(sparse_batch, dense_batch, stm_players, ft_w, ft_b, W1, b1, Wv, bv,
           Wp, bp):
    B, _ = sparse_batch.shape
    n_workers = 32
    tab_bf = (ft_w + ft_b[None, :] / 3.0).astype(jnp.bfloat16)
    tab_packed = jax.lax.bitcast_convert_type(
        tab_bf.reshape(PIECE_HEX_DIM, FT_PAIRS, 2), jnp.int32)

    sp_r = sparse_batch.reshape(n_workers, B // n_workers * NSPARSE // 16, 16)
    stm_g = stm_players.reshape(n_workers, B // n_workers)
    ft_packed = _sc_ft_kernel(B, n_workers)(tab_packed, sp_r, stm_g)

    blk = 1024
    grid = (B // blk,)
    hid = W1.shape[1]
    ddim = dense_batch.shape[1]
    npol = Wp.shape[1]
    w_even = W1[0:2 * FT_DIM:2]
    w_odd = W1[1:2 * FT_DIM:2]
    pol, val = pl.pallas_call(
        _tc_head_kernel,
        grid=grid,
        in_specs=[
            pl.BlockSpec((blk, FT_DIM), lambda i: (i, 0)),
            pl.BlockSpec((blk, ddim), lambda i: (i, 0)),
            pl.BlockSpec((FT_DIM, hid), lambda i: (0, 0)),
            pl.BlockSpec((FT_DIM, hid), lambda i: (0, 0)),
            pl.BlockSpec((ddim, hid), lambda i: (0, 0)),
            pl.BlockSpec((1, hid), lambda i: (0, 0)),
            pl.BlockSpec((hid, 1), lambda i: (0, 0)),
            pl.BlockSpec((1, 1), lambda i: (0, 0)),
            pl.BlockSpec((hid, npol), lambda i: (0, 0)),
            pl.BlockSpec((1, npol), lambda i: (0, 0)),
        ],
        out_specs=[
            pl.BlockSpec((blk, npol), lambda i: (i, 0)),
            pl.BlockSpec((blk, 1), lambda i: (i, 0)),
        ],
        out_shape=[
            jax.ShapeDtypeStruct((B, npol), jnp.float32),
            jax.ShapeDtypeStruct((B, 1), jnp.float32),
        ],
    )(ft_packed, dense_batch, w_even, w_odd, W1[2 * FT_DIM:], b1[None], Wv,
      bv[None], Wp, bp[None])
    return pol, val[:, 0]

# --- scband reference (transcript-rebuilt; emitter-appended) ---
"""Pipeline reference for scband-nnuemctsmodel-58291296141587 (READ-ONLY COPY).

The authoritative reference and input builder live on the scoring server;
editing this copy changes nothing except your own understanding.
"""

import jax, jax.numpy as jnp
import numpy as np

FT_DIM = 256
HIDDEN_DIM = 32
PIECE_HEX_DIM = 720
DENSE_DIM = 66
HEX_COUNT = 60
P1_FEATURE_CUTOFF = 360
B = 16384
NSPARSE = 6


def setup_inputs(seed: int = 0) -> dict:
    key = jax.random.key(seed)
    ks = jax.random.split(key, 8)
    sparse_batch = jax.random.randint(ks[0], (B, NSPARSE), 0, PIECE_HEX_DIM, dtype=jnp.int32)
    dense_batch = jax.random.normal(ks[1], (B, DENSE_DIM), dtype=jnp.float32)
    stm_players = jax.random.randint(ks[2], (B,), 0, 2, dtype=jnp.int32)
    # ft_w is ft.weight.t() -> [PIECE_HEX_DIM, FT_DIM] gather table
    ft_w = jax.random.normal(ks[3], (PIECE_HEX_DIM, FT_DIM), dtype=jnp.float32) * 0.05
    ft_b = jnp.zeros((FT_DIM,), dtype=jnp.float32)
    total_input = FT_DIM * 2 + DENSE_DIM
    W1 = jax.random.normal(ks[4], (total_input, HIDDEN_DIM), dtype=jnp.float32) * 0.05
    b1 = jnp.zeros((HIDDEN_DIM,), dtype=jnp.float32)
    Wv = jax.random.normal(ks[5], (HIDDEN_DIM, 1), dtype=jnp.float32) * 0.05
    bv = jnp.zeros((1,), dtype=jnp.float32)
    Wp = jax.random.normal(ks[6], (HIDDEN_DIM, HEX_COUNT), dtype=jnp.float32) * 0.05
    bp = jnp.zeros((HEX_COUNT,), dtype=jnp.float32)
    return dict(sparse_batch=sparse_batch, dense_batch=dense_batch, stm_players=stm_players,
                ft_w=ft_w, ft_b=ft_b, W1=W1, b1=b1, Wv=Wv, bv=bv, Wp=Wp, bp=bp)


def _select_slots(sparse, mask):
    # Faithful vectorization of the per-row python loop: take the first 3 features
    # where mask is True (in order), remaining slots padded with index 0
    # (matching torch.zeros init of stm_idx / nstm_idx).
    Bn = sparse.shape[0]
    pos = jnp.cumsum(mask.astype(jnp.int32), axis=1) - 1
    valid = mask & (pos < 3)
    col = jnp.where(valid, pos, 3)  # invalid entries dumped into discard slot 3
    vals = jnp.where(valid, sparse, 0)
    buf = jnp.zeros((Bn, 4), dtype=sparse.dtype)
    buf = buf.at[jnp.arange(Bn)[:, None], col].set(vals)
    return buf[:, :3]


def reference(sparse_batch, dense_batch, stm_players, ft_w, ft_b, W1, b1, Wv, bv, Wp, bp):
    is_p1 = sparse_batch < P1_FEATURE_CUTOFF
    stm = stm_players[:, None]
    # (stm == 0 and is_p1) or (stm == 1 and not is_p1)
    is_stm = ((stm == 0) & is_p1) | ((stm == 1) & (~is_p1))
    stm_idx = _select_slots(sparse_batch, is_stm)
    nstm_idx = _select_slots(sparse_batch, ~is_stm)
    # FT gather + sum (embedding-bag) + bias
    acc_stm = jnp.take(ft_w, stm_idx, axis=0).sum(axis=1) + ft_b
    acc_nstm = jnp.take(ft_w, nstm_idx, axis=0).sum(axis=1) + ft_b
    h = jnp.concatenate([jax.nn.relu(acc_stm), jax.nn.relu(acc_nstm), dense_batch], axis=-1)
    h = jax.nn.relu(h @ W1 + b1)
    value = jnp.tanh(h @ Wv + bv)[:, 0]
    policy_logits = h @ Wp + bp
    return (policy_logits, value)

if __name__ == "__main__":
    import jax
    _d = setup_inputs()
    print(jax.jit(kernel)(*tuple(_d.values())))

</pallas_src>

<mosaic_0001>
#map = affine_map<(d0, d1) -> (0, 0)>
#map1 = affine_map<(d0, d1) -> (0, 0, 0)>
module attributes {stable_mosaic.version = 14 : i64} {
  func.func @k(%arg0: i32, %arg1: i32, %arg2: memref<720x128xi32, #tpu.memory_space<hbm>>, %arg3: memref<32x192x16xi32, #tpu.memory_space<hbm>>, %arg4: memref<32x512xi32, #tpu.memory_space<hbm>>, %arg5: memref<16384x256xi32, #tpu.memory_space<hbm>>, %arg6: memref<720x128xi32, #tpu.memory_space<vmem>>, %arg7: memref<192x16xi32, #tpu.memory_space<vmem>>, %arg8: memref<512xi32, #tpu.memory_space<vmem>>, %arg9: memref<48x256xi32, #tpu.memory_space<vmem>>, %arg10: memref<!tpu.dma_semaphore, #tpu.memory_space<semaphore_mem>>) attributes {dimension_semantics = [#tpu.dimension_semantics<core_parallel>, #tpu.dimension_semantics<subcore_parallel>], iteration_bounds = array<i64: 2, 16>, scalar_prefetch = 0 : i64, scratch_operands = 5 : i64, tpu.core_type = #tpu.core_type<sc_vector_subcore>, window_params = [{transform_indices = #map}, {transform_indices = #map1}, {transform_indices = #map}, {transform_indices = #map}]} {
    %mul3A = arith.constant 2 : i32
    %mul3A_0 = arith.muli %arg1, %mul3A : i32
    %add3A = arith.addi %mul3A_0, %arg0 : i32
    %mul3A_1 = arith.constant 512 : i32
    %mul3A_2 = arith.muli %add3A, %mul3A_1 : i32
    tpu.enqueue_dma source(%arg2 : memref<720x128xi32, #tpu.memory_space<hbm>>) target(%arg6 : memref<720x128xi32, #tpu.memory_space<vmem>>) target_semaphore(%arg10 : memref<!tpu.dma_semaphore, #tpu.memory_space<semaphore_mem>>)
    "tpu.region"() ({
      %run_scoped3A = tpu.sem_alloc : memref<!tpu.dma_semaphore, #tpu.memory_space<semaphore_mem>>
      %dma_start3A = arith.constant 0 : i32
      %dma_start3A_47 = arith.constant 0 : i32
      %dma_start3A_48 = tpu.memref_slice %arg3[%add3A, %dma_start3A, %dma_start3A_47] : memref<32x192x16xi32, #tpu.memory_space<hbm>> -> memref<1x192x16xi32, #tpu.memory_space<hbm>>
      %dma_start3A_49 = tpu.memref_squeeze %dma_start3A_48 : memref<1x192x16xi32, #tpu.memory_space<hbm>> -> memref<192x16xi32, #tpu.memory_space<hbm>>
      %dma_start3A_50 = arith.constant 0 : i32
      %dma_start3A_51 = arith.constant 0 : i32
      %dma_start3A_52 = tpu.memref_slice %arg3[%add3A, %dma_start3A_50, %dma_start3A_51] : memref<32x192x16xi32, #tpu.memory_space<hbm>> -> memref<1x192x16xi32, #tpu.memory_space<hbm>>
      %dma_start3A_53 = tpu.memref_squeeze %dma_start3A_52 : memref<1x192x16xi32, #tpu.memory_space<hbm>> -> memref<192x16xi32, #tpu.memory_space<hbm>>
      tpu.enqueue_dma source(%dma_start3A_53 : memref<192x16xi32, #tpu.memory_space<hbm>>) target(%arg7 : memref<192x16xi32, #tpu.memory_space<vmem>>) target_semaphore(%run_scoped3A : memref<!tpu.dma_semaphore, #tpu.memory_space<semaphore_mem>>)
      %dma_wait3A_54 = arith.constant 0 : i32
      %dma_wait3A_55 = arith.constant 0 : i32
      %dma_wait3A_56 = tpu.memref_slice %arg3[%add3A, %dma_wait3A_54, %dma_wait3A_55] : memref<32x192x16xi32, #tpu.memory_space<hbm>> -> memref<1x192x16xi32, #tpu.memory_space<hbm>>
      %dma_wait3A_57 = tpu.memref_squeeze %dma_wait3A_56 : memref<1x192x16xi32, #tpu.memory_space<hbm>> -> memref<192x16xi32, #tpu.memory_space<hbm>>
      %dma_wait3A_58 = arith.constant 0 : i32
      %dma_wait3A_59 = arith.constant 0 : i32
      %dma_wait3A_60 = tpu.memref_slice %arg3[%add3A, %dma_wait3A_58, %dma_wait3A_59] : memref<32x192x16xi32, #tpu.memory_space<hbm>> -> memref<1x192x16xi32, #tpu.memory_space<hbm>>
      %dma_wait3A_61 = tpu.memref_squeeze %dma_wait3A_60 : memref<1x192x16xi32, #tpu.memory_space<hbm>> -> memref<192x16xi32, #tpu.memory_space<hbm>>
      tpu.wait_dma2 semaphore(%run_scoped3A : memref<!tpu.dma_semaphore, #tpu.memory_space<semaphore_mem>>) src(%dma_wait3A_61 : memref<192x16xi32, #tpu.memory_space<hbm>>) dst(%arg7 : memref<192x16xi32, #tpu.memory_space<vmem>>)
      tpu.yield
    }) : () -> ()
    "tpu.region"() ({
      %run_scoped3A = tpu.sem_alloc : memref<!tpu.dma_semaphore, #tpu.memory_space<semaphore_mem>>
      %dma_start3A = arith.constant 0 : i32
      %dma_start3A_47 = tpu.memref_slice %arg4[%add3A, %dma_start3A] : memref<32x512xi32, #tpu.memory_space<hbm>> -> memref<1x512xi32, #tpu.memory_space<hbm>>
      %dma_start3A_48 = tpu.memref_squeeze %dma_start3A_47 : memref<1x512xi32, #tpu.memory_space<hbm>> -> memref<512xi32, #tpu.memory_space<hbm>>
      %dma_start3A_49 = arith.constant 0 : i32
      %dma_start3A_50 = tpu.memref_slice %arg4[%add3A, %dma_start3A_49] : memref<32x512xi32, #tpu.memory_space<hbm>> -> memref<1x512xi32, #tpu.memory_space<hbm>>
      %dma_start3A_51 = tpu.memref_squeeze %dma_start3A_50 : memref<1x512xi32, #tpu.memory_space<hbm>> -> memref<512xi32, #tpu.memory_space<hbm>>
      tpu.enqueue_dma source(%dma_start3A_51 : memref<512xi32, #tpu.memory_space<hbm>>) target(%arg8 : memref<512xi32, #tpu.memory_space<vmem>>) target_semaphore(%run_scoped3A : memref<!tpu.dma_semaphore, #tpu.memory_space<semaphore_mem>>)
      %dma_wait3A_52 = arith.constant 0 : i32
      %dma_wait3A_53 = tpu.memref_slice %arg4[%add3A, %dma_wait3A_52] : memref<32x512xi32, #tpu.memory_space<hbm>> -> memref<1x512xi32, #tpu.memory_space<hbm>>
      %dma_wait3A_54 = tpu.memref_squeeze %dma_wait3A_53 : memref<1x512xi32, #tpu.memory_space<hbm>> -> memref<512xi32, #tpu.memory_space<hbm>>
      %dma_wait3A_55 = arith.constant 0 : i32
      %dma_wait3A_56 = tpu.memref_slice %arg4[%add3A, %dma_wait3A_55] : memref<32x512xi32, #tpu.memory_space<hbm>> -> memref<1x512xi32, #tpu.memory_space<hbm>>
      %dma_wait3A_57 = tpu.memref_squeeze %dma_wait3A_56 : memref<1x512xi32, #tpu.memory_space<hbm>> -> memref<512xi32, #tpu.memory_space<hbm>>
      tpu.wait_dma2 semaphore(%run_scoped3A : memref<!tpu.dma_semaphore, #tpu.memory_space<semaphore_mem>>) src(%dma_wait3A_57 : memref<512xi32, #tpu.memory_space<hbm>>) dst(%arg8 : memref<512xi32, #tpu.memory_space<vmem>>)
      tpu.yield
    }) : () -> ()
    tpu.wait_dma2 semaphore(%arg10 : memref<!tpu.dma_semaphore, #tpu.memory_space<semaphore_mem>>) src(%arg2 : memref<720x128xi32, #tpu.memory_space<hbm>>) dst(%arg6 : memref<720x128xi32, #tpu.memory_space<vmem>>)
    %iota3A = tpu.iota {dimensions = array<i32: 0>} : vector<16xi32>
    %broadcast_in_dim3A = arith.constant 0.000000e+00 : bf16
    %broadcast_in_dim3A_3 = vector.broadcast %broadcast_in_dim3A : bf16 to vector<32xbf16>
    %broadcast_in_dim3A_4 = arith.constant 1 : i32
    %broadcast_in_dim3A_5 = vector.broadcast %broadcast_in_dim3A_4 : i32 to vector<16xi32>
    %broadcast_in_dim3A_6 = arith.constant 0 : i32
    %broadcast_in_dim3A_7 = vector.broadcast %broadcast_in_dim3A_6 : i32 to vector<16xi32>
    %scan3A = arith.constant 0 : i32
    %scan3A_8 = arith.constant 32 : i32
    %scan3A_9 = arith.addi %scan3A, %scan3A_8 : i32
    %scan3A_10 = arith.constant 1 : i32
    scf.for %scan3A_47 = %scan3A to %scan3A_9 step %scan3A_10  : i32 {
      %mul3A_48 = arith.constant 16 : i32
      %mul3A_49 = arith.muli %scan3A_47, %mul3A_48 : i32
      %jit3A = arith.constant 3 : i32
      %eq3A = arith.constant 0 : i32
      %eq3A_50 = arith.cmpi eq, %jit3A, %eq3A : i32
      %jit3A_51 = arith.constant 1 : i32
      %select_n3A = arith.select %eq3A_50, %jit3A_51, %jit3A : i32
      %rem3A = arith.remsi %scan3A_47, %select_n3A : i32
      %ne3A = arith.constant 0 : i32
      %ne3A_52 = arith.cmpi ne, %rem3A, %ne3A : i32
      %lt3A = arith.constant 0 : i32
      %lt3A_53 = arith.cmpi slt, %rem3A, %lt3A : i32
      %lt3A_54 = arith.constant 0 : i32
      %lt3A_55 = arith.cmpi slt, %select_n3A, %lt3A_54 : i32
      %ne3A_56 = arith.xori %lt3A_53, %lt3A_55 : i1
      %and3A = arith.andi %ne3A_56, %ne3A_52 : i1
      %add3A_57 = arith.addi %rem3A, %select_n3A : i32
      %select_n3A_58 = arith.select %and3A, %add3A_57, %rem3A : i32
      %ge3A = arith.constant 3 : i32
      %ge3A_59 = arith.cmpi sge, %scan3A_47, %ge3A : i32
      %convert_element_type3A = arith.extui %ge3A_59 : i1 to i32
      %cond3A = arith.constant 0 : i32
      %cond3A_60 = arith.cmpi ne, %convert_element_type3A, %cond3A : i32
      scf.if %cond3A_60 {
        %mul3A_779 = arith.constant 16 : i32
        %mul3A_780 = arith.muli %select_n3A_58, %mul3A_779 : i32
        %dma_wait3A_781 = arith.constant 0 : i32
        %dma_wait3A_782 = tpu.memref_slice %arg9[%mul3A_780, %dma_wait3A_781] : memref<48x256xi32, #tpu.memory_space<vmem>> -> memref<16x256xi32, #tpu.memory_space<vmem>>
        %dma_wait3A_783 = arith.constant 0 : i32
        %dma_wait3A_784 = arith.constant 0 : i32
        %dma_wait3A_785 = tpu.memref_slice %arg5[%dma_wait3A_783, %dma_wait3A_784] : memref<16384x256xi32, #tpu.memory_space<hbm>> -> memref<16x256xi32, #tpu.memory_space<hbm>>
        %dma_wait3A_786 = arith.constant 0 : i32
        %dma_wait3A_787 = arith.constant 0 : i32
        %dma_wait3A_788 = tpu.memref_slice %arg5[%dma_wait3A_786, %dma_wait3A_787] : memref<16384x256xi32, #tpu.memory_space<hbm>> -> memref<16x256xi32, #tpu.memory_space<hbm>>
        %dma_wait3A_789 = arith.constant 0 : i32
        %dma_wait3A_790 = tpu.memref_slice %arg9[%mul3A_780, %dma_wait3A_789] : memref<48x256xi32, #tpu.memory_space<vmem>> -> memref<16x256xi32, #tpu.memory_space<vmem>>
        tpu.wait_dma2 semaphore(%arg10 : memref<!tpu.dma_semaphore, #tpu.memory_space<semaphore_mem>>) src(%dma_wait3A_790 : memref<16x256xi32, #tpu.memory_space<vmem>>) dst(%dma_wait3A_788 : memref<16x256xi32, #tpu.memory_space<hbm>>)
      } else {
      }
      %get3A = arith.index_cast %mul3A_49 : i32 to index
      %get3A_61 = tpu.vector_load %arg8[%get3A] {strides = array<i32>} : memref<512xi32, #tpu.memory_space<vmem>>, vector<16xi32>,
      %add3A_62 = vector.broadcast %mul3A_49 : i32 to vector<16xi32>
      %add3A_63 = arith.addi %iota3A, %add3A_62 : vector<16xi32>
      %mul3A_64 = arith.constant 6 : i32
      %mul3A_65 = vector.broadcast %mul3A_64 : i32 to vector<16xi32>
      %mul3A_66 = arith.muli %add3A_63, %mul3A_65 : vector<16xi32>
      %add3A_67 = arith.constant 0 : i32
      %add3A_68 = vector.broadcast %add3A_67 : i32 to vector<16xi32>
      %add3A_69 = arith.addi %mul3A_66, %add3A_68 : vector<16xi32>
      %shift_right_arithmetic3A = arith.constant 4 : i32
      %shift_right_arithmetic3A_70 = vector.broadcast %shift_right_arithmetic3A : i32 to vector<16xi32>
      %shift_right_arithmetic3A_71 = arith.shrsi %add3A_69, %shift_right_arithmetic3A_70 : vector<16xi32>
      %and3A_72 = arith.constant 15 : i32
      %and3A_73 = vector.broadcast %and3A_72 : i32 to vector<16xi32>
      %and3A_74 = arith.andi %add3A_69, %and3A_73 : vector<16xi32>
      %gather3A = tpu.vector_load_idx %arg7[%shift_right_arithmetic3A_71, %and3A_74] : memref<192x16xi32, #tpu.memory_space<vmem>>[vector<16xi32>, vector<16xi32>], vector<16xi32>,
      %lt3A_75 = arith.constant 360 : i32
      %lt3A_76 = vector.broadcast %lt3A_75 : i32 to vector<16xi32>
      %lt3A_77 = arith.cmpi slt, %gather3A, %lt3A_76 : vector<16xi32>
      %select_n3A_78 = arith.select %lt3A_77, %broadcast_in_dim3A_5, %broadcast_in_dim3A_7 : vector<16xi1>, vector<16xi32>
      %xor3A = arith.xori %select_n3A_78, %get3A_61 : vector<16xi32>
      %eq3A_79 = arith.constant 1 : i32
      %eq3A_80 = vector.broadcast %eq3A_79 : i32 to vector<16xi32>
      %eq3A_81 = arith.cmpi eq, %xor3A, %eq3A_80 : vector<16xi32>
      %lt3A_82 = arith.constant 3 : i32
      %lt3A_83 = vector.broadcast %lt3A_82 : i32 to vector<16xi32>
      %lt3A_84 = arith.cmpi slt, %broadcast_in_dim3A_7, %lt3A_83 : vector<16xi32>
      %and3A_85 = arith.andi %eq3A_81, %lt3A_84 : vector<16xi1>
      %eq3A_86 = arith.constant 0 : i32
      %eq3A_87 = vector.broadcast %eq3A_86 : i32 to vector<16xi32>
      %eq3A_88 = arith.cmpi eq, %xor3A, %eq3A_87 : vector<16xi32>
      %lt3A_89 = arith.constant 3 : i32
      %lt3A_90 = vector.broadcast %lt3A_89 : i32 to vector<16xi32>
      %lt3A_91 = arith.cmpi slt, %broadcast_in_dim3A_7, %lt3A_90 : vector<16xi32>
      %and3A_92 = arith.andi %eq3A_88, %lt3A_91 : vector<16xi1>
      %eq3A_93 = arith.constant 0 : i32
      %eq3A_94 = vector.broadcast %eq3A_93 : i32 to vector<16xi32>
      %eq3A_95 = arith.cmpi eq, %broadcast_in_dim3A_7, %eq3A_94 : vector<16xi32>
      %and3A_96 = arith.andi %and3A_85, %eq3A_95 : vector<16xi1>
      %select_n3A_97 = arith.select %and3A_96, %gather3A, %broadcast_in_dim3A_7 : vector<16xi1>, vector<16xi32>
      %eq3A_98 = arith.constant 0 : i32
      %eq3A_99 = vector.broadcast %eq3A_98 : i32 to vector<16xi32>
      %eq3A_100 = arith.cmpi eq, %broadcast_in_dim3A_7, %eq3A_99 : vector<16xi32>
      %and3A_101 = arith.andi %and3A_92, %eq3A_100 : vector<16xi1>
      %select_n3A_102 = arith.select %and3A_101, %gather3A, %broadcast_in_dim3A_7 : vector<16xi1>, vector<16xi32>
      %eq3A_103 = arith.constant 1 : i32
      %eq3A_104 = vector.broadcast %eq3A_103 : i32 to vector<16xi32>
      %eq3A_105 = arith.cmpi eq, %broadcast_in_dim3A_7, %eq3A_104 : vector<16xi32>
      %and3A_106 = arith.andi %and3A_85, %eq3A_105 : vector<16xi1>
      %select_n3A_107 = arith.select %and3A_106, %gather3A, %broadcast_in_dim3A_7 : vector<16xi1>, vector<16xi32>
      %eq3A_108 = arith.constant 1 : i32
      %eq3A_109 = vector.broadcast %eq3A_108 : i32 to vector<16xi32>
      %eq3A_110 = arith.cmpi eq, %broadcast_in_dim3A_7, %eq3A_109 : vector<16xi32>
      %and3A_111 = arith.andi %and3A_92, %eq3A_110 : vector<16xi1>
      %select_n3A_112 = arith.select %and3A_111, %gather3A, %broadcast_in_dim3A_7 : vector<16xi1>, vector<16xi32>
      %eq3A_113 = arith.constant 2 : i32
      %eq3A_114 = vector.broadcast %eq3A_113 : i32 to vector<16xi32>
      %eq3A_115 = arith.cmpi eq, %broadcast_in_dim3A_7, %eq3A_114 : vector<16xi32>
      %and3A_116 = arith.andi %and3A_85, %eq3A_115 : vector<16xi1>
      %select_n3A_117 = arith.select %and3A_116, %gather3A, %broadcast_in_dim3A_7 : vector<16xi1>, vector<16xi32>
      %eq3A_118 = arith.constant 2 : i32
      %eq3A_119 = vector.broadcast %eq3A_118 : i32 to vector<16xi32>
      %eq3A_120 = arith.cmpi eq, %broadcast_in_dim3A_7, %eq3A_119 : vector<16xi32>
      %and3A_121 = arith.andi %and3A_92, %eq3A_120 : vector<16xi1>
      %select_n3A_122 = arith.select %and3A_121, %gather3A, %broadcast_in_dim3A_7 : vector<16xi1>, vector<16xi32>
      %add3A_123 = arith.addi %broadcast_in_dim3A_7, %xor3A : vector<16xi32>
      %sub3A = arith.subi %broadcast_in_dim3A_5, %xor3A : vector<16xi32>
      %add3A_124 = arith.addi %broadcast_in_dim3A_7, %sub3A : vector<16xi32>
      %add3A_125 = arith.constant 1 : i32
      %add3A_126 = vector.broadcast %add3A_125 : i32 to vector<16xi32>
      %add3A_127 = arith.addi %mul3A_66, %add3A_126 : vector<16xi32>
      %shift_right_arithmetic3A_128 = arith.constant 4 : i32
      %shift_right_arithmetic3A_129 = vector.broadcast %shift_right_arithmetic3A_128 : i32 to vector<16xi32>
      %shift_right_arithmetic3A_130 = arith.shrsi %add3A_127, %shift_right_arithmetic3A_129 : vector<16xi32>
      %and3A_131 = arith.constant 15 : i32
      %and3A_132 = vector.broadcast %and3A_131 : i32 to vector<16xi32>
      %and3A_133 = arith.andi %add3A_127, %and3A_132 : vector<16xi32>
      %gather3A_134 = tpu.vector_load_idx %arg7[%shift_right_arithmetic3A_130, %and3A_133] : memref<192x16xi32, #tpu.memory_space<vmem>>[vector<16xi32>, vector<16xi32>], vector<16xi32>,
      %lt3A_135 = arith.constant 360 : i32
      %lt3A_136 = vector.broadcast %lt3A_135 : i32 to vector<16xi32>
      %lt3A_137 = arith.cmpi slt, %gather3A_134, %lt3A_136 : vector<16xi32>
      %select_n3A_138 = arith.select %lt3A_137, %broadcast_in_dim3A_5, %broadcast_in_dim3A_7 : vector<16xi1>, vector<16xi32>
      %xor3A_139 = arith.xori %select_n3A_138, %get3A_61 : vector<16xi32>
      %eq3A_140 = arith.constant 1 : i32
      %eq3A_141 = vector.broadcast %eq3A_140 : i32 to vector<16xi32>
      %eq3A_142 = arith.cmpi eq, %xor3A_139, %eq3A_141 : vector<16xi32>
      %lt3A_143 = arith.constant 3 : i32
      %lt3A_144 = vector.broadcast %lt3A_143 : i32 to vector<16xi32>
      %lt3A_145 = arith.cmpi slt, %add3A_123, %lt3A_144 : vector<16xi32>
      %and3A_146 = arith.andi %eq3A_142, %lt3A_145 : vector<16xi1>
      %eq3A_147 = arith.constant 0 : i32
      %eq3A_148 = vector.broadcast %eq3A_147 : i32 to vector<16xi32>
      %eq3A_149 = arith.cmpi eq, %xor3A_139, %eq3A_148 : vector<16xi32>
      %lt3A_150 = arith.constant 3 : i32
      %lt3A_151 = vector.broadcast %lt3A_150 : i32 to vector<16xi32>
      %lt3A_152 = arith.cmpi slt, %add3A_124, %lt3A_151 : vector<16xi32>
      %and3A_153 = arith.andi %eq3A_149, %lt3A_152 : vector<16xi1>
      %eq3A_154 = arith.constant 0 : i32
      %eq3A_155 = vector.broadcast %eq3A_154 : i32 to vector<16xi32>
      %eq3A_156 = arith.cmpi eq, %add3A_123, %eq3A_155 : vector<16xi32>
      %and3A_157 = arith.andi %and3A_146, %eq3A_156 : vector<16xi1>
      %select_n3A_158 = arith.select %and3A_157, %gather3A_134, %select_n3A_97 : vector<16xi1>, vector<16xi32>
      %eq3A_159 = arith.constant 0 : i32
      %eq3A_160 = vector.broadcast %eq3A_159 : i32 to vector<16xi32>
      %eq3A_161 = arith.cmpi eq, %add3A_124, %eq3A_160 : vector<16xi32>
      %and3A_162 = arith.andi %and3A_153, %eq3A_161 : vector<16xi1>
      %select_n3A_163 = arith.select %and3A_162, %gather3A_134, %select_n3A_102 : vector<16xi1>, vector<16xi32>
      %eq3A_164 = arith.constant 1 : i32
      %eq3A_165 = vector.broadcast %eq3A_164 : i32 to vector<16xi32>
      %eq3A_166 = arith.cmpi eq, %add3A_123, %eq3A_165 : vector<16xi32>
      %and3A_167 = arith.andi %and3A_146, %eq3A_166 : vector<16xi1>
      %select_n3A_168 = arith.select %and3A_167, %gather3A_134, %select_n3A_107 : vector<16xi1>, vector<16xi32>
      %eq3A_169 = arith.constant 1 : i32
      %eq3A_170 = vector.broadcast %eq3A_169 : i32 to vector<16xi32>
      %eq3A_171 = arith.cmpi eq, %add3A_124, %eq3A_170 : vector<16xi32>
      %and3A_172 = arith.andi %and3A_153, %eq3A_171 : vector<16xi1>
      %select_n3A_173 = arith.select %and3A_172, %gather3A_134, %select_n3A_112 : vector<16xi1>, vector<16xi32>
      %eq3A_174 = arith.constant 2 : i32
      %eq3A_175 = vector.broadcast %eq3A_174 : i32 to vector<16xi32>
      %eq3A_176 = arith.cmpi eq, %add3A_123, %eq3A_175 : vector<16xi32>
      %and3A_177 = arith.andi %and3A_146, %eq3A_176 : vector<16xi1>
      %select_n3A_178 = arith.select %and3A_177, %gather3A_134, %select_n3A_117 : vector<16xi1>, vector<16xi32>
      %eq3A_179 = arith.constant 2 : i32
      %eq3A_180 = vector.broadcast %eq3A_179 : i32 to vector<16xi32>
      %eq3A_181 = arith.cmpi eq, %add3A_124, %eq3A_180 : vector<16xi32>
      %and3A_182 = arith.andi %and3A_153, %eq3A_181 : vector<16xi1>
      %select_n3A_183 = arith.select %and3A_182, %gather3A_134, %select_n3A_122 : vector<16xi1>, vector<16xi32>
      %add3A_184 = arith.addi %add3A_123, %xor3A_139 : vector<16xi32>
      %sub3A_185 = arith.subi %broadcast_in_dim3A_5, %xor3A_139 : vector<16xi32>
      %add3A_186 = arith.addi %add3A_124, %sub3A_185 : vector<16xi32>
      %add3A_187 = arith.constant 2 : i32
      %add3A_188 = vector.broadcast %add3A_187 : i32 to vector<16xi32>
      %add3A_189 = arith.addi %mul3A_66, %add3A_188 : vector<16xi32>
      %shift_right_arithmetic3A_190 = arith.constant 4 : i32
      %shift_right_arithmetic3A_191 = vector.broadcast %shift_right_arithmetic3A_190 : i32 to vector<16xi32>
      %shift_right_arithmetic3A_192 = arith.shrsi %add3A_189, %shift_right_arithmetic3A_191 : vector<16xi32>
      %and3A_193 = arith.constant 15 : i32
      %and3A_194 = vector.broadcast %and3A_193 : i32 to vector<16xi32>
      %and3A_195 = arith.andi %add3A_189, %and3A_194 : vector<16xi32>
      %gather3A_196 = tpu.vector_load_idx %arg7[%shift_right_arithmetic3A_192, %and3A_195] : memref<192x16xi32, #tpu.memory_space<vmem>>[vector<16xi32>, vector<16xi32>], vector<16xi32>,
      %lt3A_197 = arith.constant 360 : i32
      %lt3A_198 = vector.broadcast %lt3A_197 : i32 to vector<16xi32>
      %lt3A_199 = arith.cmpi slt, %gather3A_196, %lt3A_198 : vector<16xi32>
      %select_n3A_200 = arith.select %lt3A_199, %broadcast_in_dim3A_5, %broadcast_in_dim3A_7 : vector<16xi1>, vector<16xi32>
      %xor3A_201 = arith.xori %select_n3A_200, %get3A_61 : vector<16xi32>
      %eq3A_202 = arith.constant 1 : i32
      %eq3A_203 = vector.broadcast %eq3A_202 : i32 to vector<16xi32>
      %eq3A_204 = arith.cmpi eq, %xor3A_201, %eq3A_203 : vector<16xi32>
      %lt3A_205 = arith.constant 3 : i32
      %lt3A_206 = vector.broadcast %lt3A_205 : i32 to vector<16xi32>
      %lt3A_207 = arith.cmpi slt, %add3A_184, %lt3A_206 : vector<16xi32>
      %and3A_208 = arith.andi %eq3A_204, %lt3A_207 : vector<16xi1>
      %eq3A_209 = arith.constant 0 : i32
      %eq3A_210 = vector.broadcast %eq3A_209 : i32 to vector<16xi32>
      %eq3A_211 = arith.cmpi eq, %xor3A_201, %eq3A_210 : vector<16xi32>
      %lt3A_212 = arith.constant 3 : i32
      %lt3A_213 = vector.broadcast %lt3A_212 : i32 to vector<16xi32>
      %lt3A_214 = arith.cmpi slt, %add3A_186, %lt3A_213 : vector<16xi32>
      %and3A_215 = arith.andi %eq3A_211, %lt3A_214 : vector<16xi1>
      %eq3A_216 = arith.constant 0 : i32
      %eq3A_217 = vector.broadcast %eq3A_216 : i32 to vector<16xi32>
      %eq3A_218 = arith.cmpi eq, %add3A_184, %eq3A_217 : vector<16xi32>
      %and3A_219 = arith.andi %and3A_208, %eq3A_218 : vector<16xi1>
      %select_n3A_220 = arith.select %and3A_219, %gather3A_196, %select_n3A_158 : vector<16xi1>, vector<16xi32>
      %eq3A_221 = arith.constant 0 : i32
      %eq3A_222 = vector.broadcast %eq3A_221 : i32 to vector<16xi32>
      %eq3A_223 = arith.cmpi eq, %add3A_186, %eq3A_222 : vector<16xi32>
      %and3A_224 = arith.andi %and3A_215, %eq3A_223 : vector<16xi1>
      %select_n3A_225 = arith.select %and3A_224, %gather3A_196, %select_n3A_163 : vector<16xi1>, vector<16xi32>
      %eq3A_226 = arith.constant 1 : i32
      %eq3A_227 = vector.broadcast %eq3A_226 : i32 to vector<16xi32>
      %eq3A_228 = arith.cmpi eq, %add3A_184, %eq3A_227 : vector<16xi32>
      %and3A_229 = arith.andi %and3A_208, %eq3A_228 : vector<16xi1>
      %select_n3A_230 = arith.select %and3A_229, %gather3A_196, %select_n3A_168 : vector<16xi1>, vector<16xi32>
      %eq3A_231 = arith.constant 1 : i32
      %eq3A_232 = vector.broadcast %eq3A_231 : i32 to vector<16xi32>
      %eq3A_233 = arith.cmpi eq, %add3A_186, %eq3A_232 : vector<16xi32>
      %and3A_234 = arith.andi %and3A_215, %eq3A_233 : vector<16xi1>
      %select_n3A_235 = arith.select %and3A_234, %gather3A_196, %select_n3A_173 : vector<16xi1>, vector<16xi32>
      %eq3A_236 = arith.constant 2 : i32
      %eq3A_237 = vector.broadcast %eq3A_236 : i32 to vector<16xi32>
      %eq3A_238 = arith.cmpi eq, %add3A_184, %eq3A_237 : vector<16xi32>
      %and3A_239 = arith.andi %and3A_208, %eq3A_238 : vector<16xi1>
      %select_n3A_240 = arith.select %and3A_239, %gather3A_196, %select_n3A_178 : vector<16xi1>, vector<16xi32>
      %eq3A_241 = arith.constant 2 : i32
      %eq3A_242 = vector.broadcast %eq3A_241 : i32 to vector<16xi32>
      %eq3A_243 = arith.cmpi eq, %add3A_186, %eq3A_242 : vector<16xi32>
      %and3A_244 = arith.andi %and3A_215, %eq3A_243 : vector<16xi1>
      %select_n3A_245 = arith.select %and3A_244, %gather3A_196, %select_n3A_183 : vector<16xi1>, vector<16xi32>
      %add3A_246 = arith.addi %add3A_184, %xor3A_201 : vector<16xi32>
      %sub3A_247 = arith.subi %broadcast_in_dim3A_5, %xor3A_201 : vector<16xi32>
      %add3A_248 = arith.addi %add3A_186, %sub3A_247 : vector<16xi32>
      %add3A_249 = arith.constant 3 : i32
      %add3A_250 = vector.broadcast %add3A_249 : i32 to vector<16xi32>
      %add3A_251 = arith.addi %mul3A_66, %add3A_250 : vector<16xi32>
      %shift_right_arithmetic3A_252 = arith.constant 4 : i32
      %shift_right_arithmetic3A_253 = vector.broadcast %shift_right_arithmetic3A_252 : i32 to vector<16xi32>
      %shift_right_arithmetic3A_254 = arith.shrsi %add3A_251, %shift_right_arithmetic3A_253 : vector<16xi32>
      %and3A_255 = arith.constant 15 : i32
      %and3A_256 = vector.broadcast %and3A_255 : i32 to vector<16xi32>
      %and3A_257 = arith.andi %add3A_251, %and3A_256 : vector<16xi32>
      %gather3A_258 = tpu.vector_load_idx %arg7[%shift_right_arithmetic3A_254, %and3A_257] : memref<192x16xi32, #tpu.memory_space<vmem>>[vector<16xi32>, vector<16xi32>], vector<16xi32>,
      %lt3A_259 = arith.constant 360 : i32
      %lt3A_260 = vector.broadcast %lt3A_259 : i32 to vector<16xi32>
      %lt3A_261 = arith.cmpi slt, %gather3A_258, %lt3A_260 : vector<16xi32>
      %select_n3A_262 = arith.select %lt3A_261, %broadcast_in_dim3A_5, %broadcast_in_dim3A_7 : vector<16xi1>, vector<16xi32>
      %xor3A_263 = arith.xori %select_n3A_262, %get3A_61 : vector<16xi32>
      %eq3A_264 = arith.constant 1 : i32
      %eq3A_265 = vector.broadcast %eq3A_264 : i32 to vector<16xi32>
      %eq3A_266 = arith.cmpi eq, %xor3A_263, %eq3A_265 : vector<16xi32>
      %lt3A_267 = arith.constant 3 : i32
      %lt3A_268 = vector.broadcast %lt3A_267 : i32 to vector<16xi32>
      %lt3A_269 = arith.cmpi slt, %add3A_246, %lt3A_268 : vector<16xi32>
      %and3A_270 = arith.andi %eq3A_266, %lt3A_269 : vector<16xi1>
      %eq3A_271 = arith.constant 0 : i32
      %eq3A_272 = vector.broadcast %eq3A_271 : i32 to vector<16xi32>
      %eq3A_273 = arith.cmpi eq, %xor3A_263, %eq3A_272 : vector<16xi32>
      %lt3A_274 = arith.constant 3 : i32
      %lt3A_275 = vector.broadcast %lt3A_274 : i32 to vector<16xi32>
      %lt3A_276 = arith.cmpi slt, %add3A_248, %lt3A_275 : vector<16xi32>
      %and3A_277 = arith.andi %eq3A_273, %lt3A_276 : vector<16xi1>
      %eq3A_278 = arith.constant 0 : i32
      %eq3A_279 = vector.broadcast %eq3A_278 : i32 to vector<16xi32>
      %eq3A_280 = arith.cmpi eq, %add3A_246, %eq3A_279 : vector<16xi32>
      %and3A_281 = arith.andi %and3A_270, %eq3A_280 : vector<16xi1>
      %select_n3A_282 = arith.select %and3A_281, %gather3A_258, %select_n3A_220 : vector<16xi1>, vector<16xi32>
      %eq3A_283 = arith.constant 0 : i32
      %eq3A_284 = vector.broadcast %eq3A_283 : i32 to vector<16xi32>
      %eq3A_285 = arith.cmpi eq, %add3A_248, %eq3A_284 : vector<16xi32>
      %and3A_286 = arith.andi %and3A_277, %eq3A_285 : vector<16xi1>
      %select_n3A_287 = arith.select %and3A_286, %gather3A_258, %select_n3A_225 : vector<16xi1>, vector<16xi32>
      %eq3A_288 = arith.constant 1 : i32
      %eq3A_289 = vector.broadcast %eq3A_288 : i32 to vector<16xi32>
      %eq3A_290 = arith.cmpi eq, %add3A_246, %eq3A_289 : vector<16xi32>
      %and3A_291 = arith.andi %and3A_270, %eq3A_290 : vector<16xi1>
      %select_n3A_292 = arith.select %and3A_291, %gather3A_258, %select_n3A_230 : vector<16xi1>, vector<16xi32>
      %eq3A_293 = arith.constant 1 : i32
      %eq3A_294 = vector.broadcast %eq3A_293 : i32 to vector<16xi32>
      %eq3A_295 = arith.cmpi eq, %add3A_248, %eq3A_294 : vector<16xi32>
      %and3A_296 = arith.andi %and3A_277, %eq3A_295 : vector<16xi1>
      %select_n3A_297 = arith.select %and3A_296, %gather3A_258, %select_n3A_235 : vector<16xi1>, vector<16xi32>
      %eq3A_298 = arith.constant 2 : i32
      %eq3A_299 = vector.broadcast %eq3A_298 : i32 to vector<16xi32>
      %eq3A_300 = arith.cmpi eq, %add3A_246, %eq3A_299 : vector<16xi32>
      %and3A_301 = arith.andi %and3A_270, %eq3A_300 : vector<16xi1>
      %select_n3A_302 = arith.select %and3A_301, %gather3A_258, %select_n3A_240 : vector<16xi1>, vector<16xi32>
      %eq3A_303 = arith.constant 2 : i32
      %eq3A_304 = vector.broadcast %eq3A_303 : i32 to vector<16xi32>
      %eq3A_305 = arith.cmpi eq, %add3A_248, %eq3A_304 : vector<16xi32>
      %and3A_306 = arith.andi %and3A_277, %eq3A_305 : vector<16xi1>
      %select_n3A_307 = arith.select %and3A_306, %gather3A_258, %select_n3A_245 : vector<16xi1>, vector<16xi32>
      %add3A_308 = arith.addi %add3A_246, %xor3A_263 : vector<16xi32>
      %sub3A_309 = arith.subi %broadcast_in_dim3A_5, %xor3A_263 : vector<16xi32>
      %add3A_310 = arith.addi %add3A_248, %sub3A_309 : vector<16xi32>
      %add3A_311 = arith.constant 4 : i32
      %add3A_312 = vector.broadcast %add3A_311 : i32 to vector<16xi32>
      %add3A_313 = arith.addi %mul3A_66, %add3A_312 : vector<16xi32>
      %shift_right_arithmetic3A_314 = arith.constant 4 : i32
      %shift_right_arithmetic3A_315 = vector.broadcast %shift_right_arithmetic3A_314 : i32 to vector<16xi32>
      %shift_right_arithmetic3A_316 = arith.shrsi %add3A_313, %shift_right_arithmetic3A_315 : vector<16xi32>
      %and3A_317 = arith.constant 15 : i32
      %and3A_318 = vector.broadcast %and3A_317 : i32 to vector<16xi32>
      %and3A_319 = arith.andi %add3A_313, %and3A_318 : vector<16xi32>
      %gather3A_320 = tpu.vector_load_idx %arg7[%shift_right_arithmetic3A_316, %and3A_319] : memref<192x16xi32, #tpu.memory_space<vmem>>[vector<16xi32>, vector<16xi32>], vector<16xi32>,
      %lt3A_321 = arith.constant 360 : i32
      %lt3A_322 = vector.broadcast %lt3A_321 : i32 to vector<16xi32>
      %lt3A_323 = arith.cmpi slt, %gather3A_320, %lt3A_322 : vector<16xi32>
      %select_n3A_324 = arith.select %lt3A_323, %broadcast_in_dim3A_5, %broadcast_in_dim3A_7 : vector<16xi1>, vector<16xi32>
      %xor3A_325 = arith.xori %select_n3A_324, %get3A_61 : vector<16xi32>
      %eq3A_326 = arith.constant 1 : i32
      %eq3A_327 = vector.broadcast %eq3A_326 : i32 to vector<16xi32>
      %eq3A_328 = arith.cmpi eq, %xor3A_325, %eq3A_327 : vector<16xi32>
      %lt3A_329 = arith.constant 3 : i32
      %lt3A_330 = vector.broadcast %lt3A_329 : i32 to vector<16xi32>
      %lt3A_331 = arith.cmpi slt, %add3A_308, %lt3A_330 : vector<16xi32>
      %and3A_332 = arith.andi %eq3A_328, %lt3A_331 : vector<16xi1>
      %eq3A_333 = arith.constant 0 : i32
      %eq3A_334 = vector.broadcast %eq3A_333 : i32 to vector<16xi32>
      %eq3A_335 = arith.cmpi eq, %xor3A_325, %eq3A_334 : vector<16xi32>
      %lt3A_336 = arith.constant 3 : i32
      %lt3A_337 = vector.broadcast %lt3A_336 : i32 to vector<16xi32>
      %lt3A_338 = arith.cmpi slt, %add3A_310, %lt3A_337 : vector<16xi32>
      %and3A_339 = arith.andi %eq3A_335, %lt3A_338 : vector<16xi1>
      %eq3A_340 = arith.constant 0 : i32
      %eq3A_341 = vector.broadcast %eq3A_340 : i32 to vector<16xi32>
      %eq3A_342 = arith.cmpi eq, %add3A_308, %eq3A_341 : vector<16xi32>
      %and3A_343 = arith.andi %and3A_332, %eq3A_342 : vector<16xi1>
      %select_n3A_344 = arith.select %and3A_343, %gather3A_320, %select_n3A_282 : vector<16xi1>, vector<16xi32>
      %eq3A_345 = arith.constant 0 : i32
      %eq3A_346 = vector.broadcast %eq3A_345 : i32 to vector<16xi32>
      %eq3A_347 = arith.cmpi eq, %add3A_310, %eq3A_346 : vector<16xi32>
      %and3A_348 = arith.andi %and3A_339, %eq3A_347 : vector<16xi1>
      %select_n3A_349 = arith.select %and3A_348, %gather3A_320, %select_n3A_287 : vector<16xi1>, vector<16xi32>
      %eq3A_350 = arith.constant 1 : i32
      %eq3A_351 = vector.broadcast %eq3A_350 : i32 to vector<16xi32>
      %eq3A_352 = arith.cmpi eq, %add3A_308, %eq3A_351 : vector<16xi32>
      %and3A_353 = arith.andi %and3A_332, %eq3A_352 : vector<16xi1>
      %select_n3A_354 = arith.select %and3A_353, %gather3A_320, %select_n3A_292 : vector<16xi1>, vector<16xi32>
      %eq3A_355 = arith.constant 1 : i32
      %eq3A_356 = vector.broadcast %eq3A_355 : i32 to vector<16xi32>
      %eq3A_357 = arith.cmpi eq, %add3A_310, %eq3A_356 : vector<16xi32>
      %and3A_358 = arith.andi %and3A_339, %eq3A_357 : vector<16xi1>
      %select_n3A_359 = arith.select %and3A_358, %gather3A_320, %select_n3A_297 : vector<16xi1>, vector<16xi32>
      %eq3A_360 = arith.constant 2 : i32
      %eq3A_361 = vector.broadcast %eq3A_360 : i32 to vector<16xi32>
      %eq3A_362 = arith.cmpi eq, %add3A_308, %eq3A_361 : vector<16xi32>
      %and3A_363 = arith.andi %and3A_332, %eq3A_362 : vector<16xi1>
      %select_n3A_364 = arith.select %and3A_363, %gather3A_320, %select_n3A_302 : vector<16xi1>, vector<16xi32>
      %eq3A_365 = arith.constant 2 : i32
      %eq3A_366 = vector.broadcast %eq3A_365 : i32 to vector<16xi32>
      %eq3A_367 = arith.cmpi eq, %add3A_310, %eq3A_366 : vector<16xi32>
      %and3A_368 = arith.andi %and3A_339, %eq3A_367 : vector<16xi1>
      %select_n3A_369 = arith.select %and3A_368, %gather3A_320, %select_n3A_307 : vector<16xi1>, vector<16xi32>
      %add3A_370 = arith.addi %add3A_308, %xor3A_325 : vector<16xi32>
      %sub3A_371 = arith.subi %broadcast_in_dim3A_5, %xor3A_325 : vector<16xi32>
      %add3A_372 = arith.addi %add3A_310, %sub3A_371 : vector<16xi32>
      %add3A_373 = arith.constant 5 : i32
      %add3A_374 = vector.broadcast %add3A_373 : i32 to vector<16xi32>
      %add3A_375 = arith.addi %mul3A_66, %add3A_374 : vector<16xi32>
      %shift_right_arithmetic3A_376 = arith.constant 4 : i32
      %shift_right_arithmetic3A_377 = vector.broadcast %shift_right_arithmetic3A_376 : i32 to vector<16xi32>
      %shift_right_arithmetic3A_378 = arith.shrsi %add3A_375, %shift_right_arithmetic3A_377 : vector<16xi32>
      %and3A_379 = arith.constant 15 : i32
      %and3A_380 = vector.broadcast %and3A_379 : i32 to vector<16xi32>
      %and3A_381 = arith.andi %add3A_375, %and3A_380 : vector<16xi32>
      %gather3A_382 = tpu.vector_load_idx %arg7[%shift_right_arithmetic3A_378, %and3A_381] : memref<192x16xi32, #tpu.memory_space<vmem>>[vector<16xi32>, vector<16xi32>], vector<16xi32>,
      %lt3A_383 = arith.constant 360 : i32
      %lt3A_384 = vector.broadcast %lt3A_383 : i32 to vector<16xi32>
      %lt3A_385 = arith.cmpi slt, %gather3A_382, %lt3A_384 : vector<16xi32>
      %select_n3A_386 = arith.select %lt3A_385, %broadcast_in_dim3A_5, %broadcast_in_dim3A_7 : vector<16xi1>, vector<16xi32>
      %xor3A_387 = arith.xori %select_n3A_386, %get3A_61 : vector<16xi32>
      %eq3A_388 = arith.constant 1 : i32
      %eq3A_389 = vector.broadcast %eq3A_388 : i32 to vector<16xi32>
      %eq3A_390 = arith.cmpi eq, %xor3A_387, %eq3A_389 : vector<16xi32>
      %lt3A_391 = arith.constant 3 : i32
      %lt3A_392 = vector.broadcast %lt3A_391 : i32 to vector<16xi32>
      %lt3A_393 = arith.cmpi slt, %add3A_370, %lt3A_392 : vector<16xi32>
      %and3A_394 = arith.andi %eq3A_390, %lt3A_393 : vector<16xi1>
      %eq3A_395 = arith.constant 0 : i32
      %eq3A_396 = vector.broadcast %eq3A_395 : i32 to vector<16xi32>
      %eq3A_397 = arith.cmpi eq, %xor3A_387, %eq3A_396 : vector<16xi32>
      %lt3A_398 = arith.constant 3 : i32
      %lt3A_399 = vector.broadcast %lt3A_398 : i32 to vector<16xi32>
      %lt3A_400 = arith.cmpi slt, %add3A_372, %lt3A_399 : vector<16xi32>
      %and3A_401 = arith.andi %eq3A_397, %lt3A_400 : vector<16xi1>
      %eq3A_402 = arith.constant 0 : i32
      %eq3A_403 = vector.broadcast %eq3A_402 : i32 to vector<16xi32>
      %eq3A_404 = arith.cmpi eq, %add3A_370, %eq3A_403 : vector<16xi32>
      %and3A_405 = arith.andi %and3A_394, %eq3A_404 : vector<16xi1>
      %select_n3A_406 = arith.select %and3A_405, %gather3A_382, %select_n3A_344 : vector<16xi1>, vector<16xi32>
      %eq3A_407 = arith.constant 0 : i32
      %eq3A_408 = vector.broadcast %eq3A_407 : i32 to vector<16xi32>
      %eq3A_409 = arith.cmpi eq, %add3A_372, %eq3A_408 : vector<16xi32>
      %and3A_410 = arith.andi %and3A_401, %eq3A_409 : vector<16xi1>
      %select_n3A_411 = arith.select %and3A_410, %gather3A_382, %select_n3A_349 : vector<16xi1>, vector<16xi32>
      %eq3A_412 = arith.constant 1 : i32
      %eq3A_413 = vector.broadcast %eq3A_412 : i32 to vector<16xi32>
      %eq3A_414 = arith.cmpi eq, %add3A_370, %eq3A_413 : vector<16xi32>
      %and3A_415 = arith.andi %and3A_394, %eq3A_414 : vector<16xi1>
      %select_n3A_416 = arith.select %and3A_415, %gather3A_382, %select_n3A_354 : vector<16xi1>, vector<16xi32>
      %eq3A_417 = arith.constant 1 : i32
      %eq3A_418 = vector.broadcast %eq3A_417 : i32 to vector<16xi32>
      %eq3A_419 = arith.cmpi eq, %add3A_372, %eq3A_418 : vector<16xi32>
      %and3A_420 = arith.andi %and3A_401, %eq3A_419 : vector<16xi1>
      %select_n3A_421 = arith.select %and3A_420, %gather3A_382, %select_n3A_359 : vector<16xi1>, vector<16xi32>
      %eq3A_422 = arith.constant 2 : i32
      %eq3A_423 = vector.broadcast %eq3A_422 : i32 to vector<16xi32>
      %eq3A_424 = arith.cmpi eq, %add3A_370, %eq3A_423 : vector<16xi32>
      %and3A_425 = arith.andi %and3A_394, %eq3A_424 : vector<16xi1>
      %select_n3A_426 = arith.select %and3A_425, %gather3A_382, %select_n3A_364 : vector<16xi1>, vector<16xi32>
      %eq3A_427 = arith.constant 2 : i32
      %eq3A_428 = vector.broadcast %eq3A_427 : i32 to vector<16xi32>
      %eq3A_429 = arith.cmpi eq, %add3A_372, %eq3A_428 : vector<16xi32>
      %and3A_430 = arith.andi %and3A_401, %eq3A_429 : vector<16xi1>
      %select_n3A_431 = arith.select %and3A_430, %gather3A_382, %select_n3A_369 : vector<16xi1>, vector<16xi32>
      %add3A_432 = arith.addi %add3A_370, %xor3A_387 : vector<16xi32>
      %sub3A_433 = arith.subi %broadcast_in_dim3A_5, %xor3A_387 : vector<16xi32>
      %add3A_434 = arith.addi %add3A_372, %sub3A_433 : vector<16xi32>
      %mul3A_435 = arith.constant 16 : i32
      %mul3A_436 = arith.muli %select_n3A_58, %mul3A_435 : i32
      %add3A_437 = arith.constant 0 : i32
      %add3A_438 = arith.addi %mul3A_436, %add3A_437 : i32
      %slice3A = vector.extract_strided_slice %select_n3A_406 {offsets = [0], sizes = [1], strides = [1]} : vector<16xi32> to vector<1xi32>
      %squeeze3A = vector.extract %slice3A[0] : i32 from vector<1xi32>
      %slice3A_439 = vector.extract_strided_slice %select_n3A_416 {offsets = [0], sizes = [1], strides = [1]} : vector<16xi32> to vector<1xi32>
      %squeeze3A_440 = vector.extract %slice3A_439[0] : i32 from vector<1xi32>
      %slice3A_441 = vector.extract_strided_slice %select_n3A_426 {offsets = [0], sizes = [1], strides = [1]} : vector<16xi32> to vector<1xi32>
      %squeeze3A_442 = vector.extract %slice3A_441[0] : i32 from vector<1xi32>
      %slice3A_443 = vector.extract_strided_slice %select_n3A_411 {offsets = [0], sizes = [1], strides = [1]} : vector<16xi32> to vector<1xi32>
      %squeeze3A_444 = vector.extract %slice3A_443[0] : i32 from vector<1xi32>
      %slice3A_445 = vector.extract_strided_slice %select_n3A_421 {offsets = [0], sizes = [1], strides = [1]} : vector<16xi32> to vector<1xi32>
      %squeeze3A_446 = vector.extract %slice3A_445[0] : i32 from vector<1xi32>
      %slice3A_447 = vector.extract_strided_slice %select_n3A_431 {offsets = [0], sizes = [1], strides = [1]} : vector<16xi32> to vector<1xi32>
      %squeeze3A_448 = vector.extract %slice3A_447[0] : i32 from vector<1xi32>
      %scan3A_449 = arith.constant 0 : i32
      %scan3A_450 = arith.constant 8 : i32
      %scan3A_451 = arith.addi %scan3A_449, %scan3A_450 : i32
      %scan3A_452 = arith.constant 2 : i32
      scf.for %scan3A_779 = %scan3A_449 to %scan3A_451 step %scan3A_452  : i32 {
        %mul3A_780 = arith.constant 16 : i32
        %mul3A_781 = arith.muli %scan3A_779, %mul3A_780 : i32
        %get3A_782 = arith.index_cast %squeeze3A : i32 to index
        %get3A_783 = arith.index_cast %mul3A_781 : i32 to index
        %get3A_784 = tpu.vector_load %arg6[%get3A_782, %get3A_783] {strides = array<i32>} : memref<720x128xi32, #tpu.memory_space<vmem>>, vector<16xi32>,
        %bitcast3A = vector.bitcast %get3A_784 : vector<16xi32> to vector<32xbf16>
        %get3A_785 = arith.index_cast %squeeze3A_440 : i32 to index
        %get3A_786 = arith.index_cast %mul3A_781 : i32 to index
        %get3A_787 = tpu.vector_load %arg6[%get3A_785, %get3A_786] {strides = array<i32>} : memref<720x128xi32, #tpu.memory_space<vmem>>, vector<16xi32>,
        %bitcast3A_788 = vector.bitcast %get3A_787 : vector<16xi32> to vector<32xbf16>
        %get3A_789 = arith.index_cast %squeeze3A_442 : i32 to index
        %get3A_790 = arith.index_cast %mul3A_781 : i32 to index
        %get3A_791 = tpu.vector_load %arg6[%get3A_789, %get3A_790] {strides = array<i32>} : memref<720x128xi32, #tpu.memory_space<vmem>>, vector<16xi32>,
        %bitcast3A_792 = vector.bitcast %get3A_791 : vector<16xi32> to vector<32xbf16>
        %get3A_793 = arith.index_cast %squeeze3A_444 : i32 to index
        %get3A_794 = arith.index_cast %mul3A_781 : i32 to index
        %get3A_795 = tpu.vector_load %arg6[%get3A_793, %get3A_794] {strides = array<i32>} : memref<720x128xi32, #tpu.memory_space<vmem>>, vector<16xi32>,
        %bitcast3A_796 = vector.bitcast %get3A_795 : vector<16xi32> to vector<32xbf16>
        %get3A_797 = arith.index_cast %squeeze3A_446 : i32 to index
        %get3A_798 = arith.index_cast %mul3A_781 : i32 to index
        %get3A_799 = tpu.vector_load %arg6[%get3A_797, %get3A_798] {strides = array<i32>} : memref<720x128xi32, #tpu.memory_space<vmem>>, vector<16xi32>,
        %bitcast3A_800 = vector.bitcast %get3A_799 : vector<16xi32> to vector<32xbf16>
        %get3A_801 = arith.index_cast %squeeze3A_448 : i32 to index
        %get3A_802 = arith.index_cast %mul3A_781 : i32 to index
        %get3A_803 = tpu.vector_load %arg6[%get3A_801, %get3A_802] {strides = array<i32>} : memref<720x128xi32, #tpu.memory_space<vmem>>, vector<16xi32>,
        %bitcast3A_804 = vector.bitcast %get3A_803 : vector<16xi32> to vector<32xbf16>
        %add3A_805 = arith.addf %bitcast3A, %bitcast3A_788 : vector<32xbf16>
        %add3A_806 = arith.addf %add3A_805, %bitcast3A_792 : vector<32xbf16>
        %max3A = arith.maximumf %add3A_806, %broadcast_in_dim3A_3 : vector<32xbf16>
        %add3A_807 = arith.addf %bitcast3A_796, %bitcast3A_800 : vector<32xbf16>
        %add3A_808 = arith.addf %add3A_807, %bitcast3A_804 : vector<32xbf16>
        %max3A_809 = arith.maximumf %add3A_808, %broadcast_in_dim3A_3 : vector<32xbf16>
        %bitcast3A_810 = vector.bitcast %max3A : vector<32xbf16> to vector<16xi32>
        %swap3A = arith.index_cast %add3A_438 : i32 to index
        %swap3A_811 = arith.index_cast %mul3A_781 : i32 to index
        %swap3A_812 = tpu.vector_load %arg9[%swap3A, %swap3A_811] {strides = array<i32>} : memref<48x256xi32, #tpu.memory_space<vmem>>, vector<16xi32>,
        tpu.vector_store %arg9[%swap3A, %swap3A_811], %bitcast3A_810 {strides = array<i32>} : memref<48x256xi32, #tpu.memory_space<vmem>>, vector<16xi32>,
        %bitcast3A_813 = vector.bitcast %max3A_809 : vector<32xbf16> to vector<16xi32>
        %mul3A_814 = arith.constant 16 : i32
        %mul3A_815 = arith.muli %scan3A_779, %mul3A_814 : i32
        %add3A_816 = arith.constant 128 : i32
        %add3A_817 = arith.addi %add3A_816, %mul3A_815 : i32
        %swap3A_818 = arith.index_cast %add3A_438 : i32 to index
        %swap3A_819 = arith.index_cast %add3A_817 : i32 to index
        %swap3A_820 = tpu.vector_load %arg9[%swap3A_818, %swap3A_819] {strides = array<i32>} : memref<48x256xi32, #tpu.memory_space<vmem>>, vector<16xi32>,
        tpu.vector_store %arg9[%swap3A_818, %swap3A_819], %bitcast3A_813 {strides = array<i32>} : memref<48x256xi32, #tpu.memory_space<vmem>>, vector<16xi32>,
        %scan3A_821 = arith.constant 1 : i32
        %scan3A_822 = arith.addi %scan3A_779, %scan3A_821 : i32
        %mul3A_823 = arith.constant 16 : i32
        %mul3A_824 = arith.muli %scan3A_822, %mul3A_823 : i32
        %get3A_825 = arith.index_cast %squeeze3A : i32 to index
        %get3A_826 = arith.index_cast %mul3A_824 : i32 to index
        %get3A_827 = tpu.vector_load %arg6[%get3A_825, %get3A_826] {strides = array<i32>} : memref<720x128xi32, #tpu.memory_space<vmem>>, vector<16xi32>,
        %bitcast3A_828 = vector.bitcast %get3A_827 : vector<16xi32> to vector<32xbf16>
        %get3A_829 = arith.index_cast %squeeze3A_440 : i32 to index
        %get3A_830 = arith.index_cast %mul3A_824 : i32 to index
        %get3A_831 = tpu.vector_load %arg6[%get3A_829, %get3A_830] {strides = array<i32>} : memref<720x128xi32, #tpu.memory_space<vmem>>, vector<16xi32>,
        %bitcast3A_832 = vector.bitcast %get3A_831 : vector<16xi32> to vector<32xbf16>
        %get3A_833 = arith.index_cast %squeeze3A_442 : i32 to index
        %get3A_834 = arith.index_cast %mul3A_824 : i32 to index
        %get3A_835 = tpu.vector_load %arg6[%get3A_833, %get3A_834] {strides = array<i32>} : memref<720x128xi32, #tpu.memory_space<vmem>>, vector<16xi32>,
        %bitcast3A_836 = vector.bitcast %get3A_835 : vector<16xi32> to vector<32xbf16>
        %get3A_837 = arith.index_cast %squeeze3A_444 : i32 to index
        %get3A_838 = arith.index_cast %mul3A_824 : i32 to index
        %get3A_839 = tpu.vector_load %arg6[%get3A_837, %get3A_838] {strides = array<i32>} : memref<720x128xi32, #tpu.memory_space<vmem>>, vector<16xi32>,
        %bitcast3A_840 = vector.bitcast %get3A_839 : vector<16xi32> to vector<32xbf16>
        %get3A_841 = arith.index_cast %squeeze3A_446 : i32 to index
        %get3A_842 = arith.index_cast %mul3A_824 : i32 to index
        %get3A_843 = tpu.vector_load %arg6[%get3A_841, %get3A_842] {strides = array<i32>} : memref<720x128xi32, #tpu.memory_space<vmem>>, vector<16xi32>,
        %bitcast3A_844 = vector.bitcast %get3A_843 : vector<16xi32> to vector<32xbf16>
        %get3A_845 = arith.index_cast %squeeze3A_448 : i32 to index
        %get3A_846 = arith.index_cast %mul3A_824 : i32 to index
        %get3A_847 = tpu.vector_load %arg6[%get3A_845, %get3A_846] {strides = array<i32>} : memref<720x128xi32, #tpu.memory_space<vmem>>, vector<16xi32>,
        %bitcast3A_848 = vector.bitcast %get3A_847 : vector<16xi32> to vector<32xbf16>
        %add3A_849 = arith.addf %bitcast3A_828, %bitcast3A_832 : vector<32xbf16>
        %add3A_850 = arith.addf %add3A_849, %bitcast3A_836 : vector<32xbf16>
        %max3A_851 = arith.maximumf %add3A_850, %broadcast_in_dim3A_3 : vector<32xbf16>
        %add3A_852 = arith.addf %bitcast3A_840, %bitcast3A_844 : vector<32xbf16>
        %add3A_853 = arith.addf %add3A_852, %bitcast3A_848 : vector<32xbf16>
        %max3A_854 = arith.maximumf %add3A_853, %broadcast_in_dim3A_3 : vector<32xbf16>
        %bitcast3A_855 = vector.bitcast %max3A_851 : vector<32xbf16> to vector<16xi32>
        %swap3A_856 = arith.index_cast %add3A_438 : i32 to index
        %swap3A_857 = arith.index_cast %mul3A_824 : i32 to index
        %swap3A_858 = tpu.vector_load %arg9[%swap3A_856, %swap3A_857] {strides = array<i32>} : memref<48x256xi32, #tpu.memory_space<vmem>>, vector<16xi32>,
        tpu.vector_store %arg9[%swap3A_856, %swap3A_857], %bitcast3A_855 {strides = array<i32>} : memref<48x256xi32, #tpu.memory_space<vmem>>, vector<16xi32>,
        %bitcast3A_859 = vector.bitcast %max3A_854 : vector<32xbf16> to vector<16xi32>
        %mul3A_860 = arith.constant 16 : i32
        %mul3A_861 = arith.muli %scan3A_822, %mul3A_860 : i32
        %add3A_862 = arith.constant 128 : i32
        %add3A_863 = arith.addi %add3A_862, %mul3A_861 : i32
        %swap3A_864 = arith.index_cast %add3A_438 : i32 to index
        %swap3A_865 = arith.index_cast %add3A_863 : i32 to index
        %swap3A_866 = tpu.vector_load %arg9[%swap3A_864, %swap3A_865] {strides = array<i32>} : memref<48x256xi32, #tpu.memory_space<vmem>>, vector<16xi32>,
        tpu.vector_store %arg9[%swap3A_864, %swap3A_865], %bitcast3A_859 {strides = array<i32>} : memref<48x256xi32, #tpu.memory_space<vmem>>, vector<16xi32>,
      }
      %scan3A_453 = arith.constant 8 : i32
      %mul3A_454 = arith.constant 16 : i32
      %mul3A_455 = arith.muli %select_n3A_58, %mul3A_454 : i32
      %add3A_456 = arith.constant 1 : i32
      %add3A_457 = arith.addi %mul3A_455, %add3A_456 : i32
      %slice3A_458 = vector.extract_strided_slice %select_n3A_406 {offsets = [1], sizes = [1], strides = [1]} : vector<16xi32> to vector<1xi32>
      %squeeze3A_459 = vector.extract %slice3A_458[0] : i32 from vector<1xi32>
      %slice3A_460 = vector.extract_strided_slice %select_n3A_416 {offsets = [1], sizes = [1], strides = [1]} : vector<16xi32> to vector<1xi32>
      %squeeze3A_461 = vector.extract %slice3A_460[0] : i32 from vector<1xi32>
      %slice3A_462 = vector.extract_strided_slice %select_n3A_426 {offsets = [1], sizes = [1], strides = [1]} : vector<16xi32> to vector<1xi32>
      %squeeze3A_463 = vector.extract %slice3A_462[0] : i32 from vector<1xi32>
      %slice3A_464 = vector.extract_strided_slice %select_n3A_411 {offsets = [1], sizes = [1], strides = [1]} : vector<16xi32> to vector<1xi32>
      %squeeze3A_465 = vector.extract %slice3A_464[0] : i32 from vector<1xi32>
      %slice3A_466 = vector.extract_strided_slice %select_n3A_421 {offsets = [1], sizes = [1], strides = [1]} : vector<16xi32> to vector<1xi32>
      %squeeze3A_467 = vector.extract %slice3A_466[0] : i32 from vector<1xi32>
      %slice3A_468 = vector.extract_strided_slice %select_n3A_431 {offsets = [1], sizes = [1], strides = [1]} : vector<16xi32> to vector<1xi32>
      %squeeze3A_469 = vector.extract %slice3A_468[0] : i32 from vector<1xi32>
      %scan3A_470 = arith.constant 0 : i32
      %scan3A_471 = arith.constant 8 : i32
      %scan3A_472 = arith.addi %scan3A_470, %scan3A_471 : i32
      %scan3A_473 = arith.constant 2 : i32
      scf.for %scan3A_779 = %scan3A_470 to %scan3A_472 step %scan3A_473  : i32 {
        %mul3A_780 = arith.constant 16 : i32
        %mul3A_781 = arith.muli %scan3A_779, %mul3A_780 : i32
        %get3A_782 = arith.index_cast %squeeze3A_459 : i32 to index
        %get3A_783 = arith.index_cast %mul3A_781 : i32 to index
        %get3A_784 = tpu.vector_load %arg6[%get3A_782, %get3A_783] {strides = array<i32>} : memref<720x128xi32, #tpu.memory_space<vmem>>, vector<16xi32>,
        %bitcast3A = vector.bitcast %get3A_784 : vector<16xi32> to vector<32xbf16>
        %get3A_785 = arith.index_cast %squeeze3A_461 : i32 to index
        %get3A_786 = arith.index_cast %mul3A_781 : i32 to index
        %get3A_787 = tpu.vector_load %arg6[%get3A_785, %get3A_786] {strides = array<i32>} : memref<720x128xi32, #tpu.memory_space<vmem>>, vector<16xi32>,
        %bitcast3A_788 = vector.bitcast %get3A_787 : vector<16xi32> to vector<32xbf16>
        %get3A_789 = arith.index_cast %squeeze3A_463 : i32 to index
        %get3A_790 = arith.index_cast %mul3A_781 : i32 to index
        %get3A_791 = tpu.vector_load %arg6[%get3A_789, %get3A_790] {strides = array<i32>} : memref<720x128xi32, #tpu.memory_space<vmem>>, vector<16xi32>,
        %bitcast3A_792 = vector.bitcast %get3A_791 : vector<16xi32> to vector<32xbf16>
        %get3A_793 = arith.index_cast %squeeze3A_465 : i32 to index
        %get3A_794 = arith.index_cast %mul3A_781 : i32 to index
        %get3A_795 = tpu.vector_load %arg6[%get3A_793, %get3A_794] {strides = array<i32>} : memref<720x128xi32, #tpu.memory_space<vmem>>, vector<16xi32>,
        %bitcast3A_796 = vector.bitcast %get3A_795 : vector<16xi32> to vector<32xbf16>
        %get3A_797 = arith.index_cast %squeeze3A_467 : i32 to index
        %get3A_798 = arith.index_cast %mul3A_781 : i32 to index
        %get3A_799 = tpu.vector_load %arg6[%get3A_797, %get3A_798] {strides = array<i32>} : memref<720x128xi32, #tpu.memory_space<vmem>>, vector<16xi32>,
        %bitcast3A_800 = vector.bitcast %get3A_799 : vector<16xi32> to vector<32xbf16>
        %get3A_801 = arith.index_cast %squeeze3A_469 : i32 to index
        %get3A_802 = arith.index_cast %mul3A_781 : i32 to index
        %get3A_803 = tpu.vector_load %arg6[%get3A_801, %get3A_802] {strides = array<i32>} : memref<720x128xi32, #tpu.memory_space<vmem>>, vector<16xi32>,
        %bitcast3A_804 = vector.bitcast %get3A_803 : vector<16xi32> to vector<32xbf16>
        %add3A_805 = arith.addf %bitcast3A, %bitcast3A_788 : vector<32xbf16>
        %add3A_806 = arith.addf %add3A_805, %bitcast3A_792 : vector<32xbf16>
        %max3A = arith.maximumf %add3A_806, %broadcast_in_dim3A_3 : vector<32xbf16>
        %add3A_807 = arith.addf %bitcast3A_796, %bitcast3A_800 : vector<32xbf16>
        %add3A_808 = arith.addf %add3A_807, %bitcast3A_804 : vector<32xbf16>
        %max3A_809 = arith.maximumf %add3A_808, %broadcast_in_dim3A_3 : vector<32xbf16>
        %bitcast3A_810 = vector.bitcast %max3A : vector<32xbf16> to vector<16xi32>
        %swap3A = arith.index_cast %add3A_457 : i32 to index
        %swap3A_811 = arith.index_cast %mul3A_781 : i32 to index
        %swap3A_812 = tpu.vector_load %arg9[%swap3A, %swap3A_811] {strides = array<i32>} : memref<48x256xi32, #tpu.memory_space<vmem>>, vector<16xi32>,
        tpu.vector_store %arg9[%swap3A, %swap3A_811], %bitcast3A_810 {strides = array<i32>} : memref<48x256xi32, #tpu.memory_space<vmem>>, vector<16xi32>,
        %bitcast3A_813 = vector.bitcast %max3A_809 : vector<32xbf16> to vector<16xi32>
        %mul3A_814 = arith.constant 16 : i32
        %mul3A_815 = arith.muli %scan3A_779, %mul3A_814 : i32
        %add3A_816 = arith.constant 128 : i32
        %add3A_817 = arith.addi %add3A_816, %mul3A_815 : i32
        %swap3A_818 = arith.index_cast %add3A_457 : i32 to index
        %swap3A_819 = arith.index_cast %add3A_817 : i32 to index
        %swap3A_820 = tpu.vector_load %arg9[%swap3A_818, %swap3A_819] {strides = array<i32>} : memref<48x256xi32, #tpu.memory_space<vmem>>, vector<16xi32>,
        tpu.vector_store %arg9[%swap3A_818, %swap3A_819], %bitcast3A_813 {strides = array<i32>} : memref<48x256xi32, #tpu.memory_space<vmem>>, vector<16xi32>,
        %scan3A_821 = arith.constant 1 : i32
        %scan3A_822 = arith.addi %scan3A_779, %scan3A_821 : i32
        %mul3A_823 = arith.constant 16 : i32
        %mul3A_824 = arith.muli %scan3A_822, %mul3A_823 : i32
        %get3A_825 = arith.index_cast %squeeze3A_459 : i32 to index
        %get3A_826 = arith.index_cast %mul3A_824 : i32 to index
        %get3A_827 = tpu.vector_load %arg6[%get3A_825, %get3A_826] {strides = array<i32>} : memref<720x128xi32, #tpu.memory_space<vmem>>, vector<16xi32>,
        %bitcast3A_828 = vector.bitcast %get3A_827 : vector<16xi32> to vector<32xbf16>
        %get3A_829 = arith.index_cast %squeeze3A_461 : i32 to index
        %get3A_830 = arith.index_cast %mul3A_824 : i32 to index
        %get3A_831 = tpu.vector_load %arg6[%get3A_829, %get3A_830] {strides = array<i32>} : memref<720x128xi32, #tpu.memory_space<vmem>>, vector<16xi32>,
        %bitcast3A_832 = vector.bitcast %get3A_831 : vector<16xi32> to vector<32xbf16>
        %get3A_833 = arith.index_cast %squeeze3A_463 : i32 to index
        %get3A_834 = arith.index_cast %mul3A_824 : i32 to index
        %get3A_835 = tpu.vector_load %arg6[%get3A_833, %get3A_834] {strides = array<i32>} : memref<720x128xi32, #tpu.memory_space<vmem>>, vector<16xi32>,
        %bitcast3A_836 = vector.bitcast %get3A_835 : vector<16xi32> to vector<32xbf16>
        %get3A_837 = arith.index_cast %squeeze3A_465 : i32 to index
        %get3A_838 = arith.index_cast %mul3A_824 : i32 to index
        %get3A_839 = tpu.vector_load %arg6[%get3A_837, %get3A_838] {strides = array<i32>} : memref<720x128xi32, #tpu.memory_space<vmem>>, vector<16xi32>,
        %bitcast3A_840 = vector.bitcast %get3A_839 : vector<16xi32> to vector<32xbf16>
        %get3A_841 = arith.index_cast %squeeze3A_467 : i32 to index
        %get3A_842 = arith.index_cast %mul3A_824 : i32 to index
        %get3A_843 = tpu.vector_load %arg6[%get3A_841, %get3A_842] {strides = array<i32>} : memref<720x128xi32, #tpu.memory_space<vmem>>, vector<16xi32>,
        %bitcast3A_844 = vector.bitcast %get3A_843 : vector<16xi32> to vector<32xbf16>
        %get3A_845 = arith.index_cast %squeeze3A_469 : i32 to index
        %get3A_846 = arith.index_cast %mul3A_824 : i32 to index
        %get3A_847 = tpu.vector_load %arg6[%get3A_845, %get3A_846] {strides = array<i32>} : memref<720x128xi32, #tpu.memory_space<vmem>>, vector<16xi32>,
        %bitcast3A_848 = vector.bitcast %get3A_847 : vector<16xi32> to vector<32xbf16>
        %add3A_849 = arith.addf %bitcast3A_828, %bitcast3A_832 : vector<32xbf16>
        %add3A_850 = arith.addf %add3A_849, %bitcast3A_836 : vector<32xbf16>
        %max3A_851 = arith.maximumf %add3A_850, %broadcast_in_dim3A_3 : vector<32xbf16>
        %add3A_852 = arith.addf %bitcast3A_840, %bitcast3A_844 : vector<32xbf16>
        %add3A_853 = arith.addf %add3A_852, %bitcast3A_848 : vector<32xbf16>
        %max3A_854 = arith.maximumf %add3A_853, %broadcast_in_dim3A_3 : vector<32xbf16>
        %bitcast3A_855 = vector.bitcast %max3A_851 : vector<32xbf16> to vector<16xi32>
        %swap3A_856 = arith.index_cast %add3A_457 : i32 to index
        %swap3A_857 = arith.index_cast %mul3A_824 : i32 to index
        %swap3A_858 = tpu.vector_load %arg9[%swap3A_856, %swap3A_857] {strides = array<i32>} : memref<48x256xi32, #tpu.memory_space<vmem>>, vector<16xi32>,
        tpu.vector_store %arg9[%swap3A_856, %swap3A_857], %bitcast3A_855 {strides = array<i32>} : memref<48x256xi32, #tpu.memory_space<vmem>>, vector<16xi32>,
        %bitcast3A_859 = vector.bitcast %max3A_854 : vector<32xbf16> to vector<16xi32>
        %mul3A_860 = arith.constant 16 : i32
        %mul3A_861 = arith.muli %scan3A_822, %mul3A_860 : i32
        %add3A_862 = arith.constant 128 : i32
        %add3A_863 = arith.addi %add3A_862, %mul3A_861 : i32
        %swap3A_864 = arith.index_cast %add3A_457 : i32 to index
        %swap3A_865 = arith.index_cast %add3A_863 : i32 to index
        %swap3A_866 = tpu.vector_load %arg9[%swap3A_864, %swap3A_865] {strides = array<i32>} : memref<48x256xi32, #tpu.memory_space<vmem>>, vector<16xi32>,
        tpu.vector_store %arg9[%swap3A_864, %swap3A_865], %bitcast3A_859 {strides = array<i32>} : memref<48x256xi32, #tpu.memory_space<vmem>>, vector<16xi32>,
      }
      %scan3A_474 = arith.constant 8 : i32
      %mul3A_475 = arith.constant 16 : i32
      %mul3A_476 = arith.muli %select_n3A_58, %mul3A_475 : i32
      %add3A_477 = arith.constant 2 : i32
      %add3A_478 = arith.addi %mul3A_476, %add3A_477 : i32
      %slice3A_479 = vector.extract_strided_slice %select_n3A_406 {offsets = [2], sizes = [1], strides = [1]} : vector<16xi32> to vector<1xi32>
      %squeeze3A_480 = vector.extract %slice3A_479[0] : i32 from vector<1xi32>
      %slice3A_481 = vector.extract_strided_slice %select_n3A_416 {offsets = [2], sizes = [1], strides = [1]} : vector<16xi32> to vector<1xi32>
      %squeeze3A_482 = vector.extract %slice3A_481[0] : i32 from vector<1xi32>
      %slice3A_483 = vector.extract_strided_slice %select_n3A_426 {offsets = [2], sizes = [1], strides = [1]} : vector<16xi32> to vector<1xi32>
      %squeeze3A_484 = vector.extract %slice3A_483[0] : i32 from vector<1xi32>
      %slice3A_485 = vector.extract_strided_slice %select_n3A_411 {offsets = [2], sizes = [1], strides = [1]} : vector<16xi32> to vector<1xi32>
      %squeeze3A_486 = vector.extract %slice3A_485[0] : i32 from vector<1xi32>
      %slice3A_487 = vector.extract_strided_slice %select_n3A_421 {offsets = [2], sizes = [1], strides = [1]} : vector<16xi32> to vector<1xi32>
      %squeeze3A_488 = vector.extract %slice3A_487[0] : i32 from vector<1xi32>
      %slice3A_489 = vector.extract_strided_slice %select_n3A_431 {offsets = [2], sizes = [1], strides = [1]} : vector<16xi32> to vector<1xi32>
      %squeeze3A_490 = vector.extract %slice3A_489[0] : i32 from vector<1xi32>
      %scan3A_491 = arith.constant 0 : i32
      %scan3A_492 = arith.constant 8 : i32
      %scan3A_493 = arith.addi %scan3A_491, %scan3A_492 : i32
      %scan3A_494 = arith.constant 2 : i32
      scf.for %scan3A_779 = %scan3A_491 to %scan3A_493 step %scan3A_494  : i32 {
        %mul3A_780 = arith.constant 16 : i32
        %mul3A_781 = arith.muli %scan3A_779, %mul3A_780 : i32
        %get3A_782 = arith.index_cast %squeeze3A_480 : i32 to index
        %get3A_783 = arith.index_cast %mul3A_781 : i32 to index
        %get3A_784 = tpu.vector_load %arg6[%get3A_782, %get3A_783] {strides = array<i32>} : memref<720x128xi32, #tpu.memory_space<vmem>>, vector<16xi32>,
        %bitcast3A = vector.bitcast %get3A_784 : vector<16xi32> to vector<32xbf16>
        %get3A_785 = arith.index_cast %squeeze3A_482 : i32 to index
        %get3A_786 = arith.index_cast %mul3A_781 : i32 to index
        %get3A_787 = tpu.vector_load %arg6[%get3A_785, %get3A_786] {strides = array<i32>} : memref<720x128xi32, #tpu.memory_space<vmem>>, vector<16xi32>,
        %bitcast3A_788 = vector.bitcast %get3A_787 : vector<16xi32> to vector<32xbf16>
        %get3A_789 = arith.index_cast %squeeze3A_484 : i32 to index
        %get3A_790 = arith.index_cast %mul3A_781 : i32 to index
        %get3A_791 = tpu.vector_load %arg6[%get3A_789, %get3A_790] {strides = array<i32>} : memref<720x128xi32, #tpu.memory_space<vmem>>, vector<16xi32>,
        %bitcast3A_792 = vector.bitcast %get3A_791 : vector<16xi32> to vector<32xbf16>
        %get3A_793 = arith.index_cast %squeeze3A_486 : i32 to index
        %get3A_794 = arith.index_cast %mul3A_781 : i32 to index
        %get3A_795 = tpu.vector_load %arg6[%get3A_793, %get3A_794] {strides = array<i32>} : memref<720x128xi32, #tpu.memory_space<vmem>>, vector<16xi32>,
        %bitcast3A_796 = vector.bitcast %get3A_795 : vector<16xi32> to vector<32xbf16>
        %get3A_797 = arith.index_cast %squeeze3A_488 : i32 to index
        %get3A_798 = arith.index_cast %mul3A_781 : i32 to index
        %get3A_799 = tpu.vector_load %arg6[%get3A_797, %get3A_798] {strides = array<i32>} : memref<720x128xi32, #tpu.memory_space<vmem>>, vector<16xi32>,
        %bitcast3A_800 = vector.bitcast %get3A_799 : vector<16xi32> to vector<32xbf16>
        %get3A_801 = arith.index_cast %squeeze3A_490 : i32 to index
        %get3A_802 = arith.index_cast %mul3A_781 : i32 to index
        %get3A_803 = tpu.vector_load %arg6[%get3A_801, %get3A_802] {strides = array<i32>} : memref<720x128xi32, #tpu.memory_space<vmem>>, vector<16xi32>,
        %bitcast3A_804 = vector.bitcast %get3A_803 : vector<16xi32> to vector<32xbf16>
        %add3A_805 = arith.addf %bitcast3A, %bitcast3A_788 : vector<32xbf16>
        %add3A_806 = arith.addf %add3A_805, %bitcast3A_792 : vector<32xbf16>
        %max3A = arith.maximumf %add3A_806, %broadcast_in_dim3A_3 : vector<32xbf16>
        %add3A_807 = arith.addf %bitcast3A_796, %bitcast3A_800 : vector<32xbf16>
        %add3A_808 = arith.addf %add3A_807, %bitcast3A_804 : vector<32xbf16>
        %max3A_809 = arith.maximumf %add3A_808, %broadcast_in_dim3A_3 : vector<32xbf16>
        %bitcast3A_810 = vector.bitcast %max3A : vector<32xbf16> to vector<16xi32>
        %swap3A = arith.index_cast %add3A_478 : i32 to index
        %swap3A_811 = arith.index_cast %mul3A_781 : i32 to index
        %swap3A_812 = tpu.vector_load %arg9[%swap3A, %swap3A_811] {strides = array<i32>} : memref<48x256xi32, #tpu.memory_space<vmem>>, vector<16xi32>,
        tpu.vector_store %arg9[%swap3A, %swap3A_811], %bitcast3A_810 {strides = array<i32>} : memref<48x256xi32, #tpu.memory_space<vmem>>, vector<16xi32>,
        %bitcast3A_813 = vector.bitcast %max3A_809 : vector<32xbf16> to vector<16xi32>
        %mul3A_814 = arith.constant 16 : i32
        %mul3A_815 = arith.muli %scan3A_779, %mul3A_814 : i32
        %add3A_816 = arith.constant 128 : i32
        %add3A_817 = arith.addi %add3A_816, %mul3A_815 : i32
        %swap3A_818 = arith.index_cast %add3A_478 : i32 to index
        %swap3A_819 = arith.index_cast %add3A_817 : i32 to index
        %swap3A_820 = tpu.vector_load %arg9[%swap3A_818, %swap3A_819] {strides = array<i32>} : memref<48x256xi32, #tpu.memory_space<vmem>>, vector<16xi32>,
        tpu.vector_store %arg9[%swap3A_818, %swap3A_819], %bitcast3A_813 {strides = array<i32>} : memref<48x256xi32, #tpu.memory_space<vmem>>, vector<16xi32>,
        %scan3A_821 = arith.constant 1 : i32
        %scan3A_822 = arith.addi %scan3A_779, %scan3A_821 : i32
        %mul3A_823 = arith.constant 16 : i32
        %mul3A_824 = arith.muli %scan3A_822, %mul3A_823 : i32
        %get3A_825 = arith.index_cast %squeeze3A_480 : i32 to index
        %get3A_826 = arith.index_cast %mul3A_824 : i32 to index
        %get3A_827 = tpu.vector_load %arg6[%get3A_825, %get3A_826] {strides = array<i32>} : memref<720x128xi32, #tpu.memory_space<vmem>>, vector<16xi32>,
        %bitcast3A_828 = vector.bitcast %get3A_827 : vector<16xi32> to vector<32xbf16>
        %get3A_829 = arith.index_cast %squeeze3A_482 : i32 to index
        %get3A_830 = arith.index_cast %mul3A_824 : i32 to index
        %get3A_831 = tpu.vector_load %arg6[%get3A_829, %get3A_830] {strides = array<i32>} : memref<720x128xi32, #tpu.memory_space<vmem>>, vector<16xi32>,
        %bitcast3A_832 = vector.bitcast %get3A_831 : vector<16xi32> to vector<32xbf16>
        %get3A_833 = arith.index_cast %squeeze3A_484 : i32 to index
        %get3A_834 = arith.index_cast %mul3A_824 : i32 to index
        %get3A_835 = tpu.vector_load %arg6[%get3A_833, %get3A_834] {strides = array<i32>} : memref<720x128xi32, #tpu.memory_space<vmem>>, vector<16xi32>,
        %bitcast3A_836 = vector.bitcast %get3A_835 : vector<16xi32> to vector<32xbf16>
        %get3A_837 = arith.index_cast %squeeze3A_486 : i32 to index
        %get3A_838 = arith.index_cast %mul3A_824 : i32 to index
        %get3A_839 = tpu.vector_load %arg6[%get3A_837, %get3A_838] {strides = array<i32>} : memref<720x128xi32, #tpu.memory_space<vmem>>, vector<16xi32>,
        %bitcast3A_840 = vector.bitcast %get3A_839 : vector<16xi32> to vector<32xbf16>
        %get3A_841 = arith.index_cast %squeeze3A_488 : i32 to index
        %get3A_842 = arith.index_cast %mul3A_824 : i32 to index
        %get3A_843 = tpu.vector_load %arg6[%get3A_841, %get3A_842] {strides = array<i32>} : memref<720x128xi32, #tpu.memory_space<vmem>>, vector<16xi32>,
        %bitcast3A_844 = vector.bitcast %get3A_843 : vector<16xi32> to vector<32xbf16>
        %get3A_845 = arith.index_cast %squeeze3A_490 : i32 to index
        %get3A_846 = arith.index_cast %mul3A_824 : i32 to index
        %get3A_847 = tpu.vector_load %arg6[%get3A_845, %get3A_846] {strides = array<i32>} : memref<720x128xi32, #tpu.memory_space<vmem>>, vector<16xi32>,
        %bitcast3A_848 = vector.bitcast %get3A_847 : vector<16xi32> to vector<32xbf16>
        %add3A_849 = arith.addf %bitcast3A_828, %bitcast3A_832 : vector<32xbf16>
        %add3A_850 = arith.addf %add3A_849, %bitcast3A_836 : vector<32xbf16>
        %max3A_851 = arith.maximumf %add3A_850, %broadcast_in_dim3A_3 : vector<32xbf16>
        %add3A_852 = arith.addf %bitcast3A_840, %bitcast3A_844 : vector<32xbf16>
        %add3A_853 = arith.addf %add3A_852, %bitcast3A_848 : vector<32xbf16>
        %max3A_854 = arith.maximumf %add3A_853, %broadcast_in_dim3A_3 : vector<32xbf16>
        %bitcast3A_855 = vector.bitcast %max3A_851 : vector<32xbf16> to vector<16xi32>
        %swap3A_856 = arith.index_cast %add3A_478 : i32 to index
        %swap3A_857 = arith.index_cast %mul3A_824 : i32 to index
        %swap3A_858 = tpu.vector_load %arg9[%swap3A_856, %swap3A_857] {strides = array<i32>} : memref<48x256xi32, #tpu.memory_space<vmem>>, vector<16xi32>,
        tpu.vector_store %arg9[%swap3A_856, %swap3A_857], %bitcast3A_855 {strides = array<i32>} : memref<48x256xi32, #tpu.memory_space<vmem>>, vector<16xi32>,
        %bitcast3A_859 = vector.bitcast %max3A_854 : vector<32xbf16> to vector<16xi32>
        %mul3A_860 = arith.constant 16 : i32
        %mul3A_861 = arith.muli %scan3A_822, %mul3A_860 : i32
        %add3A_862 = arith.constant 128 : i32
        %add3A_863 = arith.addi %add3A_862, %mul3A_861 : i32
        %swap3A_864 = arith.index_cast %add3A_478 : i32 to index
        %swap3A_865 = arith.index_cast %add3A_863 : i32 to index
        %swap3A_866 = tpu.vector_load %arg9[%swap3A_864, %swap3A_865] {strides = array<i32>} : memref<48x256xi32, #tpu.memory_space<vmem>>, vector<16xi32>,
        tpu.vector_store %arg9[%swap3A_864, %swap3A_865], %bitcast3A_859 {strides = array<i32>} : memref<48x256xi32, #tpu.memory_space<vmem>>, vector<16xi32>,
      }
      %scan3A_495 = arith.constant 8 : i32
      %mul3A_496 = arith.constant 16 : i32
      %mul3A_497 = arith.muli %select_n3A_58, %mul3A_496 : i32
      %add3A_498 = arith.constant 3 : i32
      %add3A_499 = arith.addi %mul3A_497, %add3A_498 : i32
      %slice3A_500 = vector.extract_strided_slice %select_n3A_406 {offsets = [3], sizes = [1], strides = [1]} : vector<16xi32> to vector<1xi32>
      %squeeze3A_501 = vector.extract %slice3A_500[0] : i32 from vector<1xi32>
      %slice3A_502 = vector.extract_strided_slice %select_n3A_416 {offsets = [3], sizes = [1], strides = [1]} : vector<16xi32> to vector<1xi32>
      %squeeze3A_503 = vector.extract %slice3A_502[0] : i32 from vector<1xi32>
      %slice3A_504 = vector.extract_strided_slice %select_n3A_426 {offsets = [3], sizes = [1], strides = [1]} : vector<16xi32> to vector<1xi32>
      %squeeze3A_505 = vector.extract %slice3A_504[0] : i32 from vector<1xi32>
      %slice3A_506 = vector.extract_strided_slice %select_n3A_411 {offsets = [3], sizes = [1], strides = [1]} : vector<16xi32> to vector<1xi32>
      %squeeze3A_507 = vector.extract %slice3A_506[0] : i32 from vector<1xi32>
      %slice3A_508 = vector.extract_strided_slice %select_n3A_421 {offsets = [3], sizes = [1], strides = [1]} : vector<16xi32> to vector<1xi32>
      %squeeze3A_509 = vector.extract %slice3A_508[0] : i32 from vector<1xi32>
      %slice3A_510 = vector.extract_strided_slice %select_n3A_431 {offsets = [3], sizes = [1], strides = [1]} : vector<16xi32> to vector<1xi32>
      %squeeze3A_511 = vector.extract %slice3A_510[0] : i32 from vector<1xi32>
      %scan3A_512 = arith.constant 0 : i32
      %scan3A_513 = arith.constant 8 : i32
      %scan3A_514 = arith.addi %scan3A_512, %scan3A_513 : i32
      %scan3A_515 = arith.constant 2 : i32
      scf.for %scan3A_779 = %scan3A_512 to %scan3A_514 step %scan3A_515  : i32 {
        %mul3A_780 = arith.constant 16 : i32
        %mul3A_781 = arith.muli %scan3A_779, %mul3A_780 : i32
        %get3A_782 = arith.index_cast %squeeze3A_501 : i32 to index
        %get3A_783 = arith.index_cast %mul3A_781 : i32 to index
        %get3A_784 = tpu.vector_load %arg6[%get3A_782, %get3A_783] {strides = array<i32>} : memref<720x128xi32, #tpu.memory_space<vmem>>, vector<16xi32>,
        %bitcast3A = vector.bitcast %get3A_784 : vector<16xi32> to vector<32xbf16>
        %get3A_785 = arith.index_cast %squeeze3A_503 : i32 to index
        %get3A_786 = arith.index_cast %mul3A_781 : i32 to index
        %get3A_787 = tpu.vector_load %arg6[%get3A_785, %get3A_786] {strides = array<i32>} : memref<720x128xi32, #tpu.memory_space<vmem>>, vector<16xi32>,
        %bitcast3A_788 = vector.bitcast %get3A_787 : vector<16xi32> to vector<32xbf16>
        %get3A_789 = arith.index_cast %squeeze3A_505 : i32 to index
        %get3A_790 = arith.index_cast %mul3A_781 : i32 to index
        %get3A_791 = tpu.vector_load %arg6[%get3A_789, %get3A_790] {strides = array<i32>} : memref<720x128xi32, #tpu.memory_space<vmem>>, vector<16xi32>,
        %bitcast3A_792 = vector.bitcast %get3A_791 : vector<16xi32> to vector<32xbf16>
        %get3A_793 = arith.index_cast %squeeze3A_507 : i32 to index
        %get3A_794 = arith.index_cast %mul3A_781 : i32 to index
        %get3A_795 = tpu.vector_load %arg6[%get3A_793, %get3A_794] {strides = array<i32>} : memref<720x128xi32, #tpu.memory_space<vmem>>, vector<16xi32>,
        %bitcast3A_796 = vector.bitcast %get3A_795 : vector<16xi32> to vector<32xbf16>
        %get3A_797 = arith.index_cast %squeeze3A_509 : i32 to index
        %get3A_798 = arith.index_cast %mul3A_781 : i32 to index
        %get3A_799 = tpu.vector_load %arg6[%get3A_797, %get3A_798] {strides = array<i32>} : memref<720x128xi32, #tpu.memory_space<vmem>>, vector<16xi32>,
        %bitcast3A_800 = vector.bitcast %get3A_799 : vector<16xi32> to vector<32xbf16>
        %get3A_801 = arith.index_cast %squeeze3A_511 : i32 to index
        %get3A_802 = arith.index_cast %mul3A_781 : i32 to index
        %get3A_803 = tpu.vector_load %arg6[%get3A_801, %get3A_802] {strides = array<i32>} : memref<720x128xi32, #tpu.memory_space<vmem>>, vector<16xi32>,
        %bitcast3A_804 = vector.bitcast %get3A_803 : vector<16xi32> to vector<32xbf16>
        %add3A_805 = arith.addf %bitcast3A, %bitcast3A_788 : vector<32xbf16>
        %add3A_806 = arith.addf %add3A_805, %bitcast3A_792 : vector<32xbf16>
        %max3A = arith.maximumf %add3A_806, %broadcast_in_dim3A_3 : vector<32xbf16>
        %add3A_807 = arith.addf %bitcast3A_796, %bitcast3A_800 : vector<32xbf16>
        %add3A_808 = arith.addf %add3A_807, %bitcast3A_804 : vector<32xbf16>
        %max3A_809 = arith.maximumf %add3A_808, %broadcast_in_dim3A_3 : vector<32xbf16>
        %bitcast3A_810 = vector.bitcast %max3A : vector<32xbf16> to vector<16xi32>
        %swap3A = arith.index_cast %add3A_499 : i32 to index
        %swap3A_811 = arith.index_cast %mul3A_781 : i32 to index
        %swap3A_812 = tpu.vector_load %arg9[%swap3A, %swap3A_811] {strides = array<i32>} : memref<48x256xi32, #tpu.memory_space<vmem>>, vector<16xi32>,
        tpu.vector_store %arg9[%swap3A, %swap3A_811], %bitcast3A_810 {strides = array<i32>} : memref<48x256xi32, #tpu.memory_space<vmem>>, vector<16xi32>,
        %bitcast3A_813 = vector.bitcast %max3A_809 : vector<32xbf16> to vector<16xi32>
        %mul3A_814 = arith.constant 16 : i32
        %mul3A_815 = arith.muli %scan3A_779, %mul3A_814 : i32
        %add3A_816 = arith.constant 128 : i32
        %add3A_817 = arith.addi %add3A_816, %mul3A_815 : i32
        %swap3A_818 = arith.index_cast %add3A_499 : i32 to index
        %swap3A_819 = arith.index_cast %add3A_817 : i32 to index
        %swap3A_820 = tpu.vector_load %arg9[%swap3A_818, %swap3A_819] {strides = array<i32>} : memref<48x256xi32, #tpu.memory_space<vmem>>, vector<16xi32>,
        tpu.vector_store %arg9[%swap3A_818, %swap3A_819], %bitcast3A_813 {strides = array<i32>} : memref<48x256xi32, #tpu.memory_space<vmem>>, vector<16xi32>,
        %scan3A_821 = arith.constant 1 : i32
        %scan3A_822 = arith.addi %scan3A_779, %scan3A_821 : i32
        %mul3A_823 = arith.constant 16 : i32
        %mul3A_824 = arith.muli %scan3A_822, %mul3A_823 : i32
        %get3A_825 = arith.index_cast %squeeze3A_501 : i32 to index
        %get3A_826 = arith.index_cast %mul3A_824 : i32 to index
        %get3A_827 = tpu.vector_load %arg6[%get3A_825, %get3A_826] {strides = array<i32>} : memref<720x128xi32, #tpu.memory_space<vmem>>, vector<16xi32>,
        %bitcast3A_828 = vector.bitcast %get3A_827 : vector<16xi32> to vector<32xbf16>
        %get3A_829 = arith.index_cast %squeeze3A_503 : i32 to index
        %get3A_830 = arith.index_cast %mul3A_824 : i32 to index
        %get3A_831 = tpu.vector_load %arg6[%get3A_829, %get3A_830] {strides = array<i32>} : memref<720x128xi32, #tpu.memory_space<vmem>>, vector<16xi32>,
        %bitcast3A_832 = vector.bitcast %get3A_831 : vector<16xi32> to vector<32xbf16>
        %get3A_833 = arith.index_cast %squeeze3A_505 : i32 to index
        %get3A_834 = arith.index_cast %mul3A_824 : i32 to index
        %get3A_835 = tpu.vector_load %arg6[%get3A_833, %get3A_834] {strides = array<i32>} : memref<720x128xi32, #tpu.memory_space<vmem>>, vector<16xi32>,
        %bitcast3A_836 = vector.bitcast %get3A_835 : vector<16xi32> to vector<32xbf16>
        %get3A_837 = arith.index_cast %squeeze3A_507 : i32 to index
        %get3A_838 = arith.index_cast %mul3A_824 : i32 to index
        %get3A_839 = tpu.vector_load %arg6[%get3A_837, %get3A_838] {strides = array<i32>} : memref<720x128xi32, #tpu.memory_space<vmem>>, vector<16xi32>,
        %bitcast3A_840 = vector.bitcast %get3A_839 : vector<16xi32> to vector<32xbf16>
        %get3A_841 = arith.index_cast %squeeze3A_509 : i32 to index
        %get3A_842 = arith.index_cast %mul3A_824 : i32 to index
        %get3A_843 = tpu.vector_load %arg6[%get3A_841, %get3A_842] {strides = array<i32>} : memref<720x128xi32, #tpu.memory_space<vmem>>, vector<16xi32>,
        %bitcast3A_844 = vector.bitcast %get3A_843 : vector<16xi32> to vector<32xbf16>
        %get3A_845 = arith.index_cast %squeeze3A_511 : i32 to index
        %get3A_846 = arith.index_cast %mul3A_824 : i32 to index
        %get3A_847 = tpu.vector_load %arg6[%get3A_845, %get3A_846] {strides = array<i32>} : memref<720x128xi32, #tpu.memory_space<vmem>>, vector<16xi32>,
        %bitcast3A_848 = vector.bitcast %get3A_847 : vector<16xi32> to vector<32xbf16>
        %add3A_849 = arith.addf %bitcast3A_828, %bitcast3A_832 : vector<32xbf16>
        %add3A_850 = arith.addf %add3A_849, %bitcast3A_836 : vector<32xbf16>
        %max3A_851 = arith.maximumf %add3A_850, %broadcast_in_dim3A_3 : vector<32xbf16>
        %add3A_852 = arith.addf %bitcast3A_840, %bitcast3A_844 : vector<32xbf16>
        %add3A_853 = arith.addf %add3A_852, %bitcast3A_848 : vector<32xbf16>
        %max3A_854 = arith.maximumf %add3A_853, %broadcast_in_dim3A_3 : vector<32xbf16>
        %bitcast3A_855 = vector.bitcast %max3A_851 : vector<32xbf16> to vector<16xi32>
        %swap3A_856 = arith.index_cast %add3A_499 : i32 to index
        %swap3A_857 = arith.index_cast %mul3A_824 : i32 to index
        %swap3A_858 = tpu.vector_load %arg9[%swap3A_856, %swap3A_857] {strides = array<i32>} : memref<48x256xi32, #tpu.memory_space<vmem>>, vector<16xi32>,
        tpu.vector_store %arg9[%swap3A_856, %swap3A_857], %bitcast3A_855 {strides = array<i32>} : memref<48x256xi32, #tpu.memory_space<vmem>>, vector<16xi32>,
        %bitcast3A_859 = vector.bitcast %max3A_854 : vector<32xbf16> to vector<16xi32>
        %mul3A_860 = arith.constant 16 : i32
        %mul3A_861 = arith.muli %scan3A_822, %mul3A_860 : i32
        %add3A_862 = arith.constant 128 : i32
        %add3A_863 = arith.addi %add3A_862, %mul3A_861 : i32
        %swap3A_864 = arith.index_cast %add3A_499 : i32 to index
        %swap3A_865 = arith.index_cast %add3A_863 : i32 to index
        %swap3A_866 = tpu.vector_load %arg9[%swap3A_864, %swap3A_865] {strides = array<i32>} : memref<48x256xi32, #tpu.memory_space<vmem>>, vector<16xi32>,
        tpu.vector_store %arg9[%swap3A_864, %swap3A_865], %bitcast3A_859 {strides = array<i32>} : memref<48x256xi32, #tpu.memory_space<vmem>>, vector<16xi32>,
      }
      %scan3A_516 = arith.constant 8 : i32
      %mul3A_517 = arith.constant 16 : i32
      %mul3A_518 = arith.muli %select_n3A_58, %mul3A_517 : i32
      %add3A_519 = arith.constant 4 : i32
      %add3A_520 = arith.addi %mul3A_518, %add3A_519 : i32
      %slice3A_521 = vector.extract_strided_slice %select_n3A_406 {offsets = [4], sizes = [1], strides = [1]} : vector<16xi32> to vector<1xi32>
      %squeeze3A_522 = vector.extract %slice3A_521[0] : i32 from vector<1xi32>
      %slice3A_523 = vector.extract_strided_slice %select_n3A_416 {offsets = [4], sizes = [1], strides = [1]} : vector<16xi32> to vector<1xi32>
      %squeeze3A_524 = vector.extract %slice3A_523[0] : i32 from vector<1xi32>
      %slice3A_525 = vector.extract_strided_slice %select_n3A_426 {offsets = [4], sizes = [1], strides = [1]} : vector<16xi32> to vector<1xi32>
      %squeeze3A_526 = vector.extract %slice3A_525[0] : i32 from vector<1xi32>
      %slice3A_527 = vector.extract_strided_slice %select_n3A_411 {offsets = [4], sizes = [1], strides = [1]} : vector<16xi32> to vector<1xi32>
      %squeeze3A_528 = vector.extract %slice3A_527[0] : i32 from vector<1xi32>
      %slice3A_529 = vector.extract_strided_slice %select_n3A_421 {offsets = [4], sizes = [1], strides = [1]} : vector<16xi32> to vector<1xi32>
      %squeeze3A_530 = vector.extract %slice3A_529[0] : i32 from vector<1xi32>
      %slice3A_531 = vector.extract_strided_slice %select_n3A_431 {offsets = [4], sizes = [1], strides = [1]} : vector<16xi32> to vector<1xi32>
      %squeeze3A_532 = vector.extract %slice3A_531[0] : i32 from vector<1xi32>
      %scan3A_533 = arith.constant 0 : i32
      %scan3A_534 = arith.constant 8 : i32
      %scan3A_535 = arith.addi %scan3A_533, %scan3A_534 : i32
      %scan3A_536 = arith.constant 2 : i32
      scf.for %scan3A_779 = %scan3A_533 to %scan3A_535 step %scan3A_536  : i32 {
        %mul3A_780 = arith.constant 16 : i32
        %mul3A_781 = arith.muli %scan3A_779, %mul3A_780 : i32
        %get3A_782 = arith.index_cast %squeeze3A_522 : i32 to index
        %get3A_783 = arith.index_cast %mul3A_781 : i32 to index
        %get3A_784 = tpu.vector_load %arg6[%get3A_782, %get3A_783] {strides = array<i32>} : memref<720x128xi32, #tpu.memory_space<vmem>>, vector<16xi32>,
        %bitcast3A = vector.bitcast %get3A_784 : vector<16xi32> to vector<32xbf16>
        %get3A_785 = arith.index_cast %squeeze3A_524 : i32 to index
        %get3A_786 = arith.index_cast %mul3A_781 : i32 to index
        %get3A_787 = tpu.vector_load %arg6[%get3A_785, %get3A_786] {strides = array<i32>} : memref<720x128xi32, #tpu.memory_space<vmem>>, vector<16xi32>,
        %bitcast3A_788 = vector.bitcast %get3A_787 : vector<16xi32> to vector<32xbf16>
        %get3A_789 = arith.index_cast %squeeze3A_526 : i32 to index
        %get3A_790 = arith.index_cast %mul3A_781 : i32 to index
        %get3A_791 = tpu.vector_load %arg6[%get3A_789, %get3A_790] {strides = array<i32>} : memref<720x128xi32, #tpu.memory_space<vmem>>, vector<16xi32>,
        %bitcast3A_792 = vector.bitcast %get3A_791 : vector<16xi32> to vector<32xbf16>
        %get3A_793 = arith.index_cast %squeeze3A_528 : i32 to index
        %get3A_794 = arith.index_cast %mul3A_781 : i32 to index
        %get3A_795 = tpu.vector_load %arg6[%get3A_793, %get3A_794] {strides = array<i32>} : memref<720x128xi32, #tpu.memory_space<vmem>>, vector<16xi32>,
        %bitcast3A_796 = vector.bitcast %get3A_795 : vector<16xi32> to vector<32xbf16>
        %get3A_797 = arith.index_cast %squeeze3A_530 : i32 to index
        %get3A_798 = arith.index_cast %mul3A_781 : i32 to index
        %get3A_799 = tpu.vector_load %arg6[%get3A_797, %get3A_798] {strides = array<i32>} : memref<720x128xi32, #tpu.memory_space<vmem>>, vector<16xi32>,
        %bitcast3A_800 = vector.bitcast %get3A_799 : vector<16xi32> to vector<32xbf16>
        %get3A_801 = arith.index_cast %squeeze3A_532 : i32 to index
        %get3A_802 = arith.index_cast %mul3A_781 : i32 to index
        %get3A_803 = tpu.vector_load %arg6[%get3A_801, %get3A_802] {strides = array<i32>} : memref<720x128xi32, #tpu.memory_space<vmem>>, vector<16xi32>,
        %bitcast3A_804 = vector.bitcast %get3A_803 : vector<16xi32> to vector<32xbf16>
        %add3A_805 = arith.addf %bitcast3A, %bitcast3A_788 : vector<32xbf16>
        %add3A_806 = arith.addf %add3A_805, %bitcast3A_792 : vector<32xbf16>
        %max3A = arith.maximumf %add3A_806, %broadcast_in_dim3A_3 : vector<32xbf16>
        %add3A_807 = arith.addf %bitcast3A_796, %bitcast3A_800 : vector<32xbf16>
        %add3A_808 = arith.addf %add3A_807, %bitcast3A_804 : vector<32xbf16>
        %max3A_809 = arith.maximumf %add3A_808, %broadcast_in_dim3A_3 : vector<32xbf16>
        %bitcast3A_810 = vector.bitcast %max3A : vector<32xbf16> to vector<16xi32>
        %swap3A = arith.index_cast %add3A_520 : i32 to index
        %swap3A_811 = arith.index_cast %mul3A_781 : i32 to index
        %swap3A_812 = tpu.vector_load %arg9[%swap3A, %swap3A_811] {strides = array<i32>} : memref<48x256xi32, #tpu.memory_space<vmem>>, vector<16xi32>,
        tpu.vector_store %arg9[%swap3A, %swap3A_811], %bitcast3A_810 {strides = array<i32>} : memref<48x256xi32, #tpu.memory_space<vmem>>, vector<16xi32>,
        %bitcast3A_813 = vector.bitcast %max3A_809 : vector<32xbf16> to vector<16xi32>
        %mul3A_814 = arith.constant 16 : i32
        %mul3A_815 = arith.muli %scan3A_779, %mul3A_814 : i32
        %add3A_816 = arith.constant 128 : i32
        %add3A_817 = arith.addi %add3A_816, %mul3A_815 : i32
        %swap3A_818 = arith.index_cast %add3A_520 : i32 to index
        %swap3A_819 = arith.index_cast %add3A_817 : i32 to index
        %swap3A_820 = tpu.vector_load %arg9[%swap3A_818, %swap3A_819] {strides = array<i32>} : memref<48x256xi32, #tpu.memory_space<vmem>>, vector<16xi32>,
        tpu.vector_store %arg9[%swap3A_818, %swap3A_819], %bitcast3A_813 {strides = array<i32>} : memref<48x256xi32, #tpu.memory_space<vmem>>, vector<16xi32>,
        %scan3A_821 = arith.constant 1 : i32
        %scan3A_822 = arith.addi %scan3A_779, %scan3A_821 : i32
        %mul3A_823 = arith.constant 16 : i32
        %mul3A_824 = arith.muli %scan3A_822, %mul3A_823 : i32
        %get3A_825 = arith.index_cast %squeeze3A_522 : i32 to index
        %get3A_826 = arith.index_cast %mul3A_824 : i32 to index
        %get3A_827 = tpu.vector_load %arg6[%get3A_825, %get3A_826] {strides = array<i32>} : memref<720x128xi32, #tpu.memory_space<vmem>>, vector<16xi32>,
        %bitcast3A_828 = vector.bitcast %get3A_827 : vector<16xi32> to vector<32xbf16>
        %get3A_829 = arith.index_cast %squeeze3A_524 : i32 to index
        %get3A_830 = arith.index_cast %mul3A_824 : i32 to index
        %get3A_831 = tpu.vector_load %arg6[%get3A_829, %get3A_830] {strides = array<i32>} : memref<720x128xi32, #tpu.memory_space<vmem>>, vector<16xi32>,
        %bitcast3A_832 = vector.bitcast %get3A_831 : vector<16xi32> to vector<32xbf16>
        %get3A_833 = arith.index_cast %squeeze3A_526 : i32 to index
        %get3A_834 = arith.index_cast %mul3A_824 : i32 to index
        %get3A_835 = tpu.vector_load %arg6[%get3A_833, %get3A_834] {strides = array<i32>} : memref<720x128xi32, #tpu.memory_space<vmem>>, vector<16xi32>,
        %bitcast3A_836 = vector.bitcast %get3A_835 : vector<16xi32> to vector<32xbf16>
        %get3A_837 = arith.index_cast %squeeze3A_528 : i32 to index
        %get3A_838 = arith.index_cast %mul3A_824 : i32 to index
        %get3A_839 = tpu.vector_load %arg6[%get3A_837, %get3A_838] {strides = array<i32>} : memref<720x128xi32, #tpu.memory_space<vmem>>, vector<16xi32>,
        %bitcast3A_840 = vector.bitcast %get3A_839 : vector<16xi32> to vector<32xbf16>
        %get3A_841 = arith.index_cast %squeeze3A_530 : i32 to index
        %get3A_842 = arith.index_cast %mul3A_824 : i32 to index
        %get3A_843 = tpu.vector_load %arg6[%get3A_841, %get3A_842] {strides = array<i32>} : memref<720x128xi32, #tpu.memory_space<vmem>>, vector<16xi32>,
        %bitcast3A_844 = vector.bitcast %get3A_843 : vector<16xi32> to vector<32xbf16>
        %get3A_845 = arith.index_cast %squeeze3A_532 : i32 to index
        %get3A_846 = arith.index_cast %mul3A_824 : i32 to index
        %get3A_847 = tpu.vector_load %arg6[%get3A_845, %get3A_846] {strides = array<i32>} : memref<720x128xi32, #tpu.memory_space<vmem>>, vector<16xi32>,
        %bitcast3A_848 = vector.bitcast %get3A_847 : vector<16xi32> to vector<32xbf16>
        %add3A_849 = arith.addf %bitcast3A_828, %bitcast3A_832 : vector<32xbf16>
        %add3A_850 = arith.addf %add3A_849, %bitcast3A_836 : vector<32xbf16>
        %max3A_851 = arith.maximumf %add3A_850, %broadcast_in_dim3A_3 : vector<32xbf16>
        %add3A_852 = arith.addf %bitcast3A_840, %bitcast3A_844 : vector<32xbf16>
        %add3A_853 = arith.addf %add3A_852, %bitcast3A_848 : vector<32xbf16>
        %max3A_854 = arith.maximumf %add3A_853, %broadcast_in_dim3A_3 : vector<32xbf16>
        %bitcast3A_855 = vector.bitcast %max3A_851 : vector<32xbf16> to vector<16xi32>
        %swap3A_856 = arith.index_cast %add3A_520 : i32 to index
        %swap3A_857 = arith.index_cast %mul3A_824 : i32 to index
        %swap3A_858 = tpu.vector_load %arg9[%swap3A_856, %swap3A_857] {strides = array<i32>} : memref<48x256xi32, #tpu.memory_space<vmem>>, vector<16xi32>,
        tpu.vector_store %arg9[%swap3A_856, %swap3A_857], %bitcast3A_855 {strides = array<i32>} : memref<48x256xi32, #tpu.memory_space<vmem>>, vector<16xi32>,
        %bitcast3A_859 = vector.bitcast %max3A_854 : vector<32xbf16> to vector<16xi32>
        %mul3A_860 = arith.constant 16 : i32
        %mul3A_861 = arith.muli %scan3A_822, %mul3A_860 : i32
        %add3A_862 = arith.constant 128 : i32
        %add3A_863 = arith.addi %add3A_862, %mul3A_861 : i32
        %swap3A_864 = arith.index_cast %add3A_520 : i32 to index
        %swap3A_865 = arith.index_cast %add3A_863 : i32 to index
        %swap3A_866 = tpu.vector_load %arg9[%swap3A_864, %swap3A_865] {strides = array<i32>} : memref<48x256xi32, #tpu.memory_space<vmem>>, vector<16xi32>,
        tpu.vector_store %arg9[%swap3A_864, %swap3A_865], %bitcast3A_859 {strides = array<i32>} : memref<48x256xi32, #tpu.memory_space<vmem>>, vector<16xi32>,
      }
      %scan3A_537 = arith.constant 8 : i32
      %mul3A_538 = arith.constant 16 : i32
      %mul3A_539 = arith.muli %select_n3A_58, %mul3A_538 : i32
      %add3A_540 = arith.constant 5 : i32
      %add3A_541 = arith.addi %mul3A_539, %add3A_540 : i32
      %slice3A_542 = vector.extract_strided_slice %select_n3A_406 {offsets = [5], sizes = [1], strides = [1]} : vector<16xi32> to vector<1xi32>
      %squeeze3A_543 = vector.extract %slice3A_542[0] : i32 from vector<1xi32>
      %slice3A_544 = vector.extract_strided_slice %select_n3A_416 {offsets = [5], sizes = [1], strides = [1]} : vector<16xi32> to vector<1xi32>
      %squeeze3A_545 = vector.extract %slice3A_544[0] : i32 from vector<1xi32>
      %slice3A_546 = vector.extract_strided_slice %select_n3A_426 {offsets = [5], sizes = [1], strides = [1]} : vector<16xi32> to vector<1xi32>
      %squeeze3A_547 = vector.extract %slice3A_546[0] : i32 from vector<1xi32>
      %slice3A_548 = vector.extract_strided_slice %select_n3A_411 {offsets = [5], sizes = [1], strides = [1]} : vector<16xi32> to vector<1xi32>
      %squeeze3A_549 = vector.extract %slice3A_548[0] : i32 from vector<1xi32>
      %slice3A_550 = vector.extract_strided_slice %select_n3A_421 {offsets = [5], sizes = [1], strides = [1]} : vector<16xi32> to vector<1xi32>
      %squeeze3A_551 = vector.extract %slice3A_550[0] : i32 from vector<1xi32>
      %slice3A_552 = vector.extract_strided_slice %select_n3A_431 {offsets = [5], sizes = [1], strides = [1]} : vector<16xi32> to vector<1xi32>
      %squeeze3A_553 = vector.extract %slice3A_552[0] : i32 from vector<1xi32>
      %scan3A_554 = arith.constant 0 : i32
      %scan3A_555 = arith.constant 8 : i32
      %scan3A_556 = arith.addi %scan3A_554, %scan3A_555 : i32
      %scan3A_557 = arith.constant 2 : i32
      scf.for %scan3A_779 = %scan3A_554 to %scan3A_556 step %scan3A_557  : i32 {
        %mul3A_780 = arith.constant 16 : i32
        %mul3A_781 = arith.muli %scan3A_779, %mul3A_780 : i32
        %get3A_782 = arith.index_cast %squeeze3A_543 : i32 to index
        %get3A_783 = arith.index_cast %mul3A_781 : i32 to index
        %get3A_784 = tpu.vector_load %arg6[%get3A_782, %get3A_783] {strides = array<i32>} : memref<720x128xi32, #tpu.memory_space<vmem>>, vector<16xi32>,
        %bitcast3A = vector.bitcast %get3A_784 : vector<16xi32> to vector<32xbf16>
        %get3A_785 = arith.index_cast %squeeze3A_545 : i32 to index
        %get3A_786 = arith.index_cast %mul3A_781 : i32 to index
        %get3A_787 = tpu.vector_load %arg6[%get3A_785, %get3A_786] {strides = array<i32>} : memref<720x128xi32, #tpu.memory_space<vmem>>, vector<16xi32>,
        %bitcast3A_788 = vector.bitcast %get3A_787 : vector<16xi32> to vector<32xbf16>
        %get3A_789 = arith.index_cast %squeeze3A_547 : i32 to index
        %get3A_790 = arith.index_cast %mul3A_781 : i32 to index
        %get3A_791 = tpu.vector_load %arg6[%get3A_789, %get3A_790] {strides = array<i32>} : memref<720x128xi32, #tpu.memory_space<vmem>>, vector<16xi32>,
        %bitcast3A_792 = vector.bitcast %get3A_791 : vector<16xi32> to vector<32xbf16>
        %get3A_793 = arith.index_cast %squeeze3A_549 : i32 to index
        %get3A_794 = arith.index_cast %mul3A_781 : i32 to index
        %get3A_795 = tpu.vector_load %arg6[%get3A_793, %get3A_794] {strides = array<i32>} : memref<720x128xi32, #tpu.memory_space<vmem>>, vector<16xi32>,
        %bitcast3A_796 = vector.bitcast %get3A_795 : vector<16xi32> to vector<32xbf16>
        %get3A_797 = arith.index_cast %squeeze3A_551 : i32 to index
        %get3A_798 = arith.index_cast %mul3A_781 : i32 to index
        %get3A_799 = tpu.vector_load %arg6[%get3A_797, %get3A_798] {strides = array<i32>} : memref<720x128xi32, #tpu.memory_space<vmem>>, vector<16xi32>,
        %bitcast3A_800 = vector.bitcast %get3A_799 : vector<16xi32> to vector<32xbf16>
        %get3A_801 = arith.index_cast %squeeze3A_553 : i32 to index
        %get3A_802 = arith.index_cast %mul3A_781 : i32 to index
        %get3A_803 = tpu.vector_load %arg6[%get3A_801, %get3A_802] {strides = array<i32>} : memref<720x128xi32, #tpu.memory_space<vmem>>, vector<16xi32>,
        %bitcast3A_804 = vector.bitcast %get3A_803 : vector<16xi32> to vector<32xbf16>
        %add3A_805 = arith.addf %bitcast3A, %bitcast3A_788 : vector<32xbf16>
        %add3A_806 = arith.addf %add3A_805, %bitcast3A_792 : vector<32xbf16>
        %max3A = arith.maximumf %add3A_806, %broadcast_in_dim3A_3 : vector<32xbf16>
        %add3A_807 = arith.addf %bitcast3A_796, %bitcast3A_800 : vector<32xbf16>
        %add3A_808 = arith.addf %add3A_807, %bitcast3A_804 : vector<32xbf16>
        %max3A_809 = arith.maximumf %add3A_808, %broadcast_in_dim3A_3 : vector<32xbf16>
        %bitcast3A_810 = vector.bitcast %max3A : vector<32xbf16> to vector<16xi32>
        %swap3A = arith.index_cast %add3A_541 : i32 to index
        %swap3A_811 = arith.index_cast %mul3A_781 : i32 to index
        %swap3A_812 = tpu.vector_load %arg9[%swap3A, %swap3A_811] {strides = array<i32>} : memref<48x256xi32, #tpu.memory_space<vmem>>, vector<16xi32>,
        tpu.vector_store %arg9[%swap3A, %swap3A_811], %bitcast3A_810 {strides = array<i32>} : memref<48x256xi32, #tpu.memory_space<vmem>>, vector<16xi32>,
        %bitcast3A_813 = vector.bitcast %max3A_809 : vector<32xbf16> to vector<16xi32>
        %mul3A_814 = arith.constant 16 : i32
        %mul3A_815 = arith.muli %scan3A_779, %mul3A_814 : i32
        %add3A_816 = arith.constant 128 : i32
        %add3A_817 = arith.addi %add3A_816, %mul3A_815 : i32
        %swap3A_818 = arith.index_cast %add3A_541 : i32 to index
        %swap3A_819 = arith.index_cast %add3A_817 : i32 to index
        %swap3A_820 = tpu.vector_load %arg9[%swap3A_818, %swap3A_819] {strides = array<i32>} : memref<48x256xi32, #tpu.memory_space<vmem>>, vector<16xi32>,
        tpu.vector_store %arg9[%swap3A_818, %swap3A_819], %bitcast3A_813 {strides = array<i32>} : memref<48x256xi32, #tpu.memory_space<vmem>>, vector<16xi32>,
        %scan3A_821 = arith.constant 1 : i32
        %scan3A_822 = arith.addi %scan3A_779, %scan3A_821 : i32
        %mul3A_823 = arith.constant 16 : i32
        %mul3A_824 = arith.muli %scan3A_822, %mul3A_823 : i32
        %get3A_825 = arith.index_cast %squeeze3A_543 : i32 to index
        %get3A_826 = arith.index_cast %mul3A_824 : i32 to index
        %get3A_827 = tpu.vector_load %arg6[%get3A_825, %get3A_826] {strides = array<i32>} : memref<720x128xi32, #tpu.memory_space<vmem>>, vector<16xi32>,
        %bitcast3A_828 = vector.bitcast %get3A_827 : vector<16xi32> to vector<32xbf16>
        %get3A_829 = arith.index_cast %squeeze3A_545 : i32 to index
        %get3A_830 = arith.index_cast %mul3A_824 : i32 to index
        %get3A_831 = tpu.vector_load %arg6[%get3A_829, %get3A_830] {strides = array<i32>} : memref<720x128xi32, #tpu.memory_space<vmem>>, vector<16xi32>,
        %bitcast3A_832 = vector.bitcast %get3A_831 : vector<16xi32> to vector<32xbf16>
        %get3A_833 = arith.index_cast %squeeze3A_547 : i32 to index
        %get3A_834 = arith.index_cast %mul3A_824 : i32 to index
        %get3A_835 = tpu.vector_load %arg6[%get3A_833, %get3A_834] {strides = array<i32>} : memref<720x128xi32, #tpu.memory_space<vmem>>, vector<16xi32>,
        %bitcast3A_836 = vector.bitcast %get3A_835 : vector<16xi32> to vector<32xbf16>
        %get3A_837 = arith.index_cast %squeeze3A_549 : i32 to index
        %get3A_838 = arith.index_cast %mul3A_824 : i32 to index
        %get3A_839 = tpu.vector_load %arg6[%get3A_837, %get3A_838] {strides = array<i32>} : memref<720x128xi32, #tpu.memory_space<vmem>>, vector<16xi32>,
        %bitcast3A_840 = vector.bitcast %get3A_839 : vector<16xi32> to vector<32xbf16>
        %get3A_841 = arith.index_cast %squeeze3A_551 : i32 to index
        %get3A_842 = arith.index_cast %mul3A_824 : i32 to index
        %get3A_843 = tpu.vector_load %arg6[%get3A_841, %get3A_842] {strides = array<i32>} : memref<720x128xi32, #tpu.memory_space<vmem>>, vector<16xi32>,
        %bitcast3A_844 = vector.bitcast %get3A_843 : vector<16xi32> to vector<32xbf16>
        %get3A_845 = arith.index_cast %squeeze3A_553 : i32 to index
        %get3A_846 = arith.index_cast %mul3A_824 : i32 to index
        %get3A_847 = tpu.vector_load %arg6[%get3A_845, %get3A_846] {strides = array<i32>} : memref<720x128xi32, #tpu.memory_space<vmem>>, vector<16xi32>,
        %bitcast3A_848 = vector.bitcast %get3A_847 : vector<16xi32> to vector<32xbf16>
        %add3A_849 = arith.addf %bitcast3A_828, %bitcast3A_832 : vector<32xbf16>
        %add3A_850 = arith.addf %add3A_849, %bitcast3A_836 : vector<32xbf16>
        %max3A_851 = arith.maximumf %add3A_850, %broadcast_in_dim3A_3 : vector<32xbf16>
        %add3A_852 = arith.addf %bitcast3A_840, %bitcast3A_844 : vector<32xbf16>
        %add3A_853 = arith.addf %add3A_852, %bitcast3A_848 : vector<32xbf16>
        %max3A_854 = arith.maximumf %add3A_853, %broadcast_in_dim3A_3 : vector<32xbf16>
        %bitcast3A_855 = vector.bitcast %max3A_851 : vector<32xbf16> to vector<16xi32>
        %swap3A_856 = arith.index_cast %add3A_541 : i32 to index
        %swap3A_857 = arith.index_cast %mul3A_824 : i32 to index
        %swap3A_858 = tpu.vector_load %arg9[%swap3A_856, %swap3A_857] {strides = array<i32>} : memref<48x256xi32, #tpu.memory_space<vmem>>, vector<16xi32>,
        tpu.vector_store %arg9[%swap3A_856, %swap3A_857], %bitcast3A_855 {strides = array<i32>} : memref<48x256xi32, #tpu.memory_space<vmem>>, vector<16xi32>,
        %bitcast3A_859 = vector.bitcast %max3A_854 : vector<32xbf16> to vector<16xi32>
        %mul3A_860 = arith.constant 16 : i32
        %mul3A_861 = arith.muli %scan3A_822, %mul3A_860 : i32
        %add3A_862 = arith.constant 128 : i32
        %add3A_863 = arith.addi %add3A_862, %mul3A_861 : i32
        %swap3A_864 = arith.index_cast %add3A_541 : i32 to index
        %swap3A_865 = arith.index_cast %add3A_863 : i32 to index
        %swap3A_866 = tpu.vector_load %arg9[%swap3A_864, %swap3A_865] {strides = array<i32>} : memref<48x256xi32, #tpu.memory_space<vmem>>, vector<16xi32>,
        tpu.vector_store %arg9[%swap3A_864, %swap3A_865], %bitcast3A_859 {strides = array<i32>} : memref<48x256xi32, #tpu.memory_space<vmem>>, vector<16xi32>,
      }
      %scan3A_558 = arith.constant 8 : i32
      %mul3A_559 = arith.constant 16 : i32
      %mul3A_560 = arith.muli %select_n3A_58, %mul3A_559 : i32
      %add3A_561 = arith.constant 6 : i32
      %add3A_562 = arith.addi %mul3A_560, %add3A_561 : i32
      %slice3A_563 = vector.extract_strided_slice %select_n3A_406 {offsets = [6], sizes = [1], strides = [1]} : vector<16xi32> to vector<1xi32>
      %squeeze3A_564 = vector.extract %slice3A_563[0] : i32 from vector<1xi32>
      %slice3A_565 = vector.extract_strided_slice %select_n3A_416 {offsets = [6], sizes = [1], strides = [1]} : vector<16xi32> to vector<1xi32>
      %squeeze3A_566 = vector.extract %slice3A_565[0] : i32 from vector<1xi32>
      %slice3A_567 = vector.extract_strided_slice %select_n3A_426 {offsets = [6], sizes = [1], strides = [1]} : vector<16xi32> to vector<1xi32>
      %squeeze3A_568 = vector.extract %slice3A_567[0] : i32 from vector<1xi32>
      %slice3A_569 = vector.extract_strided_slice %select_n3A_411 {offsets = [6], sizes = [1], strides = [1]} : vector<16xi32> to vector<1xi32>
      %squeeze3A_570 = vector.extract %slice3A_569[0] : i32 from vector<1xi32>
      %slice3A_571 = vector.extract_strided_slice %select_n3A_421 {offsets = [6], sizes = [1], strides = [1]} : vector<16xi32> to vector<1xi32>
      %squeeze3A_572 = vector.extract %slice3A_571[0] : i32 from vector<1xi32>
      %slice3A_573 = vector.extract_strided_slice %select_n3A_431 {offsets = [6], sizes = [1], strides = [1]} : vector<16xi32> to vector<1xi32>
      %squeeze3A_574 = vector.extract %slice3A_573[0] : i32 from vector<1xi32>
      %scan3A_575 = arith.constant 0 : i32
      %scan3A_576 = arith.constant 8 : i32
      %scan3A_577 = arith.addi %scan3A_575, %scan3A_576 : i32
      %scan3A_578 = arith.constant 2 : i32
      scf.for %scan3A_779 = %scan3A_575 to %scan3A_577 step %scan3A_578  : i32 {
        %mul3A_780 = arith.constant 16 : i32
        %mul3A_781 = arith.muli %scan3A_779, %mul3A_780 : i32
        %get3A_782 = arith.index_cast %squeeze3A_564 : i32 to index
        %get3A_783 = arith.index_cast %mul3A_781 : i32 to index
        %get3A_784 = tpu.vector_load %arg6[%get3A_782, %get3A_783] {strides = array<i32>} : memref<720x128xi32, #tpu.memory_space<vmem>>, vector<16xi32>,
        %bitcast3A = vector.bitcast %get3A_784 : vector<16xi32> to vector<32xbf16>
        %get3A_785 = arith.index_cast %squeeze3A_566 : i32 to index
        %get3A_786 = arith.index_cast %mul3A_781 : i32 to index
        %get3A_787 = tpu.vector_load %arg6[%get3A_785, %get3A_786] {strides = array<i32>} : memref<720x128xi32, #tpu.memory_space<vmem>>, vector<16xi32>,
        %bitcast3A_788 = vector.bitcast %get3A_787 : vector<16xi32> to vector<32xbf16>
        %get3A_789 = arith.index_cast %squeeze3A_568 : i32 to index
        %get3A_790 = arith.index_cast %mul3A_781 : i32 to index
        %get3A_791 = tpu.vector_load %arg6[%get3A_789, %get3A_790] {strides = array<i32>} : memref<720x128xi32, #tpu.memory_space<vmem>>, vector<16xi32>,
        %bitcast3A_792 = vector.bitcast %get3A_791 : vector<16xi32> to vector<32xbf16>
        %get3A_793 = arith.index_cast %squeeze3A_570 : i32 to index
        %get3A_794 = arith.index_cast %mul3A_781 : i32 to index
        %get3A_795 = tpu.vector_load %arg6[%get3A_793, %get3A_794] {strides = array<i32>} : memref<720x128xi32, #tpu.memory_space<vmem>>, vector<16xi32>,
        %bitcast3A_796 = vector.bitcast %get3A_795 : vector<16xi32> to vector<32xbf16>
        %get3A_797 = arith.index_cast %squeeze3A_572 : i32 to index
        %get3A_798 = arith.index_cast %mul3A_781 : i32 to index
        %get3A_799 = tpu.vector_load %arg6[%get3A_797, %get3A_798] {strides = array<i32>} : memref<720x128xi32, #tpu.memory_space<vmem>>, vector<16xi32>,
        %bitcast3A_800 = vector.bitcast %get3A_799 : vector<16xi32> to vector<32xbf16>
        %get3A_801 = arith.index_cast %squeeze3A_574 : i32 to index
        %get3A_802 = arith.index_cast %mul3A_781 : i32 to index
        %get3A_803 = tpu.vector_load %arg6[%get3A_801, %get3A_802] {strides = array<i32>} : memref<720x128xi32, #tpu.memory_space<vmem>>, vector<16xi32>,
        %bitcast3A_804 = vector.bitcast %get3A_803 : vector<16xi32> to vector<32xbf16>
        %add3A_805 = arith.addf %bitcast3A, %bitcast3A_788 : vector<32xbf16>
        %add3A_806 = arith.addf %add3A_805, %bitcast3A_792 : vector<32xbf16>
        %max3A = arith.maximumf %add3A_806, %broadcast_in_dim3A_3 : vector<32xbf16>
        %add3A_807 = arith.addf %bitcast3A_796, %bitcast3A_800 : vector<32xbf16>
        %add3A_808 = arith.addf %add3A_807, %bitcast3A_804 : vector<32xbf16>
        %max3A_809 = arith.maximumf %add3A_808, %broadcast_in_dim3A_3 : vector<32xbf16>
        %bitcast3A_810 = vector.bitcast %max3A : vector<32xbf16> to vector<16xi32>
        %swap3A = arith.index_cast %add3A_562 : i32 to index
        %swap3A_811 = arith.index_cast %mul3A_781 : i32 to index
        %swap3A_812 = tpu.vector_load %arg9[%swap3A, %swap3A_811] {strides = array<i32>} : memref<48x256xi32, #tpu.memory_space<vmem>>, vector<16xi32>,
        tpu.vector_store %arg9[%swap3A, %swap3A_811], %bitcast3A_810 {strides = array<i32>} : memref<48x256xi32, #tpu.memory_space<vmem>>, vector<16xi32>,
        %bitcast3A_813 = vector.bitcast %max3A_809 : vector<32xbf16> to vector<16xi32>
        %mul3A_814 = arith.constant 16 : i32
        %mul3A_815 = arith.muli %scan3A_779, %mul3A_814 : i32
        %add3A_816 = arith.constant 128 : i32
        %add3A_817 = arith.addi %add3A_816, %mul3A_815 : i32
        %swap3A_818 = arith.index_cast %add3A_562 : i32 to index
        %swap3A_819 = arith.index_cast %add3A_817 : i32 to index
        %swap3A_820 = tpu.vector_load %arg9[%swap3A_818, %swap3A_819] {strides = array<i32>} : memref<48x256xi32, #tpu.memory_space<vmem>>, vector<16xi32>,
        tpu.vector_store %arg9[%swap3A_818, %swap3A_819], %bitcast3A_813 {strides = array<i32>} : memref<48x256xi32, #tpu.memory_space<vmem>>, vector<16xi32>,
        %scan3A_821 = arith.constant 1 : i32
        %scan3A_822 = arith.addi %scan3A_779, %scan3A_821 : i32
        %mul3A_823 = arith.constant 16 : i32
        %mul3A_824 = arith.muli %scan3A_822, %mul3A_823 : i32
        %get3A_825 = arith.index_cast %squeeze3A_564 : i32 to index
        %get3A_826 = arith.index_cast %mul3A_824 : i32 to index
        %get3A_827 = tpu.vector_load %arg6[%get3A_825, %get3A_826] {strides = array<i32>} : memref<720x128xi32, #tpu.memory_space<vmem>>, vector<16xi32>,
        %bitcast3A_828 = vector.bitcast %get3A_827 : vector<16xi32> to vector<32xbf16>
        %get3A_829 = arith.index_cast %squeeze3A_566 : i32 to index
        %get3A_830 = arith.index_cast %mul3A_824 : i32 to index
        %get3A_831 = tpu.vector_load %arg6[%get3A_829, %get3A_830] {strides = array<i32>} : memref<720x128xi32, #tpu.memory_space<vmem>>, vector<16xi32>,
        %bitcast3A_832 = vector.bitcast %get3A_831 : vector<16xi32> to vector<32xbf16>
        %get3A_833 = arith.index_cast %squeeze3A_568 : i32 to index
        %get3A_834 = arith.index_cast %mul3A_824 : i32 to index
        %get3A_835 = tpu.vector_load %arg6[%get3A_833, %get3A_834] {strides = array<i32>} : memref<720x128xi32, #tpu.memory_space<vmem>>, vector<16xi32>,
        %bitcast3A_836 = vector.bitcast %get3A_835 : vector<16xi32> to vector<32xbf16>
        %get3A_837 = arith.index_cast %squeeze3A_570 : i32 to index
        %get3A_838 = arith.index_cast %mul3A_824 : i32 to index
        %get3A_839 = tpu.vector_load %arg6[%get3A_837, %get3A_838] {strides = array<i32>} : memref<720x128xi32, #tpu.memory_space<vmem>>, vector<16xi32>,
        %bitcast3A_840 = vector.bitcast %get3A_839 : vector<16xi32> to vector<32xbf16>
        %get3A_841 = arith.index_cast %squeeze3A_572 : i32 to index
        %get3A_842 = arith.index_cast %mul3A_824 : i32 to index
        %get3A_843 = tpu.vector_load %arg6[%get3A_841, %get3A_842] {strides = array<i32>} : memref<720x128xi32, #tpu.memory_space<vmem>>, vector<16xi32>,
        %bitcast3A_844 = vector.bitcast %get3A_843 : vector<16xi32> to vector<32xbf16>
        %get3A_845 = arith.index_cast %squeeze3A_574 : i32 to index
        %get3A_846 = arith.index_cast %mul3A_824 : i32 to index
        %get3A_847 = tpu.vector_load %arg6[%get3A_845, %get3A_846] {strides = array<i32>} : memref<720x128xi32, #tpu.memory_space<vmem>>, vector<16xi32>,
        %bitcast3A_848 = vector.bitcast %get3A_847 : vector<16xi32> to vector<32xbf16>
        %add3A_849 = arith.addf %bitcast3A_828, %bitcast3A_832 : vector<32xbf16>
        %add3A_850 = arith.addf %add3A_849, %bitcast3A_836 : vector<32xbf16>
        %max3A_851 = arith.maximumf %add3A_850, %broadcast_in_dim3A_3 : vector<32xbf16>
        %add3A_852 = arith.addf %bitcast3A_840, %bitcast3A_844 : vector<32xbf16>
        %add3A_853 = arith.addf %add3A_852, %bitcast3A_848 : vector<32xbf16>
        %max3A_854 = arith.maximumf %add3A_853, %broadcast_in_dim3A_3 : vector<32xbf16>
        %bitcast3A_855 = vector.bitcast %max3A_851 : vector<32xbf16> to vector<16xi32>
        %swap3A_856 = arith.index_cast %add3A_562 : i32 to index
        %swap3A_857 = arith.index_cast %mul3A_824 : i32 to index
        %swap3A_858 = tpu.vector_load %arg9[%swap3A_856, %swap3A_857] {strides = array<i32>} : memref<48x256xi32, #tpu.memory_space<vmem>>, vector<16xi32>,
        tpu.vector_store %arg9[%swap3A_856, %swap3A_857], %bitcast3A_855 {strides = array<i32>} : memref<48x256xi32, #tpu.memory_space<vmem>>, vector<16xi32>,
        %bitcast3A_859 = vector.bitcast %max3A_854 : vector<32xbf16> to vector<16xi32>
        %mul3A_860 = arith.constant 16 : i32
        %mul3A_861 = arith.muli %scan3A_822, %mul3A_860 : i32
        %add3A_862 = arith.constant 128 : i32
        %add3A_863 = arith.addi %add3A_862, %mul3A_861 : i32
        %swap3A_864 = arith.index_cast %add3A_562 : i32 to index
        %swap3A_865 = arith.index_cast %add3A_863 : i32 to index
        %swap3A_866 = tpu.vector_load %arg9[%swap3A_864, %swap3A_865] {strides = array<i32>} : memref<48x256xi32, #tpu.memory_space<vmem>>, vector<16xi32>,
        tpu.vector_store %arg9[%swap3A_864, %swap3A_865], %bitcast3A_859 {strides = array<i32>} : memref<48x256xi32, #tpu.memory_space<vmem>>, vector<16xi32>,
      }
      %scan3A_579 = arith.constant 8 : i32
      %mul3A_580 = arith.constant 16 : i32
      %mul3A_581 = arith.muli %select_n3A_58, %mul3A_580 : i32
      %add3A_582 = arith.constant 7 : i32
      %add3A_583 = arith.addi %mul3A_581, %add3A_582 : i32
      %slice3A_584 = vector.extract_strided_slice %select_n3A_406 {offsets = [7], sizes = [1], strides = [1]} : vector<16xi32> to vector<1xi32>
      %squeeze3A_585 = vector.extract %slice3A_584[0] : i32 from vector<1xi32>
      %slice3A_586 = vector.extract_strided_slice %select_n3A_416 {offsets = [7], sizes = [1], strides = [1]} : vector<16xi32> to vector<1xi32>
      %squeeze3A_587 = vector.extract %slice3A_586[0] : i32 from vector<1xi32>
      %slice3A_588 = vector.extract_strided_slice %select_n3A_426 {offsets = [7], sizes = [1], strides = [1]} : vector<16xi32> to vector<1xi32>
      %squeeze3A_589 = vector.extract %slice3A_588[0] : i32 from vector<1xi32>
      %slice3A_590 = vector.extract_strided_slice %select_n3A_411 {offsets = [7], sizes = [1], strides = [1]} : vector<16xi32> to vector<1xi32>
      %squeeze3A_591 = vector.extract %slice3A_590[0] : i32 from vector<1xi32>
      %slice3A_592 = vector.extract_strided_slice %select_n3A_421 {offsets = [7], sizes = [1], strides = [1]} : vector<16xi32> to vector<1xi32>
      %squeeze3A_593 = vector.extract %slice3A_592[0] : i32 from vector<1xi32>
      %slice3A_594 = vector.extract_strided_slice %select_n3A_431 {offsets = [7], sizes = [1], strides = [1]} : vector<16xi32> to vector<1xi32>
      %squeeze3A_595 = vector.extract %slice3A_594[0] : i32 from vector<1xi32>
      %scan3A_596 = arith.constant 0 : i32
      %scan3A_597 = arith.constant 8 : i32
      %scan3A_598 = arith.addi %scan3A_596, %scan3A_597 : i32
      %scan3A_599 = arith.constant 2 : i32
      scf.for %scan3A_779 = %scan3A_596 to %scan3A_598 step %scan3A_599  : i32 {
        %mul3A_780 = arith.constant 16 : i32
        %mul3A_781 = arith.muli %scan3A_779, %mul3A_780 : i32
        %get3A_782 = arith.index_cast %squeeze3A_585 : i32 to index
        %get3A_783 = arith.index_cast %mul3A_781 : i32 to index
        %get3A_784 = tpu.vector_load %arg6[%get3A_782, %get3A_783] {strides = array<i32>} : memref<720x128xi32, #tpu.memory_space<vmem>>, vector<16xi32>,
        %bitcast3A = vector.bitcast %get3A_784 : vector<16xi32> to vector<32xbf16>
        %get3A_785 = arith.index_cast %squeeze3A_587 : i32 to index
        %get3A_786 = arith.index_cast %mul3A_781 : i32 to index
        %get3A_787 = tpu.vector_load %arg6[%get3A_785, %get3A_786] {strides = array<i32>} : memref<720x128xi32, #tpu.memory_space<vmem>>, vector<16xi32>,
        %bitcast3A_788 = vector.bitcast %get3A_787 : vector<16xi32> to vector<32xbf16>
        %get3A_789 = arith.index_cast %squeeze3A_589 : i32 to index
        %get3A_790 = arith.index_cast %mul3A_781 : i32 to index
        %get3A_791 = tpu.vector_load %arg6[%get3A_789, %get3A_790] {strides = array<i32>} : memref<720x128xi32, #tpu.memory_space<vmem>>, vector<16xi32>,
        %bitcast3A_792 = vector.bitcast %get3A_791 : vector<16xi32> to vector<32xbf16>
        %get3A_793 = arith.index_cast %squeeze3A_591 : i32 to index
        %get3A_794 = arith.index_cast %mul3A_781 : i32 to index
        %get3A_795 = tpu.vector_load %arg6[%get3A_793, %get3A_794] {strides = array<i32>} : memref<720x128xi32, #tpu.memory_space<vmem>>, vector<16xi32>,
        %bitcast3A_796 = vector.bitcast %get3A_795 : vector<16xi32> to vector<32xbf16>
        %get3A_797 = arith.index_cast %squeeze3A_593 : i32 to index
        %get3A_798 = arith.index_cast %mul3A_781 : i32 to index
        %get3A_799 = tpu.vector_load %arg6[%get3A_797, %get3A_798] {strides = array<i32>} : memref<720x128xi32, #tpu.memory_space<vmem>>, vector<16xi32>,
        %bitcast3A_800 = vector.bitcast %get3A_799 : vector<16xi32> to vector<32xbf16>
        %get3A_801 = arith.index_cast %squeeze3A_595 : i32 to index
        %get3A_802 = arith.index_cast %mul3A_781 : i32 to index
        %get3A_803 = tpu.vector_load %arg6[%get3A_801, %get3A_802] {strides = array<i32>} : memref<720x128xi32, #tpu.memory_space<vmem>>, vector<16xi32>,
        %bitcast3A_804 = vector.bitcast %get3A_803 : vector<16xi32> to vector<32xbf16>
        %add3A_805 = arith.addf %bitcast3A, %bitcast3A_788 : vector<32xbf16>
        %add3A_806 = arith.addf %add3A_805, %bitcast3A_792 : vector<32xbf16>
        %max3A = arith.maximumf %add3A_806, %broadcast_in_dim3A_3 : vector<32xbf16>
        %add3A_807 = arith.addf %bitcast3A_796, %bitcast3A_800 : vector<32xbf16>
        %add3A_808 = arith.addf %add3A_807, %bitcast3A_804 : vector<32xbf16>
        %max3A_809 = arith.maximumf %add3A_808, %broadcast_in_dim3A_3 : vector<32xbf16>
        %bitcast3A_810 = vector.bitcast %max3A : vector<32xbf16> to vector<16xi32>
        %swap3A = arith.index_cast %add3A_583 : i32 to index
        %swap3A_811 = arith.index_cast %mul3A_781 : i32 to index
        %swap3A_812 = tpu.vector_load %arg9[%swap3A, %swap3A_811] {strides = array<i32>} : memref<48x256xi32, #tpu.memory_space<vmem>>, vector<16xi32>,
        tpu.vector_store %arg9[%swap3A, %swap3A_811], %bitcast3A_810 {strides = array<i32>} : memref<48x256xi32, #tpu.memory_space<vmem>>, vector<16xi32>,
        %bitcast3A_813 = vector.bitcast %max3A_809 : vector<32xbf16> to vector<16xi32>
        %mul3A_814 = arith.constant 16 : i32
        %mul3A_815 = arith.muli %scan3A_779, %mul3A_814 : i32
        %add3A_816 = arith.constant 128 : i32
        %add3A_817 = arith.addi %add3A_816, %mul3A_815 : i32
        %swap3A_818 = arith.index_cast %add3A_583 : i32 to index
        %swap3A_819 = arith.index_cast %add3A_817 : i32 to index
        %swap3A_820 = tpu.vector_load %arg9[%swap3A_818, %swap3A_819] {strides = array<i32>} : memref<48x256xi32, #tpu.memory_space<vmem>>, vector<16xi32>,
        tpu.vector_store %arg9[%swap3A_818, %swap3A_819], %bitcast3A_813 {strides = array<i32>} : memref<48x256xi32, #tpu.memory_space<vmem>>, vector<16xi32>,
        %scan3A_821 = arith.constant 1 : i32
        %scan3A_822 = arith.addi %scan3A_779, %scan3A_821 : i32
        %mul3A_823 = arith.constant 16 : i32
        %mul3A_824 = arith.muli %scan3A_822, %mul3A_823 : i32
        %get3A_825 = arith.index_cast %squeeze3A_585 : i32 to index
        %get3A_826 = arith.index_cast %mul3A_824 : i32 to index
        %get3A_827 = tpu.vector_load %arg6[%get3A_825, %get3A_826] {strides = array<i32>} : memref<720x128xi32, #tpu.memory_space<vmem>>, vector<16xi32>,
        %bitcast3A_828 = vector.bitcast %get3A_827 : vector<16xi32> to vector<32xbf16>
        %get3A_829 = arith.index_cast %squeeze3A_587 : i32 to index
        %get3A_830 = arith.index_cast %mul3A_824 : i32 to index
        %get3A_831 = tpu.vector_load %arg6[%get3A_829, %get3A_830] {strides = array<i32>} : memref<720x128xi32, #tpu.memory_space<vmem>>, vector<16xi32>,
        %bitcast3A_832 = vector.bitcast %get3A_831 : vector<16xi32> to vector<32xbf16>
        %get3A_833 = arith.index_cast %squeeze3A_589 : i32 to index
        %get3A_834 = arith.index_cast %mul3A_824 : i32 to index
        %get3A_835 = tpu.vector_load %arg6[%get3A_833, %get3A_834] {strides = array<i32>} : memref<720x128xi32, #tpu.memory_space<vmem>>, vector<16xi32>,
        %bitcast3A_836 = vector.bitcast %get3A_835 : vector<16xi32> to vector<32xbf16>
        %get3A_837 = arith.index_cast %squeeze3A_591 : i32 to index
        %get3A_838 = arith.index_cast %mul3A_824 : i32 to index
        %get3A_839 = tpu.vector_load %arg6[%get3A_837, %get3A_838] {strides = array<i32>} : memref<720x128xi32, #tpu.memory_space<vmem>>, vector<16xi32>,
        %bitcast3A_840 = vector.bitcast %get3A_839 : vector<16xi32> to vector<32xbf16>
        %get3A_841 = arith.index_cast %squeeze3A_593 : i32 to index
        %get3A_842 = arith.index_cast %mul3A_824 : i32 to index
        %get3A_843 = tpu.vector_load %arg6[%get3A_841, %get3A_842] {strides = array<i32>} : memref<720x128xi32, #tpu.memory_space<vmem>>, vector<16xi32>,
        %bitcast3A_844 = vector.bitcast %get3A_843 : vector<16xi32> to vector<32xbf16>
        %get3A_845 = arith.index_cast %squeeze3A_595 : i32 to index
        %get3A_846 = arith.index_cast %mul3A_824 : i32 to index
        %get3A_847 = tpu.vector_load %arg6[%get3A_845, %get3A_846] {strides = array<i32>} : memref<720x128xi32, #tpu.memory_space<vmem>>, vector<16xi32>,
        %bitcast3A_848 = vector.bitcast %get3A_847 : vector<16xi32> to vector<32xbf16>
        %add3A_849 = arith.addf %bitcast3A_828, %bitcast3A_832 : vector<32xbf16>
        %add3A_850 = arith.addf %add3A_849, %bitcast3A_836 : vector<32xbf16>
        %max3A_851 = arith.maximumf %add3A_850, %broadcast_in_dim3A_3 : vector<32xbf16>
        %add3A_852 = arith.addf %bitcast3A_840, %bitcast3A_844 : vector<32xbf16>
        %add3A_853 = arith.addf %add3A_852, %bitcast3A_848 : vector<32xbf16>
        %max3A_854 = arith.maximumf %add3A_853, %broadcast_in_dim3A_3 : vector<32xbf16>
        %bitcast3A_855 = vector.bitcast %max3A_851 : vector<32xbf16> to vector<16xi32>
        %swap3A_856 = arith.index_cast %add3A_583 : i32 to index
        %swap3A_857 = arith.index_cast %mul3A_824 : i32 to index
        %swap3A_858 = tpu.vector_load %arg9[%swap3A_856, %swap3A_857] {strides = array<i32>} : memref<48x256xi32, #tpu.memory_space<vmem>>, vector<16xi32>,
        tpu.vector_store %arg9[%swap3A_856, %swap3A_857], %bitcast3A_855 {strides = array<i32>} : memref<48x256xi32, #tpu.memory_space<vmem>>, vector<16xi32>,
        %bitcast3A_859 = vector.bitcast %max3A_854 : vector<32xbf16> to vector<16xi32>
        %mul3A_860 = arith.constant 16 : i32
        %mul3A_861 = arith.muli %scan3A_822, %mul3A_860 : i32
        %add3A_862 = arith.constant 128 : i32
        %add3A_863 = arith.addi %add3A_862, %mul3A_861 : i32
        %swap3A_864 = arith.index_cast %add3A_583 : i32 to index
        %swap3A_865 = arith.index_cast %add3A_863 : i32 to index
        %swap3A_866 = tpu.vector_load %arg9[%swap3A_864, %swap3A_865] {strides = array<i32>} : memref<48x256xi32, #tpu.memory_space<vmem>>, vector<16xi32>,
        tpu.vector_store %arg9[%swap3A_864, %swap3A_865], %bitcast3A_859 {strides = array<i32>} : memref<48x256xi32, #tpu.memory_space<vmem>>, vector<16xi32>,
      }
      %scan3A_600 = arith.constant 8 : i32
      %mul3A_601 = arith.constant 16 : i32
      %mul3A_602 = arith.muli %select_n3A_58, %mul3A_601 : i32
      %add3A_603 = arith.constant 8 : i32
      %add3A_604 = arith.addi %mul3A_602, %add3A_603 : i32
      %slice3A_605 = vector.extract_strided_slice %select_n3A_406 {offsets = [8], sizes = [1], strides = [1]} : vector<16xi32> to vector<1xi32>
      %squeeze3A_606 = vector.extract %slice3A_605[0] : i32 from vector<1xi32>
      %slice3A_607 = vector.extract_strided_slice %select_n3A_416 {offsets = [8], sizes = [1], strides = [1]} : vector<16xi32> to vector<1xi32>
      %squeeze3A_608 = vector.extract %slice3A_607[0] : i32 from vector<1xi32>
      %slice3A_609 = vector.extract_strided_slice %select_n3A_426 {offsets = [8], sizes = [1], strides = [1]} : vector<16xi32> to vector<1xi32>
      %squeeze3A_610 = vector.extract %slice3A_609[0] : i32 from vector<1xi32>
      %slice3A_611 = vector.extract_strided_slice %select_n3A_411 {offsets = [8], sizes = [1], strides = [1]} : vector<16xi32> to vector<1xi32>
      %squeeze3A_612 = vector.extract %slice3A_611[0] : i32 from vector<1xi32>
      %slice3A_613 = vector.extract_strided_slice %select_n3A_421 {offsets = [8], sizes = [1], strides = [1]} : vector<16xi32> to vector<1xi32>
      %squeeze3A_614 = vector.extract %slice3A_613[0] : i32 from vector<1xi32>
      %slice3A_615 = vector.extract_strided_slice %select_n3A_431 {offsets = [8], sizes = [1], strides = [1]} : vector<16xi32> to vector<1xi32>
      %squeeze3A_616 = vector.extract %slice3A_615[0] : i32 from vector<1xi32>
      %scan3A_617 = arith.constant 0 : i32
      %scan3A_618 = arith.constant 8 : i32
      %scan3A_619 = arith.addi %scan3A_617, %scan3A_618 : i32
      %scan3A_620 = arith.constant 2 : i32
      scf.for %scan3A_779 = %scan3A_617 to %scan3A_619 step %scan3A_620  : i32 {
        %mul3A_780 = arith.constant 16 : i32
        %mul3A_781 = arith.muli %scan3A_779, %mul3A_780 : i32
        %get3A_782 = arith.index_cast %squeeze3A_606 : i32 to index
        %get3A_783 = arith.index_cast %mul3A_781 : i32 to index
        %get3A_784 = tpu.vector_load %arg6[%get3A_782, %get3A_783] {strides = array<i32>} : memref<720x128xi32, #tpu.memory_space<vmem>>, vector<16xi32>,
        %bitcast3A = vector.bitcast %get3A_784 : vector<16xi32> to vector<32xbf16>
        %get3A_785 = arith.index_cast %squeeze3A_608 : i32 to index
        %get3A_786 = arith.index_cast %mul3A_781 : i32 to index
        %get3A_787 = tpu.vector_load %arg6[%get3A_785, %get3A_786] {strides = array<i32>} : memref<720x128xi32, #tpu.memory_space<vmem>>, vector<16xi32>,
        %bitcast3A_788 = vector.bitcast %get3A_787 : vector<16xi32> to vector<32xbf16>
        %get3A_789 = arith.index_cast %squeeze3A_610 : i32 to index
        %get3A_790 = arith.index_cast %mul3A_781 : i32 to index
        %get3A_791 = tpu.vector_load %arg6[%get3A_789, %get3A_790] {strides = array<i32>} : memref<720x128xi32, #tpu.memory_space<vmem>>, vector<16xi32>,
        %bitcast3A_792 = vector.bitcast %get3A_791 : vector<16xi32> to vector<32xbf16>
        %get3A_793 = arith.index_cast %squeeze3A_612 : i32 to index
        %get3A_794 = arith.index_cast %mul3A_781 : i32 to index
        %get3A_795 = tpu.vector_load %arg6[%get3A_793, %get3A_794] {strides = array<i32>} : memref<720x128xi32, #tpu.memory_space<vmem>>, vector<16xi32>,
        %bitcast3A_796 = vector.bitcast %get3A_795 : vector<16xi32> to vector<32xbf16>
        %get3A_797 = arith.index_cast %squeeze3A_614 : i32 to index
        %get3A_798 = arith.index_cast %mul3A_781 : i32 to index
        %get3A_799 = tpu.vector_load %arg6[%get3A_797, %get3A_798] {strides = array<i32>} : memref<720x128xi32, #tpu.memory_space<vmem>>, vector<16xi32>,
        %bitcast3A_800 = vector.bitcast %get3A_799 : vector<16xi32> to vector<32xbf16>
        %get3A_801 = arith.index_cast %squeeze3A_616 : i32 to index
        %get3A_802 = arith.index_cast %mul3A_781 : i32 to index
        %get3A_803 = tpu.vector_load %arg6[%get3A_801, %get3A_802] {strides = array<i32>} : memref<720x128xi32, #tpu.memory_space<vmem>>, vector<16xi32>,
        %bitcast3A_804 = vector.bitcast %get3A_803 : vector<16xi32> to vector<32xbf16>
        %add3A_805 = arith.addf %bitcast3A, %bitcast3A_788 : vector<32xbf16>
        %add3A_806 = arith.addf %add3A_805, %bitcast3A_792 : vector<32xbf16>
        %max3A = arith.maximumf %add3A_806, %broadcast_in_dim3A_3 : vector<32xbf16>
        %add3A_807 = arith.addf %bitcast3A_796, %bitcast3A_800 : vector<32xbf16>
        %add3A_808 = arith.addf %add3A_807, %bitcast3A_804 : vector<32xbf16>
        %max3A_809 = arith.maximumf %add3A_808, %broadcast_in_dim3A_3 : vector<32xbf16>
        %bitcast3A_810 = vector.bitcast %max3A : vector<32xbf16> to vector<16xi32>
        %swap3A = arith.index_cast %add3A_604 : i32 to index
        %swap3A_811 = arith.index_cast %mul3A_781 : i32 to index
        %swap3A_812 = tpu.vector_load %arg9[%swap3A, %swap3A_811] {strides = array<i32>} : memref<48x256xi32, #tpu.memory_space<vmem>>, vector<16xi32>,
        tpu.vector_store %arg9[%swap3A, %swap3A_811], %bitcast3A_810 {strides = array<i32>} : memref<48x256xi32, #tpu.memory_space<vmem>>, vector<16xi32>,
        %bitcast3A_813 = vector.bitcast %max3A_809 : vector<32xbf16> to vector<16xi32>
        %mul3A_814 = arith.constant 16 : i32
        %mul3A_815 = arith.muli %scan3A_779, %mul3A_814 : i32
        %add3A_816 = arith.constant 128 : i32
        %add3A_817 = arith.addi %add3A_816, %mul3A_815 : i32
        %swap3A_818 = arith.index_cast %add3A_604 : i32 to index
        %swap3A_819 = arith.index_cast %add3A_817 : i32 to index
        %swap3A_820 = tpu.vector_load %arg9[%swap3A_818, %swap3A_819] {strides = array<i32>} : memref<48x256xi32, #tpu.memory_space<vmem>>, vector<16xi32>,
        tpu.vector_store %arg9[%swap3A_818, %swap3A_819], %bitcast3A_813 {strides = array<i32>} : memref<48x256xi32, #tpu.memory_space<vmem>>, vector<16xi32>,
        %scan3A_821 = arith.constant 1 : i32
        %scan3A_822 = arith.addi %scan3A_779, %scan3A_821 : i32
        %mul3A_823 = arith.constant 16 : i32
        %mul3A_824 = arith.muli %scan3A_822, %mul3A_823 : i32
        %get3A_825 = arith.index_cast %squeeze3A_606 : i32 to index
        %get3A_826 = arith.index_cast %mul3A_824 : i32 to index
        %get3A_827 = tpu.vector_load %arg6[%get3A_825, %get3A_826] {strides = array<i32>} : memref<720x128xi32, #tpu.memory_space<vmem>>, vector<16xi32>,
        %bitcast3A_828 = vector.bitcast %get3A_827 : vector<16xi32> to vector<32xbf16>
        %get3A_829 = arith.index_cast %squeeze3A_608 : i32 to index
        %get3A_830 = arith.index_cast %mul3A_824 : i32 to index
        %get3A_831 = tpu.vector_load %arg6[%get3A_829, %get3A_830] {strides = array<i32>} : memref<720x128xi32, #tpu.memory_space<vmem>>, vector<16xi32>,
        %bitcast3A_832 = vector.bitcast %get3A_831 : vector<16xi32> to vector<32xbf16>
        %get3A_833 = arith.index_cast %squeeze3A_610 : i32 to index
        %get3A_834 = arith.index_cast %mul3A_824 : i32 to index
        %get3A_835 = tpu.vector_load %arg6[%get3A_833, %get3A_834] {strides = array<i32>} : memref<720x128xi32, #tpu.memory_space<vmem>>, vector<16xi32>,
        %bitcast3A_836 = vector.bitcast %get3A_835 : vector<16xi32> to vector<32xbf16>
        %get3A_837 = arith.index_cast %squeeze3A_612 : i32 to index
        %get3A_838 = arith.index_cast %mul3A_824 : i32 to index
        %get3A_839 = tpu.vector_load %arg6[%get3A_837, %get3A_838] {strides = array<i32>} : memref<720x128xi32, #tpu.memory_space<vmem>>, vector<16xi32>,
        %bitcast3A_840 = vector.bitcast %get3A_839 : vector<16xi32> to vector<32xbf16>
        %get3A_841 = arith.index_cast %squeeze3A_614 : i32 to index
        %get3A_842 = arith.index_cast %mul3A_824 : i32 to index
        %get3A_843 = tpu.vector_load %arg6[%get3A_841, %get3A_842] {strides = array<i32>} : memref<720x128xi32, #tpu.memory_space<vmem>>, vector<16xi32>,
        %bitcast3A_844 = vector.bitcast %get3A_843 : vector<16xi32> to vector<32xbf16>
        %get3A_845 = arith.index_cast %squeeze3A_616 : i32 to index
        %get3A_846 = arith.index_cast %mul3A_824 : i32 to index
        %get3A_847 = tpu.vector_load %arg6[%get3A_845, %get3A_846] {strides = array<i32>} : memref<720x128xi32, #tpu.memory_space<vmem>>, vector<16xi32>,
        %bitcast3A_848 = vector.bitcast %get3A_847 : vector<16xi32> to vector<32xbf16>
        %add3A_849 = arith.addf %bitcast3A_828, %bitcast3A_832 : vector<32xbf16>
        %add3A_850 = arith.addf %add3A_849, %bitcast3A_836 : vector<32xbf16>
        %max3A_851 = arith.maximumf %add3A_850, %broadcast_in_dim3A_3 : vector<32xbf16>
        %add3A_852 = arith.addf %bitcast3A_840, %bitcast3A_844 : vector<32xbf16>
        %add3A_853 = arith.addf %add3A_852, %bitcast3A_848 : vector<32xbf16>
        %max3A_854 = arith.maximumf %add3A_853, %broadcast_in_dim3A_3 : vector<32xbf16>
        %bitcast3A_855 = vector.bitcast %max3A_851 : vector<32xbf16> to vector<16xi32>
        %swap3A_856 = arith.index_cast %add3A_604 : i32 to index
        %swap3A_857 = arith.index_cast %mul3A_824 : i32 to index
        %swap3A_858 = tpu.vector_load %arg9[%swap3A_856, %swap3A_857] {strides = array<i32>} : memref<48x256xi32, #tpu.memory_space<vmem>>, vector<16xi32>,
        tpu.vector_store %arg9[%swap3A_856, %swap3A_857], %bitcast3A_855 {strides = array<i32>} : memref<48x256xi32, #tpu.memory_space<vmem>>, vector<16xi32>,
        %bitcast3A_859 = vector.bitcast %max3A_854 : vector<32xbf16> to vector<16xi32>
        %mul3A_860 = arith.constant 16 : i32
        %mul3A_861 = arith.muli %scan3A_822, %mul3A_860 : i32
        %add3A_862 = arith.constant 128 : i32
        %add3A_863 = arith.addi %add3A_862, %mul3A_861 : i32
        %swap3A_864 = arith.index_cast %add3A_604 : i32 to index
        %swap3A_865 = arith.index_cast %add3A_863 : i32 to index
        %swap3A_866 = tpu.vector_load %arg9[%swap3A_864, %swap3A_865] {strides = array<i32>} : memref<48x256xi32, #tpu.memory_space<vmem>>, vector<16xi32>,
        tpu.vector_store %arg9[%swap3A_864, %swap3A_865], %bitcast3A_859 {strides = array<i32>} : memref<48x256xi32, #tpu.memory_space<vmem>>, vector<16xi32>,
      }
      %scan3A_621 = arith.constant 8 : i32
      %mul3A_622 = arith.constant 16 : i32
      %mul3A_623 = arith.muli %select_n3A_58, %mul3A_622 : i32
      %add3A_624 = arith.constant 9 : i32
      %add3A_625 = arith.addi %mul3A_623, %add3A_624 : i32
      %slice3A_626 = vector.extract_strided_slice %select_n3A_406 {offsets = [9], sizes = [1], strides = [1]} : vector<16xi32> to vector<1xi32>
      %squeeze3A_627 = vector.extract %slice3A_626[0] : i32 from vector<1xi32>
      %slice3A_628 = vector.extract_strided_slice %select_n3A_416 {offsets = [9], sizes = [1], strides = [1]} : vector<16xi32> to vector<1xi32>
      %squeeze3A_629 = vector.extract %slice3A_628[0] : i32 from vector<1xi32>
      %slice3A_630 = vector.extract_strided_slice %select_n3A_426 {offsets = [9], sizes = [1], strides = [1]} : vector<16xi32> to vector<1xi32>
      %squeeze3A_631 = vector.extract %slice3A_630[0] : i32 from vector<1xi32>
      %slice3A_632 = vector.extract_strided_slice %select_n3A_411 {offsets = [9], sizes = [1], strides = [1]} : vector<16xi32> to vector<1xi32>
      %squeeze3A_633 = vector.extract %slice3A_632[0] : i32 from vector<1xi32>
      %slice3A_634 = vector.extract_strided_slice %select_n3A_421 {offsets = [9], sizes = [1], strides = [1]} : vector<16xi32> to vector<1xi32>
      %squeeze3A_635 = vector.extract %slice3A_634[0] : i32 from vector<1xi32>
      %slice3A_636 = vector.extract_strided_slice %select_n3A_431 {offsets = [9], sizes = [1], strides = [1]} : vector<16xi32> to vector<1xi32>
      %squeeze3A_637 = vector.extract %slice3A_636[0] : i32 from vector<1xi32>
      %scan3A_638 = arith.constant 0 : i32
      %scan3A_639 = arith.constant 8 : i32
      %scan3A_640 = arith.addi %scan3A_638, %scan3A_639 : i32
      %scan3A_641 = arith.constant 2 : i32
      scf.for %scan3A_779 = %scan3A_638 to %scan3A_640 step %scan3A_641  : i32 {
        %mul3A_780 = arith.constant 16 : i32
        %mul3A_781 = arith.muli %scan3A_779, %mul3A_780 : i32
        %get3A_782 = arith.index_cast %squeeze3A_627 : i32 to index
        %get3A_783 = arith.index_cast %mul3A_781 : i32 to index
        %get3A_784 = tpu.vector_load %arg6[%get3A_782, %get3A_783] {strides = array<i32>} : memref<720x128xi32, #tpu.memory_space<vmem>>, vector<16xi32>,
        %bitcast3A = vector.bitcast %get3A_784 : vector<16xi32> to vector<32xbf16>
        %get3A_785 = arith.index_cast %squeeze3A_629 : i32 to index
        %get3A_786 = arith.index_cast %mul3A_781 : i32 to index
        %get3A_787 = tpu.vector_load %arg6[%get3A_785, %get3A_786] {strides = array<i32>} : memref<720x128xi32, #tpu.memory_space<vmem>>, vector<16xi32>,
        %bitcast3A_788 = vector.bitcast %get3A_787 : vector<16xi32> to vector<32xbf16>
        %get3A_789 = arith.index_cast %squeeze3A_631 : i32 to index
        %get3A_790 = arith.index_cast %mul3A_781 : i32 to index
        %get3A_791 = tpu.vector_load %arg6[%get3A_789, %get3A_790] {strides = array<i32>} : memref<720x128xi32, #tpu.memory_space<vmem>>, vector<16xi32>,
        %bitcast3A_792 = vector.bitcast %get3A_791 : vector<16xi32> to vector<32xbf16>
        %get3A_793 = arith.index_cast %squeeze3A_633 : i32 to index
        %get3A_794 = arith.index_cast %mul3A_781 : i32 to index
        %get3A_795 = tpu.vector_load %arg6[%get3A_793, %get3A_794] {strides = array<i32>} : memref<720x128xi32, #tpu.memory_space<vmem>>, vector<16xi32>,
        %bitcast3A_796 = vector.bitcast %get3A_795 : vector<16xi32> to vector<32xbf16>
        %get3A_797 = arith.index_cast %squeeze3A_635 : i32 to index
        %get3A_798 = arith.index_cast %mul3A_781 : i32 to index
        %get3A_799 = tpu.vector_load %arg6[%get3A_797, %get3A_798] {strides = array<i32>} : memref<720x128xi32, #tpu.memory_space<vmem>>, vector<16xi32>,
        %bitcast3A_800 = vector.bitcast %get3A_799 : vector<16xi32> to vector<32xbf16>
        %get3A_801 = arith.index_cast %squeeze3A_637 : i32 to index
        %get3A_802 = arith.index_cast %mul3A_781 : i32 to index
        %get3A_803 = tpu.vector_load %arg6[%get3A_801, %get3A_802] {strides = array<i32>} : memref<720x128xi32, #tpu.memory_space<vmem>>, vector<16xi32>,
        %bitcast3A_804 = vector.bitcast %get3A_803 : vector<16xi32> to vector<32xbf16>
        %add3A_805 = arith.addf %bitcast3A, %bitcast3A_788 : vector<32xbf16>
        %add3A_806 = arith.addf %add3A_805, %bitcast3A_792 : vector<32xbf16>
        %max3A = arith.maximumf %add3A_806, %broadcast_in_dim3A_3 : vector<32xbf16>
        %add3A_807 = arith.addf %bitcast3A_796, %bitcast3A_800 : vector<32xbf16>
        %add3A_808 = arith.addf %add3A_807, %bitcast3A_804 : vector<32xbf16>
        %max3A_809 = arith.maximumf %add3A_808, %broadcast_in_dim3A_3 : vector<32xbf16>
        %bitcast3A_810 = vector.bitcast %max3A : vector<32xbf16> to vector<16xi32>
        %swap3A = arith.index_cast %add3A_625 : i32 to index
        %swap3A_811 = arith.index_cast %mul3A_781 : i32 to index
        %swap3A_812 = tpu.vector_load %arg9[%swap3A, %swap3A_811] {strides = array<i32>} : memref<48x256xi32, #tpu.memory_space<vmem>>, vector<16xi32>,
        tpu.vector_store %arg9[%swap3A, %swap3A_811], %bitcast3A_810 {strides = array<i32>} : memref<48x256xi32, #tpu.memory_space<vmem>>, vector<16xi32>,
        %bitcast3A_813 = vector.bitcast %max3A_809 : vector<32xbf16> to vector<16xi32>
        %mul3A_814 = arith.constant 16 : i32
        %mul3A_815 = arith.muli %scan3A_779, %mul3A_814 : i32
        %add3A_816 = arith.constant 128 : i32
        %add3A_817 = arith.addi %add3A_816, %mul3A_815 : i32
        %swap3A_818 = arith.index_cast %add3A_625 : i32 to index
        %swap3A_819 = arith.index_cast %add3A_817 : i32 to index
        %swap3A_820 = tpu.vector_load %arg9[%swap3A_818, %swap3A_819] {strides = array<i32>} : memref<48x256xi32, #tpu.memory_space<vmem>>, vector<16xi32>,
        tpu.vector_store %arg9[%swap3A_818, %swap3A_819], %bitcast3A_813 {strides = array<i32>} : memref<48x256xi32, #tpu.memory_space<vmem>>, vector<16xi32>,
        %scan3A_821 = arith.constant 1 : i32
        %scan3A_822 = arith.addi %scan3A_779, %scan3A_821 : i32
        %mul3A_823 = arith.constant 16 : i32
        %mul3A_824 = arith.muli %scan3A_822, %mul3A_823 : i32
        %get3A_825 = arith.index_cast %squeeze3A_627 : i32 to index
        %get3A_826 = arith.index_cast %mul3A_824 : i32 to index
        %get3A_827 = tpu.vector_load %arg6[%get3A_825, %get3A_826] {strides = array<i32>} : memref<720x128xi32, #tpu.memory_space<vmem>>, vector<16xi32>,
        %bitcast3A_828 = vector.bitcast %get3A_827 : vector<16xi32> to vector<32xbf16>
        %get3A_829 = arith.index_cast %squeeze3A_629 : i32 to index
        %get3A_830 = arith.index_cast %mul3A_824 : i32 to index
        %get3A_831 = tpu.vector_load %arg6[%get3A_829, %get3A_830] {strides = array<i32>} : memref<720x128xi32, #tpu.memory_space<vmem>>, vector<16xi32>,
        %bitcast3A_832 = vector.bitcast %get3A_831 : vector<16xi32> to vector<32xbf16>
        %get3A_833 = arith.index_cast %squeeze3A_631 : i32 to index
        %get3A_834 = arith.index_cast %mul3A_824 : i32 to index
        %get3A_835 = tpu.vector_load %arg6[%get3A_833, %get3A_834] {strides = array<i32>} : memref<720x128xi32, #tpu.memory_space<vmem>>, vector<16xi32>,
        %bitcast3A_836 = vector.bitcast %get3A_835 : vector<16xi32> to vector<32xbf16>
        %get3A_837 = arith.index_cast %squeeze3A_633 : i32 to index
        %get3A_838 = arith.index_cast %mul3A_824 : i32 to index
        %get3A_839 = tpu.vector_load %arg6[%get3A_837, %get3A_838] {strides = array<i32>} : memref<720x128xi32, #tpu.memory_space<vmem>>, vector<16xi32>,
        %bitcast3A_840 = vector.bitcast %get3A_839 : vector<16xi32> to vector<32xbf16>
        %get3A_841 = arith.index_cast %squeeze3A_635 : i32 to index
        %get3A_842 = arith.index_cast %mul3A_824 : i32 to index
        %get3A_843 = tpu.vector_load %arg6[%get3A_841, %get3A_842] {strides = array<i32>} : memref<720x128xi32, #tpu.memory_space<vmem>>, vector<16xi32>,
        %bitcast3A_844 = vector.bitcast %get3A_843 : vector<16xi32> to vector<32xbf16>
        %get3A_845 = arith.index_cast %squeeze3A_637 : i32 to index
        %get3A_846 = arith.index_cast %mul3A_824 : i32 to index
        %get3A_847 = tpu.vector_load %arg6[%get3A_845, %get3A_846] {strides = array<i32>} : memref<720x128xi32, #tpu.memory_space<vmem>>, vector<16xi32>,
        %bitcast3A_848 = vector.bitcast %get3A_847 : vector<16xi32> to vector<32xbf16>
        %add3A_849 = arith.addf %bitcast3A_828, %bitcast3A_832 : vector<32xbf16>
        %add3A_850 = arith.addf %add3A_849, %bitcast3A_836 : vector<32xbf16>
        %max3A_851 = arith.maximumf %add3A_850, %broadcast_in_dim3A_3 : vector<32xbf16>
        %add3A_852 = arith.addf %bitcast3A_840, %bitcast3A_844 : vector<32xbf16>
        %add3A_853 = arith.addf %add3A_852, %bitcast3A_848 : vector<32xbf16>
        %max3A_854 = arith.maximumf %add3A_853, %broadcast_in_dim3A_3 : vector<32xbf16>
        %bitcast3A_855 = vector.bitcast %max3A_851 : vector<32xbf16> to vector<16xi32>
        %swap3A_856 = arith.index_cast %add3A_625 : i32 to index
        %swap3A_857 = arith.index_cast %mul3A_824 : i32 to index
        %swap3A_858 = tpu.vector_load %arg9[%swap3A_856, %swap3A_857] {strides = array<i32>} : memref<48x256xi32, #tpu.memory_space<vmem>>, vector<16xi32>,
        tpu.vector_store %arg9[%swap3A_856, %swap3A_857], %bitcast3A_855 {strides = array<i32>} : memref<48x256xi32, #tpu.memory_space<vmem>>, vector<16xi32>,
        %bitcast3A_859 = vector.bitcast %max3A_854 : vector<32xbf16> to vector<16xi32>
        %mul3A_860 = arith.constant 16 : i32
        %mul3A_861 = arith.muli %scan3A_822, %mul3A_860 : i32
        %add3A_862 = arith.constant 128 : i32
        %add3A_863 = arith.addi %add3A_862, %mul3A_861 : i32
        %swap3A_864 = arith.index_cast %add3A_625 : i32 to index
        %swap3A_865 = arith.index_cast %add3A_863 : i32 to index
        %swap3A_866 = tpu.vector_load %arg9[%swap3A_864, %swap3A_865] {strides = array<i32>} : memref<48x256xi32, #tpu.memory_space<vmem>>, vector<16xi32>,
        tpu.vector_store %arg9[%swap3A_864, %swap3A_865], %bitcast3A_859 {strides = array<i32>} : memref<48x256xi32, #tpu.memory_space<vmem>>, vector<16xi32>,
      }
      %scan3A_642 = arith.constant 8 : i32
      %mul3A_643 = arith.constant 16 : i32
      %mul3A_644 = arith.muli %select_n3A_58, %mul3A_643 : i32
      %add3A_645 = arith.constant 10 : i32
      %add3A_646 = arith.addi %mul3A_644, %add3A_645 : i32
      %slice3A_647 = vector.extract_strided_slice %select_n3A_406 {offsets = [10], sizes = [1], strides = [1]} : vector<16xi32> to vector<1xi32>
      %squeeze3A_648 = vector.extract %slice3A_647[0] : i32 from vector<1xi32>
      %slice3A_649 = vector.extract_strided_slice %select_n3A_416 {offsets = [10], sizes = [1], strides = [1]} : vector<16xi32> to vector<1xi32>
      %squeeze3A_650 = vector.extract %slice3A_649[0] : i32 from vector<1xi32>
      %slice3A_651 = vector.extract_strided_slice %select_n3A_426 {offsets = [10], sizes = [1], strides = [1]} : vector<16xi32> to vector<1xi32>
      %squeeze3A_652 = vector.extract %slice3A_651[0] : i32 from vector<1xi32>
      %slice3A_653 = vector.extract_strided_slice %select_n3A_411 {offsets = [10], sizes = [1], strides = [1]} : vector<16xi32> to vector<1xi32>
      %squeeze3A_654 = vector.extract %slice3A_653[0] : i32 from vector<1xi32>
      %slice3A_655 = vector.extract_strided_slice %select_n3A_421 {offsets = [10], sizes = [1], strides = [1]} : vector<16xi32> to vector<1xi32>
      %squeeze3A_656 = vector.extract %slice3A_655[0] : i32 from vector<1xi32>
      %slice3A_657 = vector.extract_strided_slice %select_n3A_431 {offsets = [10], sizes = [1], strides = [1]} : vector<16xi32> to vector<1xi32>
      %squeeze3A_658 = vector.extract %slice3A_657[0] : i32 from vector<1xi32>
      %scan3A_659 = arith.constant 0 : i32
      %scan3A_660 = arith.constant 8 : i32
      %scan3A_661 = arith.addi %scan3A_659, %scan3A_660 : i32
      %scan3A_662 = arith.constant 2 : i32
      scf.for %scan3A_779 = %scan3A_659 to %scan3A_661 step %scan3A_662  : i32 {
        %mul3A_780 = arith.constant 16 : i32
        %mul3A_781 = arith.muli %scan3A_779, %mul3A_780 : i32
        %get3A_782 = arith.index_cast %squeeze3A_648 : i32 to index
        %get3A_783 = arith.index_cast %mul3A_781 : i32 to index
        %get3A_784 = tpu.vector_load %arg6[%get3A_782, %get3A_783] {strides = array<i32>} : memref<720x128xi32, #tpu.memory_space<vmem>>, vector<16xi32>,
        %bitcast3A = vector.bitcast %get3A_784 : vector<16xi32> to vector<32xbf16>
        %get3A_785 = arith.index_cast %squeeze3A_650 : i32 to index
        %get3A_786 = arith.index_cast %mul3A_781 : i32 to index
        %get3A_787 = tpu.vector_load %arg6[%get3A_785, %get3A_786] {strides = array<i32>} : memref<720x128xi32, #tpu.memory_space<vmem>>, vector<16xi32>,
        %bitcast3A_788 = vector.bitcast %get3A_787 : vector<16xi32> to vector<32xbf16>
        %get3A_789 = arith.index_cast %squeeze3A_652 : i32 to index
        %get3A_790 = arith.index_cast %mul3A_781 : i32 to index
        %get3A_791 = tpu.vector_load %arg6[%get3A_789, %get3A_790] {strides = array<i32>} : memref<720x128xi32, #tpu.memory_space<vmem>>, vector<16xi32>,
        %bitcast3A_792 = vector.bitcast %get3A_791 : vector<16xi32> to vector<32xbf16>
        %get3A_793 = arith.index_cast %squeeze3A_654 : i32 to index
        %get3A_794 = arith.index_cast %mul3A_781 : i32 to index
        %get3A_795 = tpu.vector_load %arg6[%get3A_793, %get3A_794] {strides = array<i32>} : memref<720x128xi32, #tpu.memory_space<vmem>>, vector<16xi32>,
        %bitcast3A_796 = vector.bitcast %get3A_795 : vector<16xi32> to vector<32xbf16>
        %get3A_797 = arith.index_cast %squeeze3A_656 : i32 to index
        %get3A_798 = arith.index_cast %mul3A_781 : i32 to index
        %get3A_799 = tpu.vector_load %arg6[%get3A_797, %get3A_798] {strides = array<i32>} : memref<720x128xi32, #tpu.memory_space<vmem>>, vector<16xi32>,
        %bitcast3A_800 = vector.bitcast %get3A_799 : vector<16xi32> to vector<32xbf16>
        %get3A_801 = arith.index_cast %squeeze3A_658 : i32 to index
        %get3A_802 = arith.index_cast %mul3A_781 : i32 to index
        %get3A_803 = tpu.vector_load %arg6[%get3A_801, %get3A_802] {strides = array<i32>} : memref<720x128xi32, #tpu.memory_space<vmem>>, vector<16xi32>,
        %bitcast3A_804 = vector.bitcast %get3A_803 : vector<16xi32> to vector<32xbf16>
        %add3A_805 = arith.addf %bitcast3A, %bitcast3A_788 : vector<32xbf16>
        %add3A_806 = arith.addf %add3A_805, %bitcast3A_792 : vector<32xbf16>
        %max3A = arith.maximumf %add3A_806, %broadcast_in_dim3A_3 : vector<32xbf16>
        %add3A_807 = arith.addf %bitcast3A_796, %bitcast3A_800 : vector<32xbf16>
        %add3A_808 = arith.addf %add3A_807, %bitcast3A_804 : vector<32xbf16>
        %max3A_809 = arith.maximumf %add3A_808, %broadcast_in_dim3A_3 : vector<32xbf16>
        %bitcast3A_810 = vector.bitcast %max3A : vector<32xbf16> to vector<16xi32>
        %swap3A = arith.index_cast %add3A_646 : i32 to index
        %swap3A_811 = arith.index_cast %mul3A_781 : i32 to index
        %swap3A_812 = tpu.vector_load %arg9[%swap3A, %swap3A_811] {strides = array<i32>} : memref<48x256xi32, #tpu.memory_space<vmem>>, vector<16xi32>,
        tpu.vector_store %arg9[%swap3A, %swap3A_811], %bitcast3A_810 {strides = array<i32>} : memref<48x256xi32, #tpu.memory_space<vmem>>, vector<16xi32>,
        %bitcast3A_813 = vector.bitcast %max3A_809 : vector<32xbf16> to vector<16xi32>
        %mul3A_814 = arith.constant 16 : i32
        %mul3A_815 = arith.muli %scan3A_779, %mul3A_814 : i32
        %add3A_816 = arith.constant 128 : i32
        %add3A_817 = arith.addi %add3A_816, %mul3A_815 : i32
        %swap3A_818 = arith.index_cast %add3A_646 : i32 to index
        %swap3A_819 = arith.index_cast %add3A_817 : i32 to index
        %swap3A_820 = tpu.vector_load %arg9[%swap3A_818, %swap3A_819] {strides = array<i32>} : memref<48x256xi32, #tpu.memory_space<vmem>>, vector<16xi32>,
        tpu.vector_store %arg9[%swap3A_818, %swap3A_819], %bitcast3A_813 {strides = array<i32>} : memref<48x256xi32, #tpu.memory_space<vmem>>, vector<16xi32>,
        %scan3A_821 = arith.constant 1 : i32
        %scan3A_822 = arith.addi %scan3A_779, %scan3A_821 : i32
        %mul3A_823 = arith.constant 16 : i32
        %mul3A_824 = arith.muli %scan3A_822, %mul3A_823 : i32
        %get3A_825 = arith.index_cast %squeeze3A_648 : i32 to index
        %get3A_826 = arith.index_cast %mul3A_824 : i32 to index
        %get3A_827 = tpu.vector_load %arg6[%get3A_825, %get3A_826] {strides = array<i32>} : memref<720x128xi32, #tpu.memory_space<vmem>>, vector<16xi32>,
        %bitcast3A_828 = vector.bitcast %get3A_827 : vector<16xi32> to vector<32xbf16>
        %get3A_829 = arith.index_cast %squeeze3A_650 : i32 to index
        %get3A_830 = arith.index_cast %mul3A_824 : i32 to index
        %get3A_831 = tpu.vector_load %arg6[%get3A_829, %get3A_830] {strides = array<i32>} : memref<720x128xi32, #tpu.memory_space<vmem>>, vector<16xi32>,
        %bitcast3A_832 = vector.bitcast %get3A_831 : vector<16xi32> to vector<32xbf16>
        %get3A_833 = arith.index_cast %squeeze3A_652 : i32 to index
        %get3A_834 = arith.index_cast %mul3A_824 : i32 to index
        %get3A_835 = tpu.vector_load %arg6[%get3A_833, %get3A_834] {strides = array<i32>} : memref<720x128xi32, #tpu.memory_space<vmem>>, vector<16xi32>,
        %bitcast3A_836 = vector.bitcast %get3A_835 : vector<16xi32> to vector<32xbf16>
        %get3A_837 = arith.index_cast %squeeze3A_654 : i32 to index
        %get3A_838 = arith.index_cast %mul3A_824 : i32 to index
        %get3A_839 = tpu.vector_load %arg6[%get3A_837, %get3A_838] {strides = array<i32>} : memref<720x128xi32, #tpu.memory_space<vmem>>, vector<16xi32>,
        %bitcast3A_840 = vector.bitcast %get3A_839 : vector<16xi32> to vector<32xbf16>
        %get3A_841 = arith.index_cast %squeeze3A_656 : i32 to index
        %get3A_842 = arith.index_cast %mul3A_824 : i32 to index
        %get3A_843 = tpu.vector_load %arg6[%get3A_841, %get3A_842] {strides = array<i32>} : memref<720x128xi32, #tpu.memory_space<vmem>>, vector<16xi32>,
        %bitcast3A_844 = vector.bitcast %get3A_843 : vector<16xi32> to vector<32xbf16>
        %get3A_845 = arith.index_cast %squeeze3A_658 : i32 to index
        %get3A_846 = arith.index_cast %mul3A_824 : i32 to index
        %get3A_847 = tpu.vector_load %arg6[%get3A_845, %get3A_846] {strides = array<i32>} : memref<720x128xi32, #tpu.memory_space<vmem>>, vector<16xi32>,
        %bitcast3A_848 = vector.bitcast %get3A_847 : vector<16xi32> to vector<32xbf16>
        %add3A_849 = arith.addf %bitcast3A_828, %bitcast3A_832 : vector<32xbf16>
        %add3A_850 = arith.addf %add3A_849, %bitcast3A_836 : vector<32xbf16>
        %max3A_851 = arith.maximumf %add3A_850, %broadcast_in_dim3A_3 : vector<32xbf16>
        %add3A_852 = arith.addf %bitcast3A_840, %bitcast3A_844 : vector<32xbf16>
        %add3A_853 = arith.addf %add3A_852, %bitcast3A_848 : vector<32xbf16>
        %max3A_854 = arith.maximumf %add3A_853, %broadcast_in_dim3A_3 : vector<32xbf16>
        %bitcast3A_855 = vector.bitcast %max3A_851 : vector<32xbf16> to vector<16xi32>
        %swap3A_856 = arith.index_cast %add3A_646 : i32 to index
        %swap3A_857 = arith.index_cast %mul3A_824 : i32 to index
        %swap3A_858 = tpu.vector_load %arg9[%swap3A_856, %swap3A_857] {strides = array<i32>} : memref<48x256xi32, #tpu.memory_space<vmem>>, vector<16xi32>,
        tpu.vector_store %arg9[%swap3A_856, %swap3A_857], %bitcast3A_855 {strides = array<i32>} : memref<48x256xi32, #tpu.memory_space<vmem>>, vector<16xi32>,
        %bitcast3A_859 = vector.bitcast %max3A_854 : vector<32xbf16> to vector<16xi32>
        %mul3A_860 = arith.constant 16 : i32
        %mul3A_861 = arith.muli %scan3A_822, %mul3A_860 : i32
        %add3A_862 = arith.constant 128 : i32
        %add3A_863 = arith.addi %add3A_862, %mul3A_861 : i32
        %swap3A_864 = arith.index_cast %add3A_646 : i32 to index
        %swap3A_865 = arith.index_cast %add3A_863 : i32 to index
        %swap3A_866 = tpu.vector_load %arg9[%swap3A_864, %swap3A_865] {strides = array<i32>} : memref<48x256xi32, #tpu.memory_space<vmem>>, vector<16xi32>,
        tpu.vector_store %arg9[%swap3A_864, %swap3A_865], %bitcast3A_859 {strides = array<i32>} : memref<48x256xi32, #tpu.memory_space<vmem>>, vector<16xi32>,
      }
      %scan3A_663 = arith.constant 8 : i32
      %mul3A_664 = arith.constant 16 : i32
      %mul3A_665 = arith.muli %select_n3A_58, %mul3A_664 : i32
      %add3A_666 = arith.constant 11 : i32
      %add3A_667 = arith.addi %mul3A_665, %add3A_666 : i32
      %slice3A_668 = vector.extract_strided_slice %select_n3A_406 {offsets = [11], sizes = [1], strides = [1]} : vector<16xi32> to vector<1xi32>
      %squeeze3A_669 = vector.extract %slice3A_668[0] : i32 from vector<1xi32>
      %slice3A_670 = vector.extract_strided_slice %select_n3A_416 {offsets = [11], sizes = [1], strides = [1]} : vector<16xi32> to vector<1xi32>
      %squeeze3A_671 = vector.extract %slice3A_670[0] : i32 from vector<1xi32>
      %slice3A_672 = vector.extract_strided_slice %select_n3A_426 {offsets = [11], sizes = [1], strides = [1]} : vector<16xi32> to vector<1xi32>
      %squeeze3A_673 = vector.extract %slice3A_672[0] : i32 from vector<1xi32>
      %slice3A_674 = vector.extract_strided_slice %select_n3A_411 {offsets = [11], sizes = [1], strides = [1]} : vector<16xi32> to vector<1xi32>
      %squeeze3A_675 = vector.extract %slice3A_674[0] : i32 from vector<1xi32>
      %slice3A_676 = vector.extract_strided_slice %select_n3A_421 {offsets = [11], sizes = [1], strides = [1]} : vector<16xi32> to vector<1xi32>
      %squeeze3A_677 = vector.extract %slice3A_676[0] : i32 from vector<1xi32>
      %slice3A_678 = vector.extract_strided_slice %select_n3A_431 {offsets = [11], sizes = [1], strides = [1]} : vector<16xi32> to vector<1xi32>
      %squeeze3A_679 = vector.extract %slice3A_678[0] : i32 from vector<1xi32>
      %scan3A_680 = arith.constant 0 : i32
      %scan3A_681 = arith.constant 8 : i32
      %scan3A_682 = arith.addi %scan3A_680, %scan3A_681 : i32
      %scan3A_683 = arith.constant 2 : i32
      scf.for %scan3A_779 = %scan3A_680 to %scan3A_682 step %scan3A_683  : i32 {
        %mul3A_780 = arith.constant 16 : i32
        %mul3A_781 = arith.muli %scan3A_779, %mul3A_780 : i32
        %get3A_782 = arith.index_cast %squeeze3A_669 : i32 to index
        %get3A_783 = arith.index_cast %mul3A_781 : i32 to index
        %get3A_784 = tpu.vector_load %arg6[%get3A_782, %get3A_783] {strides = array<i32>} : memref<720x128xi32, #tpu.memory_space<vmem>>, vector<16xi32>,
        %bitcast3A = vector.bitcast %get3A_784 : vector<16xi32> to vector<32xbf16>
        %get3A_785 = arith.index_cast %squeeze3A_671 : i32 to index
        %get3A_786 = arith.index_cast %mul3A_781 : i32 to index
        %get3A_787 = tpu.vector_load %arg6[%get3A_785, %get3A_786] {strides = array<i32>} : memref<720x128xi32, #tpu.memory_space<vmem>>, vector<16xi32>,
        %bitcast3A_788 = vector.bitcast %get3A_787 : vector<16xi32> to vector<32xbf16>
        %get3A_789 = arith.index_cast %squeeze3A_673 : i32 to index
        %get3A_790 = arith.index_cast %mul3A_781 : i32 to index
        %get3A_791 = tpu.vector_load %arg6[%get3A_789, %get3A_790] {strides = array<i32>} : memref<720x128xi32, #tpu.memory_space<vmem>>, vector<16xi32>,
        %bitcast3A_792 = vector.bitcast %get3A_791 : vector<16xi32> to vector<32xbf16>
        %get3A_793 = arith.index_cast %squeeze3A_675 : i32 to index
        %get3A_794 = arith.index_cast %mul3A_781 : i32 to index
        %get3A_795 = tpu.vector_load %arg6[%get3A_793, %get3A_794] {strides = array<i32>} : memref<720x128xi32, #tpu.memory_space<vmem>>, vector<16xi32>,
        %bitcast3A_796 = vector.bitcast %get3A_795 : vector<16xi32> to vector<32xbf16>
        %get3A_797 = arith.index_cast %squeeze3A_677 : i32 to index
        %get3A_798 = arith.index_cast %mul3A_781 : i32 to index
        %get3A_799 = tpu.vector_load %arg6[%get3A_797, %get3A_798] {strides = array<i32>} : memref<720x128xi32, #tpu.memory_space<vmem>>, vector<16xi32>,
        %bitcast3A_800 = vector.bitcast %get3A_799 : vector<16xi32> to vector<32xbf16>
        %get3A_801 = arith.index_cast %squeeze3A_679 : i32 to index
        %get3A_802 = arith.index_cast %mul3A_781 : i32 to index
        %get3A_803 = tpu.vector_load %arg6[%get3A_801, %get3A_802] {strides = array<i32>} : memref<720x128xi32, #tpu.memory_space<vmem>>, vector<16xi32>,
        %bitcast3A_804 = vector.bitcast %get3A_803 : vector<16xi32> to vector<32xbf16>
        %add3A_805 = arith.addf %bitcast3A, %bitcast3A_788 : vector<32xbf16>
        %add3A_806 = arith.addf %add3A_805, %bitcast3A_792 : vector<32xbf16>
        %max3A = arith.maximumf %add3A_806, %broadcast_in_dim3A_3 : vector<32xbf16>
        %add3A_807 = arith.addf %bitcast3A_796, %bitcast3A_800 : vector<32xbf16>
        %add3A_808 = arith.addf %add3A_807, %bitcast3A_804 : vector<32xbf16>
        %max3A_809 = arith.maximumf %add3A_808, %broadcast_in_dim3A_3 : vector<32xbf16>
        %bitcast3A_810 = vector.bitcast %max3A : vector<32xbf16> to vector<16xi32>
        %swap3A = arith.index_cast %add3A_667 : i32 to index
        %swap3A_811 = arith.index_cast %mul3A_781 : i32 to index
        %swap3A_812 = tpu.vector_load %arg9[%swap3A, %swap3A_811] {strides = array<i32>} : memref<48x256xi32, #tpu.memory_space<vmem>>, vector<16xi32>,
        tpu.vector_store %arg9[%swap3A, %swap3A_811], %bitcast3A_810 {strides = array<i32>} : memref<48x256xi32, #tpu.memory_space<vmem>>, vector<16xi32>,
        %bitcast3A_813 = vector.bitcast %max3A_809 : vector<32xbf16> to vector<16xi32>
        %mul3A_814 = arith.constant 16 : i32
        %mul3A_815 = arith.muli %scan3A_779, %mul3A_814 : i32
        %add3A_816 = arith.constant 128 : i32
        %add3A_817 = arith.addi %add3A_816, %mul3A_815 : i32
        %swap3A_818 = arith.index_cast %add3A_667 : i32 to index
        %swap3A_819 = arith.index_cast %add3A_817 : i32 to index
        %swap3A_820 = tpu.vector_load %arg9[%swap3A_818, %swap3A_819] {strides = array<i32>} : memref<48x256xi32, #tpu.memory_space<vmem>>, vector<16xi32>,
        tpu.vector_store %arg9[%swap3A_818, %swap3A_819], %bitcast3A_813 {strides = array<i32>} : memref<48x256xi32, #tpu.memory_space<vmem>>, vector<16xi32>,
        %scan3A_821 = arith.constant 1 : i32
        %scan3A_822 = arith.addi %scan3A_779, %scan3A_821 : i32
        %mul3A_823 = arith.constant 16 : i32
        %mul3A_824 = arith.muli %scan3A_822, %mul3A_823 : i32
        %get3A_825 = arith.index_cast %squeeze3A_669 : i32 to index
        %get3A_826 = arith.index_cast %mul3A_824 : i32 to index
        %get3A_827 = tpu.vector_load %arg6[%get3A_825, %get3A_826] {strides = array<i32>} : memref<720x128xi32, #tpu.memory_space<vmem>>, vector<16xi32>,
        %bitcast3A_828 = vector.bitcast %get3A_827 : vector<16xi32> to vector<32xbf16>
        %get3A_829 = arith.index_cast %squeeze3A_671 : i32 to index
        %get3A_830 = arith.index_cast %mul3A_824 : i32 to index
        %get3A_831 = tpu.vector_load %arg6[%get3A_829, %get3A_830] {strides = array<i32>} : memref<720x128xi32, #tpu.memory_space<vmem>>, vector<16xi32>,
        %bitcast3A_832 = vector.bitcast %get3A_831 : vector<16xi32> to vector<32xbf16>
        %get3A_833 = arith.index_cast %squeeze3A_673 : i32 to index
        %get3A_834 = arith.index_cast %mul3A_824 : i32 to index
        %get3A_835 = tpu.vector_load %arg6[%get3A_833, %get3A_834] {strides = array<i32>} : memref<720x128xi32, #tpu.memory_space<vmem>>, vector<16xi32>,
        %bitcast3A_836 = vector.bitcast %get3A_835 : vector<16xi32> to vector<32xbf16>
        %get3A_837 = arith.index_cast %squeeze3A_675 : i32 to index
        %get3A_838 = arith.index_cast %mul3A_824 : i32 to index
        %get3A_839 = tpu.vector_load %arg6[%get3A_837, %get3A_838] {strides = array<i32>} : memref<720x128xi32, #tpu.memory_space<vmem>>, vector<16xi32>,
        %bitcast3A_840 = vector.bitcast %get3A_839 : vector<16xi32> to vector<32xbf16>
        %get3A_841 = arith.index_cast %squeeze3A_677 : i32 to index
        %get3A_842 = arith.index_cast %mul3A_824 : i32 to index
        %get3A_843 = tpu.vector_load %arg6[%get3A_841, %get3A_842] {strides = array<i32>} : memref<720x128xi32, #tpu.memory_space<vmem>>, vector<16xi32>,
        %bitcast3A_844 = vector.bitcast %get3A_843 : vector<16xi32> to vector<32xbf16>
        %get3A_845 = arith.index_cast %squeeze3A_679 : i32 to index
        %get3A_846 = arith.index_cast %mul3A_824 : i32 to index
        %get3A_847 = tpu.vector_load %arg6[%get3A_845, %get3A_846] {strides = array<i32>} : memref<720x128xi32, #tpu.memory_space<vmem>>, vector<16xi32>,
        %bitcast3A_848 = vector.bitcast %get3A_847 : vector<16xi32> to vector<32xbf16>
        %add3A_849 = arith.addf %bitcast3A_828, %bitcast3A_832 : vector<32xbf16>
        %add3A_850 = arith.addf %add3A_849, %bitcast3A_836 : vector<32xbf16>
        %max3A_851 = arith.maximumf %add3A_850, %broadcast_in_dim3A_3 : vector<32xbf16>
        %add3A_852 = arith.addf %bitcast3A_840, %bitcast3A_844 : vector<32xbf16>
        %add3A_853 = arith.addf %add3A_852, %bitcast3A_848 : vector<32xbf16>
        %max3A_854 = arith.maximumf %add3A_853, %broadcast_in_dim3A_3 : vector<32xbf16>
        %bitcast3A_855 = vector.bitcast %max3A_851 : vector<32xbf16> to vector<16xi32>
        %swap3A_856 = arith.index_cast %add3A_667 : i32 to index
        %swap3A_857 = arith.index_cast %mul3A_824 : i32 to index
        %swap3A_858 = tpu.vector_load %arg9[%swap3A_856, %swap3A_857] {strides = array<i32>} : memref<48x256xi32, #tpu.memory_space<vmem>>, vector<16xi32>,
        tpu.vector_store %arg9[%swap3A_856, %swap3A_857], %bitcast3A_855 {strides = array<i32>} : memref<48x256xi32, #tpu.memory_space<vmem>>, vector<16xi32>,
        %bitcast3A_859 = vector.bitcast %max3A_854 : vector<32xbf16> to vector<16xi32>
        %mul3A_860 = arith.constant 16 : i32
        %mul3A_861 = arith.muli %scan3A_822, %mul3A_860 : i32
        %add3A_862 = arith.constant 128 : i32
        %add3A_863 = arith.addi %add3A_862, %mul3A_861 : i32
        %swap3A_864 = arith.index_cast %add3A_667 : i32 to index
        %swap3A_865 = arith.index_cast %add3A_863 : i32 to index
        %swap3A_866 = tpu.vector_load %arg9[%swap3A_864, %swap3A_865] {strides = array<i32>} : memref<48x256xi32, #tpu.memory_space<vmem>>, vector<16xi32>,
        tpu.vector_store %arg9[%swap3A_864, %swap3A_865], %bitcast3A_859 {strides = array<i32>} : memref<48x256xi32, #tpu.memory_space<vmem>>, vector<16xi32>,
      }
      %scan3A_684 = arith.constant 8 : i32
      %mul3A_685 = arith.constant 16 : i32
      %mul3A_686 = arith.muli %select_n3A_58, %mul3A_685 : i32
      %add3A_687 = arith.constant 12 : i32
      %add3A_688 = arith.addi %mul3A_686, %add3A_687 : i32
      %slice3A_689 = vector.extract_strided_slice %select_n3A_406 {offsets = [12], sizes = [1], strides = [1]} : vector<16xi32> to vector<1xi32>
      %squeeze3A_690 = vector.extract %slice3A_689[0] : i32 from vector<1xi32>
      %slice3A_691 = vector.extract_strided_slice %select_n3A_416 {offsets = [12], sizes = [1], strides = [1]} : vector<16xi32> to vector<1xi32>
      %squeeze3A_692 = vector.extract %slice3A_691[0] : i32 from vector<1xi32>
      %slice3A_693 = vector.extract_strided_slice %select_n3A_426 {offsets = [12], sizes = [1], strides = [1]} : vector<16xi32> to vector<1xi32>
      %squeeze3A_694 = vector.extract %slice3A_693[0] : i32 from vector<1xi32>
      %slice3A_695 = vector.extract_strided_slice %select_n3A_411 {offsets = [12], sizes = [1], strides = [1]} : vector<16xi32> to vector<1xi32>
      %squeeze3A_696 = vector.extract %slice3A_695[0] : i32 from vector<1xi32>
      %slice3A_697 = vector.extract_strided_slice %select_n3A_421 {offsets = [12], sizes = [1], strides = [1]} : vector<16xi32> to vector<1xi32>
      %squeeze3A_698 = vector.extract %slice3A_697[0] : i32 from vector<1xi32>
      %slice3A_699 = vector.extract_strided_slice %select_n3A_431 {offsets = [12], sizes = [1], strides = [1]} : vector<16xi32> to vector<1xi32>
      %squeeze3A_700 = vector.extract %slice3A_699[0] : i32 from vector<1xi32>
      %scan3A_701 = arith.constant 0 : i32
      %scan3A_702 = arith.constant 8 : i32
      %scan3A_703 = arith.addi %scan3A_701, %scan3A_702 : i32
      %scan3A_704 = arith.constant 2 : i32
      scf.for %scan3A_779 = %scan3A_701 to %scan3A_703 step %scan3A_704  : i32 {
        %mul3A_780 = arith.constant 16 : i32
        %mul3A_781 = arith.muli %scan3A_779, %mul3A_780 : i32
        %get3A_782 = arith.index_cast %squeeze3A_690 : i32 to index
        %get3A_783 = arith.index_cast %mul3A_781 : i32 to index
        %get3A_784 = tpu.vector_load %arg6[%get3A_782, %get3A_783] {strides = array<i32>} : memref<720x128xi32, #tpu.memory_space<vmem>>, vector<16xi32>,
        %bitcast3A = vector.bitcast %get3A_784 : vector<16xi32> to vector<32xbf16>
        %get3A_785 = arith.index_cast %squeeze3A_692 : i32 to index
        %get3A_786 = arith.index_cast %mul3A_781 : i32 to index
        %get3A_787 = tpu.vector_load %arg6[%get3A_785, %get3A_786] {strides = array<i32>} : memref<720x128xi32, #tpu.memory_space<vmem>>, vector<16xi32>,
        %bitcast3A_788 = vector.bitcast %get3A_787 : vector<16xi32> to vector<32xbf16>
        %get3A_789 = arith.index_cast %squeeze3A_694 : i32 to index
        %get3A_790 = arith.index_cast %mul3A_781 : i32 to index
        %get3A_791 = tpu.vector_load %arg6[%get3A_789, %get3A_790] {strides = array<i32>} : memref<720x128xi32, #tpu.memory_space<vmem>>, vector<16xi32>,
        %bitcast3A_792 = vector.bitcast %get3A_791 : vector<16xi32> to vector<32xbf16>
        %get3A_793 = arith.index_cast %squeeze3A_696 : i32 to index
        %get3A_794 = arith.index_cast %mul3A_781 : i32 to index
        %get3A_795 = tpu.vector_load %arg6[%get3A_793, %get3A_794] {strides = array<i32>} : memref<720x128xi32, #tpu.memory_space<vmem>>, vector<16xi32>,
        %bitcast3A_796 = vector.bitcast %get3A_795 : vector<16xi32> to vector<32xbf16>
        %get3A_797 = arith.index_cast %squeeze3A_698 : i32 to index
        %get3A_798 = arith.index_cast %mul3A_781 : i32 to index
        %get3A_799 = tpu.vector_load %arg6[%get3A_797, %get3A_798] {strides = array<i32>} : memref<720x128xi32, #tpu.memory_space<vmem>>, vector<16xi32>,
        %bitcast3A_800 = vector.bitcast %get3A_799 : vector<16xi32> to vector<32xbf16>
        %get3A_801 = arith.index_cast %squeeze3A_700 : i32 to index
        %get3A_802 = arith.index_cast %mul3A_781 : i32 to index
        %get3A_803 = tpu.vector_load %arg6[%get3A_801, %get3A_802] {strides = array<i32>} : memref<720x128xi32, #tpu.memory_space<vmem>>, vector<16xi32>,
        %bitcast3A_804 = vector.bitcast %get3A_803 : vector<16xi32> to vector<32xbf16>
        %add3A_805 = arith.addf %bitcast3A, %bitcast3A_788 : vector<32xbf16>
        %add3A_806 = arith.addf %add3A_805, %bitcast3A_792 : vector<32xbf16>
        %max3A = arith.maximumf %add3A_806, %broadcast_in_dim3A_3 : vector<32xbf16>
        %add3A_807 = arith.addf %bitcast3A_796, %bitcast3A_800 : vector<32xbf16>
        %add3A_808 = arith.addf %add3A_807, %bitcast3A_804 : vector<32xbf16>
        %max3A_809 = arith.maximumf %add3A_808, %broadcast_in_dim3A_3 : vector<32xbf16>
        %bitcast3A_810 = vector.bitcast %max3A : vector<32xbf16> to vector<16xi32>
        %swap3A = arith.index_cast %add3A_688 : i32 to index
        %swap3A_811 = arith.index_cast %mul3A_781 : i32 to index
        %swap3A_812 = tpu.vector_load %arg9[%swap3A, %swap3A_811] {strides = array<i32>} : memref<48x256xi32, #tpu.memory_space<vmem>>, vector<16xi32>,
        tpu.vector_store %arg9[%swap3A, %swap3A_811], %bitcast3A_810 {strides = array<i32>} : memref<48x256xi32, #tpu.memory_space<vmem>>, vector<16xi32>,
        %bitcast3A_813 = vector.bitcast %max3A_809 : vector<32xbf16> to vector<16xi32>
        %mul3A_814 = arith.constant 16 : i32
        %mul3A_815 = arith.muli %scan3A_779, %mul3A_814 : i32
        %add3A_816 = arith.constant 128 : i32
        %add3A_817 = arith.addi %add3A_816, %mul3A_815 : i32
        %swap3A_818 = arith.index_cast %add3A_688 : i32 to index
        %swap3A_819 = arith.index_cast %add3A_817 : i32 to index
        %swap3A_820 = tpu.vector_load %arg9[%swap3A_818, %swap3A_819] {strides = array<i32>} : memref<48x256xi32, #tpu.memory_space<vmem>>, vector<16xi32>,
        tpu.vector_store %arg9[%swap3A_818, %swap3A_819], %bitcast3A_813 {strides = array<i32>} : memref<48x256xi32, #tpu.memory_space<vmem>>, vector<16xi32>,
        %scan3A_821 = arith.constant 1 : i32
        %scan3A_822 = arith.addi %scan3A_779, %scan3A_821 : i32
        %mul3A_823 = arith.constant 16 : i32
        %mul3A_824 = arith.muli %scan3A_822, %mul3A_823 : i32
        %get3A_825 = arith.index_cast %squeeze3A_690 : i32 to index
        %get3A_826 = arith.index_cast %mul3A_824 : i32 to index
        %get3A_827 = tpu.vector_load %arg6[%get3A_825, %get3A_826] {strides = array<i32>} : memref<720x128xi32, #tpu.memory_space<vmem>>, vector<16xi32>,
        %bitcast3A_828 = vector.bitcast %get3A_827 : vector<16xi32> to vector<32xbf16>
        %get3A_829 = arith.index_cast %squeeze3A_692 : i32 to index
        %get3A_830 = arith.index_cast %mul3A_824 : i32 to index
        %get3A_831 = tpu.vector_load %arg6[%get3A_829, %get3A_830] {strides = array<i32>} : memref<720x128xi32, #tpu.memory_space<vmem>>, vector<16xi32>,
        %bitcast3A_832 = vector.bitcast %get3A_831 : vector<16xi32> to vector<32xbf16>
        %get3A_833 = arith.index_cast %squeeze3A_694 : i32 to index
        %get3A_834 = arith.index_cast %mul3A_824 : i32 to index
        %get3A_835 = tpu.vector_load %arg6[%get3A_833, %get3A_834] {strides = array<i32>} : memref<720x128xi32, #tpu.memory_space<vmem>>, vector<16xi32>,
        %bitcast3A_836 = vector.bitcast %get3A_835 : vector<16xi32> to vector<32xbf16>
        %get3A_837 = arith.index_cast %squeeze3A_696 : i32 to index
        %get3A_838 = arith.index_cast %mul3A_824 : i32 to index
        %get3A_839 = tpu.vector_load %arg6[%get3A_837, %get3A_838] {strides = array<i32>} : memref<720x128xi32, #tpu.memory_space<vmem>>, vector<16xi32>,
        %bitcast3A_840 = vector.bitcast %get3A_839 : vector<16xi32> to vector<32xbf16>
        %get3A_841 = arith.index_cast %squeeze3A_698 : i32 to index
        %get3A_842 = arith.index_cast %mul3A_824 : i32 to index
        %get3A_843 = tpu.vector_load %arg6[%get3A_841, %get3A_842] {strides = array<i32>} : memref<720x128xi32, #tpu.memory_space<vmem>>, vector<16xi32>,
        %bitcast3A_844 = vector.bitcast %get3A_843 : vector<16xi32> to vector<32xbf16>
        %get3A_845 = arith.index_cast %squeeze3A_700 : i32 to index
        %get3A_846 = arith.index_cast %mul3A_824 : i32 to index
        %get3A_847 = tpu.vector_load %arg6[%get3A_845, %get3A_846] {strides = array<i32>} : memref<720x128xi32, #tpu.memory_space<vmem>>, vector<16xi32>,
        %bitcast3A_848 = vector.bitcast %get3A_847 : vector<16xi32> to vector<32xbf16>
        %add3A_849 = arith.addf %bitcast3A_828, %bitcast3A_832 : vector<32xbf16>
        %add3A_850 = arith.addf %add3A_849, %bitcast3A_836 : vector<32xbf16>
        %max3A_851 = arith.maximumf %add3A_850, %broadcast_in_dim3A_3 : vector<32xbf16>
        %add3A_852 = arith.addf %bitcast3A_840, %bitcast3A_844 : vector<32xbf16>
        %add3A_853 = arith.addf %add3A_852, %bitcast3A_848 : vector<32xbf16>
        %max3A_854 = arith.maximumf %add3A_853, %broadcast_in_dim3A_3 : vector<32xbf16>
        %bitcast3A_855 = vector.bitcast %max3A_851 : vector<32xbf16> to vector<16xi32>
        %swap3A_856 = arith.index_cast %add3A_688 : i32 to index
        %swap3A_857 = arith.index_cast %mul3A_824 : i32 to index
        %swap3A_858 = tpu.vector_load %arg9[%swap3A_856, %swap3A_857] {strides = array<i32>} : memref<48x256xi32, #tpu.memory_space<vmem>>, vector<16xi32>,
        tpu.vector_store %arg9[%swap3A_856, %swap3A_857], %bitcast3A_855 {strides = array<i32>} : memref<48x256xi32, #tpu.memory_space<vmem>>, vector<16xi32>,
        %bitcast3A_859 = vector.bitcast %max3A_854 : vector<32xbf16> to vector<16xi32>
        %mul3A_860 = arith.constant 16 : i32
        %mul3A_861 = arith.muli %scan3A_822, %mul3A_860 : i32
        %add3A_862 = arith.constant 128 : i32
        %add3A_863 = arith.addi %add3A_862, %mul3A_861 : i32
        %swap3A_864 = arith.index_cast %add3A_688 : i32 to index
        %swap3A_865 = arith.index_cast %add3A_863 : i32 to index
        %swap3A_866 = tpu.vector_load %arg9[%swap3A_864, %swap3A_865] {strides = array<i32>} : memref<48x256xi32, #tpu.memory_space<vmem>>, vector<16xi32>,
        tpu.vector_store %arg9[%swap3A_864, %swap3A_865], %bitcast3A_859 {strides = array<i32>} : memref<48x256xi32, #tpu.memory_space<vmem>>, vector<16xi32>,
      }
      %scan3A_705 = arith.constant 8 : i32
      %mul3A_706 = arith.constant 16 : i32
      %mul3A_707 = arith.muli %select_n3A_58, %mul3A_706 : i32
      %add3A_708 = arith.constant 13 : i32
      %add3A_709 = arith.addi %mul3A_707, %add3A_708 : i32
      %slice3A_710 = vector.extract_strided_slice %select_n3A_406 {offsets = [13], sizes = [1], strides = [1]} : vector<16xi32> to vector<1xi32>
      %squeeze3A_711 = vector.extract %slice3A_710[0] : i32 from vector<1xi32>
      %slice3A_712 = vector.extract_strided_slice %select_n3A_416 {offsets = [13], sizes = [1], strides = [1]} : vector<16xi32> to vector<1xi32>
      %squeeze3A_713 = vector.extract %slice3A_712[0] : i32 from vector<1xi32>
      %slice3A_714 = vector.extract_strided_slice %select_n3A_426 {offsets = [13], sizes = [1], strides = [1]} : vector<16xi32> to vector<1xi32>
      %squeeze3A_715 = vector.extract %slice3A_714[0] : i32 from vector<1xi32>
      %slice3A_716 = vector.extract_strided_slice %select_n3A_411 {offsets = [13], sizes = [1], strides = [1]} : vector<16xi32> to vector<1xi32>
      %squeeze3A_717 = vector.extract %slice3A_716[0] : i32 from vector<1xi32>
      %slice3A_718 = vector.extract_strided_slice %select_n3A_421 {offsets = [13], sizes = [1], strides = [1]} : vector<16xi32> to vector<1xi32>
      %squeeze3A_719 = vector.extract %slice3A_718[0] : i32 from vector<1xi32>
      %slice3A_720 = vector.extract_strided_slice %select_n3A_431 {offsets = [13], sizes = [1], strides = [1]} : vector<16xi32> to vector<1xi32>
      %squeeze3A_721 = vector.extract %slice3A_720[0] : i32 from vector<1xi32>
      %scan3A_722 = arith.constant 0 : i32
      %scan3A_723 = arith.constant 8 : i32
      %scan3A_724 = arith.addi %scan3A_722, %scan3A_723 : i32
      %scan3A_725 = arith.constant 2 : i32
      scf.for %scan3A_779 = %scan3A_722 to %scan3A_724 step %scan3A_725  : i32 {
        %mul3A_780 = arith.constant 16 : i32
        %mul3A_781 = arith.muli %scan3A_779, %mul3A_780 : i32
        %get3A_782 = arith.index_cast %squeeze3A_711 : i32 to index
        %get3A_783 = arith.index_cast %mul3A_781 : i32 to index
        %get3A_784 = tpu.vector_load %arg6[%get3A_782, %get3A_783] {strides = array<i32>} : memref<720x128xi32, #tpu.memory_space<vmem>>, vector<16xi32>,
        %bitcast3A = vector.bitcast %get3A_784 : vector<16xi32> to vector<32xbf16>
        %get3A_785 = arith.index_cast %squeeze3A_713 : i32 to index
        %get3A_786 = arith.index_cast %mul3A_781 : i32 to index
        %get3A_787 = tpu.vector_load %arg6[%get3A_785, %get3A_786] {strides = array<i32>} : memref<720x128xi32, #tpu.memory_space<vmem>>, vector<16xi32>,
        %bitcast3A_788 = vector.bitcast %get3A_787 : vector<16xi32> to vector<32xbf16>
        %get3A_789 = arith.index_cast %squeeze3A_715 : i32 to index
        %get3A_790 = arith.index_cast %mul3A_781 : i32 to index
        %get3A_791 = tpu.vector_load %arg6[%get3A_789, %get3A_790] {strides = array<i32>} : memref<720x128xi32, #tpu.memory_space<vmem>>, vector<16xi32>,
        %bitcast3A_792 = vector.bitcast %get3A_791 : vector<16xi32> to vector<32xbf16>
        %get3A_793 = arith.index_cast %squeeze3A_717 : i32 to index
        %get3A_794 = arith.index_cast %mul3A_781 : i32 to index
        %get3A_795 = tpu.vector_load %arg6[%get3A_793, %get3A_794] {strides = array<i32>} : memref<720x128xi32, #tpu.memory_space<vmem>>, vector<16xi32>,
        %bitcast3A_796 = vector.bitcast %get3A_795 : vector<16xi32> to vector<32xbf16>
        %get3A_797 = arith.index_cast %squeeze3A_719 : i32 to index
        %get3A_798 = arith.index_cast %mul3A_781 : i32 to index
        %get3A_799 = tpu.vector_load %arg6[%get3A_797, %get3A_798] {strides = array<i32>} : memref<720x128xi32, #tpu.memory_space<vmem>>, vector<16xi32>,
        %bitcast3A_800 = vector.bitcast %get3A_799 : vector<16xi32> to vector<32xbf16>
        %get3A_801 = arith.index_cast %squeeze3A_721 : i32 to index
        %get3A_802 = arith.index_cast %mul3A_781 : i32 to index
        %get3A_803 = tpu.vector_load %arg6[%get3A_801, %get3A_802] {strides = array<i32>} : memref<720x128xi32, #tpu.memory_space<vmem>>, vector<16xi32>,
        %bitcast3A_804 = vector.bitcast %get3A_803 : vector<16xi32> to vector<32xbf16>
        %add3A_805 = arith.addf %bitcast3A, %bitcast3A_788 : vector<32xbf16>
        %add3A_806 = arith.addf %add3A_805, %bitcast3A_792 : vector<32xbf16>
        %max3A = arith.maximumf %add3A_806, %broadcast_in_dim3A_3 : vector<32xbf16>
        %add3A_807 = arith.addf %bitcast3A_796, %bitcast3A_800 : vector<32xbf16>
        %add3A_808 = arith.addf %add3A_807, %bitcast3A_804 : vector<32xbf16>
        %max3A_809 = arith.maximumf %add3A_808, %broadcast_in_dim3A_3 : vector<32xbf16>
        %bitcast3A_810 = vector.bitcast %max3A : vector<32xbf16> to vector<16xi32>
        %swap3A = arith.index_cast %add3A_709 : i32 to index
        %swap3A_811 = arith.index_cast %mul3A_781 : i32 to index
        %swap3A_812 = tpu.vector_load %arg9[%swap3A, %swap3A_811] {strides = array<i32>} : memref<48x256xi32, #tpu.memory_space<vmem>>, vector<16xi32>,
        tpu.vector_store %arg9[%swap3A, %swap3A_811], %bitcast3A_810 {strides = array<i32>} : memref<48x256xi32, #tpu.memory_space<vmem>>, vector<16xi32>,
        %bitcast3A_813 = vector.bitcast %max3A_809 : vector<32xbf16> to vector<16xi32>
        %mul3A_814 = arith.constant 16 : i32
        %mul3A_815 = arith.muli %scan3A_779, %mul3A_814 : i32
        %add3A_816 = arith.constant 128 : i32
        %add3A_817 = arith.addi %add3A_816, %mul3A_815 : i32
        %swap3A_818 = arith.index_cast %add3A_709 : i32 to index
        %swap3A_819 = arith.index_cast %add3A_817 : i32 to index
        %swap3A_820 = tpu.vector_load %arg9[%swap3A_818, %swap3A_819] {strides = array<i32>} : memref<48x256xi32, #tpu.memory_space<vmem>>, vector<16xi32>,
        tpu.vector_store %arg9[%swap3A_818, %swap3A_819], %bitcast3A_813 {strides = array<i32>} : memref<48x256xi32, #tpu.memory_space<vmem>>, vector<16xi32>,
        %scan3A_821 = arith.constant 1 : i32
        %scan3A_822 = arith.addi %scan3A_779, %scan3A_821 : i32
        %mul3A_823 = arith.constant 16 : i32
        %mul3A_824 = arith.muli %scan3A_822, %mul3A_823 : i32
        %get3A_825 = arith.index_cast %squeeze3A_711 : i32 to index
        %get3A_826 = arith.index_cast %mul3A_824 : i32 to index
        %get3A_827 = tpu.vector_load %arg6[%get3A_825, %get3A_826] {strides = array<i32>} : memref<720x128xi32, #tpu.memory_space<vmem>>, vector<16xi32>,
        %bitcast3A_828 = vector.bitcast %get3A_827 : vector<16xi32> to vector<32xbf16>
        %get3A_829 = arith.index_cast %squeeze3A_713 : i32 to index
        %get3A_830 = arith.index_cast %mul3A_824 : i32 to index
        %get3A_831 = tpu.vector_load %arg6[%get3A_829, %get3A_830] {strides = array<i32>} : memref<720x128xi32, #tpu.memory_space<vmem>>, vector<16xi32>,
        %bitcast3A_832 = vector.bitcast %get3A_831 : vector<16xi32> to vector<32xbf16>
        %get3A_833 = arith.index_cast %squeeze3A_715 : i32 to index
        %get3A_834 = arith.index_cast %mul3A_824 : i32 to index
        %get3A_835 = tpu.vector_load %arg6[%get3A_833, %get3A_834] {strides = array<i32>} : memref<720x128xi32, #tpu.memory_space<vmem>>, vector<16xi32>,
        %bitcast3A_836 = vector.bitcast %get3A_835 : vector<16xi32> to vector<32xbf16>
        %get3A_837 = arith.index_cast %squeeze3A_717 : i32 to index
        %get3A_838 = arith.index_cast %mul3A_824 : i32 to index
        %get3A_839 = tpu.vector_load %arg6[%get3A_837, %get3A_838] {strides = array<i32>} : memref<720x128xi32, #tpu.memory_space<vmem>>, vector<16xi32>,
        %bitcast3A_840 = vector.bitcast %get3A_839 : vector<16xi32> to vector<32xbf16>
        %get3A_841 = arith.index_cast %squeeze3A_719 : i32 to index
        %get3A_842 = arith.index_cast %mul3A_824 : i32 to index
        %get3A_843 = tpu.vector_load %arg6[%get3A_841, %get3A_842] {strides = array<i32>} : memref<720x128xi32, #tpu.memory_space<vmem>>, vector<16xi32>,
        %bitcast3A_844 = vector.bitcast %get3A_843 : vector<16xi32> to vector<32xbf16>
        %get3A_845 = arith.index_cast %squeeze3A_721 : i32 to index
        %get3A_846 = arith.index_cast %mul3A_824 : i32 to index
        %get3A_847 = tpu.vector_load %arg6[%get3A_845, %get3A_846] {strides = array<i32>} : memref<720x128xi32, #tpu.memory_space<vmem>>, vector<16xi32>,
        %bitcast3A_848 = vector.bitcast %get3A_847 : vector<16xi32> to vector<32xbf16>
        %add3A_849 = arith.addf %bitcast3A_828, %bitcast3A_832 : vector<32xbf16>
        %add3A_850 = arith.addf %add3A_849, %bitcast3A_836 : vector<32xbf16>
        %max3A_851 = arith.maximumf %add3A_850, %broadcast_in_dim3A_3 : vector<32xbf16>
        %add3A_852 = arith.addf %bitcast3A_840, %bitcast3A_844 : vector<32xbf16>
        %add3A_853 = arith.addf %add3A_852, %bitcast3A_848 : vector<32xbf16>
        %max3A_854 = arith.maximumf %add3A_853, %broadcast_in_dim3A_3 : vector<32xbf16>
        %bitcast3A_855 = vector.bitcast %max3A_851 : vector<32xbf16> to vector<16xi32>
        %swap3A_856 = arith.index_cast %add3A_709 : i32 to index
        %swap3A_857 = arith.index_cast %mul3A_824 : i32 to index
        %swap3A_858 = tpu.vector_load %arg9[%swap3A_856, %swap3A_857] {strides = array<i32>} : memref<48x256xi32, #tpu.memory_space<vmem>>, vector<16xi32>,
        tpu.vector_store %arg9[%swap3A_856, %swap3A_857], %bitcast3A_855 {strides = array<i32>} : memref<48x256xi32, #tpu.memory_space<vmem>>, vector<16xi32>,
        %bitcast3A_859 = vector.bitcast %max3A_854 : vector<32xbf16> to vector<16xi32>
        %mul3A_860 = arith.constant 16 : i32
        %mul3A_861 = arith.muli %scan3A_822, %mul3A_860 : i32
        %add3A_862 = arith.constant 128 : i32
        %add3A_863 = arith.addi %add3A_862, %mul3A_861 : i32
        %swap3A_864 = arith.index_cast %add3A_709 : i32 to index
        %swap3A_865 = arith.index_cast %add3A_863 : i32 to index
        %swap3A_866 = tpu.vector_load %arg9[%swap3A_864, %swap3A_865] {strides = array<i32>} : memref<48x256xi32, #tpu.memory_space<vmem>>, vector<16xi32>,
        tpu.vector_store %arg9[%swap3A_864, %swap3A_865], %bitcast3A_859 {strides = array<i32>} : memref<48x256xi32, #tpu.memory_space<vmem>>, vector<16xi32>,
      }
      %scan3A_726 = arith.constant 8 : i32
      %mul3A_727 = arith.constant 16 : i32
      %mul3A_728 = arith.muli %select_n3A_58, %mul3A_727 : i32
      %add3A_729 = arith.constant 14 : i32
      %add3A_730 = arith.addi %mul3A_728, %add3A_729 : i32
      %slice3A_731 = vector.extract_strided_slice %select_n3A_406 {offsets = [14], sizes = [1], strides = [1]} : vector<16xi32> to vector<1xi32>
      %squeeze3A_732 = vector.extract %slice3A_731[0] : i32 from vector<1xi32>
      %slice3A_733 = vector.extract_strided_slice %select_n3A_416 {offsets = [14], sizes = [1], strides = [1]} : vector<16xi32> to vector<1xi32>
      %squeeze3A_734 = vector.extract %slice3A_733[0] : i32 from vector<1xi32>
      %slice3A_735 = vector.extract_strided_slice %select_n3A_426 {offsets = [14], sizes = [1], strides = [1]} : vector<16xi32> to vector<1xi32>
      %squeeze3A_736 = vector.extract %slice3A_735[0] : i32 from vector<1xi32>
      %slice3A_737 = vector.extract_strided_slice %select_n3A_411 {offsets = [14], sizes = [1], strides = [1]} : vector<16xi32> to vector<1xi32>
      %squeeze3A_738 = vector.extract %slice3A_737[0] : i32 from vector<1xi32>
      %slice3A_739 = vector.extract_strided_slice %select_n3A_421 {offsets = [14], sizes = [1], strides = [1]} : vector<16xi32> to vector<1xi32>
      %squeeze3A_740 = vector.extract %slice3A_739[0] : i32 from vector<1xi32>
      %slice3A_741 = vector.extract_strided_slice %select_n3A_431 {offsets = [14], sizes = [1], strides = [1]} : vector<16xi32> to vector<1xi32>
      %squeeze3A_742 = vector.extract %slice3A_741[0] : i32 from vector<1xi32>
      %scan3A_743 = arith.constant 0 : i32
      %scan3A_744 = arith.constant 8 : i32
      %scan3A_745 = arith.addi %scan3A_743, %scan3A_744 : i32
      %scan3A_746 = arith.constant 2 : i32
      scf.for %scan3A_779 = %scan3A_743 to %scan3A_745 step %scan3A_746  : i32 {
        %mul3A_780 = arith.constant 16 : i32
        %mul3A_781 = arith.muli %scan3A_779, %mul3A_780 : i32
        %get3A_782 = arith.index_cast %squeeze3A_732 : i32 to index
        %get3A_783 = arith.index_cast %mul3A_781 : i32 to index
        %get3A_784 = tpu.vector_load %arg6[%get3A_782, %get3A_783] {strides = array<i32>} : memref<720x128xi32, #tpu.memory_space<vmem>>, vector<16xi32>,
        %bitcast3A = vector.bitcast %get3A_784 : vector<16xi32> to vector<32xbf16>
        %get3A_785 = arith.index_cast %squeeze3A_734 : i32 to index
        %get3A_786 = arith.index_cast %mul3A_781 : i32 to index
        %get3A_787 = tpu.vector_load %arg6[%get3A_785, %get3A_786] {strides = array<i32>} : memref<720x128xi32, #tpu.memory_space<vmem>>, vector<16xi32>,
        %bitcast3A_788 = vector.bitcast %get3A_787 : vector<16xi32> to vector<32xbf16>
        %get3A_789 = arith.index_cast %squeeze3A_736 : i32 to index
        %get3A_790 = arith.index_cast %mul3A_781 : i32 to index
        %get3A_791 = tpu.vector_load %arg6[%get3A_789, %get3A_790] {strides = array<i32>} : memref<720x128xi32, #tpu.memory_space<vmem>>, vector<16xi32>,
        %bitcast3A_792 = vector.bitcast %get3A_791 : vector<16xi32> to vector<32xbf16>
        %get3A_793 = arith.index_cast %squeeze3A_738 : i32 to index
        %get3A_794 = arith.index_cast %mul3A_781 : i32 to index
        %get3A_795 = tpu.vector_load %arg6[%get3A_793, %get3A_794] {strides = array<i32>} : memref<720x128xi32, #tpu.memory_space<vmem>>, vector<16xi32>,
        %bitcast3A_796 = vector.bitcast %get3A_795 : vector<16xi32> to vector<32xbf16>
        %get3A_797 = arith.index_cast %squeeze3A_740 : i32 to index
        %get3A_798 = arith.index_cast %mul3A_781 : i32 to index
        %get3A_799 = tpu.vector_load %arg6[%get3A_797, %get3A_798] {strides = array<i32>} : memref<720x128xi32, #tpu.memory_space<vmem>>, vector<16xi32>,
        %bitcast3A_800 = vector.bitcast %get3A_799 : vector<16xi32> to vector<32xbf16>
        %get3A_801 = arith.index_cast %squeeze3A_742 : i32 to index
        %get3A_802 = arith.index_cast %mul3A_781 : i32 to index
        %get3A_803 = tpu.vector_load %arg6[%get3A_801, %get3A_802] {strides = array<i32>} : memref<720x128xi32, #tpu.memory_space<vmem>>, vector<16xi32>,
        %bitcast3A_804 = vector.bitcast %get3A_803 : vector<16xi32> to vector<32xbf16>
        %add3A_805 = arith.addf %bitcast3A, %bitcast3A_788 : vector<32xbf16>
        %add3A_806 = arith.addf %add3A_805, %bitcast3A_792 : vector<32xbf16>
        %max3A = arith.maximumf %add3A_806, %broadcast_in_dim3A_3 : vector<32xbf16>
        %add3A_807 = arith.addf %bitcast3A_796, %bitcast3A_800 : vector<32xbf16>
        %add3A_808 = arith.addf %add3A_807, %bitcast3A_804 : vector<32xbf16>
        %max3A_809 = arith.maximumf %add3A_808, %broadcast_in_dim3A_3 : vector<32xbf16>
        %bitcast3A_810 = vector.bitcast %max3A : vector<32xbf16> to vector<16xi32>
        %swap3A = arith.index_cast %add3A_730 : i32 to index
        %swap3A_811 = arith.index_cast %mul3A_781 : i32 to index
        %swap3A_812 = tpu.vector_load %arg9[%swap3A, %swap3A_811] {strides = array<i32>} : memref<48x256xi32, #tpu.memory_space<vmem>>, vector<16xi32>,
        tpu.vector_store %arg9[%swap3A, %swap3A_811], %bitcast3A_810 {strides = array<i32>} : memref<48x256xi32, #tpu.memory_space<vmem>>, vector<16xi32>,
        %bitcast3A_813 = vector.bitcast %max3A_809 : vector<32xbf16> to vector<16xi32>
        %mul3A_814 = arith.constant 16 : i32
        %mul3A_815 = arith.muli %scan3A_779, %mul3A_814 : i32
        %add3A_816 = arith.constant 128 : i32
        %add3A_817 = arith.addi %add3A_816, %mul3A_815 : i32
        %swap3A_818 = arith.index_cast %add3A_730 : i32 to index
        %swap3A_819 = arith.index_cast %add3A_817 : i32 to index
        %swap3A_820 = tpu.vector_load %arg9[%swap3A_818, %swap3A_819] {strides = array<i32>} : memref<48x256xi32, #tpu.memory_space<vmem>>, vector<16xi32>,
        tpu.vector_store %arg9[%swap3A_818, %swap3A_819], %bitcast3A_813 {strides = array<i32>} : memref<48x256xi32, #tpu.memory_space<vmem>>, vector<16xi32>,
        %scan3A_821 = arith.constant 1 : i32
        %scan3A_822 = arith.addi %scan3A_779, %scan3A_821 : i32
        %mul3A_823 = arith.constant 16 : i32
        %mul3A_824 = arith.muli %scan3A_822, %mul3A_823 : i32
        %get3A_825 = arith.index_cast %squeeze3A_732 : i32 to index
        %get3A_826 = arith.index_cast %mul3A_824 : i32 to index
        %get3A_827 = tpu.vector_load %arg6[%get3A_825, %get3A_826] {strides = array<i32>} : memref<720x128xi32, #tpu.memory_space<vmem>>, vector<16xi32>,
        %bitcast3A_828 = vector.bitcast %get3A_827 : vector<16xi32> to vector<32xbf16>
        %get3A_829 = arith.index_cast %squeeze3A_734 : i32 to index
        %get3A_830 = arith.index_cast %mul3A_824 : i32 to index
        %get3A_831 = tpu.vector_load %arg6[%get3A_829, %get3A_830] {strides = array<i32>} : memref<720x128xi32, #tpu.memory_space<vmem>>, vector<16xi32>,
        %bitcast3A_832 = vector.bitcast %get3A_831 : vector<16xi32> to vector<32xbf16>
        %get3A_833 = arith.index_cast %squeeze3A_736 : i32 to index
        %get3A_834 = arith.index_cast %mul3A_824 : i32 to index
        %get3A_835 = tpu.vector_load %arg6[%get3A_833, %get3A_834] {strides = array<i32>} : memref<720x128xi32, #tpu.memory_space<vmem>>, vector<16xi32>,
        %bitcast3A_836 = vector.bitcast %get3A_835 : vector<16xi32> to vector<32xbf16>
        %get3A_837 = arith.index_cast %squeeze3A_738 : i32 to index
        %get3A_838 = arith.index_cast %mul3A_824 : i32 to index
        %get3A_839 = tpu.vector_load %arg6[%get3A_837, %get3A_838] {strides = array<i32>} : memref<720x128xi32, #tpu.memory_space<vmem>>, vector<16xi32>,
        %bitcast3A_840 = vector.bitcast %get3A_839 : vector<16xi32> to vector<32xbf16>
        %get3A_841 = arith.index_cast %squeeze3A_740 : i32 to index
        %get3A_842 = arith.index_cast %mul3A_824 : i32 to index
        %get3A_843 = tpu.vector_load %arg6[%get3A_841, %get3A_842] {strides = array<i32>} : memref<720x128xi32, #tpu.memory_space<vmem>>, vector<16xi32>,
        %bitcast3A_844 = vector.bitcast %get3A_843 : vector<16xi32> to vector<32xbf16>
        %get3A_845 = arith.index_cast %squeeze3A_742 : i32 to index
        %get3A_846 = arith.index_cast %mul3A_824 : i32 to index
        %get3A_847 = tpu.vector_load %arg6[%get3A_845, %get3A_846] {strides = array<i32>} : memref<720x128xi32, #tpu.memory_space<vmem>>, vector<16xi32>,
        %bitcast3A_848 = vector.bitcast %get3A_847 : vector<16xi32> to vector<32xbf16>
        %add3A_849 = arith.addf %bitcast3A_828, %bitcast3A_832 : vector<32xbf16>
        %add3A_850 = arith.addf %add3A_849, %bitcast3A_836 : vector<32xbf16>
        %max3A_851 = arith.maximumf %add3A_850, %broadcast_in_dim3A_3 : vector<32xbf16>
        %add3A_852 = arith.addf %bitcast3A_840, %bitcast3A_844 : vector<32xbf16>
        %add3A_853 = arith.addf %add3A_852, %bitcast3A_848 : vector<32xbf16>
        %max3A_854 = arith.maximumf %add3A_853, %broadcast_in_dim3A_3 : vector<32xbf16>
        %bitcast3A_855 = vector.bitcast %max3A_851 : vector<32xbf16> to vector<16xi32>
        %swap3A_856 = arith.index_cast %add3A_730 : i32 to index
        %swap3A_857 = arith.index_cast %mul3A_824 : i32 to index
        %swap3A_858 = tpu.vector_load %arg9[%swap3A_856, %swap3A_857] {strides = array<i32>} : memref<48x256xi32, #tpu.memory_space<vmem>>, vector<16xi32>,
        tpu.vector_store %arg9[%swap3A_856, %swap3A_857], %bitcast3A_855 {strides = array<i32>} : memref<48x256xi32, #tpu.memory_space<vmem>>, vector<16xi32>,
        %bitcast3A_859 = vector.bitcast %max3A_854 : vector<32xbf16> to vector<16xi32>
        %mul3A_860 = arith.constant 16 : i32
        %mul3A_861 = arith.muli %scan3A_822, %mul3A_860 : i32
        %add3A_862 = arith.constant 128 : i32
        %add3A_863 = arith.addi %add3A_862, %mul3A_861 : i32
        %swap3A_864 = arith.index_cast %add3A_730 : i32 to index
        %swap3A_865 = arith.index_cast %add3A_863 : i32 to index
        %swap3A_866 = tpu.vector_load %arg9[%swap3A_864, %swap3A_865] {strides = array<i32>} : memref<48x256xi32, #tpu.memory_space<vmem>>, vector<16xi32>,
        tpu.vector_store %arg9[%swap3A_864, %swap3A_865], %bitcast3A_859 {strides = array<i32>} : memref<48x256xi32, #tpu.memory_space<vmem>>, vector<16xi32>,
      }
      %scan3A_747 = arith.constant 8 : i32
      %mul3A_748 = arith.constant 16 : i32
      %mul3A_749 = arith.muli %select_n3A_58, %mul3A_748 : i32
      %add3A_750 = arith.constant 15 : i32
      %add3A_751 = arith.addi %mul3A_749, %add3A_750 : i32
      %slice3A_752 = vector.extract_strided_slice %select_n3A_406 {offsets = [15], sizes = [1], strides = [1]} : vector<16xi32> to vector<1xi32>
      %squeeze3A_753 = vector.extract %slice3A_752[0] : i32 from vector<1xi32>
      %slice3A_754 = vector.extract_strided_slice %select_n3A_416 {offsets = [15], sizes = [1], strides = [1]} : vector<16xi32> to vector<1xi32>
      %squeeze3A_755 = vector.extract %slice3A_754[0] : i32 from vector<1xi32>
      %slice3A_756 = vector.extract_strided_slice %select_n3A_426 {offsets = [15], sizes = [1], strides = [1]} : vector<16xi32> to vector<1xi32>
      %squeeze3A_757 = vector.extract %slice3A_756[0] : i32 from vector<1xi32>
      %slice3A_758 = vector.extract_strided_slice %select_n3A_411 {offsets = [15], sizes = [1], strides = [1]} : vector<16xi32> to vector<1xi32>
      %squeeze3A_759 = vector.extract %slice3A_758[0] : i32 from vector<1xi32>
      %slice3A_760 = vector.extract_strided_slice %select_n3A_421 {offsets = [15], sizes = [1], strides = [1]} : vector<16xi32> to vector<1xi32>
      %squeeze3A_761 = vector.extract %slice3A_760[0] : i32 from vector<1xi32>
      %slice3A_762 = vector.extract_strided_slice %select_n3A_431 {offsets = [15], sizes = [1], strides = [1]} : vector<16xi32> to vector<1xi32>
      %squeeze3A_763 = vector.extract %slice3A_762[0] : i32 from vector<1xi32>
      %scan3A_764 = arith.constant 0 : i32
      %scan3A_765 = arith.constant 8 : i32
      %scan3A_766 = arith.addi %scan3A_764, %scan3A_765 : i32
      %scan3A_767 = arith.constant 2 : i32
      scf.for %scan3A_779 = %scan3A_764 to %scan3A_766 step %scan3A_767  : i32 {
        %mul3A_780 = arith.constant 16 : i32
        %mul3A_781 = arith.muli %scan3A_779, %mul3A_780 : i32
        %get3A_782 = arith.index_cast %squeeze3A_753 : i32 to index
        %get3A_783 = arith.index_cast %mul3A_781 : i32 to index
        %get3A_784 = tpu.vector_load %arg6[%get3A_782, %get3A_783] {strides = array<i32>} : memref<720x128xi32, #tpu.memory_space<vmem>>, vector<16xi32>,
        %bitcast3A = vector.bitcast %get3A_784 : vector<16xi32> to vector<32xbf16>
        %get3A_785 = arith.index_cast %squeeze3A_755 : i32 to index
        %get3A_786 = arith.index_cast %mul3A_781 : i32 to index
        %get3A_787 = tpu.vector_load %arg6[%get3A_785, %get3A_786] {strides = array<i32>} : memref<720x128xi32, #tpu.memory_space<vmem>>, vector<16xi32>,
        %bitcast3A_788 = vector.bitcast %get3A_787 : vector<16xi32> to vector<32xbf16>
        %get3A_789 = arith.index_cast %squeeze3A_757 : i32 to index
        %get3A_790 = arith.index_cast %mul3A_781 : i32 to index
        %get3A_791 = tpu.vector_load %arg6[%get3A_789, %get3A_790] {strides = array<i32>} : memref<720x128xi32, #tpu.memory_space<vmem>>, vector<16xi32>,
        %bitcast3A_792 = vector.bitcast %get3A_791 : vector<16xi32> to vector<32xbf16>
        %get3A_793 = arith.index_cast %squeeze3A_759 : i32 to index
        %get3A_794 = arith.index_cast %mul3A_781 : i32 to index
        %get3A_795 = tpu.vector_load %arg6[%get3A_793, %get3A_794] {strides = array<i32>} : memref<720x128xi32, #tpu.memory_space<vmem>>, vector<16xi32>,
        %bitcast3A_796 = vector.bitcast %get3A_795 : vector<16xi32> to vector<32xbf16>
        %get3A_797 = arith.index_cast %squeeze3A_761 : i32 to index
        %get3A_798 = arith.index_cast %mul3A_781 : i32 to index
        %get3A_799 = tpu.vector_load %arg6[%get3A_797, %get3A_798] {strides = array<i32>} : memref<720x128xi32, #tpu.memory_space<vmem>>, vector<16xi32>,
        %bitcast3A_800 = vector.bitcast %get3A_799 : vector<16xi32> to vector<32xbf16>
        %get3A_801 = arith.index_cast %squeeze3A_763 : i32 to index
        %get3A_802 = arith.index_cast %mul3A_781 : i32 to index
        %get3A_803 = tpu.vector_load %arg6[%get3A_801, %get3A_802] {strides = array<i32>} : memref<720x128xi32, #tpu.memory_space<vmem>>, vector<16xi32>,
        %bitcast3A_804 = vector.bitcast %get3A_803 : vector<16xi32> to vector<32xbf16>
        %add3A_805 = arith.addf %bitcast3A, %bitcast3A_788 : vector<32xbf16>
        %add3A_806 = arith.addf %add3A_805, %bitcast3A_792 : vector<32xbf16>
        %max3A = arith.maximumf %add3A_806, %broadcast_in_dim3A_3 : vector<32xbf16>
        %add3A_807 = arith.addf %bitcast3A_796, %bitcast3A_800 : vector<32xbf16>
        %add3A_808 = arith.addf %add3A_807, %bitcast3A_804 : vector<32xbf16>
        %max3A_809 = arith.maximumf %add3A_808, %broadcast_in_dim3A_3 : vector<32xbf16>
        %bitcast3A_810 = vector.bitcast %max3A : vector<32xbf16> to vector<16xi32>
        %swap3A = arith.index_cast %add3A_751 : i32 to index
        %swap3A_811 = arith.index_cast %mul3A_781 : i32 to index
        %swap3A_812 = tpu.vector_load %arg9[%swap3A, %swap3A_811] {strides = array<i32>} : memref<48x256xi32, #tpu.memory_space<vmem>>, vector<16xi32>,
        tpu.vector_store %arg9[%swap3A, %swap3A_811], %bitcast3A_810 {strides = array<i32>} : memref<48x256xi32, #tpu.memory_space<vmem>>, vector<16xi32>,
        %bitcast3A_813 = vector.bitcast %max3A_809 : vector<32xbf16> to vector<16xi32>
        %mul3A_814 = arith.constant 16 : i32
        %mul3A_815 = arith.muli %scan3A_779, %mul3A_814 : i32
        %add3A_816 = arith.constant 128 : i32
        %add3A_817 = arith.addi %add3A_816, %mul3A_815 : i32
        %swap3A_818 = arith.index_cast %add3A_751 : i32 to index
        %swap3A_819 = arith.index_cast %add3A_817 : i32 to index
        %swap3A_820 = tpu.vector_load %arg9[%swap3A_818, %swap3A_819] {strides = array<i32>} : memref<48x256xi32, #tpu.memory_space<vmem>>, vector<16xi32>,
        tpu.vector_store %arg9[%swap3A_818, %swap3A_819], %bitcast3A_813 {strides = array<i32>} : memref<48x256xi32, #tpu.memory_space<vmem>>, vector<16xi32>,
        %scan3A_821 = arith.constant 1 : i32
        %scan3A_822 = arith.addi %scan3A_779, %scan3A_821 : i32
        %mul3A_823 = arith.constant 16 : i32
        %mul3A_824 = arith.muli %scan3A_822, %mul3A_823 : i32
        %get3A_825 = arith.index_cast %squeeze3A_753 : i32 to index
        %get3A_826 = arith.index_cast %mul3A_824 : i32 to index
        %get3A_827 = tpu.vector_load %arg6[%get3A_825, %get3A_826] {strides = array<i32>} : memref<720x128xi32, #tpu.memory_space<vmem>>, vector<16xi32>,
        %bitcast3A_828 = vector.bitcast %get3A_827 : vector<16xi32> to vector<32xbf16>
        %get3A_829 = arith.index_cast %squeeze3A_755 : i32 to index
        %get3A_830 = arith.index_cast %mul3A_824 : i32 to index
        %get3A_831 = tpu.vector_load %arg6[%get3A_829, %get3A_830] {strides = array<i32>} : memref<720x128xi32, #tpu.memory_space<vmem>>, vector<16xi32>,
        %bitcast3A_832 = vector.bitcast %get3A_831 : vector<16xi32> to vector<32xbf16>
        %get3A_833 = arith.index_cast %squeeze3A_757 : i32 to index
        %get3A_834 = arith.index_cast %mul3A_824 : i32 to index
        %get3A_835 = tpu.vector_load %arg6[%get3A_833, %get3A_834] {strides = array<i32>} : memref<720x128xi32, #tpu.memory_space<vmem>>, vector<16xi32>,
        %bitcast3A_836 = vector.bitcast %get3A_835 : vector<16xi32> to vector<32xbf16>
        %get3A_837 = arith.index_cast %squeeze3A_759 : i32 to index
        %get3A_838 = arith.index_cast %mul3A_824 : i32 to index
        %get3A_839 = tpu.vector_load %arg6[%get3A_837, %get3A_838] {strides = array<i32>} : memref<720x128xi32, #tpu.memory_space<vmem>>, vector<16xi32>,
        %bitcast3A_840 = vector.bitcast %get3A_839 : vector<16xi32> to vector<32xbf16>
        %get3A_841 = arith.index_cast %squeeze3A_761 : i32 to index
        %get3A_842 = arith.index_cast %mul3A_824 : i32 to index
        %get3A_843 = tpu.vector_load %arg6[%get3A_841, %get3A_842] {strides = array<i32>} : memref<720x128xi32, #tpu.memory_space<vmem>>, vector<16xi32>,
        %bitcast3A_844 = vector.bitcast %get3A_843 : vector<16xi32> to vector<32xbf16>
        %get3A_845 = arith.index_cast %squeeze3A_763 : i32 to index
        %get3A_846 = arith.index_cast %mul3A_824 : i32 to index
        %get3A_847 = tpu.vector_load %arg6[%get3A_845, %get3A_846] {strides = array<i32>} : memref<720x128xi32, #tpu.memory_space<vmem>>, vector<16xi32>,
        %bitcast3A_848 = vector.bitcast %get3A_847 : vector<16xi32> to vector<32xbf16>
        %add3A_849 = arith.addf %bitcast3A_828, %bitcast3A_832 : vector<32xbf16>
        %add3A_850 = arith.addf %add3A_849, %bitcast3A_836 : vector<32xbf16>
        %max3A_851 = arith.maximumf %add3A_850, %broadcast_in_dim3A_3 : vector<32xbf16>
        %add3A_852 = arith.addf %bitcast3A_840, %bitcast3A_844 : vector<32xbf16>
        %add3A_853 = arith.addf %add3A_852, %bitcast3A_848 : vector<32xbf16>
        %max3A_854 = arith.maximumf %add3A_853, %broadcast_in_dim3A_3 : vector<32xbf16>
        %bitcast3A_855 = vector.bitcast %max3A_851 : vector<32xbf16> to vector<16xi32>
        %swap3A_856 = arith.index_cast %add3A_751 : i32 to index
        %swap3A_857 = arith.index_cast %mul3A_824 : i32 to index
        %swap3A_858 = tpu.vector_load %arg9[%swap3A_856, %swap3A_857] {strides = array<i32>} : memref<48x256xi32, #tpu.memory_space<vmem>>, vector<16xi32>,
        tpu.vector_store %arg9[%swap3A_856, %swap3A_857], %bitcast3A_855 {strides = array<i32>} : memref<48x256xi32, #tpu.memory_space<vmem>>, vector<16xi32>,
        %bitcast3A_859 = vector.bitcast %max3A_854 : vector<32xbf16> to vector<16xi32>
        %mul3A_860 = arith.constant 16 : i32
        %mul3A_861 = arith.muli %scan3A_822, %mul3A_860 : i32
        %add3A_862 = arith.constant 128 : i32
        %add3A_863 = arith.addi %add3A_862, %mul3A_861 : i32
        %swap3A_864 = arith.index_cast %add3A_751 : i32 to index
        %swap3A_865 = arith.index_cast %add3A_863 : i32 to index
        %swap3A_866 = tpu.vector_load %arg9[%swap3A_864, %swap3A_865] {strides = array<i32>} : memref<48x256xi32, #tpu.memory_space<vmem>>, vector<16xi32>,
        tpu.vector_store %arg9[%swap3A_864, %swap3A_865], %bitcast3A_859 {strides = array<i32>} : memref<48x256xi32, #tpu.memory_space<vmem>>, vector<16xi32>,
      }
      %scan3A_768 = arith.constant 8 : i32
      %mul3A_769 = arith.constant 16 : i32
      %mul3A_770 = arith.muli %select_n3A_58, %mul3A_769 : i32
      %add3A_771 = arith.addi %mul3A_2, %mul3A_49 : i32
      %dma_start3A = arith.constant 0 : i32
      %dma_start3A_772 = tpu.memref_slice %arg9[%mul3A_770, %dma_start3A] : memref<48x256xi32, #tpu.memory_space<vmem>> -> memref<16x256xi32, #tpu.memory_space<vmem>>
      %dma_start3A_773 = arith.constant 0 : i32
      %dma_start3A_774 = tpu.memref_slice %arg5[%add3A_771, %dma_start3A_773] : memref<16384x256xi32, #tpu.memory_space<hbm>> -> memref<16x256xi32, #tpu.memory_space<hbm>>
      %dma_start3A_775 = arith.constant 0 : i32
      %dma_start3A_776 = tpu.memref_slice %arg5[%add3A_771, %dma_start3A_775] : memref<16384x256xi32, #tpu.memory_space<hbm>> -> memref<16x256xi32, #tpu.memory_space<hbm>>
      %dma_start3A_777 = arith.constant 0 : i32
      %dma_start3A_778 = tpu.memref_slice %arg9[%mul3A_770, %dma_start3A_777] : memref<48x256xi32, #tpu.memory_space<vmem>> -> memref<16x256xi32, #tpu.memory_space<vmem>>
      tpu.enqueue_dma source(%dma_start3A_778 : memref<16x256xi32, #tpu.memory_space<vmem>>) target(%dma_start3A_776 : memref<16x256xi32, #tpu.memory_space<hbm>>) target_semaphore(%arg10 : memref<!tpu.dma_semaphore, #tpu.memory_space<semaphore_mem>>)
    }
    %scan3A_11 = arith.constant 32 : i32
    %dma_wait3A = arith.constant 0 : i32
    %dma_wait3A_12 = arith.constant 0 : i32
    %dma_wait3A_13 = tpu.memref_slice %arg9[%dma_wait3A, %dma_wait3A_12] : memref<48x256xi32, #tpu.memory_space<vmem>> -> memref<16x256xi32, #tpu.memory_space<vmem>>
    %dma_wait3A_14 = arith.constant 0 : i32
    %dma_wait3A_15 = arith.constant 0 : i32
    %dma_wait3A_16 = tpu.memref_slice %arg5[%dma_wait3A_14, %dma_wait3A_15] : memref<16384x256xi32, #tpu.memory_space<hbm>> -> memref<16x256xi32, #tpu.memory_space<hbm>>
    %dma_wait3A_17 = arith.constant 0 : i32
    %dma_wait3A_18 = arith.constant 0 : i32
    %dma_wait3A_19 = tpu.memref_slice %arg5[%dma_wait3A_17, %dma_wait3A_18] : memref<16384x256xi32, #tpu.memory_space<hbm>> -> memref<16x256xi32, #tpu.memory_space<hbm>>
    %dma_wait3A_20 = arith.constant 0 : i32
    %dma_wait3A_21 = arith.constant 0 : i32
    %dma_wait3A_22 = tpu.memref_slice %arg9[%dma_wait3A_20, %dma_wait3A_21] : memref<48x256xi32, #tpu.memory_space<vmem>> -> memref<16x256xi32, #tpu.memory_space<vmem>>
    tpu.wait_dma2 semaphore(%arg10 : memref<!tpu.dma_semaphore, #tpu.memory_space<semaphore_mem>>) src(%dma_wait3A_22 : memref<16x256xi32, #tpu.memory_space<vmem>>) dst(%dma_wait3A_19 : memref<16x256xi32, #tpu.memory_space<hbm>>)
    %dma_wait3A_23 = arith.constant 0 : i32
    %dma_wait3A_24 = arith.constant 0 : i32
    %dma_wait3A_25 = tpu.memref_slice %arg9[%dma_wait3A_23, %dma_wait3A_24] : memref<48x256xi32, #tpu.memory_space<vmem>> -> memref<16x256xi32, #tpu.memory_space<vmem>>
    %dma_wait3A_26 = arith.constant 0 : i32
    %dma_wait3A_27 = arith.constant 0 : i32
    %dma_wait3A_28 = tpu.memref_slice %arg5[%dma_wait3A_26, %dma_wait3A_27] : memref<16384x256xi32, #tpu.memory_space<hbm>> -> memref<16x256xi32, #tpu.memory_space<hbm>>
    %dma_wait3A_29 = arith.constant 0 : i32
    %dma_wait3A_30 = arith.constant 0 : i32
    %dma_wait3A_31 = tpu.memref_slice %arg5[%dma_wait3A_29, %dma_wait3A_30] : memref<16384x256xi32, #tpu.memory_space<hbm>> -> memref<16x256xi32, #tpu.memory_space<hbm>>
    %dma_wait3A_32 = arith.constant 0 : i32
    %dma_wait3A_33 = arith.constant 0 : i32
    %dma_wait3A_34 = tpu.memref_slice %arg9[%dma_wait3A_32, %dma_wait3A_33] : memref<48x256xi32, #tpu.memory_space<vmem>> -> memref<16x256xi32, #tpu.memory_space<vmem>>
    tpu.wait_dma2 semaphore(%arg10 : memref<!tpu.dma_semaphore, #tpu.memory_space<semaphore_mem>>) src(%dma_wait3A_34 : memref<16x256xi32, #tpu.memory_space<vmem>>) dst(%dma_wait3A_31 : memref<16x256xi32, #tpu.memory_space<hbm>>)
    %dma_wait3A_35 = arith.constant 0 : i32
    %dma_wait3A_36 = arith.constant 0 : i32
    %dma_wait3A_37 = tpu.memref_slice %arg9[%dma_wait3A_35, %dma_wait3A_36] : memref<48x256xi32, #tpu.memory_space<vmem>> -> memref<16x256xi32, #tpu.memory_space<vmem>>
    %dma_wait3A_38 = arith.constant 0 : i32
    %dma_wait3A_39 = arith.constant 0 : i32
    %dma_wait3A_40 = tpu.memref_slice %arg5[%dma_wait3A_38, %dma_wait3A_39] : memref<16384x256xi32, #tpu.memory_space<hbm>> -> memref<16x256xi32, #tpu.memory_space<hbm>>
    %dma_wait3A_41 = arith.constant 0 : i32
    %dma_wait3A_42 = arith.constant 0 : i32
    %dma_wait3A_43 = tpu.memref_slice %arg5[%dma_wait3A_41, %dma_wait3A_42] : memref<16384x256xi32, #tpu.memory_space<hbm>> -> memref<16x256xi32, #tpu.memory_space<hbm>>
    %dma_wait3A_44 = arith.constant 0 : i32
    %dma_wait3A_45 = arith.constant 0 : i32
    %dma_wait3A_46 = tpu.memref_slice %arg9[%dma_wait3A_44, %dma_wait3A_45] : memref<48x256xi32, #tpu.memory_space<vmem>> -> memref<16x256xi32, #tpu.memory_space<vmem>>
    tpu.wait_dma2 semaphore(%arg10 : memref<!tpu.dma_semaphore, #tpu.memory_space<semaphore_mem>>) src(%dma_wait3A_46 : memref<16x256xi32, #tpu.memory_space<vmem>>) dst(%dma_wait3A_43 : memref<16x256xi32, #tpu.memory_space<hbm>>)
    return
  }
}

module attributes {stable_mosaic.version = 14 : i64} {
  func.func @_tc_head_kernel(%arg0: i32, %arg1: memref<1024x256xi32, #tpu.memory_space<vmem>>, %arg2: memref<1024x66xf32, #tpu.memory_space<vmem>>, %arg3: memref<256x32xf32, #tpu.memory_space<vmem>>, %arg4: memref<256x32xf32, #tpu.memory_space<vmem>>, %arg5: memref<66x32xf32, #tpu.memory_space<vmem>>, %arg6: memref<1x32xf32, #tpu.memory_space<vmem>>, %arg7: memref<32x1xf32, #tpu.memory_space<vmem>>, %arg8: memref<1x1xf32, #tpu.memory_space<vmem>>, %arg9: memref<32x60xf32, #tpu.memory_space<vmem>>, %arg10: memref<1x60xf32, #tpu.memory_space<vmem>>, %arg11: memref<1024x60xf32, #tpu.memory_space<vmem>>, %arg12: memref<1024x1xf32, #tpu.memory_space<vmem>>) attributes {dimension_semantics = [#tpu.dimension_semantics<arbitrary>], iteration_bounds = array<i64: 16>, scalar_prefetch = 0 : i64, scratch_operands = 0 : i64, tpu.core_type = #tpu.core_type<tc>, window_params = [{transform_indices = @transform_0, window_bounds = array<i64: 1024, 256>}, {transform_indices = @transform_1, window_bounds = array<i64: 1024, 66>}, {pipeline_mode = #tpu.pipeline_mode<synchronous>, transform_indices = @transform_2, window_bounds = array<i64: 256, 32>}, {pipeline_mode = #tpu.pipeline_mode<synchronous>, transform_indices = @transform_3, window_bounds = array<i64: 256, 32>}, {pipeline_mode = #tpu.pipeline_mode<synchronous>, transform_indices = @transform_4, window_bounds = array<i64: 66, 32>}, {pipeline_mode = #tpu.pipeline_mode<synchronous>, transform_indices = @transform_5, window_bounds = array<i64: 1, 32>}, {pipeline_mode = #tpu.pipeline_mode<synchronous>, transform_indices = @transform_6, window_bounds = array<i64: 32, 1>}, {pipeline_mode = #tpu.pipeline_mode<synchronous>, transform_indices = @transform_7, window_bounds = array<i64: 1, 1>}, {pipeline_mode = #tpu.pipeline_mode<synchronous>, transform_indices = @transform_8, window_bounds = array<i64: 32, 60>}, {pipeline_mode = #tpu.pipeline_mode<synchronous>, transform_indices = @transform_9, window_bounds = array<i64: 1, 60>}, {transform_indices = @transform_10, window_bounds = array<i64: 1024, 60>}, {transform_indices = @transform_11, window_bounds = array<i64: 1024, 1>}]} {
    %get3A = arith.constant 0 : index
    %get3A_0 = arith.constant 0 : index
    %get3A_1 = vector.load %arg1[%get3A, %get3A_0] : memref<1024x256xi32, #tpu.memory_space<vmem>>, vector<1024x256xi32>
    %shift_left3A = arith.constant 16 : i32
    %shift_left3A_2 = vector.broadcast %shift_left3A : i32 to vector<1024x256xi32>
    %shift_left3A_3 = arith.shli %get3A_1, %shift_left3A_2 : vector<1024x256xi32>
    %bitcast_convert_type3A = tpu.bitcast %shift_left3A_3 : vector<1024x256xi32> -> vector<1024x256xf32>
    %and3A = arith.constant -65536 : i32
    %and3A_4 = vector.broadcast %and3A : i32 to vector<1024x256xi32>
    %and3A_5 = arith.andi %get3A_1, %and3A_4 : vector<1024x256xi32>
    %bitcast_convert_type3A_6 = tpu.bitcast %and3A_5 : vector<1024x256xi32> -> vector<1024x256xf32>
    %get3A_7 = arith.constant 0 : index
    %get3A_8 = arith.constant 0 : index
    %get3A_9 = vector.load %arg3[%get3A_7, %get3A_8] : memref<256x32xf32, #tpu.memory_space<vmem>>, vector<256x32xf32>
    %dot_general3A = arith.constant dense<0.000000e+00> : vector<1024x32xf32>
    %dot_general3A_10 = tpu.matmul %bitcast_convert_type3A, %get3A_9, %dot_general3A {dimension_numbers = #tpu.dot_dimension_numbers<[1], [0], [0], [1], [0, 0, 1, 1], [], []>, transpose_lhs_hint = false} : vector<1024x256xf32>, vector<256x32xf32>, vector<1024x32xf32> -> vector<1024x32xf32>
    %get3A_11 = arith.constant 0 : index
    %get3A_12 = arith.constant 0 : index
    %get3A_13 = vector.load %arg4[%get3A_11, %get3A_12] : memref<256x32xf32, #tpu.memory_space<vmem>>, vector<256x32xf32>
    %dot_general3A_14 = arith.constant dense<0.000000e+00> : vector<1024x32xf32>
    %dot_general3A_15 = tpu.matmul %bitcast_convert_type3A_6, %get3A_13, %dot_general3A_14 {dimension_numbers = #tpu.dot_dimension_numbers<[1], [0], [0], [1], [0, 0, 1, 1], [], []>, transpose_lhs_hint = false} : vector<1024x256xf32>, vector<256x32xf32>, vector<1024x32xf32> -> vector<1024x32xf32>
    %add3A = arith.addf %dot_general3A_10, %dot_general3A_15 : vector<1024x32xf32>
    %get3A_16 = arith.constant 0 : index
    %get3A_17 = arith.constant 0 : index
    %get3A_18 = vector.load %arg2[%get3A_16, %get3A_17] : memref<1024x66xf32, #tpu.memory_space<vmem>>, vector<1024x66xf32>
    %get3A_19 = arith.constant 0 : index
    %get3A_20 = arith.constant 0 : index
    %get3A_21 = vector.load %arg5[%get3A_19, %get3A_20] : memref<66x32xf32, #tpu.memory_space<vmem>>, vector<66x32xf32>
    %dot_general3A_22 = arith.constant dense<0.000000e+00> : vector<1024x32xf32>
    %dot_general3A_23 = tpu.matmul %get3A_18, %get3A_21, %dot_general3A_22 {dimension_numbers = #tpu.dot_dimension_numbers<[1], [0], [0], [1], [0, 0, 1, 1], [], []>, transpose_lhs_hint = false} : vector<1024x66xf32>, vector<66x32xf32>, vector<1024x32xf32> -> vector<1024x32xf32>
    %add3A_24 = arith.addf %add3A, %dot_general3A_23 : vector<1024x32xf32>
    %get3A_25 = arith.constant 0 : index
    %get3A_26 = arith.constant 0 : index
    %get3A_27 = vector.load %arg6[%get3A_25, %get3A_26] : memref<1x32xf32, #tpu.memory_space<vmem>>, vector<1x32xf32>
    %add3A_28 = vector.broadcast %get3A_27 : vector<1x32xf32> to vector<1024x32xf32>
    %add3A_29 = arith.addf %add3A_24, %add3A_28 : vector<1024x32xf32>
    %max3A = arith.constant 0.000000e+00 : f32
    %max3A_30 = vector.broadcast %max3A : f32 to vector<1024x32xf32>
    %max3A_31 = arith.maximumf %add3A_29, %max3A_30 : vector<1024x32xf32>
    %get3A_32 = arith.constant 0 : index
    %get3A_33 = arith.constant 0 : index
    %get3A_34 = vector.load %arg9[%get3A_32, %get3A_33] : memref<32x60xf32, #tpu.memory_space<vmem>>, vector<32x60xf32>
    %dot_general3A_35 = arith.constant dense<0.000000e+00> : vector<1024x60xf32>
    %dot_general3A_36 = tpu.matmul %max3A_31, %get3A_34, %dot_general3A_35 {dimension_numbers = #tpu.dot_dimension_numbers<[1], [0], [0], [1], [0, 0, 1, 1], [], []>, transpose_lhs_hint = false} : vector<1024x32xf32>, vector<32x60xf32>, vector<1024x60xf32> -> vector<1024x60xf32>
    %get3A_37 = arith.constant 0 : index
    %get3A_38 = arith.constant 0 : index
    %get3A_39 = vector.load %arg10[%get3A_37, %get3A_38] : memref<1x60xf32, #tpu.memory_space<vmem>>, vector<1x60xf32>
    %add3A_40 = vector.broadcast %get3A_39 : vector<1x60xf32> to vector<1024x60xf32>
    %add3A_41 = arith.addf %dot_general3A_36, %add3A_40 : vector<1024x60xf32>
    %swap3A = arith.constant 0 : index
    %swap3A_42 = arith.constant 0 : index
    %swap3A_43 = vector.load %arg11[%swap3A, %swap3A_42] : memref<1024x60xf32, #tpu.memory_space<vmem>>, vector<1024x60xf32>
    tpu.vector_store %arg11[%swap3A, %swap3A_42], %add3A_41 {strides = array<i32>} : memref<1024x60xf32, #tpu.memory_space<vmem>>, vector<1024x60xf32>,
    %get3A_44 = arith.constant 0 : index
    %get3A_45 = arith.constant 0 : index
    %get3A_46 = vector.load %arg7[%get3A_44, %get3A_45] : memref<32x1xf32, #tpu.memory_space<vmem>>, vector<32x1xf32>
    %dot_general3A_47 = arith.constant dense<0.000000e+00> : vector<1024x1xf32>
    %dot_general3A_48 = tpu.matmul %max3A_31, %get3A_46, %dot_general3A_47 {dimension_numbers = #tpu.dot_dimension_numbers<[1], [0], [0], [1], [0, 0, 1, 1], [], []>, transpose_lhs_hint = false} : vector<1024x32xf32>, vector<32x1xf32>, vector<1024x1xf32> -> vector<1024x1xf32>
    %get3A_49 = arith.constant 0 : index
    %get3A_50 = arith.constant 0 : index
    %get3A_51 = vector.load %arg8[%get3A_49, %get3A_50] : memref<1x1xf32, #tpu.memory_space<vmem>>, vector<1x1xf32>
    %add3A_52 = vector.broadcast %get3A_51 : vector<1x1xf32> to vector<1024x1xf32>
    %add3A_53 = arith.addf %dot_general3A_48, %add3A_52 : vector<1024x1xf32>
    %tanh3A = math.tanh %add3A_53 : vector<1024x1xf32>
    %swap3A_54 = arith.constant 0 : index
    %swap3A_55 = arith.constant 0 : index
    %swap3A_56 = vector.load %arg12[%swap3A_54, %swap3A_55] : memref<1024x1xf32, #tpu.memory_space<vmem>>, vector<1024x1xf32>
    tpu.vector_store %arg12[%swap3A_54, %swap3A_55], %tanh3A {strides = array<i32>} : memref<1024x1xf32, #tpu.memory_space<vmem>>, vector<1024x1xf32>,
    return
  }
  func.func @transform_0(%arg0: i32) -> (i32, i32) {
    %c0_i32 = arith.constant 0 : i32
    %c0_i32_0 = arith.constant 0 : i32
    return %arg0, %c0_i32 : i32, i32
  }
  func.func @transform_1(%arg0: i32) -> (i32, i32) {
    %c0_i32 = arith.constant 0 : i32
    %c0_i32_0 = arith.constant 0 : i32
    return %arg0, %c0_i32 : i32, i32
  }
  func.func @transform_2(%arg0: i32) -> (i32, i32) {
    %c0_i32 = arith.constant 0 : i32
    %c0_i32_0 = arith.constant 0 : i32
    %c0_i32_1 = arith.constant 0 : i32
    return %c0_i32, %c0_i32_0 : i32, i32
  }
  func.func @transform_3(%arg0: i32) -> (i32, i32) {
    %c0_i32 = arith.constant 0 : i32
    %c0_i32_0 = arith.constant 0 : i32
    %c0_i32_1 = arith.constant 0 : i32
    return %c0_i32, %c0_i32_0 : i32, i32
  }
  func.func @transform_4(%arg0: i32) -> (i32, i32) {
    %c0_i32 = arith.constant 0 : i32
    %c0_i32_0 = arith.constant 0 : i32
    %c0_i32_1 = arith.constant 0 : i32
    return %c0_i32, %c0_i32_0 : i32, i32
  }
  func.func @transform_5(%arg0: i32) -> (i32, i32) {
    %c0_i32 = arith.constant 0 : i32
    %c0_i32_0 = arith.constant 0 : i32
    %c0_i32_1 = arith.constant 0 : i32
    return %c0_i32, %c0_i32_0 : i32, i32
  }
  func.func @transform_6(%arg0: i32) -> (i32, i32) {
    %c0_i32 = arith.constant 0 : i32
    %c0_i32_0 = arith.constant 0 : i32
    %c0_i32_1 = arith.constant 0 : i32
    return %c0_i32, %c0_i32_0 : i32, i32
  }
  func.func @transform_7(%arg0: i32) -> (i32, i32) {
    %c0_i32 = arith.constant 0 : i32
    %c0_i32_0 = arith.constant 0 : i32
    %c0_i32_1 = arith.constant 0 : i32
    return %c0_i32, %c0_i32_0 : i32, i32
  }
  func.func @transform_8(%arg0: i32) -> (i32, i32) {
    %c0_i32 = arith.constant 0 : i32
    %c0_i32_0 = arith.constant 0 : i32
    %c0_i32_1 = arith.constant 0 : i32
    return %c0_i32, %c0_i32_0 : i32, i32
  }
  func.func @transform_9(%arg0: i32) -> (i32, i32) {
    %c0_i32 = arith.constant 0 : i32
    %c0_i32_0 = arith.constant 0 : i32
    %c0_i32_1 = arith.constant 0 : i32
    return %c0_i32, %c0_i32_0 : i32, i32
  }
  func.func @transform_10(%arg0: i32) -> (i32, i32) {
    %c0_i32 = arith.constant 0 : i32
    %c0_i32_0 = arith.constant 0 : i32
    return %arg0, %c0_i32 : i32, i32
  }
  func.func @transform_11(%arg0: i32) -> (i32, i32) {
    %c0_i32 = arith.constant 0 : i32
    %c0_i32_0 = arith.constant 0 : i32
    return %arg0, %c0_i32 : i32, i32
  }
}

</mosaic_0001>

<sc_bundles>
// kernel: kernel.4.cloned.1.call-start
scs
__scs_entry_jumppad:
0x0: {  	(pc) =	sbr.rel $0x88, $3  }
0x1: {  	(tag) =	ssettag $0x0;
	lr =	simm.s32 $0x1  }
0x2: {  	[smem:$0x3F96] =	sst lr;
	_ =	strace $0xD0000000  }
0x3: {  	_ = 	snop  }
0x4: {  	_ = 	snop  }
0x5: {  	_ = 	snop  }
0x6: {  	_ = 	snop  }
0x7: {  	_ = 	snop  }
__scs_overlays_trampoline_lowered:
0x8: {  	[smem:$0x3FA5] =	sst s0  }
0x9: {  	[smem:$0x3FA6] =	sst s1  }
0xa: {  	[smem:$0x3FA7] =	sst s2  }
0xb: {  	[smem:$0x3FA8] =	sst s3  }
0xc: {  	[smem:$0x3FA9] =	sst s4  }
0xd: {  	[smem:$0x3FAA] =	sst s5  }
0xe: {  	[smem:$0x3FAB] =	sst s6  }
0xf: {  	[smem:$0x3FAC] =	sst s7  }
0x10: {  	[smem:$0x3FAD] =	sst s8  }
0x11: {  	[smem:$0x3FAE] =	sst s9;
	s0 =	simm.s32 @!p0 $0x0  }
0x12: {  	s1 =	sld [smem:$0x3F94];
	s0 =	simm.s32 @p0 $0x1  }
0x13: {  	[smem:$0x3FAF] =	sst s0;
	s0 =	simm.s32 @!p1 $0x0  }
0x14: {  	s2 =	sld [smem:$0x3F93];
	s0 =	simm.s32 @p1 $0x1  }
0x15: {  	[smem:$0x3FB0] =	sst s0;
	s0 =	simm.s32 @!p2 $0x0  }
0x16: {  	s3 =	sld [smem:$0x3FDB];
	s0 =	simm.s32 @p2 $0x1  }
0x17: {  	s4 =	simm.s32 $0x1BF5;
	[smem:$0x3FB2] =	sst s0  }
0x18: {  	s0 =	sld [smem:$0x3F95];
	_ =	swait.ge [sflag:s4], $0x0  }
0x19: {  	s7 =	sld [smem:$0x3F96]  }
0x1a: {  	s8 =	sadd.s32 $0xFFFFE003, lr  }
0x1b: {  	s9 =	sadd.s32 $0xFFFFFEF7, lr;
	s5 =	simm.s32 $0xFFFFFFFF;
	p2 =	slt.u32 s8, $0xFFFFF086  }
0x1c: {  	p1 =	slt.u32 s9, $0xF7A;
	s5 =	simm.s32 @!p2 $0x0  }
0x1d: {  	s5 =	simm.s32 @p1 $0x1;
	p0 =	seq.s32 s7, s2  }
0x1e: {  	s7 =	smul.u32 @!p0 $0xF7A, s2;
	p2 =	seq.s32 @!p0 s5, $0x0  }
0x1f: {  	s9 =	smul.u32 $0xF7A, s1;
	s8 =	simm.s32 @!p0 $0x1BF5;
	p2 =	por !p2, p0  }
0x20: {  	[sflag:s8] =	ssyncset.s32 @!p0 $0xFFFFF086;
	s6 =	sadd.s32 @!p0 s3, s7;
	s7 =	simm.s32 @!p0 $0x108  }
0x21: {  	s3 =	sadd.s32 s3, s9;
	s6 =	sadd.s32 @!p0 $0x88, s6;
	s7 =	simm.s32 @p2 $0x1082  }
0x22: {  	[simem:s7], [sflag:s8] =	dma.local @!p0 [hbm:s6], $0xF7A  }
0x23: {  	s9 =	sor.u32 $0xD0000000, s2;
	s6 =	simm.s32 $0x108;
	_ =	swait.ge @!p0 [sflag:s8], $0x0  }
0x24: {  	s3 =	sadd.s32 $0x88, s3;
	s6 =	simm.s32 @!p1 $0x1082;
	[sflag:s4] =	ssyncset.s32 $0xFFFFF086  }
0x25: {  	[simem:s6], [sflag:s4] =	dma.local [hbm:s3], $0xF7A  }
0x26: {  	[smem:$0x3F96] =	sst s1;
	(tag) =	ssettag s2;
	_ =	strace s9  }
0x27: {  	s1 =	sld [smem:$0x3FA6]  }
0x28: {  	s2 =	sld [smem:$0x3FA7]  }
0x29: {  	s4 =	sld [smem:$0x3FA9]  }
0x2a: {  	p0 =	seq.s32 s5, $0x0;
	s5 =	sld [smem:$0x3FAA]  }
0x2b: {  	s6 =	sld [smem:$0x3FAB]  }
0x2c: {  	s7 =	sld [smem:$0x3FAC]  }
0x2d: {  	s3 =	simm.s32 $0x108;
	s8 =	sld [smem:$0x3FAD]  }
0x2e: {  	s3 =	simm.s32 @!p0 $0x1082;
	s9 =	sld [smem:$0x3FAE]  }
0x2f: {  	lr =	sadd.s32 s0, s3;
	s0 =	sld [smem:$0x3FA5]  }
0x30: {  	s3 =	sld [smem:$0x3FA8]  }
0x31: {  	[smem:$0x3FB1] =	sst s10  }
0x32: {  	s10 =	sld [smem:$0x3FAF];
	_ =	sdelay $0x3  }
0x33: {  	p0 =	seq.s32 s10, $0x1;
	s10 =	sld [smem:$0x3FB1];
	_ =	sdelay $0x3  }
0x34: {  	[smem:$0x3FB1] =	sst s10  }
0x35: {  	s10 =	sld [smem:$0x3FB0];
	_ =	sdelay $0x3  }
0x36: {  	p1 =	seq.s32 s10, $0x1;
	s10 =	sld [smem:$0x3FB1];
	_ =	sdelay $0x3  }
0x37: {  	[smem:$0x3FB1] =	sst s10  }
0x38: {  	s10 =	sld [smem:$0x3FB2]  }
0x39: {  	_ = 	snop;
	(pc) =	sbr.ind lr, $3  }
0x3a: {  	_ = 	snop  }
0x3b: {  	_ = 	snop  }
0x3c: {  	p2 =	seq.s32 s10, $0x1;
	s10 =	sld [smem:$0x3FB1]  }
0x3d: {  	_ =	shalt  }
0x3e: {  	_ =	shalt  }
0x3f: {  	_ =	shalt  }
0x40: {  	_ =	shalt  }
0x41: {  	_ =	shalt  }
0x42: {  	_ =	shalt  }
0x43: {  	_ =	shalt  }
0x44: {  	_ =	shalt  }
0x45: {  	_ =	shalt  }
0x46: {  	_ =	shalt  }
0x47: {  	_ =	shalt  }
0x48: {  	_ =	shalt  }
0x49: {  	_ =	shalt  }
0x4a: {  	_ =	shalt  }
0x4b: {  	_ =	shalt  }
0x4c: {  	_ =	shalt  }
0x4d: {  	_ =	shalt  }
0x4e: {  	_ =	shalt  }
0x4f: {  	_ =	shalt  }
0x50: {  	_ =	shalt  }
0x51: {  	_ =	shalt  }
0x52: {  	_ =	shalt  }
0x53: {  	_ =	shalt  }
0x54: {  	_ =	shalt  }
0x55: {  	_ =	shalt  }
0x56: {  	_ =	shalt  }
0x57: {  	_ =	shalt  }
0x58: {  	_ =	shalt  }
0x59: {  	_ =	shalt  }
0x5a: {  	_ =	shalt  }
0x5b: {  	_ =	shalt  }
0x5c: {  	_ =	shalt  }
0x5d: {  	_ =	shalt  }
0x5e: {  	_ =	shalt  }
0x5f: {  	_ =	shalt  }
0x60: {  	_ =	shalt  }
0x61: {  	_ =	shalt  }
0x62: {  	_ =	shalt  }
0x63: {  	_ =	shalt  }
0x64: {  	_ =	shalt  }
0x65: {  	_ =	shalt  }
0x66: {  	_ =	shalt  }
0x67: {  	_ =	shalt  }
0x68: {  	_ =	shalt  }
0x69: {  	_ =	shalt  }
0x6a: {  	_ =	shalt  }
0x6b: {  	_ =	shalt  }
0x6c: {  	_ =	shalt  }
0x6d: {  	_ =	shalt  }
0x6e: {  	_ =	shalt  }
0x6f: {  	_ =	shalt  }
0x70: {  	_ =	shalt  }
0x71: {  	_ =	shalt  }
0x72: {  	_ =	shalt  }
0x73: {  	_ =	shalt  }
0x74: {  	_ =	shalt  }
0x75: {  	_ =	shalt  }
0x76: {  	_ =	shalt  }
0x77: {  	_ =	shalt  }
0x78: {  	_ =	shalt  }
0x79: {  	_ =	shalt  }
0x7a: {  	_ =	shalt  }
0x7b: {  	_ =	shalt  }
0x7c: {  	_ =	shalt  }
0x7d: {  	_ =	shalt  }
0x7e: {  	_ =	shalt  }
0x7f: {  	_ =	shalt  }
0x80: {  	_ =	shalt  }
0x81: {  	_ =	shalt  }
0x82: {  	_ =	shalt  }
0x83: {  	_ =	shalt  }
0x84: {  	_ =	shalt  }
0x85: {  	_ =	shalt  }
0x86: {  	_ =	shalt  }
0x87: {  	_ =	shalt  }
.Lfunc_end0:
.L_simem_size_0:
called_computation_lowered:
.L_overlay_start_0:
0x88: {  	s2 =	sld [smem:$0x3FD9]  }
0x89: {  	s3 =	sld [smem:$0x3FFE];
	_ =	sdelay $0x1  }
0x8a: {  	s1 =	srdreg.scid  }
0x8b: {  	s0 =	sand.u32 $0x1, s1  }
0x8c: {  	s14 =	sshll.u32 s0, $0xA;
	s2 =	sadd.s32 s3, s2  }
0x8d: {  	s2 =	sadd.s32 s2, s14  }
0x8e: {  	[smem:$0x3FBD] =	sst s2  }
0x8f: {  	_ = 	snop  }
0x90: {  	s2 =	sld [smem:$0x3FD0];
	_ =	sdelay $0x2  }
0x91: {  	s15 =	simm.s32 $0xA;
	s4 =	simm.s32 $0x10  }
0x92: {  	[smem:s4], [sflag:s15] =	dma.local [hbm:s2], $0x1  }
0x93: {  	_ =	swait.eq [sflag:s15], $0x1  }
0x94: {  	[sflag:s15] =	ssyncset.done $0x0  }
0x95: {  	s16 =	sld [smem:$0x10];
	[sflag:s15] =	ssyncadd.s32 $0xFFFFFFFF  }
0x96: {  	s17 =	sld [smem:$0x11];
	(tm) =	ssettm $0x1  }
0x97: {  	s18 =	sld [smem:$0x3FFB];
	_ =	sdelay $0x3  }
0x98: {  	_ =	strace s18  }
0x99: {  	s4 =	sld [smem:$0x3FFC];
	_ =	sdelay $0x3  }
0x9a: {  	_ =	strace s4  }
0x9b: {  	s4 =	sld [smem:$0x3FFD];
	_ =	sdelay $0x3  }
0x9c: {  	_ =	strace s4  }
0x9d: {  	_ =	strace $0x8FFFFFFF  }
0x9e: {  	s19 =	sld [smem:$0x3FDB];
	_ =	sdelay $0x1  }
0x9f: {  	s5 =	simm.s32 $_scs_section_size  }
0xa0: {  	s6 =	simm.s32 $_size__tile_overlayer_lowered;
	s7 =	simm.s32 $_tile_overlayer_lowered  }
0xa1: {  	s22 =	simm.s32 $0x1BFF;
	s21 =	sshll.u32 s7, $0x1;
	s4 =	sadd.s32 s5, s19  }
0xa2: {  	s8 =	simm.s32 $0x0;
	s20 =	sshll.u32 s6, $0x1;
	s6 =	sadd.s32 s21, s4  }
0xa3: {  	[timem:s8], [sflag:s22] =	dma.local [hbm:s6], s20  }
0xa4: {  	_ =	swait.ge [sflag:s22], s20  }
0xa5: {  	s5 =	ssub.s32 $0x0, s20;
	[sflag:s22] =	ssyncset.done $0x0  }
0xa6: {  	[sflag:s22] =	ssyncadd.s32 s5;
	_ =	sdelay $0x1  }
0xa7: {  	s23 =	simm.s32 $0x1B8B  }
0xa8: {  	_ =	swait.ge [sflag:s23], $0x1  }
0xa9: {  	[sflag:s23] =	ssyncset.done $0x0  }
0xaa: {  	s25 =	simm.s32 $0x1B8E;
	s24 =	sld [smem:$0x3FFE];
	[sflag:s23] =	ssyncadd.s32 $0xFFFFFFFF  }
0xab: {  	s26 =	simm.s32 $execute0_lowered;
	[smem:$0x3FD2] =	sst s25  }
0xac: {  	s6 =	sshll.u32 s26, $0x1;
	_ =	strace $0x80000046;
	[dreg:$0x1] =	wrdreg $0xFFFFFFFF  }
0xad: {  	s28 =	simm.s32 $_size_execute0_lowered;
	s4 =	sadd.s32 s4, s6;
	[dreg:$0x0] =	wrdreg $0x0  }
0xae: {  	s6 =	sshll.u32 s28, $0x1;
	[dreg:$0x2] =	wrdreg s4  }
0xaf: {  	[dreg:$0x3] =	wrdreg s6  }
0xb0: {  	[dreg:$0x4] =	wrdreg $0xC0  }
0xb1: {  	_ =	task [dreg:s8], $0x5FFFF  }
0xb2: {  	[dreg:$0x1] =	wrdreg $0xFFFFFFFF  }
0xb3: {  	[dreg:$0x0] =	wrdreg $0x60  }
0xb4: {  	[dreg:$0x2] =	wrdreg s24  }
0xb5: {  	[dreg:$0x3] =	wrdreg s16  }
0xb6: {  	[dreg:$0x4] =	wrdreg s17  }
0xb7: {  	[dreg:$0x5] =	wrdreg $0x9  }
0xb8: {  	_ =	task.clear_ibuf [dreg:s8], $0x6FFFF;
	_ =	strace $0x90000046  }
0xb9: {  	s29 =	simm.s32 $0x9;
	_ =	strace $0x80000048  }
0xba: {  	_ =	swait.ge [sflag:s29], $0x1  }
0xbb: {  	[sflag:s29] =	ssyncadd.s32 $0xFFFFFFFF  }
0xbc: {  	_ =	strace $0x90000048  }
0xbd: {  	_ =	sfence  }
0xbe: {  	s30 =	sld [smem:$0x0];
	_ =	sdelay $0x2  }
0xbf: {  	s31 =	sshll.u32 s1, $0xD;
	s1 =	sshrl.u32 s1, $0x2  }
0xc0: {  	s3 =	sand.u32 $0x4000, s31;
	s1 =	sadd.s32 s1, s30  }
0xc1: {  	s0 =	sor.u32 s3, s0;
	s1 =	sshll.u32 s1, $0x11  }
0xc2: {  	s0 =	sor.u32 s1, s0  }
0xc3: {  	s0 =	sadd.s32 $0x8F2B, s0  }
0xc4: {  	[sflag:s0] =	ssyncadd.remote.s32 $0x1  }
0xc5: {  	_ =	sfence.sel $0xFFFF  }
0xc6: {  	[dreg:$0x0] =	wrdreg $0xFFFFFFFF;
	(pc) =	sbr.abs _section_cstart, $3  }
0xc7: {  	[dreg:$0x1] =	wrdreg $0xFFFFFFFF  }
0xc8: {  	_ =	task.clear_ibuf [dreg:s8], $0x2FFFF;
	_ =	strace $0x9FFFFFFF  }
0xc9: {  	(tm) =	ssettm $0x7FFFFFFF  }
tec
execute0_lowered:
.L_overlay_start_1:
0x0: {  	(tag) =	ssettag $0x1  }
0x1: {  	s4 =	rddreg [dreg:$0x0]  }
0x2: {  	s5 =	rddreg [dreg:$0x1]  }
0x3: {  	s6 =	rddreg [dreg:$0x2];
	v1 =	vlaneseq.u32;
	vm0 =	vcmask $0x300  }
0x4: {  	s0 =	rddreg [dreg:$0x3];
	v0 =	vimm.s32 $0x0;
	s2 =	simm.s32 $0x0;
	s1 =	stileid.u32;
	v8 =	vimm.s32 $0xA4E82C60;
	v9 =	vimm.s32 $0xB5F93D71  }
0x5: {  	s3 =	srdreg.scid;
	v10 =	vimm.s32 $0xC60A4E82;
	v11 =	vimm.s32 $0xD71B5F93;
	v12 =	vimm.s32 $0xE82C60A4;
	s12 =	simm.s32 $0x1;
	s13 =	simm.s32 $0x0  }
0x6: {  	v13 =	vimm.s32 $0xF93D71B5;
	v14 =	vimm.bf16 $0.0e+00;
	v1 =	vmul.u32 $0x30, v1;
	[smem:$0x7FF] =	sst s2;
	s7 =	sand.u32 $0x1, s3;
	s29 =	sshll.u32 s1, $0x1  }
0x7: {  	v2 =	vsel vm0, $0x30, v0;
	s9 =	sshll.u32 s1, $0xF;
	v8 =	vunpack.c.l.s4.s8 v8;
	s3 =	sadd.s32 $0x1200, s4;
	v9 =	vunpack.c.l.s4.s8 v9;
	s31 =	sshll.u32 s1, $0x7  }
0x8: {  	v10 =	vunpack.c.l.s4.s8 v10;
	v11 =	vunpack.c.l.s4.s8 v11;
	v12 =	vunpack.c.l.s4.s8 v12;
	_ =	strace $0x80000047;
	s8 =	sor.u32 s7, s29;
	s10 =	ssub.s32 $0x2, s7  }
0x9: {  	v13 =	vunpack.c.l.s4.s8 v13;
	s9 =	sadd.s32 s9, s4;
	s7 =	sshll.u32 s7, $0xE;
	v3 =	vadd.s32 $0x28, v1;
	v4 =	vadd.s32 $0x20, v1;
	s11 =	smul.u32 $0xC00, s8  }
0xa: {  	v5 =	vadd.s32 $0x18, v1;
	v6 =	vadd.s32 $0x10, v1;
	v7 =	vor.u32 $0x8, v1;
	s30 =	sshrl.u32 s10, $0x1;
	s8 =	sshll.u32 s8, $0x4;
	s7 =	sadd.s32 s7, s9  }
0xb: {  	v8 =	vunpack.c.0.s8.s32 v8;
	v9 =	vunpack.c.0.s8.s32 v9;
	v10 =	vunpack.c.0.s8.s32 v10;
	s9 =	simm.s32 $0x2;
	s10 =	ssub.s32 s10, s30;
	s8 =	sand.u32 $0x70, s8  }
0xc: {  	v11 =	vunpack.c.0.s8.s32 v11;
	v12 =	vunpack.c.0.s8.s32 v12;
	v13 =	vunpack.c.0.s8.s32 v13;
	s7 =	sadd.s32 $0x4000, s7;
	s4 =	sadd.s32 s5, s11;
	s5 =	sand.u32 $0x600, s31  }
0xd: {  	v8 =	vand.u32 $0xF, v8;
	v9 =	vand.u32 $0xF, v9;
	v10 =	vand.u32 $0xF, v10;
	s11 =	simm.s32 $0x400;
	s5 =	sadd.s32 s6, s5;
	s6 =	smax.u32 s10, $0x1  }
0xe: {  	v11 =	vand.u32 $0xF, v11;
	v12 =	vand.u32 $0xF, v12;
	v13 =	vand.u32 $0xF, v13;
	s10 =	simm.s32 $0x80;
	s5 =	sadd.s32 s8, s5;
	s8 =	simm.s32 $0x16800  }
.LBB2_1:
0xf: {  	[tilespmem:s2], [sflag:$0x1] =	stream.linear.gather [hbm4b:s3+s2], $0x16800, $0x38;
	[tilespmem:$0x1FA00] =	vst v63  }
0x10: {  	_ = 	snop  }
0x11: {  	[tilespmem:s8], [sflag:$0x2] =	stream.linear.gather [hbm4b:s4+s2], $0x6000, $0x38;
	[tilespmem:$0x1FA00] =	vst v63  }
0x12: {  	_ =	swait.ge [sflag:s9], $0x6000  }
0x13: {  	[sflag:s9] =	ssyncset.done $0x0  }
0x14: {  	s14 =	simm.s32 $0x1C800;
	[sflag:s9] =	ssyncadd.s32 $0xFFFFA000  }
0x15: {  	[tilespmem:s14], [sflag:$0x2] =	stream.strided.gather [hbm4b:s5+s10], $0x200, s11, s10, $0x38;
	[tilespmem:$0x1FA00] =	vst v63  }
0x16: {  	_ =	swait.ge [sflag:s9], $0x200  }
0x17: {  	[sflag:s9] =	ssyncset.done $0x0  }
0x18: {  	[sflag:s9] =	ssyncadd.s32 $0xFFFFFE00  }
0x19: {  	_ =	swait.ge [sflag:s12], $0x16800  }
0x1a: {  	s15 =	simm.s32 $0x0;
	[sflag:s12] =	ssyncset.done $0x0  }
0x1b: {  	s16 =	smov.u32 s7;
	s17 =	simm.s32 $0x0;
	[sflag:s12] =	ssyncadd.s32 $0xFFFE9800  }
.LBB2_2:
0x1c: {  	v15 =	vmul.u32 s15, v2;
	_ =	sdelay $0x1  }
0x1d: {  	v15 =	vbroadcast v15, $0x0;
	_ =	sdelay $0x1  }
0x1e: {  	v16 =	vadd.s32 v1, v15  }
0x1f: {  	v17 =	vadd.s32 v7, v15;
	v16 =	vand.u32 $0x7FFFFF80, v16  }
0x20: {  	p0 =	slt.u32 s17, $0x3;
	v19 =	vadd.s32 v6, v15;
	v17 =	vand.u32 $0x7FFFFF80, v17;
	v16 =	vor.u32 v8, v16  }
0x21: {  	s18 =	simm.s32 @!p0 $0x1;
	v19 =	vand.u32 $0x7FFFFF80, v19;
	v17 =	vor.u32 v9, v17  }
0x22: {  	_ =	swait.ge @!p0 [sflag:s18], $0x1000;
	v19 =	vor.u32 v10, v19  }
0x23: {  	[sflag:s18] =	ssyncset.done @!p0 $0x0  }
0x24: {  	[sflag:s18] =	ssyncadd.s32 @!p0 $0xFFFFF000  }
0x25: {  	v16 =	vld.idx.msk [tilespmem:v16+s8+$0x0], $0xffff  }
0x26: {  	v17 =	vld.idx.msk [tilespmem:v17+s8+$0x0], $0xffff  }
0x27: {  	v19 =	vld.idx.msk [tilespmem:v19+s8+$0x0], $0xffff  }
0x28: {  	v18 =	vld [tilespmem:s14+$0x0]  }
0x29: {  	v24 =	vadd.s32 v5, v15;
	v60 =	vadd.s32 v4, v15;
	v15 =	vadd.s32 v3, v15  }
0x2a: {  	v15 =	vand.u32 $0x7FFFFF80, v15  }
0x2b: {  	v57 =	vand.u32 $0x7FFFFF80, v24;
	v15 =	vor.u32 v13, v15;
	vm0 =	vlt.s32 v16, $0x168  }
0x2c: {  	vm14 =	vlt.s32 v17, $0x168;
	vm9 =	vlt.s32 v19, $0x168;
	v20 =	vsel vm0, $0x1, v0  }
0x2d: {  	v22 =	vsel vm14, $0x1, v0;
	v27 =	vsel vm9, $0x1, v0;
	v21 =	vxor.u32 v20, v18  }
0x2e: {  	v23 =	vxor.u32 v22, v18;
	vm1 =	veq.s32 v18, v20;
	vm4 =	veq.s32 v18, v22  }
0x2f: {  	v22 =	vor.u32 v11, v57;
	v59 =	vxor.u32 v27, v18;
	vm12 =	veq.s32 v18, v27  }
0x30: {  	v27 =	vand.u32 $0x7FFFFF80, v60;
	vm15 =	veq.s32 v21, $0x1;
	vm2 =	veq.s32 v23, $0x1  }
0x31: {  	vm8 =	veq.s32 v21, $0x2;
	vm10 =	veq.s32 v21, $0xFFFFFFFF;
	v21 =	vadd.s32 v21, v23  }
0x32: {  	v27 =	vor.u32 v12, v27;
	v56 =	vnsel vm15, $0x0, v16;
	v16 =	vnsel vm1, $0x0, v16  }
0x33: {  	vm3 =	vmand vm1, vm2;
	vm7 =	vmand vm4, vm15;
	vm0 =	vmand vm15, vm2  }
0x34: {  	vm1 =	vmand vm1, vm4;
	vm11 =	veq.s32 v21, $0x0;
	vm14 =	veq.s32 v21, $0x2  }
0x35: {  	vm5 =	veq.s32 v21, $0x1;
	v21 =	vadd.s32 v59, v21;
	v20 =	vsel vm3, v17, v56  }
0x36: {  	v16 =	vsel vm7, v17, v16;
	v58 =	vnsel vm0, $0x0, v17;
	vm0 =	vmand vm8, vm2  }
0x37: {  	v25 =	vnsel vm1, $0x0, v17;
	vm1 =	veq.s32 v59, $0x1;
	vm15 =	vmand vm12, vm14;
	v22 =	vld.idx.msk [tilespmem:v22+s8+$0x0], $0xffff  }
0x38: {  	vm9 =	vmand vm12, vm5;
	v26 =	vnsel vm0, $0x0, v17;
	vm0 =	vmand vm4, vm10  }
0x39: {  	vm13 =	vmand vm1, vm11;
	v16 =	vsel vm15, v19, v16;
	vm8 =	vmand vm1, vm5  }
0x3a: {  	v25 =	vsel vm9, v19, v25;
	vm1 =	vmand vm1, vm14;
	vm14 =	veq.s32 v21, $0x3  }
0x3b: {  	vm15 =	veq.s32 v21, $0x1;
	vm9 =	veq.s32 v21, $0x2;
	v17 =	vnsel vm0, $0x0, v17  }
0x3c: {  	v20 =	vsel vm13, v19, v20;
	v24 =	vsel vm8, v19, v58;
	vm10 =	vlt.s32 v22, $0x168  }
0x3d: {  	v26 =	vsel vm1, v19, v26;
	vm0 =	vmand vm12, vm11;
	v28 =	vsel vm10, $0x1, v0  }
0x3e: {  	v30 =	vld.idx.msk [tilespmem:v15+s8+$0x0], $0xffff;
	vm11 =	veq.s32 v21, $0x0;
	v61 =	vxor.u32 v28, v18;
	vm13 =	veq.s32 v18, v28  }
0x3f: {  	v17 =	vsel vm0, v19, v17;
	v62 =	vld.idx.msk [tilespmem:v27+s8+$0x0], $0xffff;
	vm1 =	veq.s32 v61, $0x1;
	vm0 =	vmand vm13, vm14  }
0x40: {  	vm10 =	vmand vm13, vm9;
	vm13 =	vmand vm13, vm15;
	v21 =	vadd.s32 v61, v21  }
0x41: {  	vm12 =	vmand vm1, vm11;
	vm8 =	vmand vm1, vm15;
	v16 =	vsel vm0, v22, v16  }
0x42: {  	v25 =	vsel vm10, v22, v25;
	vm11 =	vmand vm1, vm9;
	v17 =	vsel vm13, v22, v17  }
0x43: {  	vm14 =	veq.s32 v21, $0x0;
	vm15 =	veq.s32 v21, $0x4;
	vm13 =	vlt.s32 v30, $0x168  }
0x44: {  	v20 =	vsel vm12, v22, v20;
	v24 =	vsel vm8, v22, v24;
	vm12 =	vlt.s32 v62, $0x168  }
0x45: {  	v26 =	vsel vm11, v22, v26;
	vm8 =	veq.s32 v21, $0x1;
	vm11 =	veq.s32 v21, $0x3  }
0x46: {  	v33 =	vsel vm13, $0x1, v0;
	v63 =	vsel vm12, $0x1, v0;
	vm12 =	veq.s32 v21, $0x2  }
0x47: {  	v34 =	vxor.u32 v33, v18;
	v29 =	vxor.u32 v63, v18;
	vm1 =	veq.s32 v18, v63  }
0x48: {  	vm0 =	veq.s32 v29, $0x1;
	vm9 =	vmand vm1, vm15;
	v21 =	vadd.s32 v29, v21  }
0x49: {  	vm15 =	veq.s32 v34, $0x1;
	vm2 =	vmand vm0, vm14;
	vm10 =	vmand vm0, vm8  }
0x4a: {  	v16 =	vsel vm9, v62, v16;
	vm0 =	vmand vm0, vm12;
	vm14 =	vmand vm1, vm12  }
0x4b: {  	vm7 =	veq.s32 v21, $0x0;
	vm8 =	veq.s32 v18, v33;
	vm9 =	veq.s32 v21, $0x5  }
0x4c: {  	vm12 =	veq.s32 v21, $0x4;
	vm13 =	veq.s32 v21, $0x2;
	v15 =	vsel vm2, v62, v20  }
0x4d: {  	v31 =	vsel vm10, v62, v24;
	vm2 =	vmand vm1, vm11;
	v26 =	vsel vm0, v62, v26  }
0x4e: {  	v19 =	vsel vm14, v62, v17;
	vm10 =	vmand vm8, vm9;
	vm11 =	veq.s32 v21, $0x1  }
0x4f: {  	vm14 =	vmand vm15, vm13;
	v32 =	vsel vm2, v62, v25;
	vm2 =	vmand vm15, vm7  }
0x50: {  	v35 =	vsel vm10, v30, v16;
	vm0 =	vmand vm15, vm11;
	v38 =	vsel vm14, v30, v26  }
0x51: {  	vm15 =	veq.s32 v21, $0x3;
	v15 =	vsel vm2, v30, v15;
	vm2 =	vmand vm8, vm12  }
0x52: {  	v36 =	vsel vm0, v30, v31;
	vm0 =	vmand vm8, vm15;
	v15 =	vshll.u32 v15, $0x9  }
0x53: {  	v17 =	vshll.u32 v38, $0x9;
	v16 =	vshll.u32 v36, $0x9;
	v15 =	vshra.s32 v15, $0x2  }
0x54: {  	v18 =	vshll.u32 v35, $0x9;
	v16 =	vshra.s32 v16, $0x2;
	(v2sf) =	vpush v15, $0x0  }
0x55: {  	v37 =	vsel vm2, v30, v32;
	v17 =	vshra.s32 v17, $0x2;
	(v2sf) =	vpush v16, $0x0  }
0x56: {  	v18 =	vshra.s32 v18, $0x2;
	v20 =	vshll.u32 v37, $0x9;
	(v2sf) =	vpush v17, $0x0  }
0x57: {  	v39 =	vsel vm0, v30, v19;
	v19 =	vshra.s32 v20, $0x2;
	(v2sf) =	vpush v18, $0x0  }
0x58: {  	v40 =	vshll.u32 v39, $0x9;
	(v2sf) =	vpush v19, $0x0  }
0x59: {  	v20 =	vshra.s32 v40, $0x2  }
0x5a: {  	(v2sf) =	vpush v20, $0x0;
	_ =	sdelay $0x8  }
0x5b: {  	s21 =	spop (v2sf)  }
0x5c: {  	s20 =	spop (v2sf)  }
0x5d: {  	v41 =	vld [tilespmem:s21+$0x0];
	s19 =	spop (v2sf)  }
0x5e: {  	v42 =	vld [tilespmem:s20+$0x0];
	s22 =	spop (v2sf)  }
0x5f: {  	v43 =	vld [tilespmem:s22+$0x0];
	s23 =	spop (v2sf)  }
0x60: {  	s31 =	smul.u32 $0xAB, s17;
	v44 =	vld [tilespmem:s23+$0x0]  }
0x61: {  	v45 =	vld [tilespmem:s19+$0x0];
	s24 =	spop (v2sf)  }
0x62: {  	s18 =	sshrl.u32 s31, $0x9;
	v46 =	vld [tilespmem:s24+$0x0]  }
0x63: {  	s18 =	sand.u32 $0x7F, s18  }
0x64: {  	s18 =	smul.u32 $0x3, s18;
	v21 =	vadd.bf16 v42, v41  }
0x65: {  	v47 =	vadd.bf16 v44, v43  }
0x66: {  	s18 =	ssub.s32 s17, s18;
	v21 =	vadd.bf16 v45, v21  }
0x67: {  	s18 =	sand.u32 $0xFF, s18;
	v22 =	vadd.bf16 v46, v47  }
0x68: {  	s18 =	sshll.u32 s18, $0xC;
	v21 =	vmax.bf16 v21, v14  }
0x69: {  	[tilespmem:s18+$0x1CA00] =	vst v21;
	v22 =	vmax.bf16 v22, v14  }
0x6a: {  	[tilespmem:s18+$0x1CE00] =	vst v22  }
0x6b: {  	v21 =	vld [tilespmem:s21+$0x10]  }
0x6c: {  	v22 =	vld [tilespmem:s20+$0x10]  }
0x6d: {  	v48 =	vld [tilespmem:s22+$0x10]  }
0x6e: {  	v49 =	vld [tilespmem:s23+$0x10]  }
0x6f: {  	v50 =	vld [tilespmem:s19+$0x10]  }
0x70: {  	v51 =	vld [tilespmem:s24+$0x10];
	_ =	sdelay $0x1  }
0x71: {  	v21 =	vadd.bf16 v22, v21  }
0x72: {  	v52 =	vadd.bf16 v49, v48  }
0x73: {  	v21 =	vadd.bf16 v50, v21  }
0x74: {  	v22 =	vadd.bf16 v51, v52  }
0x75: {  	v21 =	vmax.bf16 v21, v14  }
0x76: {  	v22 =	vmax.bf16 v22, v14;
	[tilespmem:s18+$0x1CA10] =	vst v21  }
0x77: {  	[tilespmem:s18+$0x1CE10] =	vst v22  }
0x78: {  	v21 =	vld [tilespmem:s21+$0x20]  }
0x79: {  	v22 =	vld [tilespmem:s20+$0x20]  }
0x7a: {  	v53 =	vld [tilespmem:s22+$0x20]  }
0x7b: {  	v54 =	vld [tilespmem:s23+$0x20]  }
0x7c: {  	v55 =	vld [tilespmem:s19+$0x20]  }
0x7d: {  	v56 =	vld [tilespmem:s24+$0x20];
	_ =	sdelay $0x1  }
0x7e: {  	v21 =	vadd.bf16 v22, v21  }
0x7f: {  	v57 =	vadd.bf16 v54, v53  }
0x80: {  	v21 =	vadd.bf16 v55, v21  }
0x81: {  	v22 =	vadd.bf16 v56, v57  }
0x82: {  	v21 =	vmax.bf16 v21, v14  }
0x83: {  	v22 =	vmax.bf16 v22, v14;
	[tilespmem:s18+$0x1CA20] =	vst v21  }
0x84: {  	[tilespmem:s18+$0x1CE20] =	vst v22  }
0x85: {  	v21 =	vld [tilespmem:s21+$0x30]  }
0x86: {  	v22 =	vld [tilespmem:s20+$0x30]  }
0x87: {  	v58 =	vld [tilespmem:s22+$0x30]  }
0x88: {  	v59 =	vld [tilespmem:s23+$0x30]  }
0x89: {  	v60 =	vld [tilespmem:s19+$0x30]  }
0x8a: {  	v61 =	vld [tilespmem:s24+$0x30];
	_ =	sdelay $0x1  }
0x8b: {  	v21 =	vadd.bf16 v22, v21  }
0x8c: {  	v62 =	vadd.bf16 v59, v58  }
0x8d: {  	v21 =	vadd.bf16 v60, v21  }
0x8e: {  	v22 =	vadd.bf16 v61, v62  }
0x8f: {  	v21 =	vmax.bf16 v21, v14  }
0x90: {  	v22 =	vmax.bf16 v22, v14;
	[tilespmem:s18+$0x1CA30] =	vst v21  }
0x91: {  	[tilespmem:s18+$0x1CE30] =	vst v22  }
0x92: {  	v21 =	vld [tilespmem:s21+$0x40]  }
0x93: {  	v22 =	vld [tilespmem:s20+$0x40]  }
0x94: {  	v63 =	vld [tilespmem:s22+$0x40]  }
0x95: {  	v28 =	vld [tilespmem:s23+$0x40]  }
0x96: {  	v29 =	vld [tilespmem:s19+$0x40]  }
0x97: {  	v30 =	vld [tilespmem:s24+$0x40];
	_ =	sdelay $0x1  }
0x98: {  	v21 =	vadd.bf16 v22, v21  }
0x99: {  	v31 =	vadd.bf16 v28, v63  }
0x9a: {  	v21 =	vadd.bf16 v29, v21  }
0x9b: {  	v22 =	vadd.bf16 v30, v31  }
0x9c: {  	v21 =	vmax.bf16 v21, v14  }
0x9d: {  	v22 =	vmax.bf16 v22, v14;
	[tilespmem:s18+$0x1CA40] =	vst v21  }
0x9e: {  	[tilespmem:s18+$0x1CE40] =	vst v22  }
0x9f: {  	v21 =	vld [tilespmem:s21+$0x50]  }
0xa0: {  	v22 =	vld [tilespmem:s20+$0x50]  }
0xa1: {  	v32 =	vld [tilespmem:s22+$0x50]  }
0xa2: {  	v33 =	vld [tilespmem:s23+$0x50]  }
0xa3: {  	v34 =	vld [tilespmem:s19+$0x50]  }
0xa4: {  	v35 =	vld [tilespmem:s24+$0x50];
	_ =	sdelay $0x1  }
0xa5: {  	v21 =	vadd.bf16 v22, v21  }
0xa6: {  	v36 =	vadd.bf16 v33, v32  }
0xa7: {  	v21 =	vadd.bf16 v34, v21  }
0xa8: {  	v22 =	vadd.bf16 v35, v36  }
0xa9: {  	v21 =	vmax.bf16 v21, v14  }
0xaa: {  	v22 =	vmax.bf16 v22, v14;
	[tilespmem:s18+$0x1CA50] =	vst v21  }
0xab: {  	[tilespmem:s18+$0x1CE50] =	vst v22  }
0xac: {  	v21 =	vld [tilespmem:s21+$0x60]  }
0xad: {  	v22 =	vld [tilespmem:s20+$0x60]  }
0xae: {  	v37 =	vld [tilespmem:s22+$0x60]  }
0xaf: {  	v38 =	vld [tilespmem:s23+$0x60]  }
0xb0: {  	v39 =	vld [tilespmem:s19+$0x60]  }
0xb1: {  	v40 =	vld [tilespmem:s24+$0x60];
	_ =	sdelay $0x1  }
0xb2: {  	v21 =	vadd.bf16 v22, v21  }
0xb3: {  	v41 =	vadd.bf16 v38, v37  }
0xb4: {  	v21 =	vadd.bf16 v39, v21  }
0xb5: {  	v22 =	vadd.bf16 v40, v41  }
0xb6: {  	(v2sf) =	vpush v15, $0x1;
	v21 =	vmax.bf16 v21, v14  }
0xb7: {  	(v2sf) =	vpush v16, $0x1;
	v22 =	vmax.bf16 v22, v14;
	[tilespmem:s18+$0x1CA60] =	vst v21  }
0xb8: {  	(v2sf) =	vpush v17, $0x1;
	[tilespmem:s18+$0x1CE60] =	vst v22  }
0xb9: {  	(v2sf) =	vpush v18, $0x1;
	v21 =	vld [tilespmem:s21+$0x70]  }
0xba: {  	(v2sf) =	vpush v19, $0x1;
	v22 =	vld [tilespmem:s20+$0x70]  }
0xbb: {  	v42 =	vld [tilespmem:s22+$0x70]  }
0xbc: {  	(v2sf) =	vpush v20, $0x1;
	v43 =	vld [tilespmem:s23+$0x70]  }
0xbd: {  	v44 =	vld [tilespmem:s19+$0x70]  }
0xbe: {  	v45 =	vld [tilespmem:s24+$0x70];
	_ =	sdelay $0x1  }
0xbf: {  	v21 =	vadd.bf16 v22, v21  }
0xc0: {  	v46 =	vadd.bf16 v43, v42  }
0xc1: {  	v21 =	vadd.bf16 v44, v21  }
0xc2: {  	v22 =	vadd.bf16 v45, v46  }
0xc3: {  	v21 =	vmax.bf16 v21, v14  }
0xc4: {  	s25 =	spop (v2sf);
	v22 =	vmax.bf16 v22, v14;
	[tilespmem:s18+$0x1CA70] =	vst v21  }
0xc5: {  	s26 =	spop (v2sf);
	[tilespmem:s18+$0x1CE70] =	vst v22  }
0xc6: {  	s28 =	spop (v2sf);
	v21 =	vld [tilespmem:s25+$0x0]  }
0xc7: {  	s29 =	spop (v2sf);
	v22 =	vld [tilespmem:s26+$0x0]  }
0xc8: {  	s30 =	spop (v2sf);
	v47 =	vld [tilespmem:s29+$0x0]  }
0xc9: {  	v48 =	vld [tilespmem:s30+$0x0]  }
0xca: {  	s31 =	spop (v2sf);
	v49 =	vld [tilespmem:s28+$0x0]  }
0xcb: {  	v50 =	vld [tilespmem:s31+$0x0];
	_ =	sdelay $0x1  }
0xcc: {  	v21 =	vadd.bf16 v22, v21  }
0xcd: {  	v51 =	vadd.bf16 v48, v47  }
0xce: {  	v21 =	vadd.bf16 v49, v21  }
0xcf: {  	v22 =	vadd.bf16 v50, v51  }
0xd0: {  	v21 =	vmax.bf16 v21, v14  }
0xd1: {  	v22 =	vmax.bf16 v22, v14;
	[tilespmem:s18+$0x1CA80] =	vst v21  }
0xd2: {  	[tilespmem:s18+$0x1CE80] =	vst v22  }
0xd3: {  	v21 =	vld [tilespmem:s25+$0x10]  }
0xd4: {  	v22 =	vld [tilespmem:s26+$0x10]  }
0xd5: {  	v52 =	vld [tilespmem:s29+$0x10]  }
0xd6: {  	v53 =	vld [tilespmem:s30+$0x10]  }
0xd7: {  	v54 =	vld [tilespmem:s28+$0x10]  }
0xd8: {  	v55 =	vld [tilespmem:s31+$0x10];
	_ =	sdelay $0x1  }
0xd9: {  	v21 =	vadd.bf16 v22, v21  }
0xda: {  	v56 =	vadd.bf16 v53, v52  }
0xdb: {  	v21 =	vadd.bf16 v54, v21  }
0xdc: {  	v22 =	vadd.bf16 v55, v56  }
0xdd: {  	v21 =	vmax.bf16 v21, v14  }
0xde: {  	v22 =	vmax.bf16 v22, v14;
	[tilespmem:s18+$0x1CA90] =	vst v21  }
0xdf: {  	[tilespmem:s18+$0x1CE90] =	vst v22  }
0xe0: {  	v21 =	vld [tilespmem:s25+$0x20]  }
0xe1: {  	v22 =	vld [tilespmem:s26+$0x20]  }
0xe2: {  	v57 =	vld [tilespmem:s29+$0x20]  }
0xe3: {  	v58 =	vld [tilespmem:s30+$0x20]  }
0xe4: {  	v59 =	vld [tilespmem:s28+$0x20]  }
0xe5: {  	v60 =	vld [tilespmem:s31+$0x20];
	_ =	sdelay $0x1  }
0xe6: {  	v21 =	vadd.bf16 v22, v21  }
0xe7: {  	v61 =	vadd.bf16 v58, v57  }
0xe8: {  	v21 =	vadd.bf16 v59, v21  }
0xe9: {  	v22 =	vadd.bf16 v60, v61  }
0xea: {  	v21 =	vmax.bf16 v21, v14  }
0xeb: {  	v22 =	vmax.bf16 v22, v14;
	[tilespmem:s18+$0x1CAA0] =	vst v21  }
0xec: {  	[tilespmem:s18+$0x1CEA0] =	vst v22  }
0xed: {  	v21 =	vld [tilespmem:s25+$0x30]  }
0xee: {  	v22 =	vld [tilespmem:s26+$0x30]  }
0xef: {  	v62 =	vld [tilespmem:s29+$0x30]  }
0xf0: {  	v63 =	vld [tilespmem:s30+$0x30]  }
0xf1: {  	v28 =	vld [tilespmem:s28+$0x30]  }
0xf2: {  	v29 =	vld [tilespmem:s31+$0x30];
	_ =	sdelay $0x1  }
0xf3: {  	v21 =	vadd.bf16 v22, v21  }
0xf4: {  	v30 =	vadd.bf16 v63, v62  }
0xf5: {  	v21 =	vadd.bf16 v28, v21  }
0xf6: {  	v22 =	vadd.bf16 v29, v30  }
0xf7: {  	v21 =	vmax.bf16 v21, v14  }
0xf8: {  	v22 =	vmax.bf16 v22, v14;
	[tilespmem:s18+$0x1CAB0] =	vst v21  }
0xf9: {  	[tilespmem:s18+$0x1CEB0] =	vst v22  }
0xfa: {  	v21 =	vld [tilespmem:s25+$0x40]  }
0xfb: {  	v22 =	vld [tilespmem:s26+$0x40]  }
0xfc: {  	v31 =	vld [tilespmem:s29+$0x40]  }
0xfd: {  	v32 =	vld [tilespmem:s30+$0x40]  }
0xfe: {  	v33 =	vld [tilespmem:s28+$0x40]  }
0xff: {  	v34 =	vld [tilespmem:s31+$0x40];
	_ =	sdelay $0x1  }
0x100: {  	v21 =	vadd.bf16 v22, v21  }
0x101: {  	v35 =	vadd.bf16 v32, v31  }
0x102: {  	v21 =	vadd.bf16 v33, v21  }
0x103: {  	v22 =	vadd.bf16 v34, v35  }
0x104: {  	v21 =	vmax.bf16 v21, v14  }
0x105: {  	v22 =	vmax.bf16 v22, v14;
	[tilespmem:s18+$0x1CAC0] =	vst v21  }
0x106: {  	[tilespmem:s18+$0x1CEC0] =	vst v22  }
0x107: {  	v21 =	vld [tilespmem:s25+$0x50]  }
0x108: {  	v22 =	vld [tilespmem:s26+$0x50]  }
0x109: {  	v36 =	vld [tilespmem:s29+$0x50]  }
0x10a: {  	v37 =	vld [tilespmem:s30+$0x50]  }
0x10b: {  	v38 =	vld [tilespmem:s28+$0x50]  }
0x10c: {  	v39 =	vld [tilespmem:s31+$0x50];
	_ =	sdelay $0x1  }
0x10d: {  	v21 =	vadd.bf16 v22, v21  }
0x10e: {  	v40 =	vadd.bf16 v37, v36  }
0x10f: {  	v21 =	vadd.bf16 v38, v21  }
0x110: {  	v22 =	vadd.bf16 v39, v40  }
0x111: {  	v21 =	vmax.bf16 v21, v14  }
0x112: {  	v22 =	vmax.bf16 v22, v14;
	[tilespmem:s18+$0x1CAD0] =	vst v21  }
0x113: {  	[tilespmem:s18+$0x1CED0] =	vst v22  }
0x114: {  	v21 =	vld [tilespmem:s25+$0x60]  }
0x115: {  	v22 =	vld [tilespmem:s26+$0x60]  }
0x116: {  	v41 =	vld [tilespmem:s29+$0x60]  }
0x117: {  	v42 =	vld [tilespmem:s30+$0x60]  }
0x118: {  	v43 =	vld [tilespmem:s28+$0x60]  }
0x119: {  	v44 =	vld [tilespmem:s31+$0x60];
	_ =	sdelay $0x1  }
0x11a: {  	v21 =	vadd.bf16 v22, v21  }
0x11b: {  	v45 =	vadd.bf16 v42, v41  }
0x11c: {  	v21 =	vadd.bf16 v43, v21  }
0x11d: {  	v22 =	vadd.bf16 v44, v45  }
0x11e: {  	(v2sf) =	vpush v15, $0x2;
	v21 =	vmax.bf16 v21, v14  }
0x11f: {  	(v2sf) =	vpush v16, $0x2;
	v22 =	vmax.bf16 v22, v14;
	[tilespmem:s18+$0x1CAE0] =	vst v21  }
0x120: {  	(v2sf) =	vpush v17, $0x2;
	[tilespmem:s18+$0x1CEE0] =	vst v22  }
0x121: {  	(v2sf) =	vpush v18, $0x2;
	v21 =	vld [tilespmem:s25+$0x70]  }
0x122: {  	(v2sf) =	vpush v19, $0x2;
	v22 =	vld [tilespmem:s26+$0x70]  }
0x123: {  	v46 =	vld [tilespmem:s29+$0x70]  }
0x124: {  	(v2sf) =	vpush v20, $0x2;
	v47 =	vld [tilespmem:s30+$0x70]  }
0x125: {  	v48 =	vld [tilespmem:s28+$0x70]  }
0x126: {  	v49 =	vld [tilespmem:s31+$0x70];
	_ =	sdelay $0x1  }
0x127: {  	v21 =	vadd.bf16 v22, v21  }
0x128: {  	v50 =	vadd.bf16 v47, v46  }
0x129: {  	v21 =	vadd.bf16 v48, v21  }
0x12a: {  	v22 =	vadd.bf16 v49, v50  }
0x12b: {  	v21 =	vmax.bf16 v21, v14  }
0x12c: {  	s25 =	spop (v2sf);
	v22 =	vmax.bf16 v22, v14;
	[tilespmem:s18+$0x1CAF0] =	vst v21  }
0x12d: {  	s26 =	spop (v2sf);
	[tilespmem:s18+$0x1CEF0] =	vst v22  }
0x12e: {  	s28 =	spop (v2sf);
	v21 =	vld [tilespmem:s25+$0x0]  }
0x12f: {  	s29 =	spop (v2sf);
	v22 =	vld [tilespmem:s26+$0x0]  }
0x130: {  	s30 =	spop (v2sf);
	v51 =	vld [tilespmem:s29+$0x0]  }
0x131: {  	v52 =	vld [tilespmem:s30+$0x0]  }
0x132: {  	s31 =	spop (v2sf);
	v53 =	vld [tilespmem:s28+$0x0]  }
0x133: {  	v54 =	vld [tilespmem:s31+$0x0];
	_ =	sdelay $0x1  }
0x134: {  	v21 =	vadd.bf16 v22, v21  }
0x135: {  	v55 =	vadd.bf16 v52, v51  }
0x136: {  	v21 =	vadd.bf16 v53, v21  }
0x137: {  	v22 =	vadd.bf16 v54, v55  }
0x138: {  	v21 =	vmax.bf16 v21, v14  }
0x139: {  	v22 =	vmax.bf16 v22, v14;
	[tilespmem:s18+$0x1CB00] =	vst v21  }
0x13a: {  	[tilespmem:s18+$0x1CF00] =	vst v22  }
0x13b: {  	v21 =	vld [tilespmem:s25+$0x10]  }
0x13c: {  	v22 =	vld [tilespmem:s26+$0x10]  }
0x13d: {  	v56 =	vld [tilespmem:s29+$0x10]  }
0x13e: {  	v57 =	vld [tilespmem:s30+$0x10]  }
0x13f: {  	v58 =	vld [tilespmem:s28+$0x10]  }
0x140: {  	v59 =	vld [tilespmem:s31+$0x10];
	_ =	sdelay $0x1  }
0x141: {  	v21 =	vadd.bf16 v22, v21  }
0x142: {  	v60 =	vadd.bf16 v57, v56  }
0x143: {  	v21 =	vadd.bf16 v58, v21  }
0x144: {  	v22 =	vadd.bf16 v59, v60  }
0x145: {  	v21 =	vmax.bf16 v21, v14  }
0x146: {  	v22 =	vmax.bf16 v22, v14;
	[tilespmem:s18+$0x1CB10] =	vst v21  }
0x147: {  	[tilespmem:s18+$0x1CF10] =	vst v22  }
0x148: {  	v21 =	vld [tilespmem:s25+$0x20]  }
0x149: {  	v22 =	vld [tilespmem:s26+$0x20]  }
0x14a: {  	v61 =	vld [tilespmem:s29+$0x20]  }
0x14b: {  	v62 =	vld [tilespmem:s30+$0x20]  }
0x14c: {  	v63 =	vld [tilespmem:s28+$0x20]  }
0x14d: {  	v28 =	vld [tilespmem:s31+$0x20];
	_ =	sdelay $0x1  }
0x14e: {  	v21 =	vadd.bf16 v22, v21  }
0x14f: {  	v29 =	vadd.bf16 v62, v61  }
0x150: {  	v21 =	vadd.bf16 v63, v21  }
0x151: {  	v22 =	vadd.bf16 v28, v29  }
0x152: {  	v21 =	vmax.bf16 v21, v14  }
0x153: {  	v22 =	vmax.bf16 v22, v14;
	[tilespmem:s18+$0x1CB20] =	vst v21  }
0x154: {  	[tilespmem:s18+$0x1CF20] =	vst v22  }
0x155: {  	v21 =	vld [tilespmem:s25+$0x30]  }
0x156: {  	v22 =	vld [tilespmem:s26+$0x30]  }
0x157: {  	v30 =	vld [tilespmem:s29+$0x30]  }
0x158: {  	v31 =	vld [tilespmem:s30+$0x30]  }
0x159: {  	v32 =	vld [tilespmem:s28+$0x30]  }
0x15a: {  	v33 =	vld [tilespmem:s31+$0x30];
	_ =	sdelay $0x1  }
0x15b: {  	v21 =	vadd.bf16 v22, v21  }
0x15c: {  	v34 =	vadd.bf16 v31, v30  }
0x15d: {  	v21 =	vadd.bf16 v32, v21  }
0x15e: {  	v22 =	vadd.bf16 v33, v34  }
0x15f: {  	v21 =	vmax.bf16 v21, v14  }
0x160: {  	v22 =	vmax.bf16 v22, v14;
	[tilespmem:s18+$0x1CB30] =	vst v21  }
0x161: {  	[tilespmem:s18+$0x1CF30] =	vst v22  }
0x162: {  	v21 =	vld [tilespmem:s25+$0x40]  }
0x163: {  	v22 =	vld [tilespmem:s26+$0x40]  }
0x164: {  	v35 =	vld [tilespmem:s29+$0x40]  }
0x165: {  	v36 =	vld [tilespmem:s30+$0x40]  }
0x166: {  	v37 =	vld [tilespmem:s28+$0x40]  }
0x167: {  	v38 =	vld [tilespmem:s31+$0x40];
	_ =	sdelay $0x1  }
0x168: {  	v21 =	vadd.bf16 v22, v21  }
0x169: {  	v39 =	vadd.bf16 v36, v35  }
0x16a: {  	v21 =	vadd.bf16 v37, v21  }
0x16b: {  	v22 =	vadd.bf16 v38, v39  }
0x16c: {  	v21 =	vmax.bf16 v21, v14  }
0x16d: {  	v22 =	vmax.bf16 v22, v14;
	[tilespmem:s18+$0x1CB40] =	vst v21  }
0x16e: {  	[tilespmem:s18+$0x1CF40] =	vst v22  }
0x16f: {  	v21 =	vld [tilespmem:s25+$0x50]  }
0x170: {  	v22 =	vld [tilespmem:s26+$0x50]  }
0x171: {  	v40 =	vld [tilespmem:s29+$0x50]  }
0x172: {  	v41 =	vld [tilespmem:s30+$0x50]  }
0x173: {  	v42 =	vld [tilespmem:s28+$0x50]  }
0x174: {  	v43 =	vld [tilespmem:s31+$0x50];
	_ =	sdelay $0x1  }
0x175: {  	v21 =	vadd.bf16 v22, v21  }
0x176: {  	v44 =	vadd.bf16 v41, v40  }
0x177: {  	v21 =	vadd.bf16 v42, v21  }
0x178: {  	v22 =	vadd.bf16 v43, v44  }
0x179: {  	v21 =	vmax.bf16 v21, v14  }
0x17a: {  	v22 =	vmax.bf16 v22, v14;
	[tilespmem:s18+$0x1CB50] =	vst v21  }
0x17b: {  	[tilespmem:s18+$0x1CF50] =	vst v22  }
0x17c: {  	v21 =	vld [tilespmem:s25+$0x60]  }
0x17d: {  	v22 =	vld [tilespmem:s26+$0x60]  }
0x17e: {  	v45 =	vld [tilespmem:s29+$0x60]  }
0x17f: {  	v46 =	vld [tilespmem:s30+$0x60]  }
0x180: {  	v47 =	vld [tilespmem:s28+$0x60]  }
0x181: {  	v48 =	vld [tilespmem:s31+$0x60];
	_ =	sdelay $0x1  }
0x182: {  	v21 =	vadd.bf16 v22, v21  }
0x183: {  	v49 =	vadd.bf16 v46, v45  }
0x184: {  	v21 =	vadd.bf16 v47, v21  }
0x185: {  	v22 =	vadd.bf16 v48, v49  }
0x186: {  	(v2sf) =	vpush v15, $0x3;
	v21 =	vmax.bf16 v21, v14  }
0x187: {  	(v2sf) =	vpush v16, $0x3;
	v22 =	vmax.bf16 v22, v14;
	[tilespmem:s18+$0x1CB60] =	vst v21  }
0x188: {  	(v2sf) =	vpush v17, $0x3;
	[tilespmem:s18+$0x1CF60] =	vst v22  }
0x189: {  	(v2sf) =	vpush v18, $0x3;
	v21 =	vld [tilespmem:s25+$0x70]  }
0x18a: {  	(v2sf) =	vpush v19, $0x3;
	v22 =	vld [tilespmem:s26+$0x70]  }
0x18b: {  	v50 =	vld [tilespmem:s29+$0x70]  }
0x18c: {  	(v2sf) =	vpush v20, $0x3;
	v51 =	vld [tilespmem:s30+$0x70]  }
0x18d: {  	v52 =	vld [tilespmem:s28+$0x70]  }
0x18e: {  	v53 =	vld [tilespmem:s31+$0x70];
	_ =	sdelay $0x1  }
0x18f: {  	v21 =	vadd.bf16 v22, v21  }
0x190: {  	v54 =	vadd.bf16 v51, v50  }
0x191: {  	v21 =	vadd.bf16 v52, v21  }
0x192: {  	v22 =	vadd.bf16 v53, v54  }
0x193: {  	v21 =	vmax.bf16 v21, v14  }
0x194: {  	s25 =	spop (v2sf);
	v22 =	vmax.bf16 v22, v14;
	[tilespmem:s18+$0x1CB70] =	vst v21  }
0x195: {  	s26 =	spop (v2sf);
	[tilespmem:s18+$0x1CF70] =	vst v22  }
0x196: {  	s28 =	spop (v2sf);
	v21 =	vld [tilespmem:s25+$0x0]  }
0x197: {  	s29 =	spop (v2sf);
	v22 =	vld [tilespmem:s26+$0x0]  }
0x198: {  	s30 =	spop (v2sf);
	v55 =	vld [tilespmem:s29+$0x0]  }
0x199: {  	v56 =	vld [tilespmem:s30+$0x0]  }
0x19a: {  	s31 =	spop (v2sf);
	v57 =	vld [tilespmem:s28+$0x0]  }
0x19b: {  	v58 =	vld [tilespmem:s31+$0x0];
	_ =	sdelay $0x1  }
0x19c: {  	v21 =	vadd.bf16 v22, v21  }
0x19d: {  	v59 =	vadd.bf16 v56, v55  }
0x19e: {  	v21 =	vadd.bf16 v57, v21  }
0x19f: {  	v22 =	vadd.bf16 v58, v59  }
0x1a0: {  	v21 =	vmax.bf16 v21, v14  }
0x1a1: {  	v22 =	vmax.bf16 v22, v14;
	[tilespmem:s18+$0x1CB80] =	vst v21  }
0x1a2: {  	[tilespmem:s18+$0x1CF80] =	vst v22  }
0x1a3: {  	v21 =	vld [tilespmem:s25+$0x10]  }
0x1a4: {  	v22 =	vld [tilespmem:s26+$0x10]  }
0x1a5: {  	v60 =	vld [tilespmem:s29+$0x10]  }
0x1a6: {  	v61 =	vld [tilespmem:s30+$0x10]  }
0x1a7: {  	v62 =	vld [tilespmem:s28+$0x10]  }
0x1a8: {  	v63 =	vld [tilespmem:s31+$0x10];
	_ =	sdelay $0x1  }
0x1a9: {  	v21 =	vadd.bf16 v22, v21  }
0x1aa: {  	v27 =	vadd.bf16 v61, v60  }
0x1ab: {  	v21 =	vadd.bf16 v62, v21  }
0x1ac: {  	v22 =	vadd.bf16 v63, v27  }
0x1ad: {  	v21 =	vmax.bf16 v21, v14  }
0x1ae: {  	v22 =	vmax.bf16 v22, v14;
	[tilespmem:s18+$0x1CB90] =	vst v21  }
0x1af: {  	[tilespmem:s18+$0x1CF90] =	vst v22  }
0x1b0: {  	v21 =	vld [tilespmem:s25+$0x20]  }
0x1b1: {  	v22 =	vld [tilespmem:s26+$0x20]  }
0x1b2: {  	v28 =	vld [tilespmem:s29+$0x20]  }
0x1b3: {  	v29 =	vld [tilespmem:s30+$0x20]  }
0x1b4: {  	v30 =	vld [tilespmem:s28+$0x20]  }
0x1b5: {  	v31 =	vld [tilespmem:s31+$0x20];
	_ =	sdelay $0x1  }
0x1b6: {  	v21 =	vadd.bf16 v22, v21  }
0x1b7: {  	v32 =	vadd.bf16 v29, v28  }
0x1b8: {  	v21 =	vadd.bf16 v30, v21  }
0x1b9: {  	v22 =	vadd.bf16 v31, v32  }
0x1ba: {  	v21 =	vmax.bf16 v21, v14  }
0x1bb: {  	v22 =	vmax.bf16 v22, v14;
	[tilespmem:s18+$0x1CBA0] =	vst v21  }
0x1bc: {  	[tilespmem:s18+$0x1CFA0] =	vst v22  }
0x1bd: {  	v21 =	vld [tilespmem:s25+$0x30]  }
0x1be: {  	v22 =	vld [tilespmem:s26+$0x30]  }
0x1bf: {  	v33 =	vld [tilespmem:s29+$0x30]  }
0x1c0: {  	v34 =	vld [tilespmem:s30+$0x30]  }
0x1c1: {  	v35 =	vld [tilespmem:s28+$0x30]  }
0x1c2: {  	v36 =	vld [tilespmem:s31+$0x30];
	_ =	sdelay $0x1  }
0x1c3: {  	v21 =	vadd.bf16 v22, v21  }
0x1c4: {  	v37 =	vadd.bf16 v34, v33  }
0x1c5: {  	v21 =	vadd.bf16 v35, v21  }
0x1c6: {  	v22 =	vadd.bf16 v36, v37  }
0x1c7: {  	v21 =	vmax.bf16 v21, v14  }
0x1c8: {  	v22 =	vmax.bf16 v22, v14;
	[tilespmem:s18+$0x1CBB0] =	vst v21  }
0x1c9: {  	[tilespmem:s18+$0x1CFB0] =	vst v22  }
0x1ca: {  	v21 =	vld [tilespmem:s25+$0x40]  }
0x1cb: {  	v22 =	vld [tilespmem:s26+$0x40]  }
0x1cc: {  	v38 =	vld [tilespmem:s29+$0x40]  }
0x1cd: {  	v39 =	vld [tilespmem:s30+$0x40]  }
0x1ce: {  	v40 =	vld [tilespmem:s28+$0x40]  }
0x1cf: {  	v41 =	vld [tilespmem:s31+$0x40];
	_ =	sdelay $0x1  }
0x1d0: {  	v21 =	vadd.bf16 v22, v21  }
0x1d1: {  	v42 =	vadd.bf16 v39, v38  }
0x1d2: {  	v21 =	vadd.bf16 v40, v21  }
0x1d3: {  	v22 =	vadd.bf16 v41, v42  }
0x1d4: {  	v21 =	vmax.bf16 v21, v14  }
0x1d5: {  	v22 =	vmax.bf16 v22, v14;
	[tilespmem:s18+$0x1CBC0] =	vst v21  }
0x1d6: {  	[tilespmem:s18+$0x1CFC0] =	vst v22  }
0x1d7: {  	v21 =	vld [tilespmem:s25+$0x50]  }
0x1d8: {  	v22 =	vld [tilespmem:s26+$0x50]  }
0x1d9: {  	v43 =	vld [tilespmem:s29+$0x50]  }
0x1da: {  	v44 =	vld [tilespmem:s30+$0x50]  }
0x1db: {  	v45 =	vld [tilespmem:s28+$0x50]  }
0x1dc: {  	v46 =	vld [tilespmem:s31+$0x50];
	_ =	sdelay $0x1  }
0x1dd: {  	v21 =	vadd.bf16 v22, v21  }
0x1de: {  	v47 =	vadd.bf16 v44, v43  }
0x1df: {  	v21 =	vadd.bf16 v45, v21  }
0x1e0: {  	v22 =	vadd.bf16 v46, v47  }
0x1e1: {  	v21 =	vmax.bf16 v21, v14  }
0x1e2: {  	v22 =	vmax.bf16 v22, v14;
	[tilespmem:s18+$0x1CBD0] =	vst v21  }
0x1e3: {  	[tilespmem:s18+$0x1CFD0] =	vst v22  }
0x1e4: {  	v21 =	vld [tilespmem:s25+$0x60]  }
0x1e5: {  	v22 =	vld [tilespmem:s26+$0x60]  }
0x1e6: {  	v48 =	vld [tilespmem:s29+$0x60]  }
0x1e7: {  	v49 =	vld [tilespmem:s30+$0x60]  }
0x1e8: {  	v50 =	vld [tilespmem:s28+$0x60]  }
0x1e9: {  	v51 =	vld [tilespmem:s31+$0x60];
	_ =	sdelay $0x1  }
0x1ea: {  	v21 =	vadd.bf16 v22, v21  }
0x1eb: {  	v52 =	vadd.bf16 v49, v48  }
0x1ec: {  	v21 =	vadd.bf16 v50, v21  }
0x1ed: {  	v22 =	vadd.bf16 v51, v52  }
0x1ee: {  	(v2sf) =	vpush v15, $0x4;
	v21 =	vmax.bf16 v21, v14  }
0x1ef: {  	(v2sf) =	vpush v16, $0x4;
	v22 =	vmax.bf16 v22, v14;
	[tilespmem:s18+$0x1CBE0] =	vst v21  }
0x1f0: {  	(v2sf) =	vpush v17, $0x4;
	[tilespmem:s18+$0x1CFE0] =	vst v22  }
0x1f1: {  	(v2sf) =	vpush v18, $0x4;
	v21 =	vld [tilespmem:s25+$0x70]  }
0x1f2: {  	(v2sf) =	vpush v19, $0x4;
	v22 =	vld [tilespmem:s26+$0x70]  }
0x1f3: {  	v53 =	vld [tilespmem:s29+$0x70]  }
0x1f4: {  	(v2sf) =	vpush v20, $0x4;
	v54 =	vld [tilespmem:s30+$0x70]  }
0x1f5: {  	v55 =	vld [tilespmem:s28+$0x70]  }
0x1f6: {  	v56 =	vld [tilespmem:s31+$0x70];
	_ =	sdelay $0x1  }
0x1f7: {  	v21 =	vadd.bf16 v22, v21  }
0x1f8: {  	v57 =	vadd.bf16 v54, v53  }
0x1f9: {  	v21 =	vadd.bf16 v55, v21  }
0x1fa: {  	v22 =	vadd.bf16 v56, v57  }
0x1fb: {  	v21 =	vmax.bf16 v21, v14  }
0x1fc: {  	s25 =	spop (v2sf);
	v22 =	vmax.bf16 v22, v14;
	[tilespmem:s18+$0x1CBF0] =	vst v21  }
0x1fd: {  	s26 =	spop (v2sf);
	[tilespmem:s18+$0x1CFF0] =	vst v22  }
0x1fe: {  	s28 =	spop (v2sf);
	v21 =	vld [tilespmem:s25+$0x0]  }
0x1ff: {  	s29 =	spop (v2sf);
	v22 =	vld [tilespmem:s26+$0x0]  }
0x200: {  	s30 =	spop (v2sf);
	v58 =	vld [tilespmem:s29+$0x0]  }
0x201: {  	v59 =	vld [tilespmem:s30+$0x0]  }
0x202: {  	s31 =	spop (v2sf);
	v60 =	vld [tilespmem:s28+$0x0]  }
0x203: {  	v61 =	vld [tilespmem:s31+$0x0];
	_ =	sdelay $0x1  }
0x204: {  	v21 =	vadd.bf16 v22, v21  }
0x205: {  	v62 =	vadd.bf16 v59, v58  }
0x206: {  	v21 =	vadd.bf16 v60, v21  }
0x207: {  	v22 =	vadd.bf16 v61, v62  }
0x208: {  	v21 =	vmax.bf16 v21, v14  }
0x209: {  	v22 =	vmax.bf16 v22, v14;
	[tilespmem:s18+$0x1CC00] =	vst v21  }
0x20a: {  	[tilespmem:s18+$0x1D000] =	vst v22  }
0x20b: {  	v21 =	vld [tilespmem:s25+$0x10]  }
0x20c: {  	v22 =	vld [tilespmem:s26+$0x10]  }
0x20d: {  	v63 =	vld [tilespmem:s29+$0x10]  }
0x20e: {  	v28 =	vld [tilespmem:s30+$0x10]  }
0x20f: {  	v29 =	vld [tilespmem:s28+$0x10]  }
0x210: {  	v30 =	vld [tilespmem:s31+$0x10];
	_ =	sdelay $0x1  }
0x211: {  	v21 =	vadd.bf16 v22, v21  }
0x212: {  	v31 =	vadd.bf16 v28, v63  }
0x213: {  	v21 =	vadd.bf16 v29, v21  }
0x214: {  	v22 =	vadd.bf16 v30, v31  }
0x215: {  	v21 =	vmax.bf16 v21, v14  }
0x216: {  	v22 =	vmax.bf16 v22, v14;
	[tilespmem:s18+$0x1CC10] =	vst v21  }
0x217: {  	[tilespmem:s18+$0x1D010] =	vst v22  }
0x218: {  	v21 =	vld [tilespmem:s25+$0x20]  }
0x219: {  	v22 =	vld [tilespmem:s26+$0x20]  }
0x21a: {  	v32 =	vld [tilespmem:s29+$0x20]  }
0x21b: {  	v33 =	vld [tilespmem:s30+$0x20]  }
0x21c: {  	v34 =	vld [tilespmem:s28+$0x20]  }
0x21d: {  	v35 =	vld [tilespmem:s31+$0x20];
	_ =	sdelay $0x1  }
0x21e: {  	v21 =	vadd.bf16 v22, v21  }
0x21f: {  	v36 =	vadd.bf16 v33, v32  }
0x220: {  	v21 =	vadd.bf16 v34, v21  }
0x221: {  	v22 =	vadd.bf16 v35, v36  }
0x222: {  	v21 =	vmax.bf16 v21, v14  }
0x223: {  	v22 =	vmax.bf16 v22, v14;
	[tilespmem:s18+$0x1CC20] =	vst v21  }
0x224: {  	[tilespmem:s18+$0x1D020] =	vst v22  }
0x225: {  	v21 =	vld [tilespmem:s25+$0x30]  }
0x226: {  	v22 =	vld [tilespmem:s26+$0x30]  }
0x227: {  	v37 =	vld [tilespmem:s29+$0x30]  }
0x228: {  	v38 =	vld [tilespmem:s30+$0x30]  }
0x229: {  	v39 =	vld [tilespmem:s28+$0x30]  }
0x22a: {  	v40 =	vld [tilespmem:s31+$0x30];
	_ =	sdelay $0x1  }
0x22b: {  	v21 =	vadd.bf16 v22, v21  }
0x22c: {  	v41 =	vadd.bf16 v38, v37  }
0x22d: {  	v21 =	vadd.bf16 v39, v21  }
0x22e: {  	v22 =	vadd.bf16 v40, v41  }
0x22f: {  	v21 =	vmax.bf16 v21, v14  }
0x230: {  	v22 =	vmax.bf16 v22, v14;
	[tilespmem:s18+$0x1CC30] =	vst v21  }
0x231: {  	[tilespmem:s18+$0x1D030] =	vst v22  }
0x232: {  	v21 =	vld [tilespmem:s25+$0x40]  }
0x233: {  	v22 =	vld [tilespmem:s26+$0x40]  }
0x234: {  	v42 =	vld [tilespmem:s29+$0x40]  }
0x235: {  	v43 =	vld [tilespmem:s30+$0x40]  }
0x236: {  	v44 =	vld [tilespmem:s28+$0x40]  }
0x237: {  	v45 =	vld [tilespmem:s31+$0x40];
	_ =	sdelay $0x1  }
0x238: {  	v21 =	vadd.bf16 v22, v21  }
0x239: {  	v46 =	vadd.bf16 v43, v42  }
0x23a: {  	v21 =	vadd.bf16 v44, v21  }
0x23b: {  	v22 =	vadd.bf16 v45, v46  }
0x23c: {  	v21 =	vmax.bf16 v21, v14  }
0x23d: {  	v22 =	vmax.bf16 v22, v14;
	[tilespmem:s18+$0x1CC40] =	vst v21  }
0x23e: {  	[tilespmem:s18+$0x1D040] =	vst v22  }
0x23f: {  	v21 =	vld [tilespmem:s25+$0x50]  }
0x240: {  	v22 =	vld [tilespmem:s26+$0x50]  }
0x241: {  	v47 =	vld [tilespmem:s29+$0x50]  }
0x242: {  	v48 =	vld [tilespmem:s30+$0x50]  }
0x243: {  	v49 =	vld [tilespmem:s28+$0x50]  }
0x244: {  	v50 =	vld [tilespmem:s31+$0x50];
	_ =	sdelay $0x1  }
0x245: {  	v21 =	vadd.bf16 v22, v21  }
0x246: {  	v51 =	vadd.bf16 v48, v47  }
0x247: {  	v21 =	vadd.bf16 v49, v21  }
0x248: {  	v22 =	vadd.bf16 v50, v51  }
0x249: {  	v21 =	vmax.bf16 v21, v14  }
0x24a: {  	v22 =	vmax.bf16 v22, v14;
	[tilespmem:s18+$0x1CC50] =	vst v21  }
0x24b: {  	[tilespmem:s18+$0x1D050] =	vst v22  }
0x24c: {  	v21 =	vld [tilespmem:s25+$0x60]  }
0x24d: {  	v22 =	vld [tilespmem:s26+$0x60]  }
0x24e: {  	v52 =	vld [tilespmem:s29+$0x60]  }
0x24f: {  	v53 =	vld [tilespmem:s30+$0x60]  }
0x250: {  	v54 =	vld [tilespmem:s28+$0x60]  }
0x251: {  	v55 =	vld [tilespmem:s31+$0x60];
	_ =	sdelay $0x1  }
0x252: {  	v21 =	vadd.bf16 v22, v21  }
0x253: {  	v56 =	vadd.bf16 v53, v52  }
0x254: {  	v21 =	vadd.bf16 v54, v21  }
0x255: {  	v22 =	vadd.bf16 v55, v56  }
0x256: {  	(v2sf) =	vpush v15, $0x5;
	v21 =	vmax.bf16 v21, v14  }
0x257: {  	(v2sf) =	vpush v16, $0x5;
	v22 =	vmax.bf16 v22, v14;
	[tilespmem:s18+$0x1CC60] =	vst v21  }
0x258: {  	(v2sf) =	vpush v17, $0x5;
	[tilespmem:s18+$0x1D060] =	vst v22  }
0x259: {  	(v2sf) =	vpush v18, $0x5;
	v21 =	vld [tilespmem:s25+$0x70]  }
0x25a: {  	(v2sf) =	vpush v19, $0x5;
	v22 =	vld [tilespmem:s26+$0x70]  }
0x25b: {  	v57 =	vld [tilespmem:s29+$0x70]  }
0x25c: {  	(v2sf) =	vpush v20, $0x5;
	v58 =	vld [tilespmem:s30+$0x70]  }
0x25d: {  	v59 =	vld [tilespmem:s28+$0x70]  }
0x25e: {  	v60 =	vld [tilespmem:s31+$0x70];
	_ =	sdelay $0x1  }
0x25f: {  	v21 =	vadd.bf16 v22, v21  }
0x260: {  	v61 =	vadd.bf16 v58, v57  }
0x261: {  	v21 =	vadd.bf16 v59, v21  }
0x262: {  	v22 =	vadd.bf16 v60, v61  }
0x263: {  	v21 =	vmax.bf16 v21, v14  }
0x264: {  	s25 =	spop (v2sf);
	v22 =	vmax.bf16 v22, v14;
	[tilespmem:s18+$0x1CC70] =	vst v21  }
0x265: {  	s26 =	spop (v2sf);
	[tilespmem:s18+$0x1D070] =	vst v22  }
0x266: {  	s28 =	spop (v2sf);
	v21 =	vld [tilespmem:s25+$0x0]  }
0x267: {  	s29 =	spop (v2sf);
	v22 =	vld [tilespmem:s26+$0x0]  }
0x268: {  	s30 =	spop (v2sf);
	v62 =	vld [tilespmem:s29+$0x0]  }
0x269: {  	v63 =	vld [tilespmem:s30+$0x0]  }
0x26a: {  	s31 =	spop (v2sf);
	v28 =	vld [tilespmem:s28+$0x0]  }
0x26b: {  	v29 =	vld [tilespmem:s31+$0x0];
	_ =	sdelay $0x1  }
0x26c: {  	v21 =	vadd.bf16 v22, v21  }
0x26d: {  	v30 =	vadd.bf16 v63, v62  }
0x26e: {  	v21 =	vadd.bf16 v28, v21  }
0x26f: {  	v22 =	vadd.bf16 v29, v30  }
0x270: {  	v21 =	vmax.bf16 v21, v14  }
0x271: {  	v22 =	vmax.bf16 v22, v14;
	[tilespmem:s18+$0x1CC80] =	vst v21  }
0x272: {  	[tilespmem:s18+$0x1D080] =	vst v22  }
0x273: {  	v21 =	vld [tilespmem:s25+$0x10]  }
0x274: {  	v22 =	vld [tilespmem:s26+$0x10]  }
0x275: {  	v31 =	vld [tilespmem:s29+$0x10]  }
0x276: {  	v32 =	vld [tilespmem:s30+$0x10]  }
0x277: {  	v33 =	vld [tilespmem:s28+$0x10]  }
0x278: {  	v34 =	vld [tilespmem:s31+$0x10];
	_ =	sdelay $0x1  }
0x279: {  	v21 =	vadd.bf16 v22, v21  }
0x27a: {  	v35 =	vadd.bf16 v32, v31  }
0x27b: {  	v21 =	vadd.bf16 v33, v21  }
0x27c: {  	v22 =	vadd.bf16 v34, v35  }
0x27d: {  	v21 =	vmax.bf16 v21, v14  }
0x27e: {  	v22 =	vmax.bf16 v22, v14;
	[tilespmem:s18+$0x1CC90] =	vst v21  }
0x27f: {  	[tilespmem:s18+$0x1D090] =	vst v22  }
0x280: {  	v21 =	vld [tilespmem:s25+$0x20]  }
0x281: {  	v22 =	vld [tilespmem:s26+$0x20]  }
0x282: {  	v36 =	vld [tilespmem:s29+$0x20]  }
0x283: {  	v37 =	vld [tilespmem:s30+$0x20]  }
0x284: {  	v38 =	vld [tilespmem:s28+$0x20]  }
0x285: {  	v39 =	vld [tilespmem:s31+$0x20];
	_ =	sdelay $0x1  }
0x286: {  	v21 =	vadd.bf16 v22, v21  }
0x287: {  	v40 =	vadd.bf16 v37, v36  }
0x288: {  	v21 =	vadd.bf16 v38, v21  }
0x289: {  	v22 =	vadd.bf16 v39, v40  }
0x28a: {  	v21 =	vmax.bf16 v21, v14  }
0x28b: {  	v22 =	vmax.bf16 v22, v14;
	[tilespmem:s18+$0x1CCA0] =	vst v21  }
0x28c: {  	[tilespmem:s18+$0x1D0A0] =	vst v22  }
0x28d: {  	v21 =	vld [tilespmem:s25+$0x30]  }
0x28e: {  	v22 =	vld [tilespmem:s26+$0x30]  }
0x28f: {  	v41 =	vld [tilespmem:s29+$0x30]  }
0x290: {  	v42 =	vld [tilespmem:s30+$0x30]  }
0x291: {  	v43 =	vld [tilespmem:s28+$0x30]  }
0x292: {  	v44 =	vld [tilespmem:s31+$0x30];
	_ =	sdelay $0x1  }
0x293: {  	v21 =	vadd.bf16 v22, v21  }
0x294: {  	v45 =	vadd.bf16 v42, v41  }
0x295: {  	v21 =	vadd.bf16 v43, v21  }
0x296: {  	v22 =	vadd.bf16 v44, v45  }
0x297: {  	v21 =	vmax.bf16 v21, v14  }
0x298: {  	v22 =	vmax.bf16 v22, v14;
	[tilespmem:s18+$0x1CCB0] =	vst v21  }
0x299: {  	[tilespmem:s18+$0x1D0B0] =	vst v22  }
0x29a: {  	v21 =	vld [tilespmem:s25+$0x40]  }
0x29b: {  	v22 =	vld [tilespmem:s26+$0x40]  }
0x29c: {  	v46 =	vld [tilespmem:s29+$0x40]  }
0x29d: {  	v47 =	vld [tilespmem:s30+$0x40]  }
0x29e: {  	v48 =	vld [tilespmem:s28+$0x40]  }
0x29f: {  	v49 =	vld [tilespmem:s31+$0x40];
	_ =	sdelay $0x1  }
0x2a0: {  	v21 =	vadd.bf16 v22, v21  }
0x2a1: {  	v50 =	vadd.bf16 v47, v46  }
0x2a2: {  	v21 =	vadd.bf16 v48, v21  }
0x2a3: {  	v22 =	vadd.bf16 v49, v50  }
0x2a4: {  	v21 =	vmax.bf16 v21, v14  }
0x2a5: {  	v22 =	vmax.bf16 v22, v14;
	[tilespmem:s18+$0x1CCC0] =	vst v21  }
0x2a6: {  	[tilespmem:s18+$0x1D0C0] =	vst v22  }
0x2a7: {  	v21 =	vld [tilespmem:s25+$0x50]  }
0x2a8: {  	v22 =	vld [tilespmem:s26+$0x50]  }
0x2a9: {  	v51 =	vld [tilespmem:s29+$0x50]  }
0x2aa: {  	v52 =	vld [tilespmem:s30+$0x50]  }
0x2ab: {  	v53 =	vld [tilespmem:s28+$0x50]  }
0x2ac: {  	v54 =	vld [tilespmem:s31+$0x50];
	_ =	sdelay $0x1  }
0x2ad: {  	v21 =	vadd.bf16 v22, v21  }
0x2ae: {  	v55 =	vadd.bf16 v52, v51  }
0x2af: {  	v21 =	vadd.bf16 v53, v21  }
0x2b0: {  	v22 =	vadd.bf16 v54, v55  }
0x2b1: {  	v21 =	vmax.bf16 v21, v14  }
0x2b2: {  	v22 =	vmax.bf16 v22, v14;
	[tilespmem:s18+$0x1CCD0] =	vst v21  }
0x2b3: {  	[tilespmem:s18+$0x1D0D0] =	vst v22  }
0x2b4: {  	v21 =	vld [tilespmem:s25+$0x60]  }
0x2b5: {  	v22 =	vld [tilespmem:s26+$0x60]  }
0x2b6: {  	v56 =	vld [tilespmem:s29+$0x60]  }
0x2b7: {  	v57 =	vld [tilespmem:s30+$0x60]  }
0x2b8: {  	v58 =	vld [tilespmem:s28+$0x60]  }
0x2b9: {  	v59 =	vld [tilespmem:s31+$0x60];
	_ =	sdelay $0x1  }
0x2ba: {  	v21 =	vadd.bf16 v22, v21  }
0x2bb: {  	v60 =	vadd.bf16 v57, v56  }
0x2bc: {  	v21 =	vadd.bf16 v58, v21  }
0x2bd: {  	v22 =	vadd.bf16 v59, v60  }
0x2be: {  	(v2sf) =	vpush v15, $0x6;
	v21 =	vmax.bf16 v21, v14  }
0x2bf: {  	(v2sf) =	vpush v16, $0x6;
	v22 =	vmax.bf16 v22, v14;
	[tilespmem:s18+$0x1CCE0] =	vst v21  }
0x2c0: {  	(v2sf) =	vpush v17, $0x6;
	[tilespmem:s18+$0x1D0E0] =	vst v22  }
0x2c1: {  	(v2sf) =	vpush v18, $0x6;
	v21 =	vld [tilespmem:s25+$0x70]  }
0x2c2: {  	(v2sf) =	vpush v19, $0x6;
	v22 =	vld [tilespmem:s26+$0x70]  }
0x2c3: {  	v61 =	vld [tilespmem:s29+$0x70]  }
0x2c4: {  	(v2sf) =	vpush v20, $0x6;
	v62 =	vld [tilespmem:s30+$0x70]  }
0x2c5: {  	v63 =	vld [tilespmem:s28+$0x70]  }
0x2c6: {  	v28 =	vld [tilespmem:s31+$0x70];
	_ =	sdelay $0x1  }
0x2c7: {  	v21 =	vadd.bf16 v22, v21  }
0x2c8: {  	v29 =	vadd.bf16 v62, v61  }
0x2c9: {  	v21 =	vadd.bf16 v63, v21  }
0x2ca: {  	v22 =	vadd.bf16 v28, v29  }
0x2cb: {  	v21 =	vmax.bf16 v21, v14  }
0x2cc: {  	s25 =	spop (v2sf);
	v22 =	vmax.bf16 v22, v14;
	[tilespmem:s18+$0x1CCF0] =	vst v21  }
0x2cd: {  	s26 =	spop (v2sf);
	[tilespmem:s18+$0x1D0F0] =	vst v22  }
0x2ce: {  	s28 =	spop (v2sf);
	v21 =	vld [tilespmem:s25+$0x0]  }
0x2cf: {  	s29 =	spop (v2sf);
	v22 =	vld [tilespmem:s26+$0x0]  }
0x2d0: {  	s30 =	spop (v2sf);
	v30 =	vld [tilespmem:s29+$0x0]  }
0x2d1: {  	v31 =	vld [tilespmem:s30+$0x0]  }
0x2d2: {  	s31 =	spop (v2sf);
	v32 =	vld [tilespmem:s28+$0x0]  }
0x2d3: {  	v33 =	vld [tilespmem:s31+$0x0];
	_ =	sdelay $0x1  }
0x2d4: {  	v21 =	vadd.bf16 v22, v21  }
0x2d5: {  	v34 =	vadd.bf16 v31, v30  }
0x2d6: {  	v21 =	vadd.bf16 v32, v21  }
0x2d7: {  	v22 =	vadd.bf16 v33, v34  }
0x2d8: {  	v21 =	vmax.bf16 v21, v14  }
0x2d9: {  	v22 =	vmax.bf16 v22, v14;
	[tilespmem:s18+$0x1CD00] =	vst v21  }
0x2da: {  	[tilespmem:s18+$0x1D100] =	vst v22  }
0x2db: {  	v21 =	vld [tilespmem:s25+$0x10]  }
0x2dc: {  	v22 =	vld [tilespmem:s26+$0x10]  }
0x2dd: {  	v35 =	vld [tilespmem:s29+$0x10]  }
0x2de: {  	v36 =	vld [tilespmem:s30+$0x10]  }
0x2df: {  	v37 =	vld [tilespmem:s28+$0x10]  }
0x2e0: {  	v38 =	vld [tilespmem:s31+$0x10];
	_ =	sdelay $0x1  }
0x2e1: {  	v21 =	vadd.bf16 v22, v21  }
0x2e2: {  	v39 =	vadd.bf16 v36, v35  }
0x2e3: {  	v21 =	vadd.bf16 v37, v21  }
0x2e4: {  	v22 =	vadd.bf16 v38, v39  }
0x2e5: {  	v21 =	vmax.bf16 v21, v14  }
0x2e6: {  	v22 =	vmax.bf16 v22, v14;
	[tilespmem:s18+$0x1CD10] =	vst v21  }
0x2e7: {  	[tilespmem:s18+$0x1D110] =	vst v22  }
0x2e8: {  	v21 =	vld [tilespmem:s25+$0x20]  }
0x2e9: {  	v22 =	vld [tilespmem:s26+$0x20]  }
0x2ea: {  	v40 =	vld [tilespmem:s29+$0x20]  }
0x2eb: {  	v41 =	vld [tilespmem:s30+$0x20]  }
0x2ec: {  	v42 =	vld [tilespmem:s28+$0x20]  }
0x2ed: {  	v43 =	vld [tilespmem:s31+$0x20];
	_ =	sdelay $0x1  }
0x2ee: {  	v21 =	vadd.bf16 v22, v21  }
0x2ef: {  	v44 =	vadd.bf16 v41, v40  }
0x2f0: {  	v21 =	vadd.bf16 v42, v21  }
0x2f1: {  	v22 =	vadd.bf16 v43, v44  }
0x2f2: {  	v21 =	vmax.bf16 v21, v14  }
0x2f3: {  	v22 =	vmax.bf16 v22, v14;
	[tilespmem:s18+$0x1CD20] =	vst v21  }
0x2f4: {  	[tilespmem:s18+$0x1D120] =	vst v22  }
0x2f5: {  	v21 =	vld [tilespmem:s25+$0x30]  }
0x2f6: {  	v22 =	vld [tilespmem:s26+$0x30]  }
0x2f7: {  	v45 =	vld [tilespmem:s29+$0x30]  }
0x2f8: {  	v46 =	vld [tilespmem:s30+$0x30]  }
0x2f9: {  	v47 =	vld [tilespmem:s28+$0x30]  }
0x2fa: {  	v48 =	vld [tilespmem:s31+$0x30];
	_ =	sdelay $0x1  }
0x2fb: {  	v21 =	vadd.bf16 v22, v21  }
0x2fc: {  	v49 =	vadd.bf16 v46, v45  }
0x2fd: {  	v21 =	vadd.bf16 v47, v21  }
0x2fe: {  	v22 =	vadd.bf16 v48, v49  }
0x2ff: {  	v21 =	vmax.bf16 v21, v14  }
0x300: {  	v22 =	vmax.bf16 v22, v14;
	[tilespmem:s18+$0x1CD30] =	vst v21  }
0x301: {  	[tilespmem:s18+$0x1D130] =	vst v22  }
0x302: {  	v21 =	vld [tilespmem:s25+$0x40]  }
0x303: {  	v22 =	vld [tilespmem:s26+$0x40]  }
0x304: {  	v50 =	vld [tilespmem:s29+$0x40]  }
0x305: {  	v51 =	vld [tilespmem:s30+$0x40]  }
0x306: {  	v52 =	vld [tilespmem:s28+$0x40]  }
0x307: {  	v53 =	vld [tilespmem:s31+$0x40];
	_ =	sdelay $0x1  }
0x308: {  	v21 =	vadd.bf16 v22, v21  }
0x309: {  	v54 =	vadd.bf16 v51, v50  }
0x30a: {  	v21 =	vadd.bf16 v52, v21  }
0x30b: {  	v22 =	vadd.bf16 v53, v54  }
0x30c: {  	v21 =	vmax.bf16 v21, v14  }
0x30d: {  	v22 =	vmax.bf16 v22, v14;
	[tilespmem:s18+$0x1CD40] =	vst v21  }
0x30e: {  	[tilespmem:s18+$0x1D140] =	vst v22  }
0x30f: {  	v21 =	vld [tilespmem:s25+$0x50]  }
0x310: {  	v22 =	vld [tilespmem:s26+$0x50]  }
0x311: {  	v55 =	vld [tilespmem:s29+$0x50]  }
0x312: {  	v56 =	vld [tilespmem:s30+$0x50]  }
0x313: {  	v57 =	vld [tilespmem:s28+$0x50]  }
0x314: {  	v58 =	vld [tilespmem:s31+$0x50];
	_ =	sdelay $0x1  }
0x315: {  	v21 =	vadd.bf16 v22, v21  }
0x316: {  	v59 =	vadd.bf16 v56, v55  }
0x317: {  	v21 =	vadd.bf16 v57, v21  }
0x318: {  	v22 =	vadd.bf16 v58, v59  }
0x319: {  	v21 =	vmax.bf16 v21, v14  }
0x31a: {  	v22 =	vmax.bf16 v22, v14;
	[tilespmem:s18+$0x1CD50] =	vst v21  }
0x31b: {  	[tilespmem:s18+$0x1D150] =	vst v22  }
0x31c: {  	v21 =	vld [tilespmem:s25+$0x60]  }
0x31d: {  	v22 =	vld [tilespmem:s26+$0x60]  }
0x31e: {  	v60 =	vld [tilespmem:s29+$0x60]  }
0x31f: {  	v61 =	vld [tilespmem:s30+$0x60]  }
0x320: {  	v62 =	vld [tilespmem:s28+$0x60]  }
0x321: {  	v63 =	vld [tilespmem:s31+$0x60];
	_ =	sdelay $0x1  }
0x322: {  	v21 =	vadd.bf16 v22, v21  }
0x323: {  	v27 =	vadd.bf16 v61, v60  }
0x324: {  	v21 =	vadd.bf16 v62, v21  }
0x325: {  	v22 =	vadd.bf16 v63, v27  }
0x326: {  	(v2sf) =	vpush v15, $0x7;
	v21 =	vmax.bf16 v21, v14  }
0x327: {  	(v2sf) =	vpush v16, $0x7;
	v22 =	vmax.bf16 v22, v14;
	[tilespmem:s18+$0x1CD60] =	vst v21  }
0x328: {  	(v2sf) =	vpush v17, $0x7;
	[tilespmem:s18+$0x1D160] =	vst v22  }
0x329: {  	(v2sf) =	vpush v18, $0x7;
	v21 =	vld [tilespmem:s25+$0x70]  }
0x32a: {  	(v2sf) =	vpush v19, $0x7;
	v22 =	vld [tilespmem:s26+$0x70]  }
0x32b: {  	v28 =	vld [tilespmem:s29+$0x70]  }
0x32c: {  	(v2sf) =	vpush v20, $0x7;
	v29 =	vld [tilespmem:s30+$0x70]  }
0x32d: {  	v30 =	vld [tilespmem:s28+$0x70]  }
0x32e: {  	v31 =	vld [tilespmem:s31+$0x70];
	_ =	sdelay $0x1  }
0x32f: {  	v21 =	vadd.bf16 v22, v21  }
0x330: {  	v32 =	vadd.bf16 v29, v28  }
0x331: {  	v21 =	vadd.bf16 v30, v21  }
0x332: {  	v22 =	vadd.bf16 v31, v32  }
0x333: {  	v21 =	vmax.bf16 v21, v14  }
0x334: {  	s25 =	spop (v2sf);
	v22 =	vmax.bf16 v22, v14;
	[tilespmem:s18+$0x1CD70] =	vst v21  }
0x335: {  	s26 =	spop (v2sf);
	[tilespmem:s18+$0x1D170] =	vst v22  }
0x336: {  	s28 =	spop (v2sf);
	v21 =	vld [tilespmem:s25+$0x0]  }
0x337: {  	s29 =	spop (v2sf);
	v22 =	vld [tilespmem:s26+$0x0]  }
0x338: {  	s30 =	spop (v2sf);
	v33 =	vld [tilespmem:s29+$0x0]  }
0x339: {  	v34 =	vld [tilespmem:s30+$0x0]  }
0x33a: {  	s31 =	spop (v2sf);
	v35 =	vld [tilespmem:s28+$0x0]  }
0x33b: {  	v36 =	vld [tilespmem:s31+$0x0];
	_ =	sdelay $0x1  }
0x33c: {  	v21 =	vadd.bf16 v22, v21  }
0x33d: {  	v37 =	vadd.bf16 v34, v33  }
0x33e: {  	v21 =	vadd.bf16 v35, v21  }
0x33f: {  	v22 =	vadd.bf16 v36, v37  }
0x340: {  	v21 =	vmax.bf16 v21, v14  }
0x341: {  	v22 =	vmax.bf16 v22, v14;
	[tilespmem:s18+$0x1CD80] =	vst v21  }
0x342: {  	[tilespmem:s18+$0x1D180] =	vst v22  }
0x343: {  	v21 =	vld [tilespmem:s25+$0x10]  }
0x344: {  	v22 =	vld [tilespmem:s26+$0x10]  }
0x345: {  	v38 =	vld [tilespmem:s29+$0x10]  }
0x346: {  	v39 =	vld [tilespmem:s30+$0x10]  }
0x347: {  	v40 =	vld [tilespmem:s28+$0x10]  }
0x348: {  	v41 =	vld [tilespmem:s31+$0x10];
	_ =	sdelay $0x1  }
0x349: {  	v21 =	vadd.bf16 v22, v21  }
0x34a: {  	v42 =	vadd.bf16 v39, v38  }
0x34b: {  	v21 =	vadd.bf16 v40, v21  }
0x34c: {  	v22 =	vadd.bf16 v41, v42  }
0x34d: {  	v21 =	vmax.bf16 v21, v14  }
0x34e: {  	v22 =	vmax.bf16 v22, v14;
	[tilespmem:s18+$0x1CD90] =	vst v21  }
0x34f: {  	[tilespmem:s18+$0x1D190] =	vst v22  }
0x350: {  	v21 =	vld [tilespmem:s25+$0x20]  }
0x351: {  	v22 =	vld [tilespmem:s26+$0x20]  }
0x352: {  	v43 =	vld [tilespmem:s29+$0x20]  }
0x353: {  	v44 =	vld [tilespmem:s30+$0x20]  }
0x354: {  	v45 =	vld [tilespmem:s28+$0x20]  }
0x355: {  	v46 =	vld [tilespmem:s31+$0x20];
	_ =	sdelay $0x1  }
0x356: {  	v21 =	vadd.bf16 v22, v21  }
0x357: {  	v47 =	vadd.bf16 v44, v43  }
0x358: {  	v21 =	vadd.bf16 v45, v21  }
0x359: {  	v22 =	vadd.bf16 v46, v47  }
0x35a: {  	v21 =	vmax.bf16 v21, v14  }
0x35b: {  	v22 =	vmax.bf16 v22, v14;
	[tilespmem:s18+$0x1CDA0] =	vst v21  }
0x35c: {  	[tilespmem:s18+$0x1D1A0] =	vst v22  }
0x35d: {  	v21 =	vld [tilespmem:s25+$0x30]  }
0x35e: {  	v22 =	vld [tilespmem:s26+$0x30]  }
0x35f: {  	v48 =	vld [tilespmem:s29+$0x30]  }
0x360: {  	v49 =	vld [tilespmem:s30+$0x30]  }
0x361: {  	v50 =	vld [tilespmem:s28+$0x30]  }
0x362: {  	v51 =	vld [tilespmem:s31+$0x30];
	_ =	sdelay $0x1  }
0x363: {  	v21 =	vadd.bf16 v22, v21  }
0x364: {  	v52 =	vadd.bf16 v49, v48  }
0x365: {  	v21 =	vadd.bf16 v50, v21  }
0x366: {  	v22 =	vadd.bf16 v51, v52  }
0x367: {  	v21 =	vmax.bf16 v21, v14  }
0x368: {  	v22 =	vmax.bf16 v22, v14;
	[tilespmem:s18+$0x1CDB0] =	vst v21  }
0x369: {  	[tilespmem:s18+$0x1D1B0] =	vst v22  }
0x36a: {  	v21 =	vld [tilespmem:s25+$0x40]  }
0x36b: {  	v22 =	vld [tilespmem:s26+$0x40]  }
0x36c: {  	v53 =	vld [tilespmem:s29+$0x40]  }
0x36d: {  	v54 =	vld [tilespmem:s30+$0x40]  }
0x36e: {  	v55 =	vld [tilespmem:s28+$0x40]  }
0x36f: {  	v56 =	vld [tilespmem:s31+$0x40];
	_ =	sdelay $0x1  }
0x370: {  	v21 =	vadd.bf16 v22, v21  }
0x371: {  	v57 =	vadd.bf16 v54, v53  }
0x372: {  	v21 =	vadd.bf16 v55, v21  }
0x373: {  	v22 =	vadd.bf16 v56, v57  }
0x374: {  	v21 =	vmax.bf16 v21, v14  }
0x375: {  	v22 =	vmax.bf16 v22, v14;
	[tilespmem:s18+$0x1CDC0] =	vst v21  }
0x376: {  	[tilespmem:s18+$0x1D1C0] =	vst v22  }
0x377: {  	v21 =	vld [tilespmem:s25+$0x50]  }
0x378: {  	v22 =	vld [tilespmem:s26+$0x50]  }
0x379: {  	v58 =	vld [tilespmem:s29+$0x50]  }
0x37a: {  	v59 =	vld [tilespmem:s30+$0x50]  }
0x37b: {  	v60 =	vld [tilespmem:s28+$0x50]  }
0x37c: {  	v61 =	vld [tilespmem:s31+$0x50];
	_ =	sdelay $0x1  }
0x37d: {  	v21 =	vadd.bf16 v22, v21  }
0x37e: {  	v62 =	vadd.bf16 v59, v58  }
0x37f: {  	v21 =	vadd.bf16 v60, v21  }
0x380: {  	v22 =	vadd.bf16 v61, v62  }
0x381: {  	v21 =	vmax.bf16 v21, v14  }
0x382: {  	v22 =	vmax.bf16 v22, v14;
	[tilespmem:s18+$0x1CDD0] =	vst v21  }
0x383: {  	[tilespmem:s18+$0x1D1D0] =	vst v22  }
0x384: {  	v21 =	vld [tilespmem:s25+$0x60]  }
0x385: {  	v22 =	vld [tilespmem:s26+$0x60]  }
0x386: {  	v63 =	vld [tilespmem:s29+$0x60]  }
0x387: {  	v28 =	vld [tilespmem:s30+$0x60]  }
0x388: {  	v29 =	vld [tilespmem:s28+$0x60]  }
0x389: {  	v30 =	vld [tilespmem:s31+$0x60];
	_ =	sdelay $0x1  }
0x38a: {  	v21 =	vadd.bf16 v22, v21  }
0x38b: {  	v31 =	vadd.bf16 v28, v63  }
0x38c: {  	v21 =	vadd.bf16 v29, v21  }
0x38d: {  	v22 =	vadd.bf16 v30, v31  }
0x38e: {  	(v2sf) =	vpush v15, $0x8;
	v21 =	vmax.bf16 v21, v14  }
0x38f: {  	(v2sf) =	vpush v16, $0x8;
	v22 =	vmax.bf16 v22, v14;
	[tilespmem:s18+$0x1CDE0] =	vst v21  }
0x390: {  	(v2sf) =	vpush v17, $0x8;
	[tilespmem:s18+$0x1D1E0] =	vst v22  }
0x391: {  	(v2sf) =	vpush v18, $0x8;
	v21 =	vld [tilespmem:s25+$0x70]  }
0x392: {  	(v2sf) =	vpush v19, $0x8;
	v22 =	vld [tilespmem:s26+$0x70]  }
0x393: {  	v32 =	vld [tilespmem:s29+$0x70]  }
0x394: {  	(v2sf) =	vpush v20, $0x8;
	v33 =	vld [tilespmem:s30+$0x70]  }
0x395: {  	v34 =	vld [tilespmem:s28+$0x70]  }
0x396: {  	v35 =	vld [tilespmem:s31+$0x70];
	_ =	sdelay $0x1  }
0x397: {  	v21 =	vadd.bf16 v22, v21  }
0x398: {  	v36 =	vadd.bf16 v33, v32  }
0x399: {  	v21 =	vadd.bf16 v34, v21  }
0x39a: {  	v22 =	vadd.bf16 v35, v36  }
0x39b: {  	v21 =	vmax.bf16 v21, v14  }
0x39c: {  	s25 =	spop (v2sf);
	v22 =	vmax.bf16 v22, v14;
	[tilespmem:s18+$0x1CDF0] =	vst v21  }
0x39d: {  	s26 =	spop (v2sf);
	[tilespmem:s18+$0x1D1F0] =	vst v22  }
0x39e: {  	s28 =	spop (v2sf);
	v21 =	vld [tilespmem:s25+$0x0]  }
0x39f: {  	s29 =	spop (v2sf);
	v22 =	vld [tilespmem:s26+$0x0]  }
0x3a0: {  	s30 =	spop (v2sf);
	v37 =	vld [tilespmem:s29+$0x0]  }
0x3a1: {  	v38 =	vld [tilespmem:s30+$0x0]  }
0x3a2: {  	s31 =	spop (v2sf);
	v39 =	vld [tilespmem:s28+$0x0]  }
0x3a3: {  	v40 =	vld [tilespmem:s31+$0x0];
	_ =	sdelay $0x1  }
0x3a4: {  	v21 =	vadd.bf16 v22, v21  }
0x3a5: {  	v41 =	vadd.bf16 v38, v37  }
0x3a6: {  	v21 =	vadd.bf16 v39, v21  }
0x3a7: {  	v22 =	vadd.bf16 v40, v41  }
0x3a8: {  	v21 =	vmax.bf16 v21, v14  }
0x3a9: {  	v22 =	vmax.bf16 v22, v14;
	[tilespmem:s18+$0x1D200] =	vst v21  }
0x3aa: {  	[tilespmem:s18+$0x1D600] =	vst v22  }
0x3ab: {  	v21 =	vld [tilespmem:s25+$0x10]  }
0x3ac: {  	v22 =	vld [tilespmem:s26+$0x10]  }
0x3ad: {  	v42 =	vld [tilespmem:s29+$0x10]  }
0x3ae: {  	v43 =	vld [tilespmem:s30+$0x10]  }
0x3af: {  	v44 =	vld [tilespmem:s28+$0x10]  }
0x3b0: {  	v45 =	vld [tilespmem:s31+$0x10];
	_ =	sdelay $0x1  }
0x3b1: {  	v21 =	vadd.bf16 v22, v21  }
0x3b2: {  	v46 =	vadd.bf16 v43, v42  }
0x3b3: {  	v21 =	vadd.bf16 v44, v21  }
0x3b4: {  	v22 =	vadd.bf16 v45, v46  }
0x3b5: {  	v21 =	vmax.bf16 v21, v14  }
0x3b6: {  	v22 =	vmax.bf16 v22, v14;
	[tilespmem:s18+$0x1D210] =	vst v21  }
0x3b7: {  	[tilespmem:s18+$0x1D610] =	vst v22  }
0x3b8: {  	v21 =	vld [tilespmem:s25+$0x20]  }
0x3b9: {  	v22 =	vld [tilespmem:s26+$0x20]  }
0x3ba: {  	v47 =	vld [tilespmem:s29+$0x20]  }
0x3bb: {  	v48 =	vld [tilespmem:s30+$0x20]  }
0x3bc: {  	v49 =	vld [tilespmem:s28+$0x20]  }
0x3bd: {  	v50 =	vld [tilespmem:s31+$0x20];
	_ =	sdelay $0x1  }
0x3be: {  	v21 =	vadd.bf16 v22, v21  }
0x3bf: {  	v51 =	vadd.bf16 v48, v47  }
0x3c0: {  	v21 =	vadd.bf16 v49, v21  }
0x3c1: {  	v22 =	vadd.bf16 v50, v51  }
0x3c2: {  	v21 =	vmax.bf16 v21, v14  }
0x3c3: {  	v22 =	vmax.bf16 v22, v14;
	[tilespmem:s18+$0x1D220] =	vst v21  }
0x3c4: {  	[tilespmem:s18+$0x1D620] =	vst v22  }
0x3c5: {  	v21 =	vld [tilespmem:s25+$0x30]  }
0x3c6: {  	v22 =	vld [tilespmem:s26+$0x30]  }
0x3c7: {  	v52 =	vld [tilespmem:s29+$0x30]  }
0x3c8: {  	v53 =	vld [tilespmem:s30+$0x30]  }
0x3c9: {  	v54 =	vld [tilespmem:s28+$0x30]  }
0x3ca: {  	v55 =	vld [tilespmem:s31+$0x30];
	_ =	sdelay $0x1  }
0x3cb: {  	v21 =	vadd.bf16 v22, v21  }
0x3cc: {  	v56 =	vadd.bf16 v53, v52  }
0x3cd: {  	v21 =	vadd.bf16 v54, v21  }
0x3ce: {  	v22 =	vadd.bf16 v55, v56  }
0x3cf: {  	v21 =	vmax.bf16 v21, v14  }
0x3d0: {  	v22 =	vmax.bf16 v22, v14;
	[tilespmem:s18+$0x1D230] =	vst v21  }
0x3d1: {  	[tilespmem:s18+$0x1D630] =	vst v22  }
0x3d2: {  	v21 =	vld [tilespmem:s25+$0x40]  }
0x3d3: {  	v22 =	vld [tilespmem:s26+$0x40]  }
0x3d4: {  	v57 =	vld [tilespmem:s29+$0x40]  }
0x3d5: {  	v58 =	vld [tilespmem:s30+$0x40]  }
0x3d6: {  	v59 =	vld [tilespmem:s28+$0x40]  }
0x3d7: {  	v60 =	vld [tilespmem:s31+$0x40];
	_ =	sdelay $0x1  }
0x3d8: {  	v21 =	vadd.bf16 v22, v21  }
0x3d9: {  	v61 =	vadd.bf16 v58, v57  }
0x3da: {  	v21 =	vadd.bf16 v59, v21  }
0x3db: {  	v22 =	vadd.bf16 v60, v61  }
0x3dc: {  	v21 =	vmax.bf16 v21, v14  }
0x3dd: {  	v22 =	vmax.bf16 v22, v14;
	[tilespmem:s18+$0x1D240] =	vst v21  }
0x3de: {  	[tilespmem:s18+$0x1D640] =	vst v22  }
0x3df: {  	v21 =	vld [tilespmem:s25+$0x50]  }
0x3e0: {  	v22 =	vld [tilespmem:s26+$0x50]  }
0x3e1: {  	v62 =	vld [tilespmem:s29+$0x50]  }
0x3e2: {  	v63 =	vld [tilespmem:s30+$0x50]  }
0x3e3: {  	v28 =	vld [tilespmem:s28+$0x50]  }
0x3e4: {  	v29 =	vld [tilespmem:s31+$0x50];
	_ =	sdelay $0x1  }
0x3e5: {  	v21 =	vadd.bf16 v22, v21  }
0x3e6: {  	v30 =	vadd.bf16 v63, v62  }
0x3e7: {  	v21 =	vadd.bf16 v28, v21  }
0x3e8: {  	v22 =	vadd.bf16 v29, v30  }
0x3e9: {  	v21 =	vmax.bf16 v21, v14  }
0x3ea: {  	v22 =	vmax.bf16 v22, v14;
	[tilespmem:s18+$0x1D250] =	vst v21  }
0x3eb: {  	[tilespmem:s18+$0x1D650] =	vst v22  }
0x3ec: {  	v21 =	vld [tilespmem:s25+$0x60]  }
0x3ed: {  	v22 =	vld [tilespmem:s26+$0x60]  }
0x3ee: {  	v31 =	vld [tilespmem:s29+$0x60]  }
0x3ef: {  	v32 =	vld [tilespmem:s30+$0x60]  }
0x3f0: {  	v33 =	vld [tilespmem:s28+$0x60]  }
0x3f1: {  	v34 =	vld [tilespmem:s31+$0x60];
	_ =	sdelay $0x1  }
0x3f2: {  	v21 =	vadd.bf16 v22, v21  }
0x3f3: {  	v35 =	vadd.bf16 v32, v31  }
0x3f4: {  	v21 =	vadd.bf16 v33, v21  }
0x3f5: {  	v22 =	vadd.bf16 v34, v35  }
0x3f6: {  	(v2sf) =	vpush v15, $0x9;
	v21 =	vmax.bf16 v21, v14  }
0x3f7: {  	(v2sf) =	vpush v16, $0x9;
	v22 =	vmax.bf16 v22, v14;
	[tilespmem:s18+$0x1D260] =	vst v21  }
0x3f8: {  	(v2sf) =	vpush v17, $0x9;
	[tilespmem:s18+$0x1D660] =	vst v22  }
0x3f9: {  	(v2sf) =	vpush v18, $0x9;
	v21 =	vld [tilespmem:s25+$0x70]  }
0x3fa: {  	(v2sf) =	vpush v19, $0x9;
	v22 =	vld [tilespmem:s26+$0x70]  }
0x3fb: {  	v36 =	vld [tilespmem:s29+$0x70]  }
0x3fc: {  	(v2sf) =	vpush v20, $0x9;
	v37 =	vld [tilespmem:s30+$0x70]  }
0x3fd: {  	v38 =	vld [tilespmem:s28+$0x70]  }
0x3fe: {  	v39 =	vld [tilespmem:s31+$0x70];
	_ =	sdelay $0x1  }
0x3ff: {  	v21 =	vadd.bf16 v22, v21  }
0x400: {  	v40 =	vadd.bf16 v37, v36  }
0x401: {  	v21 =	vadd.bf16 v38, v21  }
0x402: {  	v22 =	vadd.bf16 v39, v40  }
0x403: {  	v21 =	vmax.bf16 v21, v14  }
0x404: {  	s25 =	spop (v2sf);
	v22 =	vmax.bf16 v22, v14;
	[tilespmem:s18+$0x1D270] =	vst v21  }
0x405: {  	s26 =	spop (v2sf);
	[tilespmem:s18+$0x1D670] =	vst v22  }
0x406: {  	s28 =	spop (v2sf);
	v21 =	vld [tilespmem:s25+$0x0]  }
0x407: {  	s29 =	spop (v2sf);
	v22 =	vld [tilespmem:s26+$0x0]  }
0x408: {  	s30 =	spop (v2sf);
	v41 =	vld [tilespmem:s29+$0x0]  }
0x409: {  	v42 =	vld [tilespmem:s30+$0x0]  }
0x40a: {  	s31 =	spop (v2sf);
	v43 =	vld [tilespmem:s28+$0x0]  }
0x40b: {  	v44 =	vld [tilespmem:s31+$0x0];
	_ =	sdelay $0x1  }
0x40c: {  	v21 =	vadd.bf16 v22, v21  }
0x40d: {  	v45 =	vadd.bf16 v42, v41  }
0x40e: {  	v21 =	vadd.bf16 v43, v21  }
0x40f: {  	v22 =	vadd.bf16 v44, v45  }
0x410: {  	v21 =	vmax.bf16 v21, v14  }
0x411: {  	v22 =	vmax.bf16 v22, v14;
	[tilespmem:s18+$0x1D280] =	vst v21  }
0x412: {  	[tilespmem:s18+$0x1D680] =	vst v22  }
0x413: {  	v21 =	vld [tilespmem:s25+$0x10]  }
0x414: {  	v22 =	vld [tilespmem:s26+$0x10]  }
0x415: {  	v46 =	vld [tilespmem:s29+$0x10]  }
0x416: {  	v47 =	vld [tilespmem:s30+$0x10]  }
0x417: {  	v48 =	vld [tilespmem:s28+$0x10]  }
0x418: {  	v49 =	vld [tilespmem:s31+$0x10];
	_ =	sdelay $0x1  }
0x419: {  	v21 =	vadd.bf16 v22, v21  }
0x41a: {  	v50 =	vadd.bf16 v47, v46  }
0x41b: {  	v21 =	vadd.bf16 v48, v21  }
0x41c: {  	v22 =	vadd.bf16 v49, v50  }
0x41d: {  	v21 =	vmax.bf16 v21, v14  }
0x41e: {  	v22 =	vmax.bf16 v22, v14;
	[tilespmem:s18+$0x1D290] =	vst v21  }
0x41f: {  	[tilespmem:s18+$0x1D690] =	vst v22  }
0x420: {  	v21 =	vld [tilespmem:s25+$0x20]  }
0x421: {  	v22 =	vld [tilespmem:s26+$0x20]  }
0x422: {  	v51 =	vld [tilespmem:s29+$0x20]  }
0x423: {  	v52 =	vld [tilespmem:s30+$0x20]  }
0x424: {  	v53 =	vld [tilespmem:s28+$0x20]  }
0x425: {  	v54 =	vld [tilespmem:s31+$0x20];
	_ =	sdelay $0x1  }
0x426: {  	v21 =	vadd.bf16 v22, v21  }
0x427: {  	v55 =	vadd.bf16 v52, v51  }
0x428: {  	v21 =	vadd.bf16 v53, v21  }
0x429: {  	v22 =	vadd.bf16 v54, v55  }
0x42a: {  	v21 =	vmax.bf16 v21, v14  }
0x42b: {  	v22 =	vmax.bf16 v22, v14;
	[tilespmem:s18+$0x1D2A0] =	vst v21  }
0x42c: {  	[tilespmem:s18+$0x1D6A0] =	vst v22  }
0x42d: {  	v21 =	vld [tilespmem:s25+$0x30]  }
0x42e: {  	v22 =	vld [tilespmem:s26+$0x30]  }
0x42f: {  	v56 =	vld [tilespmem:s29+$0x30]  }
0x430: {  	v57 =	vld [tilespmem:s30+$0x30]  }
0x431: {  	v58 =	vld [tilespmem:s28+$0x30]  }
0x432: {  	v59 =	vld [tilespmem:s31+$0x30];
	_ =	sdelay $0x1  }
0x433: {  	v21 =	vadd.bf16 v22, v21  }
0x434: {  	v60 =	vadd.bf16 v57, v56  }
0x435: {  	v21 =	vadd.bf16 v58, v21  }
0x436: {  	v22 =	vadd.bf16 v59, v60  }
0x437: {  	v21 =	vmax.bf16 v21, v14  }
0x438: {  	v22 =	vmax.bf16 v22, v14;
	[tilespmem:s18+$0x1D2B0] =	vst v21  }
0x439: {  	[tilespmem:s18+$0x1D6B0] =	vst v22  }
0x43a: {  	v21 =	vld [tilespmem:s25+$0x40]  }
0x43b: {  	v22 =	vld [tilespmem:s26+$0x40]  }
0x43c: {  	v61 =	vld [tilespmem:s29+$0x40]  }
0x43d: {  	v62 =	vld [tilespmem:s30+$0x40]  }
0x43e: {  	v63 =	vld [tilespmem:s28+$0x40]  }
0x43f: {  	v28 =	vld [tilespmem:s31+$0x40];
	_ =	sdelay $0x1  }
0x440: {  	v21 =	vadd.bf16 v22, v21  }
0x441: {  	v29 =	vadd.bf16 v62, v61  }
0x442: {  	v21 =	vadd.bf16 v63, v21  }
0x443: {  	v22 =	vadd.bf16 v28, v29  }
0x444: {  	v21 =	vmax.bf16 v21, v14  }
0x445: {  	v22 =	vmax.bf16 v22, v14;
	[tilespmem:s18+$0x1D2C0] =	vst v21  }
0x446: {  	[tilespmem:s18+$0x1D6C0] =	vst v22  }
0x447: {  	v21 =	vld [tilespmem:s25+$0x50]  }
0x448: {  	v22 =	vld [tilespmem:s26+$0x50]  }
0x449: {  	v30 =	vld [tilespmem:s29+$0x50]  }
0x44a: {  	v31 =	vld [tilespmem:s30+$0x50]  }
0x44b: {  	v32 =	vld [tilespmem:s28+$0x50]  }
0x44c: {  	v33 =	vld [tilespmem:s31+$0x50];
	_ =	sdelay $0x1  }
0x44d: {  	v21 =	vadd.bf16 v22, v21  }
0x44e: {  	v34 =	vadd.bf16 v31, v30  }
0x44f: {  	v21 =	vadd.bf16 v32, v21  }
0x450: {  	v22 =	vadd.bf16 v33, v34  }
0x451: {  	v21 =	vmax.bf16 v21, v14  }
0x452: {  	v22 =	vmax.bf16 v22, v14;
	[tilespmem:s18+$0x1D2D0] =	vst v21  }
0x453: {  	[tilespmem:s18+$0x1D6D0] =	vst v22  }
0x454: {  	v21 =	vld [tilespmem:s25+$0x60]  }
0x455: {  	v22 =	vld [tilespmem:s26+$0x60]  }
0x456: {  	v35 =	vld [tilespmem:s29+$0x60]  }
0x457: {  	v36 =	vld [tilespmem:s30+$0x60]  }
0x458: {  	v37 =	vld [tilespmem:s28+$0x60]  }
0x459: {  	v38 =	vld [tilespmem:s31+$0x60];
	_ =	sdelay $0x1  }
0x45a: {  	v21 =	vadd.bf16 v22, v21  }
0x45b: {  	v39 =	vadd.bf16 v36, v35  }
0x45c: {  	v21 =	vadd.bf16 v37, v21  }
0x45d: {  	v22 =	vadd.bf16 v38, v39  }
0x45e: {  	(v2sf) =	vpush v15, $0xA;
	v21 =	vmax.bf16 v21, v14  }
0x45f: {  	(v2sf) =	vpush v16, $0xA;
	v22 =	vmax.bf16 v22, v14;
	[tilespmem:s18+$0x1D2E0] =	vst v21  }
0x460: {  	(v2sf) =	vpush v17, $0xA;
	[tilespmem:s18+$0x1D6E0] =	vst v22  }
0x461: {  	(v2sf) =	vpush v18, $0xA;
	v21 =	vld [tilespmem:s25+$0x70]  }
0x462: {  	(v2sf) =	vpush v19, $0xA;
	v22 =	vld [tilespmem:s26+$0x70]  }
0x463: {  	v40 =	vld [tilespmem:s29+$0x70]  }
0x464: {  	(v2sf) =	vpush v20, $0xA;
	v41 =	vld [tilespmem:s30+$0x70]  }
0x465: {  	v42 =	vld [tilespmem:s28+$0x70]  }
0x466: {  	v43 =	vld [tilespmem:s31+$0x70];
	_ =	sdelay $0x1  }
0x467: {  	v21 =	vadd.bf16 v22, v21  }
0x468: {  	v44 =	vadd.bf16 v41, v40  }
0x469: {  	v21 =	vadd.bf16 v42, v21  }
0x46a: {  	v22 =	vadd.bf16 v43, v44  }
0x46b: {  	v21 =	vmax.bf16 v21, v14  }
0x46c: {  	s25 =	spop (v2sf);
	v22 =	vmax.bf16 v22, v14;
	[tilespmem:s18+$0x1D2F0] =	vst v21  }
0x46d: {  	s26 =	spop (v2sf);
	[tilespmem:s18+$0x1D6F0] =	vst v22  }
0x46e: {  	s28 =	spop (v2sf);
	v21 =	vld [tilespmem:s25+$0x0]  }
0x46f: {  	s29 =	spop (v2sf);
	v22 =	vld [tilespmem:s26+$0x0]  }
0x470: {  	s30 =	spop (v2sf);
	v45 =	vld [tilespmem:s29+$0x0]  }
0x471: {  	v46 =	vld [tilespmem:s30+$0x0]  }
0x472: {  	s31 =	spop (v2sf);
	v47 =	vld [tilespmem:s28+$0x0]  }
0x473: {  	v48 =	vld [tilespmem:s31+$0x0];
	_ =	sdelay $0x1  }
0x474: {  	v21 =	vadd.bf16 v22, v21  }
0x475: {  	v49 =	vadd.bf16 v46, v45  }
0x476: {  	v21 =	vadd.bf16 v47, v21  }
0x477: {  	v22 =	vadd.bf16 v48, v49  }
0x478: {  	v21 =	vmax.bf16 v21, v14  }
0x479: {  	v22 =	vmax.bf16 v22, v14;
	[tilespmem:s18+$0x1D300] =	vst v21  }
0x47a: {  	[tilespmem:s18+$0x1D700] =	vst v22  }
0x47b: {  	v21 =	vld [tilespmem:s25+$0x10]  }
0x47c: {  	v22 =	vld [tilespmem:s26+$0x10]  }
0x47d: {  	v50 =	vld [tilespmem:s29+$0x10]  }
0x47e: {  	v51 =	vld [tilespmem:s30+$0x10]  }
0x47f: {  	v52 =	vld [tilespmem:s28+$0x10]  }
0x480: {  	v53 =	vld [tilespmem:s31+$0x10];
	_ =	sdelay $0x1  }
0x481: {  	v21 =	vadd.bf16 v22, v21  }
0x482: {  	v54 =	vadd.bf16 v51, v50  }
0x483: {  	v21 =	vadd.bf16 v52, v21  }
0x484: {  	v22 =	vadd.bf16 v53, v54  }
0x485: {  	v21 =	vmax.bf16 v21, v14  }
0x486: {  	v22 =	vmax.bf16 v22, v14;
	[tilespmem:s18+$0x1D310] =	vst v21  }
0x487: {  	[tilespmem:s18+$0x1D710] =	vst v22  }
0x488: {  	v21 =	vld [tilespmem:s25+$0x20]  }
0x489: {  	v22 =	vld [tilespmem:s26+$0x20]  }
0x48a: {  	v55 =	vld [tilespmem:s29+$0x20]  }
0x48b: {  	v56 =	vld [tilespmem:s30+$0x20]  }
0x48c: {  	v57 =	vld [tilespmem:s28+$0x20]  }
0x48d: {  	v58 =	vld [tilespmem:s31+$0x20];
	_ =	sdelay $0x1  }
0x48e: {  	v21 =	vadd.bf16 v22, v21  }
0x48f: {  	v59 =	vadd.bf16 v56, v55  }
0x490: {  	v21 =	vadd.bf16 v57, v21  }
0x491: {  	v22 =	vadd.bf16 v58, v59  }
0x492: {  	v21 =	vmax.bf16 v21, v14  }
0x493: {  	v22 =	vmax.bf16 v22, v14;
	[tilespmem:s18+$0x1D320] =	vst v21  }
0x494: {  	[tilespmem:s18+$0x1D720] =	vst v22  }
0x495: {  	v21 =	vld [tilespmem:s25+$0x30]  }
0x496: {  	v22 =	vld [tilespmem:s26+$0x30]  }
0x497: {  	v60 =	vld [tilespmem:s29+$0x30]  }
0x498: {  	v61 =	vld [tilespmem:s30+$0x30]  }
0x499: {  	v62 =	vld [tilespmem:s28+$0x30]  }
0x49a: {  	v63 =	vld [tilespmem:s31+$0x30];
	_ =	sdelay $0x1  }
0x49b: {  	v21 =	vadd.bf16 v22, v21  }
0x49c: {  	v27 =	vadd.bf16 v61, v60  }
0x49d: {  	v21 =	vadd.bf16 v62, v21  }
0x49e: {  	v22 =	vadd.bf16 v63, v27  }
0x49f: {  	v21 =	vmax.bf16 v21, v14  }
0x4a0: {  	v22 =	vmax.bf16 v22, v14;
	[tilespmem:s18+$0x1D330] =	vst v21  }
0x4a1: {  	[tilespmem:s18+$0x1D730] =	vst v22  }
0x4a2: {  	v21 =	vld [tilespmem:s25+$0x40]  }
0x4a3: {  	v22 =	vld [tilespmem:s26+$0x40]  }
0x4a4: {  	v28 =	vld [tilespmem:s29+$0x40]  }
0x4a5: {  	v29 =	vld [tilespmem:s30+$0x40]  }
0x4a6: {  	v30 =	vld [tilespmem:s28+$0x40]  }
0x4a7: {  	v31 =	vld [tilespmem:s31+$0x40];
	_ =	sdelay $0x1  }
0x4a8: {  	v21 =	vadd.bf16 v22, v21  }
0x4a9: {  	v32 =	vadd.bf16 v29, v28  }
0x4aa: {  	v21 =	vadd.bf16 v30, v21  }
0x4ab: {  	v22 =	vadd.bf16 v31, v32  }
0x4ac: {  	v21 =	vmax.bf16 v21, v14  }
0x4ad: {  	v22 =	vmax.bf16 v22, v14;
	[tilespmem:s18+$0x1D340] =	vst v21  }
0x4ae: {  	[tilespmem:s18+$0x1D740] =	vst v22  }
0x4af: {  	v21 =	vld [tilespmem:s25+$0x50]  }
0x4b0: {  	v22 =	vld [tilespmem:s26+$0x50]  }
0x4b1: {  	v33 =	vld [tilespmem:s29+$0x50]  }
0x4b2: {  	v34 =	vld [tilespmem:s30+$0x50]  }
0x4b3: {  	v35 =	vld [tilespmem:s28+$0x50]  }
0x4b4: {  	v36 =	vld [tilespmem:s31+$0x50];
	_ =	sdelay $0x1  }
0x4b5: {  	v21 =	vadd.bf16 v22, v21  }
0x4b6: {  	v37 =	vadd.bf16 v34, v33  }
0x4b7: {  	v21 =	vadd.bf16 v35, v21  }
0x4b8: {  	v22 =	vadd.bf16 v36, v37  }
0x4b9: {  	v21 =	vmax.bf16 v21, v14  }
0x4ba: {  	v22 =	vmax.bf16 v22, v14;
	[tilespmem:s18+$0x1D350] =	vst v21  }
0x4bb: {  	[tilespmem:s18+$0x1D750] =	vst v22  }
0x4bc: {  	v21 =	vld [tilespmem:s25+$0x60]  }
0x4bd: {  	v22 =	vld [tilespmem:s26+$0x60]  }
0x4be: {  	v38 =	vld [tilespmem:s29+$0x60]  }
0x4bf: {  	v39 =	vld [tilespmem:s30+$0x60]  }
0x4c0: {  	v40 =	vld [tilespmem:s28+$0x60]  }
0x4c1: {  	v41 =	vld [tilespmem:s31+$0x60];
	_ =	sdelay $0x1  }
0x4c2: {  	v21 =	vadd.bf16 v22, v21  }
0x4c3: {  	v42 =	vadd.bf16 v39, v38  }
0x4c4: {  	v21 =	vadd.bf16 v40, v21  }
0x4c5: {  	v22 =	vadd.bf16 v41, v42  }
0x4c6: {  	(v2sf) =	vpush v15, $0xB;
	v21 =	vmax.bf16 v21, v14  }
0x4c7: {  	(v2sf) =	vpush v16, $0xB;
	v22 =	vmax.bf16 v22, v14;
	[tilespmem:s18+$0x1D360] =	vst v21  }
0x4c8: {  	(v2sf) =	vpush v17, $0xB;
	[tilespmem:s18+$0x1D760] =	vst v22  }
0x4c9: {  	(v2sf) =	vpush v18, $0xB;
	v21 =	vld [tilespmem:s25+$0x70]  }
0x4ca: {  	(v2sf) =	vpush v19, $0xB;
	v22 =	vld [tilespmem:s26+$0x70]  }
0x4cb: {  	v43 =	vld [tilespmem:s29+$0x70]  }
0x4cc: {  	(v2sf) =	vpush v20, $0xB;
	v44 =	vld [tilespmem:s30+$0x70]  }
0x4cd: {  	v45 =	vld [tilespmem:s28+$0x70]  }
0x4ce: {  	v46 =	vld [tilespmem:s31+$0x70];
	_ =	sdelay $0x1  }
0x4cf: {  	v21 =	vadd.bf16 v22, v21  }
0x4d0: {  	v47 =	vadd.bf16 v44, v43  }
0x4d1: {  	v21 =	vadd.bf16 v45, v21  }
0x4d2: {  	v22 =	vadd.bf16 v46, v47  }
0x4d3: {  	v21 =	vmax.bf16 v21, v14  }
0x4d4: {  	s25 =	spop (v2sf);
	v22 =	vmax.bf16 v22, v14;
	[tilespmem:s18+$0x1D370] =	vst v21  }
0x4d5: {  	s26 =	spop (v2sf);
	[tilespmem:s18+$0x1D770] =	vst v22  }
0x4d6: {  	s28 =	spop (v2sf);
	v21 =	vld [tilespmem:s25+$0x0]  }
0x4d7: {  	s29 =	spop (v2sf);
	v22 =	vld [tilespmem:s26+$0x0]  }
0x4d8: {  	s30 =	spop (v2sf);
	v48 =	vld [tilespmem:s29+$0x0]  }
0x4d9: {  	v49 =	vld [tilespmem:s30+$0x0]  }
0x4da: {  	s31 =	spop (v2sf);
	v50 =	vld [tilespmem:s28+$0x0]  }
0x4db: {  	v51 =	vld [tilespmem:s31+$0x0];
	_ =	sdelay $0x1  }
0x4dc: {  	v21 =	vadd.bf16 v22, v21  }
0x4dd: {  	v52 =	vadd.bf16 v49, v48  }
0x4de: {  	v21 =	vadd.bf16 v50, v21  }
0x4df: {  	v22 =	vadd.bf16 v51, v52  }
0x4e0: {  	v21 =	vmax.bf16 v21, v14  }
0x4e1: {  	v22 =	vmax.bf16 v22, v14;
	[tilespmem:s18+$0x1D380] =	vst v21  }
0x4e2: {  	[tilespmem:s18+$0x1D780] =	vst v22  }
0x4e3: {  	v21 =	vld [tilespmem:s25+$0x10]  }
0x4e4: {  	v22 =	vld [tilespmem:s26+$0x10]  }
0x4e5: {  	v53 =	vld [tilespmem:s29+$0x10]  }
0x4e6: {  	v54 =	vld [tilespmem:s30+$0x10]  }
0x4e7: {  	v55 =	vld [tilespmem:s28+$0x10]  }
0x4e8: {  	v56 =	vld [tilespmem:s31+$0x10];
	_ =	sdelay $0x1  }
0x4e9: {  	v21 =	vadd.bf16 v22, v21  }
0x4ea: {  	v57 =	vadd.bf16 v54, v53  }
0x4eb: {  	v21 =	vadd.bf16 v55, v21  }
0x4ec: {  	v22 =	vadd.bf16 v56, v57  }
0x4ed: {  	v21 =	vmax.bf16 v21, v14  }
0x4ee: {  	v22 =	vmax.bf16 v22, v14;
	[tilespmem:s18+$0x1D390] =	vst v21  }
0x4ef: {  	[tilespmem:s18+$0x1D790] =	vst v22  }
0x4f0: {  	v21 =	vld [tilespmem:s25+$0x20]  }
0x4f1: {  	v22 =	vld [tilespmem:s26+$0x20]  }
0x4f2: {  	v58 =	vld [tilespmem:s29+$0x20]  }
0x4f3: {  	v59 =	vld [tilespmem:s30+$0x20]  }
0x4f4: {  	v60 =	vld [tilespmem:s28+$0x20]  }
0x4f5: {  	v61 =	vld [tilespmem:s31+$0x20];
	_ =	sdelay $0x1  }
0x4f6: {  	v21 =	vadd.bf16 v22, v21  }
0x4f7: {  	v62 =	vadd.bf16 v59, v58  }
0x4f8: {  	v21 =	vadd.bf16 v60, v21  }
0x4f9: {  	v22 =	vadd.bf16 v61, v62  }
0x4fa: {  	v21 =	vmax.bf16 v21, v14  }
0x4fb: {  	v22 =	vmax.bf16 v22, v14;
	[tilespmem:s18+$0x1D3A0] =	vst v21  }
0x4fc: {  	[tilespmem:s18+$0x1D7A0] =	vst v22  }
0x4fd: {  	v21 =	vld [tilespmem:s25+$0x30]  }
0x4fe: {  	v22 =	vld [tilespmem:s26+$0x30]  }
0x4ff: {  	v63 =	vld [tilespmem:s29+$0x30]  }
0x500: {  	v28 =	vld [tilespmem:s30+$0x30]  }
0x501: {  	v29 =	vld [tilespmem:s28+$0x30]  }
0x502: {  	v30 =	vld [tilespmem:s31+$0x30];
	_ =	sdelay $0x1  }
0x503: {  	v21 =	vadd.bf16 v22, v21  }
0x504: {  	v31 =	vadd.bf16 v28, v63  }
0x505: {  	v21 =	vadd.bf16 v29, v21  }
0x506: {  	v22 =	vadd.bf16 v30, v31  }
0x507: {  	v21 =	vmax.bf16 v21, v14  }
0x508: {  	v22 =	vmax.bf16 v22, v14;
	[tilespmem:s18+$0x1D3B0] =	vst v21  }
0x509: {  	[tilespmem:s18+$0x1D7B0] =	vst v22  }
0x50a: {  	v21 =	vld [tilespmem:s25+$0x40]  }
0x50b: {  	v22 =	vld [tilespmem:s26+$0x40]  }
0x50c: {  	v32 =	vld [tilespmem:s29+$0x40]  }
0x50d: {  	v33 =	vld [tilespmem:s30+$0x40]  }
0x50e: {  	v34 =	vld [tilespmem:s28+$0x40]  }
0x50f: {  	v35 =	vld [tilespmem:s31+$0x40];
	_ =	sdelay $0x1  }
0x510: {  	v21 =	vadd.bf16 v22, v21  }
0x511: {  	v36 =	vadd.bf16 v33, v32  }
0x512: {  	v21 =	vadd.bf16 v34, v21  }
0x513: {  	v22 =	vadd.bf16 v35, v36  }
0x514: {  	v21 =	vmax.bf16 v21, v14  }
0x515: {  	v22 =	vmax.bf16 v22, v14;
	[tilespmem:s18+$0x1D3C0] =	vst v21  }
0x516: {  	[tilespmem:s18+$0x1D7C0] =	vst v22  }
0x517: {  	v21 =	vld [tilespmem:s25+$0x50]  }
0x518: {  	v22 =	vld [tilespmem:s26+$0x50]  }
0x519: {  	v37 =	vld [tilespmem:s29+$0x50]  }
0x51a: {  	v38 =	vld [tilespmem:s30+$0x50]  }
0x51b: {  	v39 =	vld [tilespmem:s28+$0x50]  }
0x51c: {  	v40 =	vld [tilespmem:s31+$0x50];
	_ =	sdelay $0x1  }
0x51d: {  	v21 =	vadd.bf16 v22, v21  }
0x51e: {  	v41 =	vadd.bf16 v38, v37  }
0x51f: {  	v21 =	vadd.bf16 v39, v21  }
0x520: {  	v22 =	vadd.bf16 v40, v41  }
0x521: {  	v21 =	vmax.bf16 v21, v14  }
0x522: {  	v22 =	vmax.bf16 v22, v14;
	[tilespmem:s18+$0x1D3D0] =	vst v21  }
0x523: {  	[tilespmem:s18+$0x1D7D0] =	vst v22  }
0x524: {  	v21 =	vld [tilespmem:s25+$0x60]  }
0x525: {  	v22 =	vld [tilespmem:s26+$0x60]  }
0x526: {  	v42 =	vld [tilespmem:s29+$0x60]  }
0x527: {  	v43 =	vld [tilespmem:s30+$0x60]  }
0x528: {  	v44 =	vld [tilespmem:s28+$0x60]  }
0x529: {  	v45 =	vld [tilespmem:s31+$0x60];
	_ =	sdelay $0x1  }
0x52a: {  	v21 =	vadd.bf16 v22, v21  }
0x52b: {  	v46 =	vadd.bf16 v43, v42  }
0x52c: {  	v21 =	vadd.bf16 v44, v21  }
0x52d: {  	v22 =	vadd.bf16 v45, v46  }
0x52e: {  	(v2sf) =	vpush v15, $0xC;
	v21 =	vmax.bf16 v21, v14  }
0x52f: {  	(v2sf) =	vpush v16, $0xC;
	v22 =	vmax.bf16 v22, v14;
	[tilespmem:s18+$0x1D3E0] =	vst v21  }
0x530: {  	(v2sf) =	vpush v17, $0xC;
	[tilespmem:s18+$0x1D7E0] =	vst v22  }
0x531: {  	(v2sf) =	vpush v18, $0xC;
	v21 =	vld [tilespmem:s25+$0x70]  }
0x532: {  	(v2sf) =	vpush v19, $0xC;
	v22 =	vld [tilespmem:s26+$0x70]  }
0x533: {  	v47 =	vld [tilespmem:s29+$0x70]  }
0x534: {  	(v2sf) =	vpush v20, $0xC;
	v48 =	vld [tilespmem:s30+$0x70]  }
0x535: {  	v49 =	vld [tilespmem:s28+$0x70]  }
0x536: {  	v50 =	vld [tilespmem:s31+$0x70];
	_ =	sdelay $0x1  }
0x537: {  	v21 =	vadd.bf16 v22, v21  }
0x538: {  	v51 =	vadd.bf16 v48, v47  }
0x539: {  	v21 =	vadd.bf16 v49, v21  }
0x53a: {  	v22 =	vadd.bf16 v50, v51  }
0x53b: {  	v21 =	vmax.bf16 v21, v14  }
0x53c: {  	s25 =	spop (v2sf);
	v22 =	vmax.bf16 v22, v14;
	[tilespmem:s18+$0x1D3F0] =	vst v21  }
0x53d: {  	s26 =	spop (v2sf);
	[tilespmem:s18+$0x1D7F0] =	vst v22  }
0x53e: {  	s28 =	spop (v2sf);
	v21 =	vld [tilespmem:s25+$0x0]  }
0x53f: {  	s29 =	spop (v2sf);
	v22 =	vld [tilespmem:s26+$0x0]  }
0x540: {  	s30 =	spop (v2sf);
	v52 =	vld [tilespmem:s29+$0x0]  }
0x541: {  	v53 =	vld [tilespmem:s30+$0x0]  }
0x542: {  	s31 =	spop (v2sf);
	v54 =	vld [tilespmem:s28+$0x0]  }
0x543: {  	v55 =	vld [tilespmem:s31+$0x0];
	_ =	sdelay $0x1  }
0x544: {  	v21 =	vadd.bf16 v22, v21  }
0x545: {  	v56 =	vadd.bf16 v53, v52  }
0x546: {  	v21 =	vadd.bf16 v54, v21  }
0x547: {  	v22 =	vadd.bf16 v55, v56  }
0x548: {  	v21 =	vmax.bf16 v21, v14  }
0x549: {  	v22 =	vmax.bf16 v22, v14;
	[tilespmem:s18+$0x1D400] =	vst v21  }
0x54a: {  	[tilespmem:s18+$0x1D800] =	vst v22  }
0x54b: {  	v21 =	vld [tilespmem:s25+$0x10]  }
0x54c: {  	v22 =	vld [tilespmem:s26+$0x10]  }
0x54d: {  	v57 =	vld [tilespmem:s29+$0x10]  }
0x54e: {  	v58 =	vld [tilespmem:s30+$0x10]  }
0x54f: {  	v59 =	vld [tilespmem:s28+$0x10]  }
0x550: {  	v60 =	vld [tilespmem:s31+$0x10];
	_ =	sdelay $0x1  }
0x551: {  	v21 =	vadd.bf16 v22, v21  }
0x552: {  	v61 =	vadd.bf16 v58, v57  }
0x553: {  	v21 =	vadd.bf16 v59, v21  }
0x554: {  	v22 =	vadd.bf16 v60, v61  }
0x555: {  	v21 =	vmax.bf16 v21, v14  }
0x556: {  	v22 =	vmax.bf16 v22, v14;
	[tilespmem:s18+$0x1D410] =	vst v21  }
0x557: {  	[tilespmem:s18+$0x1D810] =	vst v22  }
0x558: {  	v21 =	vld [tilespmem:s25+$0x20]  }
0x559: {  	v22 =	vld [tilespmem:s26+$0x20]  }
0x55a: {  	v62 =	vld [tilespmem:s29+$0x20]  }
0x55b: {  	v63 =	vld [tilespmem:s30+$0x20]  }
0x55c: {  	v28 =	vld [tilespmem:s28+$0x20]  }
0x55d: {  	v29 =	vld [tilespmem:s31+$0x20];
	_ =	sdelay $0x1  }
0x55e: {  	v21 =	vadd.bf16 v22, v21  }
0x55f: {  	v30 =	vadd.bf16 v63, v62  }
0x560: {  	v21 =	vadd.bf16 v28, v21  }
0x561: {  	v22 =	vadd.bf16 v29, v30  }
0x562: {  	v21 =	vmax.bf16 v21, v14  }
0x563: {  	v22 =	vmax.bf16 v22, v14;
	[tilespmem:s18+$0x1D420] =	vst v21  }
0x564: {  	[tilespmem:s18+$0x1D820] =	vst v22  }
0x565: {  	v21 =	vld [tilespmem:s25+$0x30]  }
0x566: {  	v22 =	vld [tilespmem:s26+$0x30]  }
0x567: {  	v31 =	vld [tilespmem:s29+$0x30]  }
0x568: {  	v32 =	vld [tilespmem:s30+$0x30]  }
0x569: {  	v33 =	vld [tilespmem:s28+$0x30]  }
0x56a: {  	v34 =	vld [tilespmem:s31+$0x30];
	_ =	sdelay $0x1  }
0x56b: {  	v21 =	vadd.bf16 v22, v21  }
0x56c: {  	v35 =	vadd.bf16 v32, v31  }
0x56d: {  	v21 =	vadd.bf16 v33, v21  }
0x56e: {  	v22 =	vadd.bf16 v34, v35  }
0x56f: {  	v21 =	vmax.bf16 v21, v14  }
0x570: {  	v22 =	vmax.bf16 v22, v14;
	[tilespmem:s18+$0x1D430] =	vst v21  }
0x571: {  	[tilespmem:s18+$0x1D830] =	vst v22  }
0x572: {  	v21 =	vld [tilespmem:s25+$0x40]  }
0x573: {  	v22 =	vld [tilespmem:s26+$0x40]  }
0x574: {  	v36 =	vld [tilespmem:s29+$0x40]  }
0x575: {  	v37 =	vld [tilespmem:s30+$0x40]  }
0x576: {  	v38 =	vld [tilespmem:s28+$0x40]  }
0x577: {  	v39 =	vld [tilespmem:s31+$0x40];
	_ =	sdelay $0x1  }
0x578: {  	v21 =	vadd.bf16 v22, v21  }
0x579: {  	v40 =	vadd.bf16 v37, v36  }
0x57a: {  	v21 =	vadd.bf16 v38, v21  }
0x57b: {  	v22 =	vadd.bf16 v39, v40  }
0x57c: {  	v21 =	vmax.bf16 v21, v14  }
0x57d: {  	v22 =	vmax.bf16 v22, v14;
	[tilespmem:s18+$0x1D440] =	vst v21  }
0x57e: {  	[tilespmem:s18+$0x1D840] =	vst v22  }
0x57f: {  	v21 =	vld [tilespmem:s25+$0x50]  }
0x580: {  	v22 =	vld [tilespmem:s26+$0x50]  }
0x581: {  	v41 =	vld [tilespmem:s29+$0x50]  }
0x582: {  	v42 =	vld [tilespmem:s30+$0x50]  }
0x583: {  	v43 =	vld [tilespmem:s28+$0x50]  }
0x584: {  	v44 =	vld [tilespmem:s31+$0x50];
	_ =	sdelay $0x1  }
0x585: {  	v21 =	vadd.bf16 v22, v21  }
0x586: {  	v45 =	vadd.bf16 v42, v41  }
0x587: {  	v21 =	vadd.bf16 v43, v21  }
0x588: {  	v22 =	vadd.bf16 v44, v45  }
0x589: {  	v21 =	vmax.bf16 v21, v14  }
0x58a: {  	v22 =	vmax.bf16 v22, v14;
	[tilespmem:s18+$0x1D450] =	vst v21  }
0x58b: {  	[tilespmem:s18+$0x1D850] =	vst v22  }
0x58c: {  	v21 =	vld [tilespmem:s25+$0x60]  }
0x58d: {  	v22 =	vld [tilespmem:s26+$0x60]  }
0x58e: {  	v46 =	vld [tilespmem:s29+$0x60]  }
0x58f: {  	v47 =	vld [tilespmem:s30+$0x60]  }
0x590: {  	v48 =	vld [tilespmem:s28+$0x60]  }
0x591: {  	v49 =	vld [tilespmem:s31+$0x60];
	_ =	sdelay $0x1  }
0x592: {  	v21 =	vadd.bf16 v22, v21  }
0x593: {  	v50 =	vadd.bf16 v47, v46  }
0x594: {  	v21 =	vadd.bf16 v48, v21  }
0x595: {  	v22 =	vadd.bf16 v49, v50  }
0x596: {  	(v2sf) =	vpush v15, $0xD;
	v21 =	vmax.bf16 v21, v14  }
0x597: {  	(v2sf) =	vpush v16, $0xD;
	v22 =	vmax.bf16 v22, v14;
	[tilespmem:s18+$0x1D460] =	vst v21  }
0x598: {  	(v2sf) =	vpush v17, $0xD;
	[tilespmem:s18+$0x1D860] =	vst v22  }
0x599: {  	(v2sf) =	vpush v18, $0xD;
	v21 =	vld [tilespmem:s25+$0x70]  }
0x59a: {  	(v2sf) =	vpush v19, $0xD;
	v22 =	vld [tilespmem:s26+$0x70]  }
0x59b: {  	v51 =	vld [tilespmem:s29+$0x70]  }
0x59c: {  	(v2sf) =	vpush v20, $0xD;
	v52 =	vld [tilespmem:s30+$0x70]  }
0x59d: {  	v53 =	vld [tilespmem:s28+$0x70]  }
0x59e: {  	v54 =	vld [tilespmem:s31+$0x70];
	_ =	sdelay $0x1  }
0x59f: {  	v21 =	vadd.bf16 v22, v21  }
0x5a0: {  	v55 =	vadd.bf16 v52, v51  }
0x5a1: {  	v21 =	vadd.bf16 v53, v21  }
0x5a2: {  	v22 =	vadd.bf16 v54, v55  }
0x5a3: {  	v21 =	vmax.bf16 v21, v14  }
0x5a4: {  	s25 =	spop (v2sf);
	v22 =	vmax.bf16 v22, v14;
	[tilespmem:s18+$0x1D470] =	vst v21  }
0x5a5: {  	s26 =	spop (v2sf);
	[tilespmem:s18+$0x1D870] =	vst v22  }
0x5a6: {  	s28 =	spop (v2sf);
	v21 =	vld [tilespmem:s25+$0x0]  }
0x5a7: {  	s29 =	spop (v2sf);
	v22 =	vld [tilespmem:s26+$0x0]  }
0x5a8: {  	s30 =	spop (v2sf);
	v56 =	vld [tilespmem:s29+$0x0]  }
0x5a9: {  	v57 =	vld [tilespmem:s30+$0x0]  }
0x5aa: {  	s31 =	spop (v2sf);
	v58 =	vld [tilespmem:s28+$0x0]  }
0x5ab: {  	v59 =	vld [tilespmem:s31+$0x0];
	_ =	sdelay $0x1  }
0x5ac: {  	v21 =	vadd.bf16 v22, v21  }
0x5ad: {  	v60 =	vadd.bf16 v57, v56  }
0x5ae: {  	v21 =	vadd.bf16 v58, v21  }
0x5af: {  	v22 =	vadd.bf16 v59, v60  }
0x5b0: {  	v21 =	vmax.bf16 v21, v14  }
0x5b1: {  	v22 =	vmax.bf16 v22, v14;
	[tilespmem:s18+$0x1D480] =	vst v21  }
0x5b2: {  	[tilespmem:s18+$0x1D880] =	vst v22  }
0x5b3: {  	v21 =	vld [tilespmem:s25+$0x10]  }
0x5b4: {  	v22 =	vld [tilespmem:s26+$0x10]  }
0x5b5: {  	v61 =	vld [tilespmem:s29+$0x10]  }
0x5b6: {  	v62 =	vld [tilespmem:s30+$0x10]  }
0x5b7: {  	v63 =	vld [tilespmem:s28+$0x10]  }
0x5b8: {  	v28 =	vld [tilespmem:s31+$0x10];
	_ =	sdelay $0x1  }
0x5b9: {  	v21 =	vadd.bf16 v22, v21  }
0x5ba: {  	v29 =	vadd.bf16 v62, v61  }
0x5bb: {  	v21 =	vadd.bf16 v63, v21  }
0x5bc: {  	v22 =	vadd.bf16 v28, v29  }
0x5bd: {  	v21 =	vmax.bf16 v21, v14  }
0x5be: {  	v22 =	vmax.bf16 v22, v14;
	[tilespmem:s18+$0x1D490] =	vst v21  }
0x5bf: {  	[tilespmem:s18+$0x1D890] =	vst v22  }
0x5c0: {  	v21 =	vld [tilespmem:s25+$0x20]  }
0x5c1: {  	v22 =	vld [tilespmem:s26+$0x20]  }
0x5c2: {  	v30 =	vld [tilespmem:s29+$0x20]  }
0x5c3: {  	v31 =	vld [tilespmem:s30+$0x20]  }
0x5c4: {  	v32 =	vld [tilespmem:s28+$0x20]  }
0x5c5: {  	v33 =	vld [tilespmem:s31+$0x20];
	_ =	sdelay $0x1  }
0x5c6: {  	v21 =	vadd.bf16 v22, v21  }
0x5c7: {  	v34 =	vadd.bf16 v31, v30  }
0x5c8: {  	v21 =	vadd.bf16 v32, v21  }
0x5c9: {  	v22 =	vadd.bf16 v33, v34  }
0x5ca: {  	v21 =	vmax.bf16 v21, v14  }
0x5cb: {  	v22 =	vmax.bf16 v22, v14;
	[tilespmem:s18+$0x1D4A0] =	vst v21  }
0x5cc: {  	[tilespmem:s18+$0x1D8A0] =	vst v22  }
0x5cd: {  	v21 =	vld [tilespmem:s25+$0x30]  }
0x5ce: {  	v22 =	vld [tilespmem:s26+$0x30]  }
0x5cf: {  	v35 =	vld [tilespmem:s29+$0x30]  }
0x5d0: {  	v36 =	vld [tilespmem:s30+$0x30]  }
0x5d1: {  	v37 =	vld [tilespmem:s28+$0x30]  }
0x5d2: {  	v38 =	vld [tilespmem:s31+$0x30];
	_ =	sdelay $0x1  }
0x5d3: {  	v21 =	vadd.bf16 v22, v21  }
0x5d4: {  	v39 =	vadd.bf16 v36, v35  }
0x5d5: {  	v21 =	vadd.bf16 v37, v21  }
0x5d6: {  	v22 =	vadd.bf16 v38, v39  }
0x5d7: {  	v21 =	vmax.bf16 v21, v14  }
0x5d8: {  	v22 =	vmax.bf16 v22, v14;
	[tilespmem:s18+$0x1D4B0] =	vst v21  }
0x5d9: {  	[tilespmem:s18+$0x1D8B0] =	vst v22  }
0x5da: {  	v21 =	vld [tilespmem:s25+$0x40]  }
0x5db: {  	v22 =	vld [tilespmem:s26+$0x40]  }
0x5dc: {  	v40 =	vld [tilespmem:s29+$0x40]  }
0x5dd: {  	v41 =	vld [tilespmem:s30+$0x40]  }
0x5de: {  	v42 =	vld [tilespmem:s28+$0x40]  }
0x5df: {  	v43 =	vld [tilespmem:s31+$0x40];
	_ =	sdelay $0x1  }
0x5e0: {  	v21 =	vadd.bf16 v22, v21  }
0x5e1: {  	v44 =	vadd.bf16 v41, v40  }
0x5e2: {  	v21 =	vadd.bf16 v42, v21  }
0x5e3: {  	v22 =	vadd.bf16 v43, v44  }
0x5e4: {  	v21 =	vmax.bf16 v21, v14  }
0x5e5: {  	v22 =	vmax.bf16 v22, v14;
	[tilespmem:s18+$0x1D4C0] =	vst v21  }
0x5e6: {  	[tilespmem:s18+$0x1D8C0] =	vst v22  }
0x5e7: {  	v21 =	vld [tilespmem:s25+$0x50]  }
0x5e8: {  	v22 =	vld [tilespmem:s26+$0x50]  }
0x5e9: {  	v45 =	vld [tilespmem:s29+$0x50]  }
0x5ea: {  	v46 =	vld [tilespmem:s30+$0x50]  }
0x5eb: {  	v47 =	vld [tilespmem:s28+$0x50]  }
0x5ec: {  	v48 =	vld [tilespmem:s31+$0x50];
	_ =	sdelay $0x1  }
0x5ed: {  	v21 =	vadd.bf16 v22, v21  }
0x5ee: {  	v49 =	vadd.bf16 v46, v45  }
0x5ef: {  	v21 =	vadd.bf16 v47, v21  }
0x5f0: {  	v22 =	vadd.bf16 v48, v49  }
0x5f1: {  	v21 =	vmax.bf16 v21, v14  }
0x5f2: {  	v22 =	vmax.bf16 v22, v14;
	[tilespmem:s18+$0x1D4D0] =	vst v21  }
0x5f3: {  	[tilespmem:s18+$0x1D8D0] =	vst v22  }
0x5f4: {  	v21 =	vld [tilespmem:s25+$0x60]  }
0x5f5: {  	v22 =	vld [tilespmem:s26+$0x60]  }
0x5f6: {  	v50 =	vld [tilespmem:s29+$0x60]  }
0x5f7: {  	v51 =	vld [tilespmem:s30+$0x60]  }
0x5f8: {  	v52 =	vld [tilespmem:s28+$0x60]  }
0x5f9: {  	v53 =	vld [tilespmem:s31+$0x60];
	_ =	sdelay $0x1  }
0x5fa: {  	v21 =	vadd.bf16 v22, v21  }
0x5fb: {  	v54 =	vadd.bf16 v51, v50  }
0x5fc: {  	v21 =	vadd.bf16 v52, v21  }
0x5fd: {  	v22 =	vadd.bf16 v53, v54  }
0x5fe: {  	(v2sf) =	vpush v15, $0xE;
	v21 =	vmax.bf16 v21, v14  }
0x5ff: {  	(v2sf) =	vpush v16, $0xE;
	v22 =	vmax.bf16 v22, v14;
	[tilespmem:s18+$0x1D4E0] =	vst v21  }
0x600: {  	(v2sf) =	vpush v17, $0xE;
	[tilespmem:s18+$0x1D8E0] =	vst v22  }
0x601: {  	(v2sf) =	vpush v18, $0xE;
	v21 =	vld [tilespmem:s25+$0x70]  }
0x602: {  	(v2sf) =	vpush v19, $0xE;
	v22 =	vld [tilespmem:s26+$0x70]  }
0x603: {  	v55 =	vld [tilespmem:s29+$0x70]  }
0x604: {  	(v2sf) =	vpush v20, $0xE;
	v56 =	vld [tilespmem:s30+$0x70]  }
0x605: {  	v57 =	vld [tilespmem:s28+$0x70]  }
0x606: {  	v58 =	vld [tilespmem:s31+$0x70];
	_ =	sdelay $0x1  }
0x607: {  	v21 =	vadd.bf16 v22, v21  }
0x608: {  	v59 =	vadd.bf16 v56, v55  }
0x609: {  	v21 =	vadd.bf16 v57, v21  }
0x60a: {  	v22 =	vadd.bf16 v58, v59  }
0x60b: {  	v21 =	vmax.bf16 v21, v14  }
0x60c: {  	s25 =	spop (v2sf);
	v22 =	vmax.bf16 v22, v14;
	[tilespmem:s18+$0x1D4F0] =	vst v21  }
0x60d: {  	s26 =	spop (v2sf);
	[tilespmem:s18+$0x1D8F0] =	vst v22  }
0x60e: {  	s28 =	spop (v2sf);
	v21 =	vld [tilespmem:s25+$0x0]  }
0x60f: {  	s29 =	spop (v2sf);
	v22 =	vld [tilespmem:s26+$0x0]  }
0x610: {  	s30 =	spop (v2sf);
	v60 =	vld [tilespmem:s29+$0x0]  }
0x611: {  	v61 =	vld [tilespmem:s30+$0x0]  }
0x612: {  	s31 =	spop (v2sf);
	v62 =	vld [tilespmem:s28+$0x0]  }
0x613: {  	v63 =	vld [tilespmem:s31+$0x0];
	_ =	sdelay $0x1  }
0x614: {  	v21 =	vadd.bf16 v22, v21  }
0x615: {  	v28 =	vadd.bf16 v61, v60  }
0x616: {  	v21 =	vadd.bf16 v62, v21  }
0x617: {  	v22 =	vadd.bf16 v63, v28  }
0x618: {  	v21 =	vmax.bf16 v21, v14  }
0x619: {  	v22 =	vmax.bf16 v22, v14;
	[tilespmem:s18+$0x1D500] =	vst v21  }
0x61a: {  	[tilespmem:s18+$0x1D900] =	vst v22  }
0x61b: {  	v21 =	vld [tilespmem:s25+$0x10]  }
0x61c: {  	v22 =	vld [tilespmem:s26+$0x10]  }
0x61d: {  	v29 =	vld [tilespmem:s29+$0x10]  }
0x61e: {  	v30 =	vld [tilespmem:s30+$0x10]  }
0x61f: {  	v31 =	vld [tilespmem:s28+$0x10]  }
0x620: {  	v32 =	vld [tilespmem:s31+$0x10];
	_ =	sdelay $0x1  }
0x621: {  	v21 =	vadd.bf16 v22, v21  }
0x622: {  	v33 =	vadd.bf16 v30, v29  }
0x623: {  	v21 =	vadd.bf16 v31, v21  }
0x624: {  	v22 =	vadd.bf16 v32, v33  }
0x625: {  	v21 =	vmax.bf16 v21, v14  }
0x626: {  	v22 =	vmax.bf16 v22, v14;
	[tilespmem:s18+$0x1D510] =	vst v21  }
0x627: {  	[tilespmem:s18+$0x1D910] =	vst v22  }
0x628: {  	v21 =	vld [tilespmem:s25+$0x20]  }
0x629: {  	v22 =	vld [tilespmem:s26+$0x20]  }
0x62a: {  	v34 =	vld [tilespmem:s29+$0x20]  }
0x62b: {  	v35 =	vld [tilespmem:s30+$0x20]  }
0x62c: {  	v36 =	vld [tilespmem:s28+$0x20]  }
0x62d: {  	v37 =	vld [tilespmem:s31+$0x20];
	_ =	sdelay $0x1  }
0x62e: {  	v21 =	vadd.bf16 v22, v21  }
0x62f: {  	v38 =	vadd.bf16 v35, v34  }
0x630: {  	v21 =	vadd.bf16 v36, v21  }
0x631: {  	v22 =	vadd.bf16 v37, v38  }
0x632: {  	v21 =	vmax.bf16 v21, v14  }
0x633: {  	v22 =	vmax.bf16 v22, v14;
	[tilespmem:s18+$0x1D520] =	vst v21  }
0x634: {  	[tilespmem:s18+$0x1D920] =	vst v22  }
0x635: {  	v21 =	vld [tilespmem:s25+$0x30]  }
0x636: {  	v22 =	vld [tilespmem:s26+$0x30]  }
0x637: {  	v39 =	vld [tilespmem:s29+$0x30]  }
0x638: {  	v40 =	vld [tilespmem:s30+$0x30]  }
0x639: {  	v41 =	vld [tilespmem:s28+$0x30]  }
0x63a: {  	v42 =	vld [tilespmem:s31+$0x30];
	_ =	sdelay $0x1  }
0x63b: {  	v21 =	vadd.bf16 v22, v21  }
0x63c: {  	v43 =	vadd.bf16 v40, v39  }
0x63d: {  	v21 =	vadd.bf16 v41, v21  }
0x63e: {  	v22 =	vadd.bf16 v42, v43  }
0x63f: {  	v21 =	vmax.bf16 v21, v14  }
0x640: {  	v22 =	vmax.bf16 v22, v14;
	[tilespmem:s18+$0x1D530] =	vst v21  }
0x641: {  	[tilespmem:s18+$0x1D930] =	vst v22  }
0x642: {  	v21 =	vld [tilespmem:s25+$0x40]  }
0x643: {  	v22 =	vld [tilespmem:s26+$0x40]  }
0x644: {  	v44 =	vld [tilespmem:s29+$0x40]  }
0x645: {  	v45 =	vld [tilespmem:s30+$0x40]  }
0x646: {  	v46 =	vld [tilespmem:s28+$0x40]  }
0x647: {  	v47 =	vld [tilespmem:s31+$0x40];
	_ =	sdelay $0x1  }
0x648: {  	v21 =	vadd.bf16 v22, v21  }
0x649: {  	v48 =	vadd.bf16 v45, v44  }
0x64a: {  	v21 =	vadd.bf16 v46, v21  }
0x64b: {  	v22 =	vadd.bf16 v47, v48  }
0x64c: {  	v21 =	vmax.bf16 v21, v14  }
0x64d: {  	v22 =	vmax.bf16 v22, v14;
	[tilespmem:s18+$0x1D540] =	vst v21  }
0x64e: {  	[tilespmem:s18+$0x1D940] =	vst v22  }
0x64f: {  	v21 =	vld [tilespmem:s25+$0x50]  }
0x650: {  	v22 =	vld [tilespmem:s26+$0x50]  }
0x651: {  	v49 =	vld [tilespmem:s29+$0x50]  }
0x652: {  	v50 =	vld [tilespmem:s30+$0x50]  }
0x653: {  	v51 =	vld [tilespmem:s28+$0x50]  }
0x654: {  	v52 =	vld [tilespmem:s31+$0x50];
	_ =	sdelay $0x1  }
0x655: {  	v21 =	vadd.bf16 v22, v21  }
0x656: {  	v53 =	vadd.bf16 v50, v49  }
0x657: {  	v21 =	vadd.bf16 v51, v21  }
0x658: {  	v22 =	vadd.bf16 v52, v53  }
0x659: {  	v21 =	vmax.bf16 v21, v14  }
0x65a: {  	v22 =	vmax.bf16 v22, v14;
	[tilespmem:s18+$0x1D550] =	vst v21  }
0x65b: {  	[tilespmem:s18+$0x1D950] =	vst v22  }
0x65c: {  	v21 =	vld [tilespmem:s25+$0x60]  }
0x65d: {  	v22 =	vld [tilespmem:s26+$0x60]  }
0x65e: {  	v54 =	vld [tilespmem:s29+$0x60]  }
0x65f: {  	v55 =	vld [tilespmem:s30+$0x60]  }
0x660: {  	v56 =	vld [tilespmem:s28+$0x60]  }
0x661: {  	v57 =	vld [tilespmem:s31+$0x60];
	_ =	sdelay $0x1  }
0x662: {  	v21 =	vadd.bf16 v22, v21  }
0x663: {  	v58 =	vadd.bf16 v55, v54  }
0x664: {  	v21 =	vadd.bf16 v56, v21  }
0x665: {  	v22 =	vadd.bf16 v57, v58  }
0x666: {  	(v2sf) =	vpush v15, $0xF;
	v21 =	vmax.bf16 v21, v14  }
0x667: {  	(v2sf) =	vpush v16, $0xF;
	v15 =	vmax.bf16 v22, v14;
	[tilespmem:s18+$0x1D560] =	vst v21  }
0x668: {  	(v2sf) =	vpush v17, $0xF;
	[tilespmem:s18+$0x1D960] =	vst v15  }
0x669: {  	(v2sf) =	vpush v18, $0xF;
	v15 =	vld [tilespmem:s25+$0x70]  }
0x66a: {  	(v2sf) =	vpush v19, $0xF;
	v59 =	vld [tilespmem:s26+$0x70]  }
0x66b: {  	v60 =	vld [tilespmem:s29+$0x70]  }
0x66c: {  	(v2sf) =	vpush v20, $0xF;
	v61 =	vld [tilespmem:s30+$0x70]  }
0x66d: {  	v62 =	vld [tilespmem:s28+$0x70]  }
0x66e: {  	v63 =	vld [tilespmem:s31+$0x70];
	_ =	sdelay $0x1  }
0x66f: {  	v15 =	vadd.bf16 v59, v15  }
0x670: {  	v23 =	vadd.bf16 v61, v60  }
0x671: {  	v15 =	vadd.bf16 v62, v15  }
0x672: {  	v16 =	vadd.bf16 v63, v23  }
0x673: {  	v15 =	vmax.bf16 v15, v14  }
0x674: {  	s24 =	spop (v2sf);
	v16 =	vmax.bf16 v16, v14;
	[tilespmem:s18+$0x1D570] =	vst v15  }
0x675: {  	s25 =	spop (v2sf);
	[tilespmem:s18+$0x1D970] =	vst v16  }
0x676: {  	s26 =	spop (v2sf);
	v15 =	vld [tilespmem:s24+$0x0]  }
0x677: {  	s28 =	spop (v2sf);
	v16 =	vld [tilespmem:s25+$0x0]  }
0x678: {  	s29 =	spop (v2sf);
	v24 =	vld [tilespmem:s28+$0x0]  }
0x679: {  	v25 =	vld [tilespmem:s29+$0x0]  }
0x67a: {  	s30 =	spop (v2sf);
	v26 =	vld [tilespmem:s26+$0x0]  }
0x67b: {  	v27 =	vld [tilespmem:s30+$0x0];
	_ =	sdelay $0x1  }
0x67c: {  	v15 =	vadd.bf16 v16, v15  }
0x67d: {  	v28 =	vadd.bf16 v25, v24  }
0x67e: {  	v15 =	vadd.bf16 v26, v15  }
0x67f: {  	v16 =	vadd.bf16 v27, v28  }
0x680: {  	v15 =	vmax.bf16 v15, v14  }
0x681: {  	v16 =	vmax.bf16 v16, v14;
	[tilespmem:s18+$0x1D580] =	vst v15  }
0x682: {  	[tilespmem:s18+$0x1D980] =	vst v16  }
0x683: {  	v15 =	vld [tilespmem:s24+$0x10]  }
0x684: {  	v16 =	vld [tilespmem:s25+$0x10]  }
0x685: {  	v29 =	vld [tilespmem:s28+$0x10]  }
0x686: {  	v30 =	vld [tilespmem:s29+$0x10]  }
0x687: {  	v31 =	vld [tilespmem:s26+$0x10]  }
0x688: {  	v32 =	vld [tilespmem:s30+$0x10];
	_ =	sdelay $0x1  }
0x689: {  	v15 =	vadd.bf16 v16, v15  }
0x68a: {  	v33 =	vadd.bf16 v30, v29  }
0x68b: {  	v15 =	vadd.bf16 v31, v15  }
0x68c: {  	v16 =	vadd.bf16 v32, v33  }
0x68d: {  	v15 =	vmax.bf16 v15, v14  }
0x68e: {  	v16 =	vmax.bf16 v16, v14;
	[tilespmem:s18+$0x1D590] =	vst v15  }
0x68f: {  	[tilespmem:s18+$0x1D990] =	vst v16  }
0x690: {  	v15 =	vld [tilespmem:s24+$0x20]  }
0x691: {  	v16 =	vld [tilespmem:s25+$0x20]  }
0x692: {  	v34 =	vld [tilespmem:s28+$0x20]  }
0x693: {  	v35 =	vld [tilespmem:s29+$0x20]  }
0x694: {  	v36 =	vld [tilespmem:s26+$0x20]  }
0x695: {  	v37 =	vld [tilespmem:s30+$0x20];
	_ =	sdelay $0x1  }
0x696: {  	v15 =	vadd.bf16 v16, v15  }
0x697: {  	v38 =	vadd.bf16 v35, v34  }
0x698: {  	v15 =	vadd.bf16 v36, v15  }
0x699: {  	v16 =	vadd.bf16 v37, v38  }
0x69a: {  	v15 =	vmax.bf16 v15, v14  }
0x69b: {  	v16 =	vmax.bf16 v16, v14;
	[tilespmem:s18+$0x1D5A0] =	vst v15  }
0x69c: {  	[tilespmem:s18+$0x1D9A0] =	vst v16  }
0x69d: {  	v15 =	vld [tilespmem:s24+$0x30]  }
0x69e: {  	v16 =	vld [tilespmem:s25+$0x30]  }
0x69f: {  	v39 =	vld [tilespmem:s28+$0x30]  }
0x6a0: {  	v40 =	vld [tilespmem:s29+$0x30]  }
0x6a1: {  	v41 =	vld [tilespmem:s26+$0x30]  }
0x6a2: {  	v42 =	vld [tilespmem:s30+$0x30];
	_ =	sdelay $0x1  }
0x6a3: {  	v15 =	vadd.bf16 v16, v15  }
0x6a4: {  	v43 =	vadd.bf16 v40, v39  }
0x6a5: {  	v15 =	vadd.bf16 v41, v15  }
0x6a6: {  	v16 =	vadd.bf16 v42, v43  }
0x6a7: {  	v15 =	vmax.bf16 v15, v14  }
0x6a8: {  	v16 =	vmax.bf16 v16, v14;
	[tilespmem:s18+$0x1D5B0] =	vst v15  }
0x6a9: {  	[tilespmem:s18+$0x1D9B0] =	vst v16  }
0x6aa: {  	v15 =	vld [tilespmem:s24+$0x40]  }
0x6ab: {  	v16 =	vld [tilespmem:s25+$0x40]  }
0x6ac: {  	v44 =	vld [tilespmem:s28+$0x40]  }
0x6ad: {  	v45 =	vld [tilespmem:s29+$0x40]  }
0x6ae: {  	v46 =	vld [tilespmem:s26+$0x40]  }
0x6af: {  	v47 =	vld [tilespmem:s30+$0x40];
	_ =	sdelay $0x1  }
0x6b0: {  	v15 =	vadd.bf16 v16, v15  }
0x6b1: {  	v48 =	vadd.bf16 v45, v44  }
0x6b2: {  	v15 =	vadd.bf16 v46, v15  }
0x6b3: {  	v16 =	vadd.bf16 v47, v48  }
0x6b4: {  	v15 =	vmax.bf16 v15, v14  }
0x6b5: {  	v16 =	vmax.bf16 v16, v14;
	[tilespmem:s18+$0x1D5C0] =	vst v15  }
0x6b6: {  	[tilespmem:s18+$0x1D9C0] =	vst v16  }
0x6b7: {  	v15 =	vld [tilespmem:s24+$0x50]  }
0x6b8: {  	v16 =	vld [tilespmem:s25+$0x50]  }
0x6b9: {  	v49 =	vld [tilespmem:s28+$0x50]  }
0x6ba: {  	v50 =	vld [tilespmem:s29+$0x50]  }
0x6bb: {  	v51 =	vld [tilespmem:s26+$0x50]  }
0x6bc: {  	v52 =	vld [tilespmem:s30+$0x50];
	_ =	sdelay $0x1  }
0x6bd: {  	v15 =	vadd.bf16 v16, v15  }
0x6be: {  	v53 =	vadd.bf16 v50, v49  }
0x6bf: {  	v15 =	vadd.bf16 v51, v15  }
0x6c0: {  	v16 =	vadd.bf16 v52, v53  }
0x6c1: {  	v15 =	vmax.bf16 v15, v14  }
0x6c2: {  	v16 =	vmax.bf16 v16, v14;
	[tilespmem:s18+$0x1D5D0] =	vst v15  }
0x6c3: {  	[tilespmem:s18+$0x1D9D0] =	vst v16  }
0x6c4: {  	v15 =	vld [tilespmem:s24+$0x60]  }
0x6c5: {  	v16 =	vld [tilespmem:s25+$0x60]  }
0x6c6: {  	v54 =	vld [tilespmem:s28+$0x60]  }
0x6c7: {  	v55 =	vld [tilespmem:s29+$0x60]  }
0x6c8: {  	v56 =	vld [tilespmem:s26+$0x60]  }
0x6c9: {  	v57 =	vld [tilespmem:s30+$0x60];
	_ =	sdelay $0x1  }
0x6ca: {  	v15 =	vadd.bf16 v16, v15  }
0x6cb: {  	v58 =	vadd.bf16 v55, v54  }
0x6cc: {  	v15 =	vadd.bf16 v56, v15  }
0x6cd: {  	v16 =	vadd.bf16 v57, v58  }
0x6ce: {  	v15 =	vmax.bf16 v15, v14  }
0x6cf: {  	v16 =	vmax.bf16 v16, v14;
	[tilespmem:s18+$0x1D5E0] =	vst v15  }
0x6d0: {  	[tilespmem:s18+$0x1D9E0] =	vst v16  }
0x6d1: {  	v15 =	vld [tilespmem:s24+$0x70]  }
0x6d2: {  	v16 =	vld [tilespmem:s25+$0x70]  }
0x6d3: {  	v59 =	vld [tilespmem:s28+$0x70]  }
0x6d4: {  	v60 =	vld [tilespmem:s29+$0x70]  }
0x6d5: {  	v61 =	vld [tilespmem:s26+$0x70]  }
0x6d6: {  	v62 =	vld [tilespmem:s30+$0x70];
	_ =	sdelay $0x1  }
0x6d7: {  	v15 =	vadd.bf16 v16, v15  }
0x6d8: {  	v63 =	vadd.bf16 v60, v59  }
0x6d9: {  	s17 =	sadd.s32 $0x1, s17;
	v15 =	vadd.bf16 v61, v15  }
0x6da: {  	p0 =	sne.s32 s17, $0x20;
	v16 =	vadd.bf16 v62, v63  }
.Ltmp0:
0x6db: {  	v15 =	vmax.bf16 v15, v14;
	(pc) =	sbr.rel @p0 .LBB2_2-.Ltmp0, $4  }
0x6dc: {  	v16 =	vmax.bf16 v16, v14;
	[tilespmem:s18+$0x1D5F0] =	vst v15  }
0x6dd: {  	s31 =	sadd.s32 $0x1CA00, s18;
	[tilespmem:s18+$0x1D9F0] =	vst v16  }
0x6de: {  	[hbm4b:s16+s2] =	stream.linear.scatter [tilespmem:s31], [sflag:$0x1], $0x1000, $0x38;
	[tilespmem:$0x1FA00] =	vst v63  }
0x6df: {  	s15 =	sadd.s32 $0x10, s15;
	s14 =	sadd.s32 $0x10, s14;
	s16 =	sadd.s32 $0x200, s16  }
0x6e0: {  	_ =	swait.ge [sflag:s12], $0x1000  }
0x6e1: {  	[sflag:s12] =	ssyncset.done $0x0  }
0x6e2: {  	s13 =	sadd.s32 $0x1, s13;
	[sflag:s12] =	ssyncadd.s32 $0xFFFFF000  }
0x6e3: {  	p0 =	sne.s32 s13, s6;
	_ =	swait.ge [sflag:s12], $0x1000  }
.Ltmp1:
0x6e4: {  	[sflag:s12] =	ssyncset.done $0x0;
	(pc) =	sbr.rel @p0 .LBB2_1-.Ltmp1, $4  }
0x6e5: {  	[sflag:s12] =	ssyncadd.s32 $0xFFFFF000  }
0x6e6: {  	_ =	swait.ge [sflag:s12], $0x1000  }
0x6e7: {  	[sflag:s12] =	ssyncset.done $0x0  }
0x6e8: {  	[sflag:s12] =	ssyncadd.s32 $0xFFFFF000  }
0x6e9: {  	_ =	sfence.sel $0x180000  }
0x6ea: {  	[bflag:$0x0] =	sbarrier.arrive $0xFFFF  }
0x6eb: {  	p0 =	sne.s32 s1, $0x0;
	_ =	strace $0x90000047  }
0x6ec: {  	s0 =	sadd.s32 @!p0 $0x100000, s0;
	[bflag:$0x2] =	sbarrier.arrive $0xFFFF  }
0x6ed: {  	[sflag:s0] =	ssyncadd.tile.s32 @!p0 $0x1;
	_ =	shalt  }
.Lfunc_end2:
_tile_overlayer_lowered:
.L_overlay_start_2:
0x6ee: {  	(tag) =	ssettag $0x2  }
0x6ef: {  	s0 =	rddreg [dreg:$0x0];
	s2 =	stileid.u32  }
0x6f0: {  	s1 =	rddreg [dreg:$0x1];
	p0 =	sne.s32 s2, $0x0  }
0x6f1: {  	s3 =	rddreg [dreg:$0x2];
	[bflag:$0x3] =	sbarrier.arrive $0xFFFF;
	s2 =	simm.s32 @!p0 $0x1C02  }
0x6f2: {  	[timem:s3], [sflag:s2] =	dma.local @!p0 [hbm:s0], s1  }
0x6f3: {  	s0 =	simm.s32 @!p0 $0x2  }
0x6f4: {  	_ =	swait.ge @!p0 [sflag:s0], s1  }
0x6f5: {  	s1 =	ssub.s32 @!p0 $0x0, s1;
	[sflag:s0] =	ssyncset.done @!p0 $0x0  }
0x6f6: {  	[sflag:s0] =	ssyncadd.s32 @!p0 s1  }
0x6f7: {  	[bflag:$0x3] =	sbarrier.arrive $0xFFFF  }
0x6f8: {  	_ =	shalt  }

</sc_bundles>
